<compile_context>
chip_gen: v7x
topology: tpu7x:2x2x1
jax: 0.10.2.dev20260603
libtpu: 0.0.44.dev20260713+nightly
codegen_flags: <defaults>
</compile_context>

<pallas_src>
import functools

import jax
import jax.numpy as jnp
from jax import lax
from jax.experimental import pallas as pl
from jax.experimental.pallas import tpu as pltpu
from jax.experimental.pallas import tpu_sc as plsc

N = 10000
E = 320000
D = 128
L = 4
G = 64

NC = 2
NS = 16
NW = NC * NS
EPW = E // NW
C = 80
NCH = EPW // C
NPAD = 10240
RPS = N // NS
RQ = 624
RT = N - NS * RQ
W = NPAD // NS

@functools.cache
def _mesh():
    return plsc.VectorSubcoreMesh(
        core_axis_name="c", subcore_axis_name="s",
        num_cores=NC, num_subcores=NS)


DR = 4


def _sc_degrees_body(src_ref, dst_ref, out_ref, hist_s, hist_d,
                     src_v, dst_v, ones_v, zbuf, sems, semd):
    cid = lax.axis_index("c")
    sid = lax.axis_index("s")
    wid = cid * NS + sid
    zeros16 = jnp.zeros((16,), jnp.float32)
    ones16 = jnp.ones((16,), jnp.float32)

    def fill(i, _):
        zbuf[pl.ds(i * 16, 16)] = zeros16
        return _

    lax.fori_loop(0, W // 16, fill, None)

    def fill1(i, _):
        ones_v[pl.ds(i * 16, 16)] = ones16
        return _

    lax.fori_loop(0, C // 16, fill1, None)

    pltpu.sync_copy(zbuf, hist_s.at[pl.ds(sid * W, W)])
    pltpu.sync_copy(zbuf, hist_d.at[pl.ds(sid * W, W)])
    pltpu.sync_copy(src_ref.at[wid], src_v)
    pltpu.sync_copy(dst_ref.at[wid], dst_v)
    plsc.subcore_barrier()

    def body(j, _):
        bm = lax.rem(j, DR)

        @pl.when(j >= DR)
        def _():
            pltpu.make_async_copy(ones_v, hist_s.at[src_v.at[j - DR]],
                                  sems.at[bm]).wait()
            pltpu.make_async_copy(ones_v, hist_d.at[dst_v.at[j - DR]],
                                  semd.at[bm]).wait()

        pltpu.async_copy(ones_v, hist_s.at[src_v.at[j]], sems.at[bm],
                         add=True)
        pltpu.async_copy(ones_v, hist_d.at[dst_v.at[j]], semd.at[bm],
                         add=True)
        return _

    lax.fori_loop(0, NCH, body, None)
    for k in range(NCH - DR, NCH):
        pltpu.make_async_copy(ones_v, hist_s.at[src_v.at[k]],
                              sems.at[k % DR]).wait()
        pltpu.make_async_copy(ones_v, hist_d.at[dst_v.at[k]],
                              semd.at[k % DR]).wait()
    plsc.subcore_barrier()
    pltpu.sync_copy(hist_s.at[pl.ds(sid * W, W)],
                    out_ref.at[cid, 0, pl.ds(sid * W, W)])
    pltpu.sync_copy(hist_d.at[pl.ds(sid * W, W)],
                    out_ref.at[cid, 1, pl.ds(sid * W, W)])


@functools.cache
def _build_sc_degrees():
    return pl.kernel(
        _sc_degrees_body,
        out_type=jax.ShapeDtypeStruct((NC, 2, NPAD), jnp.float32),
        mesh=_mesh(),
        scratch_types=[
            pltpu.VMEM_SHARED((NPAD,), jnp.float32),
            pltpu.VMEM_SHARED((NPAD,), jnp.float32),
            pltpu.VMEM((NCH, C), jnp.int32),
            pltpu.VMEM((NCH, C), jnp.int32),
            pltpu.VMEM((C,), jnp.float32),
            pltpu.VMEM((W,), jnp.float32),
            pltpu.SemaphoreType.DMA((DR,)),
            pltpu.SemaphoreType.DMA((DR,)),
        ],
    )


def _sc_degrees(src_r, dst_r):
    return _build_sc_degrees()(src_r, dst_r)


NBUF = 3
IDXR = 6


def _sc_aggregate_body(hw_ref, ix_ref, zr_ref, out_ref,
                       acc, idxb, rows, isem, gsem, ssem):
    cid = lax.axis_index("c")
    sid = lax.axis_index("s")
    wid = cid * NS + sid

    def i_start(k, b):
        pltpu.async_copy(ix_ref.at[wid, k], idxb.at[b], isem.at[b])

    def i_wait(k, b):
        pltpu.make_async_copy(ix_ref.at[wid, k], idxb.at[b],
                              isem.at[b]).wait()

    def g_start(j, rb, ib):
        pltpu.async_copy(hw_ref.at[idxb.at[ib, 0]], rows.at[rb],
                         gsem.at[rb])

    def g_wait(j, rb, ib):
        pltpu.make_async_copy(hw_ref.at[idxb.at[ib, 0]], rows.at[rb],
                              gsem.at[rb]).wait()

    def s_start(j, rb, ib):
        pltpu.async_copy(rows.at[rb], acc.at[idxb.at[ib, 1]], ssem.at[rb],
                         add=True)

    def s_wait(j, rb, ib):
        pltpu.make_async_copy(rows.at[rb], acc.at[idxb.at[ib, 1]],
                              ssem.at[rb]).wait()

    for k in range(4):
        i_start(k, k)
    for k in range(NBUF - 1):
        i_wait(k, k)
        g_start(k, k, k)

    pltpu.sync_copy(zr_ref.at[pl.ds(0, RQ)], acc.at[pl.ds(sid * RQ, RQ)])

    @pl.when(sid == NS - 1)
    def _():
        pltpu.sync_copy(zr_ref.at[pl.ds(0, RT)], acc.at[pl.ds(NS * RQ, RT)])

    plsc.subcore_barrier()

    def body(j, _):
        rb = lax.rem(j, NBUF)
        ib = lax.rem(j, IDXR)
        rbn = lax.rem(j + NBUF - 1, NBUF)
        ibn = lax.rem(j + NBUF - 1, IDXR)

        @pl.when(j >= 1)
        def _():
            s_wait(j - 1, rbn, lax.rem(j + IDXR - 1, IDXR))

        @pl.when(j + NBUF - 1 < NCH)
        def _():
            i_wait(j + NBUF - 1, ibn)
            g_start(j + NBUF - 1, rbn, ibn)

        @pl.when(j + 4 < NCH)
        def _():
            i_start(j + 4, lax.rem(j + 4, IDXR))

        g_wait(j, rb, ib)
        s_start(j, rb, ib)
        return _

    lax.fori_loop(0, NCH, body, None)
    s_wait(NCH - 1, (NCH - 1) % NBUF, (NCH - 1) % IDXR)
    plsc.subcore_barrier()
    pltpu.sync_copy(acc.at[pl.ds(sid * RQ, RQ)],
                    out_ref.at[cid, pl.ds(sid * RQ, RQ)])

    @pl.when(sid == NS - 1)
    def _():
        pltpu.sync_copy(acc.at[pl.ds(NS * RQ, RT)],
                        out_ref.at[cid, pl.ds(NS * RQ, RT)])


@functools.cache
def _build_sc_aggregate():
    return pl.kernel(
        _sc_aggregate_body,
        out_type=jax.ShapeDtypeStruct((NC, N, D), jnp.float32),
        mesh=_mesh(),
        scratch_types=[
            pltpu.VMEM_SHARED((N, D), jnp.float32),
            pltpu.VMEM((IDXR, 2, C), jnp.int32),
            pltpu.VMEM((NBUF, C, D), jnp.float32),
            pltpu.SemaphoreType.DMA((IDXR,)),
            pltpu.SemaphoreType.DMA((NBUF,)),
            pltpu.SemaphoreType.DMA((NBUF,)),
        ],
    )


def _sc_aggregate(hw, ix, zr):
    return _build_sc_aggregate()(hw, ix, zr)


BN = 2000
NG = N // BN


def _mm0_body(x_ref, w_ref, ns_ref, o_ref):
    o_ref[...] = jnp.dot(x_ref[...], w_ref[...],
                         preferred_element_type=jnp.float32) * ns_ref[...]


def _mm0(x, w, ns):
    return pl.pallas_call(
        _mm0_body,
        grid=(NG,),
        in_specs=[
            pl.BlockSpec((BN, D), lambda i: (i, 0)),
            pl.BlockSpec((D, D), lambda i: (0, 0)),
            pl.BlockSpec((BN, 1), lambda i: (i, 0)),
        ],
        out_specs=pl.BlockSpec((BN, D), lambda i: (i, 0)),
        out_shape=jax.ShapeDtypeStruct((N, D), jnp.float32),
    )(x, w, ns)


def _phase_a(l, agg_ref, nd_ref, sn_ref, b_ref, t_v, s1, s2, i):
    @pl.when(i == 0)
    def _():
        s1[...] = jnp.zeros_like(s1)
        s2[...] = jnp.zeros_like(s2)

    @pl.when(i < NG)
    def _():
        a = agg_ref[0] + agg_ref[1]
        t = (a * nd_ref[...] + b_ref[l:l + 1, :]) * sn_ref[...]
        t_v[pl.ds(i * BN, BN), :] = t
        s1[...] += jnp.sum(t, axis=0, keepdims=True)
        s2[...] += jnp.sum(t * t, axis=0, keepdims=True)


def _bn_apply(l, t_v, s1, s2, gm_ref, bt_ref, hin_ref, i):
    g = i - NG
    t = t_v[pl.ds(g * BN, BN), :]
    mu = s1[...] / N
    ig = gm_ref[l:l + 1, :] * lax.rsqrt(s2[...] / N - mu * mu + 1e-5)
    return hin_ref[...] + jnp.maximum((t - mu) * ig + bt_ref[l:l + 1, :],
                                      0.0)


def _layer_body(l, agg_ref, nd_ref, sn_ref, b_ref, gm_ref, bt_ref, hin_ref,
                w_ref, ns_ref, ho_ref, hw_ref, t_v, s1, s2):
    i = pl.program_id(0)
    _phase_a(l, agg_ref, nd_ref, sn_ref, b_ref, t_v, s1, s2, i)

    @pl.when(i >= NG)
    def _():
        hn = _bn_apply(l, t_v, s1, s2, gm_ref, bt_ref, hin_ref, i)
        ho_ref[...] = hn
        hw_ref[...] = jnp.dot(hn, w_ref[0],
                              preferred_element_type=jnp.float32) * ns_ref[...]


def _layer(l, aggp, nd, sn, h, Ws, bs, gammas, betas, ns):
    pa = lambda i: jnp.minimum(i, NG - 1)
    pb = lambda i: jnp.maximum(i - NG, 0)
    return pl.pallas_call(
        functools.partial(_layer_body, l),
        grid=(2 * NG,),
        in_specs=[
            pl.BlockSpec((NC, BN, D), lambda i: (0, pa(i), 0)),
            pl.BlockSpec((BN, 1), lambda i: (pa(i), 0)),
            pl.BlockSpec((BN, 1), lambda i: (pa(i), 0)),
            pl.BlockSpec((L, D), lambda i: (0, 0)),
            pl.BlockSpec((L, D), lambda i: (0, 0)),
            pl.BlockSpec((L, D), lambda i: (0, 0)),
            pl.BlockSpec((BN, D), lambda i: (pb(i), 0)),
            pl.BlockSpec((1, D, D), lambda i: (l + 1, 0, 0)),
            pl.BlockSpec((BN, 1), lambda i: (pb(i), 0)),
        ],
        out_specs=[
            pl.BlockSpec((BN, D), lambda i: (pb(i), 0)),
            pl.BlockSpec((BN, D), lambda i: (pb(i), 0)),
        ],
        out_shape=[
            jax.ShapeDtypeStruct((N, D), jnp.float32),
            jax.ShapeDtypeStruct((N, D), jnp.float32),
        ],
        scratch_shapes=[
            pltpu.VMEM((N, D), jnp.float32),
            pltpu.VMEM((1, D), jnp.float32),
            pltpu.VMEM((1, D), jnp.float32),
        ],
    )(aggp, nd, sn, bs, gammas, betas, h, Ws, ns)


def _final_body(l, agg_ref, nd_ref, sn_ref, b_ref, gm_ref, bt_ref, hin_ref,
                g_ref, o_ref, t_v, s1, s2, accg, cntg):
    i = pl.program_id(0)
    _phase_a(l, agg_ref, nd_ref, sn_ref, b_ref, t_v, s1, s2, i)

    @pl.when(i >= NG)
    def _():
        hn = _bn_apply(l, t_v, s1, s2, gm_ref, bt_ref, hin_ref, i)
        oh = (g_ref[...] == lax.broadcasted_iota(jnp.int32, (BN, G), 1)
              ).astype(jnp.float32)

        @pl.when(i == NG)
        def _():
            accg[...] = jnp.zeros_like(accg)
            cntg[...] = jnp.zeros_like(cntg)

        dnums = (((0,), (0,)), ((), ()))
        accg[...] += lax.dot_general(oh, hn, dnums,
                                     preferred_element_type=jnp.float32)
        cntg[...] += lax.dot_general(oh, jnp.ones((BN, D), jnp.float32),
                                     dnums,
                                     preferred_element_type=jnp.float32)

        @pl.when(i == 2 * NG - 1)
        def _():
            o_ref[...] = accg[...] / jnp.maximum(cntg[...], 1.0)


def _layer_final(l, aggp, nd, sn, h, bs, gammas, betas, gids):
    pa = lambda i: jnp.minimum(i, NG - 1)
    pb = lambda i: jnp.maximum(i - NG, 0)
    return pl.pallas_call(
        functools.partial(_final_body, l),
        grid=(2 * NG,),
        in_specs=[
            pl.BlockSpec((NC, BN, D), lambda i: (0, pa(i), 0)),
            pl.BlockSpec((BN, 1), lambda i: (pa(i), 0)),
            pl.BlockSpec((BN, 1), lambda i: (pa(i), 0)),
            pl.BlockSpec((L, D), lambda i: (0, 0)),
            pl.BlockSpec((L, D), lambda i: (0, 0)),
            pl.BlockSpec((L, D), lambda i: (0, 0)),
            pl.BlockSpec((BN, D), lambda i: (pb(i), 0)),
            pl.BlockSpec((BN, 1), lambda i: (pb(i), 0)),
        ],
        out_specs=pl.BlockSpec((G, D), lambda i: (0, 0)),
        out_shape=jax.ShapeDtypeStruct((G, D), jnp.float32),
        scratch_shapes=[
            pltpu.VMEM((N, D), jnp.float32),
            pltpu.VMEM((1, D), jnp.float32),
            pltpu.VMEM((1, D), jnp.float32),
            pltpu.VMEM((G, D), jnp.float32),
            pltpu.VMEM((G, D), jnp.float32),
        ],
    )(aggp, nd, sn, bs, gammas, betas, h, gids)



def kernel(nodes_feat, edge_index, nodes_num_norm_sqrt, graph_ids,
           Ws, bs, gammas, betas):
    f32 = jnp.float32
    src_r = edge_index[0].reshape(NW, NCH, C)
    dst_r = edge_index[1].reshape(NW, NCH, C)
    idx2 = jnp.stack([src_r, dst_r], axis=2)
    zr = jnp.zeros((RPS, D), f32)

    deg = _sc_degrees(src_r, dst_r)
    degs = deg[0] + deg[1]
    norm_src = lax.rsqrt(jnp.maximum(degs[0, :N], 1.0)).reshape(N, 1)
    norm_dst = lax.rsqrt(jnp.maximum(degs[1, :N], 1.0)).reshape(N, 1)
    gids_col = graph_ids.reshape(N, 1)

    h = nodes_feat
    hw = _mm0(nodes_feat, Ws[0], norm_src)
    out = None
    for l in range(L):
        aggp = _sc_aggregate(hw, idx2, zr)
        if l < L - 1:
            h, hw = _layer(l, aggp, norm_dst, nodes_num_norm_sqrt, h,
                           Ws, bs, gammas, betas, norm_src)
        else:
            out = _layer_final(l, aggp, norm_dst, nodes_num_norm_sqrt, h,
                               bs, gammas, betas, gids_col)
    return out

# --- scband reference (transcript-rebuilt; emitter-appended) ---
"""Pipeline reference for scband-gcnnet1-42812234006620 (READ-ONLY COPY).

The authoritative reference and input builder live on the scoring server;
editing this copy changes nothing except your own understanding.
"""

import jax, jax.numpy as jnp
import numpy as np

N = 10000
E = 320000
D = 128
L = 4
G = 64


def setup_inputs(seed: int = 0):
    key = jax.random.key(seed)
    ks = jax.random.split(key, 8)
    nodes_feat = jax.random.normal(ks[0], (N, D), dtype=jnp.float32)
    edge_index = jax.random.randint(ks[1], (2, E), 0, N, dtype=jnp.int32)
    nodes_num_norm_sqrt = jax.random.uniform(ks[2], (N, 1), dtype=jnp.float32)
    graph_ids = jnp.sort(jax.random.randint(ks[3], (N,), 0, G, dtype=jnp.int32))
    Ws = jax.random.normal(ks[4], (L, D, D), dtype=jnp.float32) * 0.05
    bs = jnp.zeros((L, D), dtype=jnp.float32)
    gammas = jnp.ones((L, D), dtype=jnp.float32)
    betas = jnp.zeros((L, D), dtype=jnp.float32)
    return {"nodes_feat": nodes_feat, "edge_index": edge_index,
            "nodes_num_norm_sqrt": nodes_num_norm_sqrt, "graph_ids": graph_ids,
            "Ws": Ws, "bs": bs, "gammas": gammas, "betas": betas}


def _gcn_forward(nodes_feat, nodes_num_norm_sqrt, Ws, bs, gammas, betas, edge_index, graph_ids):
    # Faithful translation of stacked DGL GCNLayer(in, out, relu, dropout=0,
    # graph_norm=True, batch_norm=True, residual=True) + dgl.mean_nodes readout.
    src = edge_index[0]
    dst = edge_index[1]
    n = nodes_feat.shape[0]
    # DGL GraphConv norm='both': D_out^{-1/2} on src side, D_in^{-1/2} on dst side, clamp(min=1)
    deg_out = jnp.zeros((n,), jnp.float32).at[src].add(1.0)
    deg_in = jnp.zeros((n,), jnp.float32).at[dst].add(1.0)
    norm_src = jnp.power(jnp.maximum(deg_out, 1.0), -0.5)[:, None]
    norm_dst = jnp.power(jnp.maximum(deg_in, 1.0), -0.5)[:, None]
    h = nodes_feat
    for l in range(Ws.shape[0]):
        h_in = h
        hw = h @ Ws[l]                              # linear weight
        msg = (hw * norm_src)[src]                  # gather normalized messages
        agg = jnp.zeros_like(hw).at[dst].add(msg)   # scatter-add aggregation
        h = agg * norm_dst + bs[l]                  # dst norm + bias
        h = h * nodes_num_norm_sqrt                 # graph size normalization (snorm_n)
        mean = jnp.mean(h, axis=0)                  # BatchNorm1d (training stats)
        var = jnp.var(h, axis=0)
        h = (h - mean) / jnp.sqrt(var + 1e-5) * gammas[l] + betas[l]
        h = jax.nn.relu(h)                          # activation
        h = h_in + h                                # residual (dropout p=0.0 is identity)
    # dgl.mean_nodes: per-graph mean readout over batched graph
    counts = jnp.zeros((G,), jnp.float32).at[graph_ids].add(1.0)
    sums = jnp.zeros((G, h.shape[1]), jnp.float32).at[graph_ids].add(h)
    return sums / jnp.maximum(counts, 1.0)[:, None]


def reference(nodes_feat, edge_index, nodes_num_norm_sqrt, graph_ids, Ws, bs, gammas, betas):
    return _gcn_forward(nodes_feat, nodes_num_norm_sqrt, Ws, bs, gammas, betas, edge_index, graph_ids)

if __name__ == "__main__":
    import jax
    _d = setup_inputs()
    print(jax.jit(kernel)(*tuple(_d.values())))

</pallas_src>

<mosaic_0001>
#map = affine_map<(d0, d1) -> (0, 0)>
#map1 = affine_map<(d0, d1) -> (0, 0, 0, 0)>
#map2 = affine_map<(d0, d1) -> (0, 0, 0)>
module attributes {stable_mosaic.version = 14 : i64} {
  func.func @_sc_aggregate_body(%arg0: i32, %arg1: i32, %arg2: memref<10000x128xf32, #tpu.memory_space<hbm>>, %arg3: memref<32x125x2x80xi32, #tpu.memory_space<hbm>>, %arg4: memref<625x128xf32, #tpu.memory_space<hbm>>, %arg5: memref<2x10000x128xf32, #tpu.memory_space<hbm>>, %arg6: memref<10000x128xf32, #tpu.memory_space<vmem_shared>>, %arg7: memref<6x2x80xi32, #tpu.memory_space<vmem>>, %arg8: memref<3x80x128xf32, #tpu.memory_space<vmem>>, %arg9: memref<6x!tpu.dma_semaphore, #tpu.memory_space<semaphore_mem>>, %arg10: memref<3x!tpu.dma_semaphore, #tpu.memory_space<semaphore_mem>>, %arg11: memref<3x!tpu.dma_semaphore, #tpu.memory_space<semaphore_mem>>) attributes {dimension_semantics = [#tpu.dimension_semantics<core_parallel>, #tpu.dimension_semantics<subcore_parallel>], iteration_bounds = array<i64: 2, 16>, scalar_prefetch = 0 : i64, scratch_operands = 6 : i64, tpu.core_type = #tpu.core_type<sc_vector_subcore>, window_params = [{transform_indices = #map}, {transform_indices = #map1}, {transform_indices = #map}, {transform_indices = #map2}]} {
    %mul3A = arith.constant 16 : i32
    %mul3A_0 = arith.muli %arg0, %mul3A : i32
    %add3A = arith.addi %mul3A_0, %arg1 : i32
    %dma_start3A = arith.constant 0 : i32
    %dma_start3A_1 = arith.constant 0 : i32
    %dma_start3A_2 = arith.constant 0 : i32
    %dma_start3A_3 = arith.constant 0 : i32
    %dma_start3A_4 = arith.constant 0 : i32
    %dma_start3A_5 = tpu.memref_slice %arg7[%dma_start3A_1, %dma_start3A_3, %dma_start3A_4] : memref<6x2x80xi32, #tpu.memory_space<vmem>> -> memref<1x2x80xi32, #tpu.memory_space<vmem>>
    %dma_start3A_6 = tpu.memref_squeeze %dma_start3A_5 : memref<1x2x80xi32, #tpu.memory_space<vmem>> -> memref<2x80xi32, #tpu.memory_space<vmem>>
    %dma_start3A_7 = arith.constant 0 : i32
    %dma_start3A_8 = arith.constant 0 : i32
    %dma_start3A_9 = tpu.memref_slice %arg3[%add3A, %dma_start3A, %dma_start3A_7, %dma_start3A_8] : memref<32x125x2x80xi32, #tpu.memory_space<hbm>> -> memref<1x1x2x80xi32, #tpu.memory_space<hbm>>
    %dma_start3A_10 = tpu.memref_squeeze %dma_start3A_9 : memref<1x1x2x80xi32, #tpu.memory_space<hbm>> -> memref<2x80xi32, #tpu.memory_space<hbm>>
    %dma_start3A_11 = tpu.memref_slice %arg9[%dma_start3A_2] : memref<6x!tpu.dma_semaphore, #tpu.memory_space<semaphore_mem>> -> memref<1x!tpu.dma_semaphore, #tpu.memory_space<semaphore_mem>>
    %dma_start3A_12 = tpu.memref_squeeze %dma_start3A_11 : memref<1x!tpu.dma_semaphore, #tpu.memory_space<semaphore_mem>> -> memref<!tpu.dma_semaphore, #tpu.memory_space<semaphore_mem>>
    %dma_start3A_13 = arith.constant 0 : i32
    %dma_start3A_14 = arith.constant 0 : i32
    %dma_start3A_15 = tpu.memref_slice %arg7[%dma_start3A_1, %dma_start3A_13, %dma_start3A_14] : memref<6x2x80xi32, #tpu.memory_space<vmem>> -> memref<1x2x80xi32, #tpu.memory_space<vmem>>
    %dma_start3A_16 = tpu.memref_squeeze %dma_start3A_15 : memref<1x2x80xi32, #tpu.memory_space<vmem>> -> memref<2x80xi32, #tpu.memory_space<vmem>>
    %dma_start3A_17 = arith.constant 0 : i32
    %dma_start3A_18 = arith.constant 0 : i32
    %dma_start3A_19 = tpu.memref_slice %arg3[%add3A, %dma_start3A, %dma_start3A_17, %dma_start3A_18] : memref<32x125x2x80xi32, #tpu.memory_space<hbm>> -> memref<1x1x2x80xi32, #tpu.memory_space<hbm>>
    %dma_start3A_20 = tpu.memref_squeeze %dma_start3A_19 : memref<1x1x2x80xi32, #tpu.memory_space<hbm>> -> memref<2x80xi32, #tpu.memory_space<hbm>>
    tpu.enqueue_dma source(%dma_start3A_20 : memref<2x80xi32, #tpu.memory_space<hbm>>) target(%dma_start3A_16 : memref<2x80xi32, #tpu.memory_space<vmem>>) target_semaphore(%dma_start3A_12 : memref<!tpu.dma_semaphore, #tpu.memory_space<semaphore_mem>>)
    %dma_start3A_21 = arith.constant 1 : i32
    %dma_start3A_22 = arith.constant 1 : i32
    %dma_start3A_23 = arith.constant 1 : i32
    %dma_start3A_24 = arith.constant 0 : i32
    %dma_start3A_25 = arith.constant 0 : i32
    %dma_start3A_26 = tpu.memref_slice %arg7[%dma_start3A_22, %dma_start3A_24, %dma_start3A_25] : memref<6x2x80xi32, #tpu.memory_space<vmem>> -> memref<1x2x80xi32, #tpu.memory_space<vmem>>
    %dma_start3A_27 = tpu.memref_squeeze %dma_start3A_26 : memref<1x2x80xi32, #tpu.memory_space<vmem>> -> memref<2x80xi32, #tpu.memory_space<vmem>>
    %dma_start3A_28 = arith.constant 0 : i32
    %dma_start3A_29 = arith.constant 0 : i32
    %dma_start3A_30 = tpu.memref_slice %arg3[%add3A, %dma_start3A_21, %dma_start3A_28, %dma_start3A_29] : memref<32x125x2x80xi32, #tpu.memory_space<hbm>> -> memref<1x1x2x80xi32, #tpu.memory_space<hbm>>
    %dma_start3A_31 = tpu.memref_squeeze %dma_start3A_30 : memref<1x1x2x80xi32, #tpu.memory_space<hbm>> -> memref<2x80xi32, #tpu.memory_space<hbm>>
    %dma_start3A_32 = tpu.memref_slice %arg9[%dma_start3A_23] : memref<6x!tpu.dma_semaphore, #tpu.memory_space<semaphore_mem>> -> memref<1x!tpu.dma_semaphore, #tpu.memory_space<semaphore_mem>>
    %dma_start3A_33 = tpu.memref_squeeze %dma_start3A_32 : memref<1x!tpu.dma_semaphore, #tpu.memory_space<semaphore_mem>> -> memref<!tpu.dma_semaphore, #tpu.memory_space<semaphore_mem>>
    %dma_start3A_34 = arith.constant 0 : i32
    %dma_start3A_35 = arith.constant 0 : i32
    %dma_start3A_36 = tpu.memref_slice %arg7[%dma_start3A_22, %dma_start3A_34, %dma_start3A_35] : memref<6x2x80xi32, #tpu.memory_space<vmem>> -> memref<1x2x80xi32, #tpu.memory_space<vmem>>
    %dma_start3A_37 = tpu.memref_squeeze %dma_start3A_36 : memref<1x2x80xi32, #tpu.memory_space<vmem>> -> memref<2x80xi32, #tpu.memory_space<vmem>>
    %dma_start3A_38 = arith.constant 0 : i32
    %dma_start3A_39 = arith.constant 0 : i32
    %dma_start3A_40 = tpu.memref_slice %arg3[%add3A, %dma_start3A_21, %dma_start3A_38, %dma_start3A_39] : memref<32x125x2x80xi32, #tpu.memory_space<hbm>> -> memref<1x1x2x80xi32, #tpu.memory_space<hbm>>
    %dma_start3A_41 = tpu.memref_squeeze %dma_start3A_40 : memref<1x1x2x80xi32, #tpu.memory_space<hbm>> -> memref<2x80xi32, #tpu.memory_space<hbm>>
    tpu.enqueue_dma source(%dma_start3A_41 : memref<2x80xi32, #tpu.memory_space<hbm>>) target(%dma_start3A_37 : memref<2x80xi32, #tpu.memory_space<vmem>>) target_semaphore(%dma_start3A_33 : memref<!tpu.dma_semaphore, #tpu.memory_space<semaphore_mem>>)
    %dma_start3A_42 = arith.constant 2 : i32
    %dma_start3A_43 = arith.constant 2 : i32
    %dma_start3A_44 = arith.constant 2 : i32
    %dma_start3A_45 = arith.constant 0 : i32
    %dma_start3A_46 = arith.constant 0 : i32
    %dma_start3A_47 = tpu.memref_slice %arg7[%dma_start3A_43, %dma_start3A_45, %dma_start3A_46] : memref<6x2x80xi32, #tpu.memory_space<vmem>> -> memref<1x2x80xi32, #tpu.memory_space<vmem>>
    %dma_start3A_48 = tpu.memref_squeeze %dma_start3A_47 : memref<1x2x80xi32, #tpu.memory_space<vmem>> -> memref<2x80xi32, #tpu.memory_space<vmem>>
    %dma_start3A_49 = arith.constant 0 : i32
    %dma_start3A_50 = arith.constant 0 : i32
    %dma_start3A_51 = tpu.memref_slice %arg3[%add3A, %dma_start3A_42, %dma_start3A_49, %dma_start3A_50] : memref<32x125x2x80xi32, #tpu.memory_space<hbm>> -> memref<1x1x2x80xi32, #tpu.memory_space<hbm>>
    %dma_start3A_52 = tpu.memref_squeeze %dma_start3A_51 : memref<1x1x2x80xi32, #tpu.memory_space<hbm>> -> memref<2x80xi32, #tpu.memory_space<hbm>>
    %dma_start3A_53 = tpu.memref_slice %arg9[%dma_start3A_44] : memref<6x!tpu.dma_semaphore, #tpu.memory_space<semaphore_mem>> -> memref<1x!tpu.dma_semaphore, #tpu.memory_space<semaphore_mem>>
    %dma_start3A_54 = tpu.memref_squeeze %dma_start3A_53 : memref<1x!tpu.dma_semaphore, #tpu.memory_space<semaphore_mem>> -> memref<!tpu.dma_semaphore, #tpu.memory_space<semaphore_mem>>
    %dma_start3A_55 = arith.constant 0 : i32
    %dma_start3A_56 = arith.constant 0 : i32
    %dma_start3A_57 = tpu.memref_slice %arg7[%dma_start3A_43, %dma_start3A_55, %dma_start3A_56] : memref<6x2x80xi32, #tpu.memory_space<vmem>> -> memref<1x2x80xi32, #tpu.memory_space<vmem>>
    %dma_start3A_58 = tpu.memref_squeeze %dma_start3A_57 : memref<1x2x80xi32, #tpu.memory_space<vmem>> -> memref<2x80xi32, #tpu.memory_space<vmem>>
    %dma_start3A_59 = arith.constant 0 : i32
    %dma_start3A_60 = arith.constant 0 : i32
    %dma_start3A_61 = tpu.memref_slice %arg3[%add3A, %dma_start3A_42, %dma_start3A_59, %dma_start3A_60] : memref<32x125x2x80xi32, #tpu.memory_space<hbm>> -> memref<1x1x2x80xi32, #tpu.memory_space<hbm>>
    %dma_start3A_62 = tpu.memref_squeeze %dma_start3A_61 : memref<1x1x2x80xi32, #tpu.memory_space<hbm>> -> memref<2x80xi32, #tpu.memory_space<hbm>>
    tpu.enqueue_dma source(%dma_start3A_62 : memref<2x80xi32, #tpu.memory_space<hbm>>) target(%dma_start3A_58 : memref<2x80xi32, #tpu.memory_space<vmem>>) target_semaphore(%dma_start3A_54 : memref<!tpu.dma_semaphore, #tpu.memory_space<semaphore_mem>>)
    %dma_start3A_63 = arith.constant 3 : i32
    %dma_start3A_64 = arith.constant 3 : i32
    %dma_start3A_65 = arith.constant 3 : i32
    %dma_start3A_66 = arith.constant 0 : i32
    %dma_start3A_67 = arith.constant 0 : i32
    %dma_start3A_68 = tpu.memref_slice %arg7[%dma_start3A_64, %dma_start3A_66, %dma_start3A_67] : memref<6x2x80xi32, #tpu.memory_space<vmem>> -> memref<1x2x80xi32, #tpu.memory_space<vmem>>
    %dma_start3A_69 = tpu.memref_squeeze %dma_start3A_68 : memref<1x2x80xi32, #tpu.memory_space<vmem>> -> memref<2x80xi32, #tpu.memory_space<vmem>>
    %dma_start3A_70 = arith.constant 0 : i32
    %dma_start3A_71 = arith.constant 0 : i32
    %dma_start3A_72 = tpu.memref_slice %arg3[%add3A, %dma_start3A_63, %dma_start3A_70, %dma_start3A_71] : memref<32x125x2x80xi32, #tpu.memory_space<hbm>> -> memref<1x1x2x80xi32, #tpu.memory_space<hbm>>
    %dma_start3A_73 = tpu.memref_squeeze %dma_start3A_72 : memref<1x1x2x80xi32, #tpu.memory_space<hbm>> -> memref<2x80xi32, #tpu.memory_space<hbm>>
    %dma_start3A_74 = tpu.memref_slice %arg9[%dma_start3A_65] : memref<6x!tpu.dma_semaphore, #tpu.memory_space<semaphore_mem>> -> memref<1x!tpu.dma_semaphore, #tpu.memory_space<semaphore_mem>>
    %dma_start3A_75 = tpu.memref_squeeze %dma_start3A_74 : memref<1x!tpu.dma_semaphore, #tpu.memory_space<semaphore_mem>> -> memref<!tpu.dma_semaphore, #tpu.memory_space<semaphore_mem>>
    %dma_start3A_76 = arith.constant 0 : i32
    %dma_start3A_77 = arith.constant 0 : i32
    %dma_start3A_78 = tpu.memref_slice %arg7[%dma_start3A_64, %dma_start3A_76, %dma_start3A_77] : memref<6x2x80xi32, #tpu.memory_space<vmem>> -> memref<1x2x80xi32, #tpu.memory_space<vmem>>
    %dma_start3A_79 = tpu.memref_squeeze %dma_start3A_78 : memref<1x2x80xi32, #tpu.memory_space<vmem>> -> memref<2x80xi32, #tpu.memory_space<vmem>>
    %dma_start3A_80 = arith.constant 0 : i32
    %dma_start3A_81 = arith.constant 0 : i32
    %dma_start3A_82 = tpu.memref_slice %arg3[%add3A, %dma_start3A_63, %dma_start3A_80, %dma_start3A_81] : memref<32x125x2x80xi32, #tpu.memory_space<hbm>> -> memref<1x1x2x80xi32, #tpu.memory_space<hbm>>
    %dma_start3A_83 = tpu.memref_squeeze %dma_start3A_82 : memref<1x1x2x80xi32, #tpu.memory_space<hbm>> -> memref<2x80xi32, #tpu.memory_space<hbm>>
    tpu.enqueue_dma source(%dma_start3A_83 : memref<2x80xi32, #tpu.memory_space<hbm>>) target(%dma_start3A_79 : memref<2x80xi32, #tpu.memory_space<vmem>>) target_semaphore(%dma_start3A_75 : memref<!tpu.dma_semaphore, #tpu.memory_space<semaphore_mem>>)
    %dma_wait3A = arith.constant 0 : i32
    %dma_wait3A_84 = arith.constant 0 : i32
    %dma_wait3A_85 = arith.constant 0 : i32
    %dma_wait3A_86 = arith.constant 0 : i32
    %dma_wait3A_87 = arith.constant 0 : i32
    %dma_wait3A_88 = tpu.memref_slice %arg7[%dma_wait3A_84, %dma_wait3A_86, %dma_wait3A_87] : memref<6x2x80xi32, #tpu.memory_space<vmem>> -> memref<1x2x80xi32, #tpu.memory_space<vmem>>
    %dma_wait3A_89 = tpu.memref_squeeze %dma_wait3A_88 : memref<1x2x80xi32, #tpu.memory_space<vmem>> -> memref<2x80xi32, #tpu.memory_space<vmem>>
    %dma_wait3A_90 = arith.constant 0 : i32
    %dma_wait3A_91 = arith.constant 0 : i32
    %dma_wait3A_92 = tpu.memref_slice %arg3[%add3A, %dma_wait3A, %dma_wait3A_90, %dma_wait3A_91] : memref<32x125x2x80xi32, #tpu.memory_space<hbm>> -> memref<1x1x2x80xi32, #tpu.memory_space<hbm>>
    %dma_wait3A_93 = tpu.memref_squeeze %dma_wait3A_92 : memref<1x1x2x80xi32, #tpu.memory_space<hbm>> -> memref<2x80xi32, #tpu.memory_space<hbm>>
    %dma_wait3A_94 = tpu.memref_slice %arg9[%dma_wait3A_85] : memref<6x!tpu.dma_semaphore, #tpu.memory_space<semaphore_mem>> -> memref<1x!tpu.dma_semaphore, #tpu.memory_space<semaphore_mem>>
    %dma_wait3A_95 = tpu.memref_squeeze %dma_wait3A_94 : memref<1x!tpu.dma_semaphore, #tpu.memory_space<semaphore_mem>> -> memref<!tpu.dma_semaphore, #tpu.memory_space<semaphore_mem>>
    %dma_wait3A_96 = arith.constant 0 : i32
    %dma_wait3A_97 = arith.constant 0 : i32
    %dma_wait3A_98 = tpu.memref_slice %arg7[%dma_wait3A_84, %dma_wait3A_96, %dma_wait3A_97] : memref<6x2x80xi32, #tpu.memory_space<vmem>> -> memref<1x2x80xi32, #tpu.memory_space<vmem>>
    %dma_wait3A_99 = tpu.memref_squeeze %dma_wait3A_98 : memref<1x2x80xi32, #tpu.memory_space<vmem>> -> memref<2x80xi32, #tpu.memory_space<vmem>>
    %dma_wait3A_100 = arith.constant 0 : i32
    %dma_wait3A_101 = arith.constant 0 : i32
    %dma_wait3A_102 = tpu.memref_slice %arg3[%add3A, %dma_wait3A, %dma_wait3A_100, %dma_wait3A_101] : memref<32x125x2x80xi32, #tpu.memory_space<hbm>> -> memref<1x1x2x80xi32, #tpu.memory_space<hbm>>
    %dma_wait3A_103 = tpu.memref_squeeze %dma_wait3A_102 : memref<1x1x2x80xi32, #tpu.memory_space<hbm>> -> memref<2x80xi32, #tpu.memory_space<hbm>>
    tpu.wait_dma2 semaphore(%dma_wait3A_95 : memref<!tpu.dma_semaphore, #tpu.memory_space<semaphore_mem>>) src(%dma_wait3A_103 : memref<2x80xi32, #tpu.memory_space<hbm>>) dst(%dma_wait3A_99 : memref<2x80xi32, #tpu.memory_space<vmem>>)
    %dma_start3A_104 = arith.constant 0 : i32
    %dma_start3A_105 = arith.constant 0 : i32
    %dma_start3A_106 = arith.constant 0 : i32
    %dma_start3A_107 = arith.constant 0 : i32
    %dma_start3A_108 = arith.constant 0 : i32
    %dma_start3A_109 = arith.constant 0 : i32
    %dma_start3A_110 = tpu.memref_slice %arg8[%dma_start3A_106, %dma_start3A_108, %dma_start3A_109] : memref<3x80x128xf32, #tpu.memory_space<vmem>> -> memref<1x80x128xf32, #tpu.memory_space<vmem>>
    %dma_start3A_111 = tpu.memref_squeeze %dma_start3A_110 : memref<1x80x128xf32, #tpu.memory_space<vmem>> -> memref<80x128xf32, #tpu.memory_space<vmem>>
    %dma_start3A_112 = arith.constant 0 : i32
    %dma_start3A_113 = tpu.memref_slice %arg7[%dma_start3A_104, %dma_start3A_105, %dma_start3A_112] : memref<6x2x80xi32, #tpu.memory_space<vmem>> -> memref<1x1x80xi32, #tpu.memory_space<vmem>>
    %dma_start3A_114 = tpu.memref_squeeze %dma_start3A_113 : memref<1x1x80xi32, #tpu.memory_space<vmem>> -> memref<80xi32, #tpu.memory_space<vmem>>
    %dma_start3A_115 = arith.constant 0 : i32
    %dma_start3A_116 = arith.constant 0 : i32
    %dma_start3A_117 = tpu.memref_slice %arg2[%dma_start3A_115, %dma_start3A_116] : memref<10000x128xf32, #tpu.memory_space<hbm>> -> memref<10000x128xf32, #tpu.memory_space<hbm>>
    %dma_start3A_118 = tpu.memref_slice %arg10[%dma_start3A_107] : memref<3x!tpu.dma_semaphore, #tpu.memory_space<semaphore_mem>> -> memref<1x!tpu.dma_semaphore, #tpu.memory_space<semaphore_mem>>
    %dma_start3A_119 = tpu.memref_squeeze %dma_start3A_118 : memref<1x!tpu.dma_semaphore, #tpu.memory_space<semaphore_mem>> -> memref<!tpu.dma_semaphore, #tpu.memory_space<semaphore_mem>>
    tpu.enqueue_indirect_dma source(%dma_start3A_117 : memref<10000x128xf32, #tpu.memory_space<hbm>>) target(%dma_start3A_111 : memref<80x128xf32, #tpu.memory_space<vmem>>) offsets(%dma_start3A_114 : memref<80xi32, #tpu.memory_space<vmem>>) semaphore(%dma_start3A_119 : memref<!tpu.dma_semaphore, #tpu.memory_space<semaphore_mem>>)
    %dma_wait3A_120 = arith.constant 1 : i32
    %dma_wait3A_121 = arith.constant 1 : i32
    %dma_wait3A_122 = arith.constant 1 : i32
    %dma_wait3A_123 = arith.constant 0 : i32
    %dma_wait3A_124 = arith.constant 0 : i32
    %dma_wait3A_125 = tpu.memref_slice %arg7[%dma_wait3A_121, %dma_wait3A_123, %dma_wait3A_124] : memref<6x2x80xi32, #tpu.memory_space<vmem>> -> memref<1x2x80xi32, #tpu.memory_space<vmem>>
    %dma_wait3A_126 = tpu.memref_squeeze %dma_wait3A_125 : memref<1x2x80xi32, #tpu.memory_space<vmem>> -> memref<2x80xi32, #tpu.memory_space<vmem>>
    %dma_wait3A_127 = arith.constant 0 : i32
    %dma_wait3A_128 = arith.constant 0 : i32
    %dma_wait3A_129 = tpu.memref_slice %arg3[%add3A, %dma_wait3A_120, %dma_wait3A_127, %dma_wait3A_128] : memref<32x125x2x80xi32, #tpu.memory_space<hbm>> -> memref<1x1x2x80xi32, #tpu.memory_space<hbm>>
    %dma_wait3A_130 = tpu.memref_squeeze %dma_wait3A_129 : memref<1x1x2x80xi32, #tpu.memory_space<hbm>> -> memref<2x80xi32, #tpu.memory_space<hbm>>
    %dma_wait3A_131 = tpu.memref_slice %arg9[%dma_wait3A_122] : memref<6x!tpu.dma_semaphore, #tpu.memory_space<semaphore_mem>> -> memref<1x!tpu.dma_semaphore, #tpu.memory_space<semaphore_mem>>
    %dma_wait3A_132 = tpu.memref_squeeze %dma_wait3A_131 : memref<1x!tpu.dma_semaphore, #tpu.memory_space<semaphore_mem>> -> memref<!tpu.dma_semaphore, #tpu.memory_space<semaphore_mem>>
    %dma_wait3A_133 = arith.constant 0 : i32
    %dma_wait3A_134 = arith.constant 0 : i32
    %dma_wait3A_135 = tpu.memref_slice %arg7[%dma_wait3A_121, %dma_wait3A_133, %dma_wait3A_134] : memref<6x2x80xi32, #tpu.memory_space<vmem>> -> memref<1x2x80xi32, #tpu.memory_space<vmem>>
    %dma_wait3A_136 = tpu.memref_squeeze %dma_wait3A_135 : memref<1x2x80xi32, #tpu.memory_space<vmem>> -> memref<2x80xi32, #tpu.memory_space<vmem>>
    %dma_wait3A_137 = arith.constant 0 : i32
    %dma_wait3A_138 = arith.constant 0 : i32
    %dma_wait3A_139 = tpu.memref_slice %arg3[%add3A, %dma_wait3A_120, %dma_wait3A_137, %dma_wait3A_138] : memref<32x125x2x80xi32, #tpu.memory_space<hbm>> -> memref<1x1x2x80xi32, #tpu.memory_space<hbm>>
    %dma_wait3A_140 = tpu.memref_squeeze %dma_wait3A_139 : memref<1x1x2x80xi32, #tpu.memory_space<hbm>> -> memref<2x80xi32, #tpu.memory_space<hbm>>
    tpu.wait_dma2 semaphore(%dma_wait3A_132 : memref<!tpu.dma_semaphore, #tpu.memory_space<semaphore_mem>>) src(%dma_wait3A_140 : memref<2x80xi32, #tpu.memory_space<hbm>>) dst(%dma_wait3A_136 : memref<2x80xi32, #tpu.memory_space<vmem>>)
    %dma_start3A_141 = arith.constant 1 : i32
    %dma_start3A_142 = arith.constant 0 : i32
    %dma_start3A_143 = arith.constant 1 : i32
    %dma_start3A_144 = arith.constant 1 : i32
    %dma_start3A_145 = arith.constant 0 : i32
    %dma_start3A_146 = arith.constant 0 : i32
    %dma_start3A_147 = tpu.memref_slice %arg8[%dma_start3A_143, %dma_start3A_145, %dma_start3A_146] : memref<3x80x128xf32, #tpu.memory_space<vmem>> -> memref<1x80x128xf32, #tpu.memory_space<vmem>>
    %dma_start3A_148 = tpu.memref_squeeze %dma_start3A_147 : memref<1x80x128xf32, #tpu.memory_space<vmem>> -> memref<80x128xf32, #tpu.memory_space<vmem>>
    %dma_start3A_149 = arith.constant 0 : i32
    %dma_start3A_150 = tpu.memref_slice %arg7[%dma_start3A_141, %dma_start3A_142, %dma_start3A_149] : memref<6x2x80xi32, #tpu.memory_space<vmem>> -> memref<1x1x80xi32, #tpu.memory_space<vmem>>
    %dma_start3A_151 = tpu.memref_squeeze %dma_start3A_150 : memref<1x1x80xi32, #tpu.memory_space<vmem>> -> memref<80xi32, #tpu.memory_space<vmem>>
    %dma_start3A_152 = arith.constant 0 : i32
    %dma_start3A_153 = arith.constant 0 : i32
    %dma_start3A_154 = tpu.memref_slice %arg2[%dma_start3A_152, %dma_start3A_153] : memref<10000x128xf32, #tpu.memory_space<hbm>> -> memref<10000x128xf32, #tpu.memory_space<hbm>>
    %dma_start3A_155 = tpu.memref_slice %arg10[%dma_start3A_144] : memref<3x!tpu.dma_semaphore, #tpu.memory_space<semaphore_mem>> -> memref<1x!tpu.dma_semaphore, #tpu.memory_space<semaphore_mem>>
    %dma_start3A_156 = tpu.memref_squeeze %dma_start3A_155 : memref<1x!tpu.dma_semaphore, #tpu.memory_space<semaphore_mem>> -> memref<!tpu.dma_semaphore, #tpu.memory_space<semaphore_mem>>
    tpu.enqueue_indirect_dma source(%dma_start3A_154 : memref<10000x128xf32, #tpu.memory_space<hbm>>) target(%dma_start3A_148 : memref<80x128xf32, #tpu.memory_space<vmem>>) offsets(%dma_start3A_151 : memref<80xi32, #tpu.memory_space<vmem>>) semaphore(%dma_start3A_156 : memref<!tpu.dma_semaphore, #tpu.memory_space<semaphore_mem>>)
    %mul3A_157 = arith.constant 624 : i32
    %mul3A_158 = arith.muli %arg1, %mul3A_157 : i32
    "tpu.region"() ({
      %run_scoped3A = tpu.sem_alloc : memref<!tpu.dma_semaphore, #tpu.memory_space<semaphore_mem>>
      %dma_start3A_191 = arith.constant 0 : i32
      %dma_start3A_192 = tpu.memref_slice %arg6[%mul3A_158, %dma_start3A_191] : memref<10000x128xf32, #tpu.memory_space<vmem_shared>> -> memref<624x128xf32, #tpu.memory_space<vmem_shared>>
      %dma_start3A_193 = arith.constant 0 : i32
      %dma_start3A_194 = arith.constant 0 : i32
      %dma_start3A_195 = tpu.memref_slice %arg4[%dma_start3A_193, %dma_start3A_194] : memref<625x128xf32, #tpu.memory_space<hbm>> -> memref<624x128xf32, #tpu.memory_space<hbm>>
      tpu.enqueue_dma source(%dma_start3A_195 : memref<624x128xf32, #tpu.memory_space<hbm>>) target(%dma_start3A_192 : memref<624x128xf32, #tpu.memory_space<vmem_shared>>) target_semaphore(%run_scoped3A : memref<!tpu.dma_semaphore, #tpu.memory_space<semaphore_mem>>)
      %dma_wait3A_196 = arith.constant 0 : i32
      %dma_wait3A_197 = tpu.memref_slice %arg6[%mul3A_158, %dma_wait3A_196] : memref<10000x128xf32, #tpu.memory_space<vmem_shared>> -> memref<624x128xf32, #tpu.memory_space<vmem_shared>>
      %dma_wait3A_198 = arith.constant 0 : i32
      %dma_wait3A_199 = arith.constant 0 : i32
      %dma_wait3A_200 = tpu.memref_slice %arg4[%dma_wait3A_198, %dma_wait3A_199] : memref<625x128xf32, #tpu.memory_space<hbm>> -> memref<624x128xf32, #tpu.memory_space<hbm>>
      tpu.wait_dma2 semaphore(%run_scoped3A : memref<!tpu.dma_semaphore, #tpu.memory_space<semaphore_mem>>) src(%dma_wait3A_200 : memref<624x128xf32, #tpu.memory_space<hbm>>) dst(%dma_wait3A_197 : memref<624x128xf32, #tpu.memory_space<vmem_shared>>)
      tpu.yield
    }) : () -> ()
    %eq3A = arith.constant 15 : i32
    %eq3A_159 = arith.cmpi eq, %arg1, %eq3A : i32
    %convert_element_type3A = arith.extui %eq3A_159 : i1 to i32
    %cond3A = arith.constant 0 : i32
    %cond3A_160 = arith.cmpi ne, %convert_element_type3A, %cond3A : i32
    scf.if %cond3A_160 {
      "tpu.region"() ({
        %run_scoped3A = tpu.sem_alloc : memref<!tpu.dma_semaphore, #tpu.memory_space<semaphore_mem>>
        %dma_start3A_191 = arith.constant 9984 : i32
        %dma_start3A_192 = arith.constant 0 : i32
        %dma_start3A_193 = tpu.memref_slice %arg6[%dma_start3A_191, %dma_start3A_192] : memref<10000x128xf32, #tpu.memory_space<vmem_shared>> -> memref<16x128xf32, #tpu.memory_space<vmem_shared>>
        %dma_start3A_194 = arith.constant 0 : i32
        %dma_start3A_195 = arith.constant 0 : i32
        %dma_start3A_196 = tpu.memref_slice %arg4[%dma_start3A_194, %dma_start3A_195] : memref<625x128xf32, #tpu.memory_space<hbm>> -> memref<16x128xf32, #tpu.memory_space<hbm>>
        tpu.enqueue_dma source(%dma_start3A_196 : memref<16x128xf32, #tpu.memory_space<hbm>>) target(%dma_start3A_193 : memref<16x128xf32, #tpu.memory_space<vmem_shared>>) target_semaphore(%run_scoped3A : memref<!tpu.dma_semaphore, #tpu.memory_space<semaphore_mem>>)
        %dma_wait3A_197 = arith.constant 9984 : i32
        %dma_wait3A_198 = arith.constant 0 : i32
        %dma_wait3A_199 = tpu.memref_slice %arg6[%dma_wait3A_197, %dma_wait3A_198] : memref<10000x128xf32, #tpu.memory_space<vmem_shared>> -> memref<16x128xf32, #tpu.memory_space<vmem_shared>>
        %dma_wait3A_200 = arith.constant 0 : i32
        %dma_wait3A_201 = arith.constant 0 : i32
        %dma_wait3A_202 = tpu.memref_slice %arg4[%dma_wait3A_200, %dma_wait3A_201] : memref<625x128xf32, #tpu.memory_space<hbm>> -> memref<16x128xf32, #tpu.memory_space<hbm>>
        tpu.wait_dma2 semaphore(%run_scoped3A : memref<!tpu.dma_semaphore, #tpu.memory_space<semaphore_mem>>) src(%dma_wait3A_202 : memref<16x128xf32, #tpu.memory_space<hbm>>) dst(%dma_wait3A_199 : memref<16x128xf32, #tpu.memory_space<vmem_shared>>)
        tpu.yield
      }) : () -> ()
    } else {
    }
    %barrier3A = arith.constant 0 : index
    tpu.barrier barrier_id(%barrier3A)
    %scan3A = arith.constant 0 : i32
    %scan3A_161 = arith.constant 125 : i32
    %scan3A_162 = arith.addi %scan3A, %scan3A_161 : i32
    %scan3A_163 = arith.constant 1 : i32
    scf.for %scan3A_191 = %scan3A to %scan3A_162 step %scan3A_163  : i32 {
      %rem3A = arith.constant 3 : i32
      %rem3A_192 = arith.remsi %scan3A_191, %rem3A : i32
      %rem3A_193 = arith.constant 6 : i32
      %rem3A_194 = arith.remsi %scan3A_191, %rem3A_193 : i32
      %add3A_195 = arith.constant 3 : i32
      %add3A_196 = arith.addi %scan3A_191, %add3A_195 : i32
      %sub3A = arith.constant 1 : i32
      %sub3A_197 = arith.subi %add3A_196, %sub3A : i32
      %rem3A_198 = arith.constant 3 : i32
      %rem3A_199 = arith.remsi %sub3A_197, %rem3A_198 : i32
      %add3A_200 = arith.constant 3 : i32
      %add3A_201 = arith.addi %scan3A_191, %add3A_200 : i32
      %sub3A_202 = arith.constant 1 : i32
      %sub3A_203 = arith.subi %add3A_201, %sub3A_202 : i32
      %rem3A_204 = arith.constant 6 : i32
      %rem3A_205 = arith.remsi %sub3A_203, %rem3A_204 : i32
      %ge3A = arith.constant 1 : i32
      %ge3A_206 = arith.cmpi sge, %scan3A_191, %ge3A : i32
      %convert_element_type3A_207 = arith.extui %ge3A_206 : i1 to i32
      %cond3A_208 = arith.constant 0 : i32
      %cond3A_209 = arith.cmpi ne, %convert_element_type3A_207, %cond3A_208 : i32
      scf.if %cond3A_209 {
        %sub3A_251 = arith.constant 1 : i32
        %sub3A_252 = arith.subi %scan3A_191, %sub3A_251 : i32
        %add3A_253 = arith.constant 6 : i32
        %add3A_254 = arith.addi %scan3A_191, %add3A_253 : i32
        %sub3A_255 = arith.constant 1 : i32
        %sub3A_256 = arith.subi %add3A_254, %sub3A_255 : i32
        %rem3A_257 = arith.constant 6 : i32
        %rem3A_258 = arith.remsi %sub3A_256, %rem3A_257 : i32
        %dma_wait3A_259 = arith.constant 1 : i32
        %dma_wait3A_260 = arith.constant 0 : i32
        %dma_wait3A_261 = arith.constant 0 : i32
        %dma_wait3A_262 = tpu.memref_slice %arg8[%rem3A_199, %dma_wait3A_260, %dma_wait3A_261] : memref<3x80x128xf32, #tpu.memory_space<vmem>> -> memref<1x80x128xf32, #tpu.memory_space<vmem>>
        %dma_wait3A_263 = tpu.memref_squeeze %dma_wait3A_262 : memref<1x80x128xf32, #tpu.memory_space<vmem>> -> memref<80x128xf32, #tpu.memory_space<vmem>>
        %dma_wait3A_264 = arith.constant 0 : i32
        %dma_wait3A_265 = tpu.memref_slice %arg7[%rem3A_258, %dma_wait3A_259, %dma_wait3A_264] : memref<6x2x80xi32, #tpu.memory_space<vmem>> -> memref<1x1x80xi32, #tpu.memory_space<vmem>>
        %dma_wait3A_266 = tpu.memref_squeeze %dma_wait3A_265 : memref<1x1x80xi32, #tpu.memory_space<vmem>> -> memref<80xi32, #tpu.memory_space<vmem>>
        %dma_wait3A_267 = arith.constant 0 : i32
        %dma_wait3A_268 = arith.constant 0 : i32
        %dma_wait3A_269 = tpu.memref_slice %arg6[%dma_wait3A_267, %dma_wait3A_268] : memref<10000x128xf32, #tpu.memory_space<vmem_shared>> -> memref<10000x128xf32, #tpu.memory_space<vmem_shared>>
        %dma_wait3A_270 = tpu.memref_slice %arg11[%rem3A_199] : memref<3x!tpu.dma_semaphore, #tpu.memory_space<semaphore_mem>> -> memref<1x!tpu.dma_semaphore, #tpu.memory_space<semaphore_mem>>
        %dma_wait3A_271 = tpu.memref_squeeze %dma_wait3A_270 : memref<1x!tpu.dma_semaphore, #tpu.memory_space<semaphore_mem>> -> memref<!tpu.dma_semaphore, #tpu.memory_space<semaphore_mem>>
        tpu.wait_indirect_dma semaphore(%dma_wait3A_271 : memref<!tpu.dma_semaphore, #tpu.memory_space<semaphore_mem>>) src(%dma_wait3A_263 : memref<80x128xf32, #tpu.memory_space<vmem>>) dst(%dma_wait3A_269 : memref<10000x128xf32, #tpu.memory_space<vmem_shared>>)
      } else {
      }
      %add3A_210 = arith.constant 3 : i32
      %add3A_211 = arith.addi %scan3A_191, %add3A_210 : i32
      %sub3A_212 = arith.constant 1 : i32
      %sub3A_213 = arith.subi %add3A_211, %sub3A_212 : i32
      %lt3A = arith.constant 125 : i32
      %lt3A_214 = arith.cmpi slt, %sub3A_213, %lt3A : i32
      %convert_element_type3A_215 = arith.extui %lt3A_214 : i1 to i32
      %cond3A_216 = arith.constant 0 : i32
      %cond3A_217 = arith.cmpi ne, %convert_element_type3A_215, %cond3A_216 : i32
      scf.if %cond3A_217 {
        %add3A_251 = arith.constant 3 : i32
        %add3A_252 = arith.addi %scan3A_191, %add3A_251 : i32
        %sub3A_253 = arith.constant 1 : i32
        %sub3A_254 = arith.subi %add3A_252, %sub3A_253 : i32
        %dma_wait3A_255 = arith.constant 0 : i32
        %dma_wait3A_256 = arith.constant 0 : i32
        %dma_wait3A_257 = tpu.memref_slice %arg7[%rem3A_205, %dma_wait3A_255, %dma_wait3A_256] : memref<6x2x80xi32, #tpu.memory_space<vmem>> -> memref<1x2x80xi32, #tpu.memory_space<vmem>>
        %dma_wait3A_258 = tpu.memref_squeeze %dma_wait3A_257 : memref<1x2x80xi32, #tpu.memory_space<vmem>> -> memref<2x80xi32, #tpu.memory_space<vmem>>
        %dma_wait3A_259 = arith.constant 0 : i32
        %dma_wait3A_260 = arith.constant 0 : i32
        %dma_wait3A_261 = tpu.memref_slice %arg3[%add3A, %sub3A_254, %dma_wait3A_259, %dma_wait3A_260] : memref<32x125x2x80xi32, #tpu.memory_space<hbm>> -> memref<1x1x2x80xi32, #tpu.memory_space<hbm>>
        %dma_wait3A_262 = tpu.memref_squeeze %dma_wait3A_261 : memref<1x1x2x80xi32, #tpu.memory_space<hbm>> -> memref<2x80xi32, #tpu.memory_space<hbm>>
        %dma_wait3A_263 = tpu.memref_slice %arg9[%rem3A_205] : memref<6x!tpu.dma_semaphore, #tpu.memory_space<semaphore_mem>> -> memref<1x!tpu.dma_semaphore, #tpu.memory_space<semaphore_mem>>
        %dma_wait3A_264 = tpu.memref_squeeze %dma_wait3A_263 : memref<1x!tpu.dma_semaphore, #tpu.memory_space<semaphore_mem>> -> memref<!tpu.dma_semaphore, #tpu.memory_space<semaphore_mem>>
        %dma_wait3A_265 = arith.constant 0 : i32
        %dma_wait3A_266 = arith.constant 0 : i32
        %dma_wait3A_267 = tpu.memref_slice %arg7[%rem3A_205, %dma_wait3A_265, %dma_wait3A_266] : memref<6x2x80xi32, #tpu.memory_space<vmem>> -> memref<1x2x80xi32, #tpu.memory_space<vmem>>
        %dma_wait3A_268 = tpu.memref_squeeze %dma_wait3A_267 : memref<1x2x80xi32, #tpu.memory_space<vmem>> -> memref<2x80xi32, #tpu.memory_space<vmem>>
        %dma_wait3A_269 = arith.constant 0 : i32
        %dma_wait3A_270 = arith.constant 0 : i32
        %dma_wait3A_271 = tpu.memref_slice %arg3[%add3A, %sub3A_254, %dma_wait3A_269, %dma_wait3A_270] : memref<32x125x2x80xi32, #tpu.memory_space<hbm>> -> memref<1x1x2x80xi32, #tpu.memory_space<hbm>>
        %dma_wait3A_272 = tpu.memref_squeeze %dma_wait3A_271 : memref<1x1x2x80xi32, #tpu.memory_space<hbm>> -> memref<2x80xi32, #tpu.memory_space<hbm>>
        tpu.wait_dma2 semaphore(%dma_wait3A_264 : memref<!tpu.dma_semaphore, #tpu.memory_space<semaphore_mem>>) src(%dma_wait3A_272 : memref<2x80xi32, #tpu.memory_space<hbm>>) dst(%dma_wait3A_268 : memref<2x80xi32, #tpu.memory_space<vmem>>)
        %add3A_273 = arith.constant 3 : i32
        %add3A_274 = arith.addi %scan3A_191, %add3A_273 : i32
        %sub3A_275 = arith.constant 1 : i32
        %sub3A_276 = arith.subi %add3A_274, %sub3A_275 : i32
        %dma_start3A_277 = arith.constant 0 : i32
        %dma_start3A_278 = arith.constant 0 : i32
        %dma_start3A_279 = arith.constant 0 : i32
        %dma_start3A_280 = tpu.memref_slice %arg8[%rem3A_199, %dma_start3A_278, %dma_start3A_279] : memref<3x80x128xf32, #tpu.memory_space<vmem>> -> memref<1x80x128xf32, #tpu.memory_space<vmem>>
        %dma_start3A_281 = tpu.memref_squeeze %dma_start3A_280 : memref<1x80x128xf32, #tpu.memory_space<vmem>> -> memref<80x128xf32, #tpu.memory_space<vmem>>
        %dma_start3A_282 = arith.constant 0 : i32
        %dma_start3A_283 = tpu.memref_slice %arg7[%rem3A_205, %dma_start3A_277, %dma_start3A_282] : memref<6x2x80xi32, #tpu.memory_space<vmem>> -> memref<1x1x80xi32, #tpu.memory_space<vmem>>
        %dma_start3A_284 = tpu.memref_squeeze %dma_start3A_283 : memref<1x1x80xi32, #tpu.memory_space<vmem>> -> memref<80xi32, #tpu.memory_space<vmem>>
        %dma_start3A_285 = arith.constant 0 : i32
        %dma_start3A_286 = arith.constant 0 : i32
        %dma_start3A_287 = tpu.memref_slice %arg2[%dma_start3A_285, %dma_start3A_286] : memref<10000x128xf32, #tpu.memory_space<hbm>> -> memref<10000x128xf32, #tpu.memory_space<hbm>>
        %dma_start3A_288 = tpu.memref_slice %arg10[%rem3A_199] : memref<3x!tpu.dma_semaphore, #tpu.memory_space<semaphore_mem>> -> memref<1x!tpu.dma_semaphore, #tpu.memory_space<semaphore_mem>>
        %dma_start3A_289 = tpu.memref_squeeze %dma_start3A_288 : memref<1x!tpu.dma_semaphore, #tpu.memory_space<semaphore_mem>> -> memref<!tpu.dma_semaphore, #tpu.memory_space<semaphore_mem>>
        tpu.enqueue_indirect_dma source(%dma_start3A_287 : memref<10000x128xf32, #tpu.memory_space<hbm>>) target(%dma_start3A_281 : memref<80x128xf32, #tpu.memory_space<vmem>>) offsets(%dma_start3A_284 : memref<80xi32, #tpu.memory_space<vmem>>) semaphore(%dma_start3A_289 : memref<!tpu.dma_semaphore, #tpu.memory_space<semaphore_mem>>)
      } else {
      }
      %add3A_218 = arith.constant 4 : i32
      %add3A_219 = arith.addi %scan3A_191, %add3A_218 : i32
      %lt3A_220 = arith.constant 125 : i32
      %lt3A_221 = arith.cmpi slt, %add3A_219, %lt3A_220 : i32
      %convert_element_type3A_222 = arith.extui %lt3A_221 : i1 to i32
      %cond3A_223 = arith.constant 0 : i32
      %cond3A_224 = arith.cmpi ne, %convert_element_type3A_222, %cond3A_223 : i32
      scf.if %cond3A_224 {
        %add3A_251 = arith.constant 4 : i32
        %add3A_252 = arith.addi %scan3A_191, %add3A_251 : i32
        %add3A_253 = arith.constant 4 : i32
        %add3A_254 = arith.addi %scan3A_191, %add3A_253 : i32
        %rem3A_255 = arith.constant 6 : i32
        %rem3A_256 = arith.remsi %add3A_254, %rem3A_255 : i32
        %dma_start3A_257 = arith.constant 0 : i32
        %dma_start3A_258 = arith.constant 0 : i32
        %dma_start3A_259 = tpu.memref_slice %arg7[%rem3A_256, %dma_start3A_257, %dma_start3A_258] : memref<6x2x80xi32, #tpu.memory_space<vmem>> -> memref<1x2x80xi32, #tpu.memory_space<vmem>>
        %dma_start3A_260 = tpu.memref_squeeze %dma_start3A_259 : memref<1x2x80xi32, #tpu.memory_space<vmem>> -> memref<2x80xi32, #tpu.memory_space<vmem>>
        %dma_start3A_261 = arith.constant 0 : i32
        %dma_start3A_262 = arith.constant 0 : i32
        %dma_start3A_263 = tpu.memref_slice %arg3[%add3A, %add3A_252, %dma_start3A_261, %dma_start3A_262] : memref<32x125x2x80xi32, #tpu.memory_space<hbm>> -> memref<1x1x2x80xi32, #tpu.memory_space<hbm>>
        %dma_start3A_264 = tpu.memref_squeeze %dma_start3A_263 : memref<1x1x2x80xi32, #tpu.memory_space<hbm>> -> memref<2x80xi32, #tpu.memory_space<hbm>>
        %dma_start3A_265 = tpu.memref_slice %arg9[%rem3A_256] : memref<6x!tpu.dma_semaphore, #tpu.memory_space<semaphore_mem>> -> memref<1x!tpu.dma_semaphore, #tpu.memory_space<semaphore_mem>>
        %dma_start3A_266 = tpu.memref_squeeze %dma_start3A_265 : memref<1x!tpu.dma_semaphore, #tpu.memory_space<semaphore_mem>> -> memref<!tpu.dma_semaphore, #tpu.memory_space<semaphore_mem>>
        %dma_start3A_267 = arith.constant 0 : i32
        %dma_start3A_268 = arith.constant 0 : i32
        %dma_start3A_269 = tpu.memref_slice %arg7[%rem3A_256, %dma_start3A_267, %dma_start3A_268] : memref<6x2x80xi32, #tpu.memory_space<vmem>> -> memref<1x2x80xi32, #tpu.memory_space<vmem>>
        %dma_start3A_270 = tpu.memref_squeeze %dma_start3A_269 : memref<1x2x80xi32, #tpu.memory_space<vmem>> -> memref<2x80xi32, #tpu.memory_space<vmem>>
        %dma_start3A_271 = arith.constant 0 : i32
        %dma_start3A_272 = arith.constant 0 : i32
        %dma_start3A_273 = tpu.memref_slice %arg3[%add3A, %add3A_252, %dma_start3A_271, %dma_start3A_272] : memref<32x125x2x80xi32, #tpu.memory_space<hbm>> -> memref<1x1x2x80xi32, #tpu.memory_space<hbm>>
        %dma_start3A_274 = tpu.memref_squeeze %dma_start3A_273 : memref<1x1x2x80xi32, #tpu.memory_space<hbm>> -> memref<2x80xi32, #tpu.memory_space<hbm>>
        tpu.enqueue_dma source(%dma_start3A_274 : memref<2x80xi32, #tpu.memory_space<hbm>>) target(%dma_start3A_270 : memref<2x80xi32, #tpu.memory_space<vmem>>) target_semaphore(%dma_start3A_266 : memref<!tpu.dma_semaphore, #tpu.memory_space<semaphore_mem>>)
      } else {
      }
      %dma_wait3A_225 = arith.constant 0 : i32
      %dma_wait3A_226 = arith.constant 0 : i32
      %dma_wait3A_227 = arith.constant 0 : i32
      %dma_wait3A_228 = tpu.memref_slice %arg8[%rem3A_192, %dma_wait3A_226, %dma_wait3A_227] : memref<3x80x128xf32, #tpu.memory_space<vmem>> -> memref<1x80x128xf32, #tpu.memory_space<vmem>>
      %dma_wait3A_229 = tpu.memref_squeeze %dma_wait3A_228 : memref<1x80x128xf32, #tpu.memory_space<vmem>> -> memref<80x128xf32, #tpu.memory_space<vmem>>
      %dma_wait3A_230 = arith.constant 0 : i32
      %dma_wait3A_231 = tpu.memref_slice %arg7[%rem3A_194, %dma_wait3A_225, %dma_wait3A_230] : memref<6x2x80xi32, #tpu.memory_space<vmem>> -> memref<1x1x80xi32, #tpu.memory_space<vmem>>
      %dma_wait3A_232 = tpu.memref_squeeze %dma_wait3A_231 : memref<1x1x80xi32, #tpu.memory_space<vmem>> -> memref<80xi32, #tpu.memory_space<vmem>>
      %dma_wait3A_233 = arith.constant 0 : i32
      %dma_wait3A_234 = arith.constant 0 : i32
      %dma_wait3A_235 = tpu.memref_slice %arg2[%dma_wait3A_233, %dma_wait3A_234] : memref<10000x128xf32, #tpu.memory_space<hbm>> -> memref<10000x128xf32, #tpu.memory_space<hbm>>
      %dma_wait3A_236 = tpu.memref_slice %arg10[%rem3A_192] : memref<3x!tpu.dma_semaphore, #tpu.memory_space<semaphore_mem>> -> memref<1x!tpu.dma_semaphore, #tpu.memory_space<semaphore_mem>>
      %dma_wait3A_237 = tpu.memref_squeeze %dma_wait3A_236 : memref<1x!tpu.dma_semaphore, #tpu.memory_space<semaphore_mem>> -> memref<!tpu.dma_semaphore, #tpu.memory_space<semaphore_mem>>
      tpu.wait_indirect_dma semaphore(%dma_wait3A_237 : memref<!tpu.dma_semaphore, #tpu.memory_space<semaphore_mem>>) src(%dma_wait3A_235 : memref<10000x128xf32, #tpu.memory_space<hbm>>) dst(%dma_wait3A_229 : memref<80x128xf32, #tpu.memory_space<vmem>>)
      %dma_start3A_238 = arith.constant 1 : i32
      %dma_start3A_239 = arith.constant 0 : i32
      %dma_start3A_240 = arith.constant 0 : i32
      %dma_start3A_241 = tpu.memref_slice %arg8[%rem3A_192, %dma_start3A_239, %dma_start3A_240] : memref<3x80x128xf32, #tpu.memory_space<vmem>> -> memref<1x80x128xf32, #tpu.memory_space<vmem>>
      %dma_start3A_242 = tpu.memref_squeeze %dma_start3A_241 : memref<1x80x128xf32, #tpu.memory_space<vmem>> -> memref<80x128xf32, #tpu.memory_space<vmem>>
      %dma_start3A_243 = arith.constant 0 : i32
      %dma_start3A_244 = tpu.memref_slice %arg7[%rem3A_194, %dma_start3A_238, %dma_start3A_243] : memref<6x2x80xi32, #tpu.memory_space<vmem>> -> memref<1x1x80xi32, #tpu.memory_space<vmem>>
      %dma_start3A_245 = tpu.memref_squeeze %dma_start3A_244 : memref<1x1x80xi32, #tpu.memory_space<vmem>> -> memref<80xi32, #tpu.memory_space<vmem>>
      %dma_start3A_246 = arith.constant 0 : i32
      %dma_start3A_247 = arith.constant 0 : i32
      %dma_start3A_248 = tpu.memref_slice %arg6[%dma_start3A_246, %dma_start3A_247] : memref<10000x128xf32, #tpu.memory_space<vmem_shared>> -> memref<10000x128xf32, #tpu.memory_space<vmem_shared>>
      %dma_start3A_249 = tpu.memref_slice %arg11[%rem3A_192] : memref<3x!tpu.dma_semaphore, #tpu.memory_space<semaphore_mem>> -> memref<1x!tpu.dma_semaphore, #tpu.memory_space<semaphore_mem>>
      %dma_start3A_250 = tpu.memref_squeeze %dma_start3A_249 : memref<1x!tpu.dma_semaphore, #tpu.memory_space<semaphore_mem>> -> memref<!tpu.dma_semaphore, #tpu.memory_space<semaphore_mem>>
      tpu.enqueue_indirect_dma source(%dma_start3A_242 : memref<80x128xf32, #tpu.memory_space<vmem>>) target(%dma_start3A_248 : memref<10000x128xf32, #tpu.memory_space<vmem_shared>>) offsets(%dma_start3A_245 : memref<80xi32, #tpu.memory_space<vmem>>) semaphore(%dma_start3A_250 : memref<!tpu.dma_semaphore, #tpu.memory_space<semaphore_mem>>) {add = true}
    }
    %scan3A_164 = arith.constant 125 : i32
    %dma_wait3A_165 = arith.constant 1 : i32
    %dma_wait3A_166 = arith.constant 4 : i32
    %dma_wait3A_167 = arith.constant 1 : i32
    %dma_wait3A_168 = arith.constant 1 : i32
    %dma_wait3A_169 = arith.constant 0 : i32
    %dma_wait3A_170 = arith.constant 0 : i32
    %dma_wait3A_171 = tpu.memref_slice %arg8[%dma_wait3A_165, %dma_wait3A_169, %dma_wait3A_170] : memref<3x80x128xf32, #tpu.memory_space<vmem>> -> memref<1x80x128xf32, #tpu.memory_space<vmem>>
    %dma_wait3A_172 = tpu.memref_squeeze %dma_wait3A_171 : memref<1x80x128xf32, #tpu.memory_space<vmem>> -> memref<80x128xf32, #tpu.memory_space<vmem>>
    %dma_wait3A_173 = arith.constant 0 : i32
    %dma_wait3A_174 = tpu.memref_slice %arg7[%dma_wait3A_166, %dma_wait3A_167, %dma_wait3A_173] : memref<6x2x80xi32, #tpu.memory_space<vmem>> -> memref<1x1x80xi32, #tpu.memory_space<vmem>>
    %dma_wait3A_175 = tpu.memref_squeeze %dma_wait3A_174 : memref<1x1x80xi32, #tpu.memory_space<vmem>> -> memref<80xi32, #tpu.memory_space<vmem>>
    %dma_wait3A_176 = arith.constant 0 : i32
    %dma_wait3A_177 = arith.constant 0 : i32
    %dma_wait3A_178 = tpu.memref_slice %arg6[%dma_wait3A_176, %dma_wait3A_177] : memref<10000x128xf32, #tpu.memory_space<vmem_shared>> -> memref<10000x128xf32, #tpu.memory_space<vmem_shared>>
    %dma_wait3A_179 = tpu.memref_slice %arg11[%dma_wait3A_168] : memref<3x!tpu.dma_semaphore, #tpu.memory_space<semaphore_mem>> -> memref<1x!tpu.dma_semaphore, #tpu.memory_space<semaphore_mem>>
    %dma_wait3A_180 = tpu.memref_squeeze %dma_wait3A_179 : memref<1x!tpu.dma_semaphore, #tpu.memory_space<semaphore_mem>> -> memref<!tpu.dma_semaphore, #tpu.memory_space<semaphore_mem>>
    tpu.wait_indirect_dma semaphore(%dma_wait3A_180 : memref<!tpu.dma_semaphore, #tpu.memory_space<semaphore_mem>>) src(%dma_wait3A_172 : memref<80x128xf32, #tpu.memory_space<vmem>>) dst(%dma_wait3A_178 : memref<10000x128xf32, #tpu.memory_space<vmem_shared>>)
    %barrier3A_181 = arith.constant 0 : index
    tpu.barrier barrier_id(%barrier3A_181)
    %mul3A_182 = arith.constant 624 : i32
    %mul3A_183 = arith.muli %arg1, %mul3A_182 : i32
    %mul3A_184 = arith.constant 624 : i32
    %mul3A_185 = arith.muli %arg1, %mul3A_184 : i32
    "tpu.region"() ({
      %run_scoped3A = tpu.sem_alloc : memref<!tpu.dma_semaphore, #tpu.memory_space<semaphore_mem>>
      %dma_start3A_191 = arith.constant 0 : i32
      %dma_start3A_192 = tpu.memref_slice %arg5[%arg0, %mul3A_185, %dma_start3A_191] : memref<2x10000x128xf32, #tpu.memory_space<hbm>> -> memref<1x624x128xf32, #tpu.memory_space<hbm>>
      %dma_start3A_193 = tpu.memref_squeeze %dma_start3A_192 : memref<1x624x128xf32, #tpu.memory_space<hbm>> -> memref<624x128xf32, #tpu.memory_space<hbm>>
      %dma_start3A_194 = arith.constant 0 : i32
      %dma_start3A_195 = tpu.memref_slice %arg6[%mul3A_183, %dma_start3A_194] : memref<10000x128xf32, #tpu.memory_space<vmem_shared>> -> memref<624x128xf32, #tpu.memory_space<vmem_shared>>
      tpu.enqueue_dma source(%dma_start3A_195 : memref<624x128xf32, #tpu.memory_space<vmem_shared>>) target(%dma_start3A_193 : memref<624x128xf32, #tpu.memory_space<hbm>>) target_semaphore(%run_scoped3A : memref<!tpu.dma_semaphore, #tpu.memory_space<semaphore_mem>>)
      %dma_wait3A_196 = arith.constant 0 : i32
      %dma_wait3A_197 = tpu.memref_slice %arg5[%arg0, %mul3A_185, %dma_wait3A_196] : memref<2x10000x128xf32, #tpu.memory_space<hbm>> -> memref<1x624x128xf32, #tpu.memory_space<hbm>>
      %dma_wait3A_198 = tpu.memref_squeeze %dma_wait3A_197 : memref<1x624x128xf32, #tpu.memory_space<hbm>> -> memref<624x128xf32, #tpu.memory_space<hbm>>
      %dma_wait3A_199 = arith.constant 0 : i32
      %dma_wait3A_200 = tpu.memref_slice %arg6[%mul3A_183, %dma_wait3A_199] : memref<10000x128xf32, #tpu.memory_space<vmem_shared>> -> memref<624x128xf32, #tpu.memory_space<vmem_shared>>
      tpu.wait_dma2 semaphore(%run_scoped3A : memref<!tpu.dma_semaphore, #tpu.memory_space<semaphore_mem>>) src(%dma_wait3A_200 : memref<624x128xf32, #tpu.memory_space<vmem_shared>>) dst(%dma_wait3A_198 : memref<624x128xf32, #tpu.memory_space<hbm>>)
      tpu.yield
    }) : () -> ()
    %eq3A_186 = arith.constant 15 : i32
    %eq3A_187 = arith.cmpi eq, %arg1, %eq3A_186 : i32
    %convert_element_type3A_188 = arith.extui %eq3A_187 : i1 to i32
    %cond3A_189 = arith.constant 0 : i32
    %cond3A_190 = arith.cmpi ne, %convert_element_type3A_188, %cond3A_189 : i32
    scf.if %cond3A_190 {
      "tpu.region"() ({
        %run_scoped3A = tpu.sem_alloc : memref<!tpu.dma_semaphore, #tpu.memory_space<semaphore_mem>>
        %dma_start3A_191 = arith.constant 9984 : i32
        %dma_start3A_192 = arith.constant 0 : i32
        %dma_start3A_193 = tpu.memref_slice %arg5[%arg0, %dma_start3A_191, %dma_start3A_192] : memref<2x10000x128xf32, #tpu.memory_space<hbm>> -> memref<1x16x128xf32, #tpu.memory_space<hbm>>
        %dma_start3A_194 = tpu.memref_squeeze %dma_start3A_193 : memref<1x16x128xf32, #tpu.memory_space<hbm>> -> memref<16x128xf32, #tpu.memory_space<hbm>>
        %dma_start3A_195 = arith.constant 9984 : i32
        %dma_start3A_196 = arith.constant 0 : i32
        %dma_start3A_197 = tpu.memref_slice %arg6[%dma_start3A_195, %dma_start3A_196] : memref<10000x128xf32, #tpu.memory_space<vmem_shared>> -> memref<16x128xf32, #tpu.memory_space<vmem_shared>>
        tpu.enqueue_dma source(%dma_start3A_197 : memref<16x128xf32, #tpu.memory_space<vmem_shared>>) target(%dma_start3A_194 : memref<16x128xf32, #tpu.memory_space<hbm>>) target_semaphore(%run_scoped3A : memref<!tpu.dma_semaphore, #tpu.memory_space<semaphore_mem>>)
        %dma_wait3A_198 = arith.constant 9984 : i32
        %dma_wait3A_199 = arith.constant 0 : i32
        %dma_wait3A_200 = tpu.memref_slice %arg5[%arg0, %dma_wait3A_198, %dma_wait3A_199] : memref<2x10000x128xf32, #tpu.memory_space<hbm>> -> memref<1x16x128xf32, #tpu.memory_space<hbm>>
        %dma_wait3A_201 = tpu.memref_squeeze %dma_wait3A_200 : memref<1x16x128xf32, #tpu.memory_space<hbm>> -> memref<16x128xf32, #tpu.memory_space<hbm>>
        %dma_wait3A_202 = arith.constant 9984 : i32
        %dma_wait3A_203 = arith.constant 0 : i32
        %dma_wait3A_204 = tpu.memref_slice %arg6[%dma_wait3A_202, %dma_wait3A_203] : memref<10000x128xf32, #tpu.memory_space<vmem_shared>> -> memref<16x128xf32, #tpu.memory_space<vmem_shared>>
        tpu.wait_dma2 semaphore(%run_scoped3A : memref<!tpu.dma_semaphore, #tpu.memory_space<semaphore_mem>>) src(%dma_wait3A_204 : memref<16x128xf32, #tpu.memory_space<vmem_shared>>) dst(%dma_wait3A_201 : memref<16x128xf32, #tpu.memory_space<hbm>>)
        tpu.yield
      }) : () -> ()
    } else {
    }
    return
  }
}

#map = affine_map<(d0, d1) -> (0, 0, 0)>
module attributes {stable_mosaic.version = 14 : i64} {
  func.func @_sc_degrees_body(%arg0: i32, %arg1: i32, %arg2: memref<32x125x80xi32, #tpu.memory_space<hbm>>, %arg3: memref<32x125x80xi32, #tpu.memory_space<hbm>>, %arg4: memref<2x2x10240xf32, #tpu.memory_space<hbm>>, %arg5: memref<10240xf32, #tpu.memory_space<vmem_shared>>, %arg6: memref<10240xf32, #tpu.memory_space<vmem_shared>>, %arg7: memref<125x80xi32, #tpu.memory_space<vmem>>, %arg8: memref<125x80xi32, #tpu.memory_space<vmem>>, %arg9: memref<80xf32, #tpu.memory_space<vmem>>, %arg10: memref<640xf32, #tpu.memory_space<vmem>>, %arg11: memref<4x!tpu.dma_semaphore, #tpu.memory_space<semaphore_mem>>, %arg12: memref<4x!tpu.dma_semaphore, #tpu.memory_space<semaphore_mem>>) attributes {dimension_semantics = [#tpu.dimension_semantics<core_parallel>, #tpu.dimension_semantics<subcore_parallel>], iteration_bounds = array<i64: 2, 16>, scalar_prefetch = 0 : i64, scratch_operands = 8 : i64, tpu.core_type = #tpu.core_type<sc_vector_subcore>, window_params = [{transform_indices = #map}, {transform_indices = #map}, {transform_indices = #map}]} {
    %mul3A = arith.constant 16 : i32
    %mul3A_0 = arith.muli %arg0, %mul3A : i32
    %add3A = arith.addi %mul3A_0, %arg1 : i32
    %broadcast_in_dim3A = arith.constant 0.000000e+00 : f32
    %broadcast_in_dim3A_1 = vector.broadcast %broadcast_in_dim3A : f32 to vector<16xf32>
    %broadcast_in_dim3A_2 = arith.constant 1.000000e+00 : f32
    %broadcast_in_dim3A_3 = vector.broadcast %broadcast_in_dim3A_2 : f32 to vector<16xf32>
    %scan3A = arith.constant 0 : i32
    %scan3A_4 = arith.constant 40 : i32
    %scan3A_5 = arith.addi %scan3A, %scan3A_4 : i32
    %scan3A_6 = arith.constant 1 : i32
    scf.for %scan3A_103 = %scan3A to %scan3A_5 step %scan3A_6  : i32 {
      %mul3A_104 = arith.constant 16 : i32
      %mul3A_105 = arith.muli %scan3A_103, %mul3A_104 : i32
      %swap3A = arith.index_cast %mul3A_105 : i32 to index
      %swap3A_106 = tpu.vector_load %arg10[%swap3A] {strides = array<i32>} : memref<640xf32, #tpu.memory_space<vmem>>, vector<16xf32>,
      %swap3A_107 = vector.shape_cast %swap3A_106 : vector<16xf32> to vector<16xf32>
      %swap3A_108 = vector.shape_cast %broadcast_in_dim3A_1 : vector<16xf32> to vector<16xf32>
      tpu.vector_store %arg10[%swap3A], %swap3A_108 {strides = array<i32>} : memref<640xf32, #tpu.memory_space<vmem>>, vector<16xf32>,
    }
    %scan3A_7 = arith.constant 40 : i32
    %scan3A_8 = arith.constant 0 : i32
    %scan3A_9 = arith.constant 5 : i32
    %scan3A_10 = arith.addi %scan3A_8, %scan3A_9 : i32
    %scan3A_11 = arith.constant 1 : i32
    scf.for %scan3A_103 = %scan3A_8 to %scan3A_10 step %scan3A_11  : i32 {
      %mul3A_104 = arith.constant 16 : i32
      %mul3A_105 = arith.muli %scan3A_103, %mul3A_104 : i32
      %swap3A = arith.index_cast %mul3A_105 : i32 to index
      %swap3A_106 = tpu.vector_load %arg9[%swap3A] {strides = array<i32>} : memref<80xf32, #tpu.memory_space<vmem>>, vector<16xf32>,
      %swap3A_107 = vector.shape_cast %swap3A_106 : vector<16xf32> to vector<16xf32>
      %swap3A_108 = vector.shape_cast %broadcast_in_dim3A_3 : vector<16xf32> to vector<16xf32>
      tpu.vector_store %arg9[%swap3A], %swap3A_108 {strides = array<i32>} : memref<80xf32, #tpu.memory_space<vmem>>, vector<16xf32>,
    }
    %scan3A_12 = arith.constant 5 : i32
    %mul3A_13 = arith.constant 640 : i32
    %mul3A_14 = arith.muli %arg1, %mul3A_13 : i32
    "tpu.region"() ({
      %run_scoped3A_103 = tpu.sem_alloc : memref<!tpu.dma_semaphore, #tpu.memory_space<semaphore_mem>>
      %dma_start3A = tpu.memref_slice %arg5[%mul3A_14] : memref<10240xf32, #tpu.memory_space<vmem_shared>> -> memref<640xf32, #tpu.memory_space<vmem_shared>>
      %dma_start3A_104 = tpu.memref_slice %arg5[%mul3A_14] : memref<10240xf32, #tpu.memory_space<vmem_shared>> -> memref<640xf32, #tpu.memory_space<vmem_shared>>
      tpu.enqueue_dma source(%arg10 : memref<640xf32, #tpu.memory_space<vmem>>) target(%dma_start3A_104 : memref<640xf32, #tpu.memory_space<vmem_shared>>) target_semaphore(%run_scoped3A_103 : memref<!tpu.dma_semaphore, #tpu.memory_space<semaphore_mem>>)
      %dma_wait3A_105 = tpu.memref_slice %arg5[%mul3A_14] : memref<10240xf32, #tpu.memory_space<vmem_shared>> -> memref<640xf32, #tpu.memory_space<vmem_shared>>
      %dma_wait3A_106 = tpu.memref_slice %arg5[%mul3A_14] : memref<10240xf32, #tpu.memory_space<vmem_shared>> -> memref<640xf32, #tpu.memory_space<vmem_shared>>
      tpu.wait_dma2 semaphore(%run_scoped3A_103 : memref<!tpu.dma_semaphore, #tpu.memory_space<semaphore_mem>>) src(%arg10 : memref<640xf32, #tpu.memory_space<vmem>>) dst(%dma_wait3A_106 : memref<640xf32, #tpu.memory_space<vmem_shared>>)
      tpu.yield
    }) : () -> ()
    %mul3A_15 = arith.constant 640 : i32
    %mul3A_16 = arith.muli %arg1, %mul3A_15 : i32
    "tpu.region"() ({
      %run_scoped3A_103 = tpu.sem_alloc : memref<!tpu.dma_semaphore, #tpu.memory_space<semaphore_mem>>
      %dma_start3A = tpu.memref_slice %arg6[%mul3A_16] : memref<10240xf32, #tpu.memory_space<vmem_shared>> -> memref<640xf32, #tpu.memory_space<vmem_shared>>
      %dma_start3A_104 = tpu.memref_slice %arg6[%mul3A_16] : memref<10240xf32, #tpu.memory_space<vmem_shared>> -> memref<640xf32, #tpu.memory_space<vmem_shared>>
      tpu.enqueue_dma source(%arg10 : memref<640xf32, #tpu.memory_space<vmem>>) target(%dma_start3A_104 : memref<640xf32, #tpu.memory_space<vmem_shared>>) target_semaphore(%run_scoped3A_103 : memref<!tpu.dma_semaphore, #tpu.memory_space<semaphore_mem>>)
      %dma_wait3A_105 = tpu.memref_slice %arg6[%mul3A_16] : memref<10240xf32, #tpu.memory_space<vmem_shared>> -> memref<640xf32, #tpu.memory_space<vmem_shared>>
      %dma_wait3A_106 = tpu.memref_slice %arg6[%mul3A_16] : memref<10240xf32, #tpu.memory_space<vmem_shared>> -> memref<640xf32, #tpu.memory_space<vmem_shared>>
      tpu.wait_dma2 semaphore(%run_scoped3A_103 : memref<!tpu.dma_semaphore, #tpu.memory_space<semaphore_mem>>) src(%arg10 : memref<640xf32, #tpu.memory_space<vmem>>) dst(%dma_wait3A_106 : memref<640xf32, #tpu.memory_space<vmem_shared>>)
      tpu.yield
    }) : () -> ()
    "tpu.region"() ({
      %run_scoped3A_103 = tpu.sem_alloc : memref<!tpu.dma_semaphore, #tpu.memory_space<semaphore_mem>>
      %dma_start3A = arith.constant 0 : i32
      %dma_start3A_104 = arith.constant 0 : i32
      %dma_start3A_105 = tpu.memref_slice %arg2[%add3A, %dma_start3A, %dma_start3A_104] : memref<32x125x80xi32, #tpu.memory_space<hbm>> -> memref<1x125x80xi32, #tpu.memory_space<hbm>>
      %dma_start3A_106 = tpu.memref_squeeze %dma_start3A_105 : memref<1x125x80xi32, #tpu.memory_space<hbm>> -> memref<125x80xi32, #tpu.memory_space<hbm>>
      %dma_start3A_107 = arith.constant 0 : i32
      %dma_start3A_108 = arith.constant 0 : i32
      %dma_start3A_109 = tpu.memref_slice %arg2[%add3A, %dma_start3A_107, %dma_start3A_108] : memref<32x125x80xi32, #tpu.memory_space<hbm>> -> memref<1x125x80xi32, #tpu.memory_space<hbm>>
      %dma_start3A_110 = tpu.memref_squeeze %dma_start3A_109 : memref<1x125x80xi32, #tpu.memory_space<hbm>> -> memref<125x80xi32, #tpu.memory_space<hbm>>
      tpu.enqueue_dma source(%dma_start3A_110 : memref<125x80xi32, #tpu.memory_space<hbm>>) target(%arg7 : memref<125x80xi32, #tpu.memory_space<vmem>>) target_semaphore(%run_scoped3A_103 : memref<!tpu.dma_semaphore, #tpu.memory_space<semaphore_mem>>)
      %dma_wait3A_111 = arith.constant 0 : i32
      %dma_wait3A_112 = arith.constant 0 : i32
      %dma_wait3A_113 = tpu.memref_slice %arg2[%add3A, %dma_wait3A_111, %dma_wait3A_112] : memref<32x125x80xi32, #tpu.memory_space<hbm>> -> memref<1x125x80xi32, #tpu.memory_space<hbm>>
      %dma_wait3A_114 = tpu.memref_squeeze %dma_wait3A_113 : memref<1x125x80xi32, #tpu.memory_space<hbm>> -> memref<125x80xi32, #tpu.memory_space<hbm>>
      %dma_wait3A_115 = arith.constant 0 : i32
      %dma_wait3A_116 = arith.constant 0 : i32
      %dma_wait3A_117 = tpu.memref_slice %arg2[%add3A, %dma_wait3A_115, %dma_wait3A_116] : memref<32x125x80xi32, #tpu.memory_space<hbm>> -> memref<1x125x80xi32, #tpu.memory_space<hbm>>
      %dma_wait3A_118 = tpu.memref_squeeze %dma_wait3A_117 : memref<1x125x80xi32, #tpu.memory_space<hbm>> -> memref<125x80xi32, #tpu.memory_space<hbm>>
      tpu.wait_dma2 semaphore(%run_scoped3A_103 : memref<!tpu.dma_semaphore, #tpu.memory_space<semaphore_mem>>) src(%dma_wait3A_118 : memref<125x80xi32, #tpu.memory_space<hbm>>) dst(%arg7 : memref<125x80xi32, #tpu.memory_space<vmem>>)
      tpu.yield
    }) : () -> ()
    "tpu.region"() ({
      %run_scoped3A_103 = tpu.sem_alloc : memref<!tpu.dma_semaphore, #tpu.memory_space<semaphore_mem>>
      %dma_start3A = arith.constant 0 : i32
      %dma_start3A_104 = arith.constant 0 : i32
      %dma_start3A_105 = tpu.memref_slice %arg3[%add3A, %dma_start3A, %dma_start3A_104] : memref<32x125x80xi32, #tpu.memory_space<hbm>> -> memref<1x125x80xi32, #tpu.memory_space<hbm>>
      %dma_start3A_106 = tpu.memref_squeeze %dma_start3A_105 : memref<1x125x80xi32, #tpu.memory_space<hbm>> -> memref<125x80xi32, #tpu.memory_space<hbm>>
      %dma_start3A_107 = arith.constant 0 : i32
      %dma_start3A_108 = arith.constant 0 : i32
      %dma_start3A_109 = tpu.memref_slice %arg3[%add3A, %dma_start3A_107, %dma_start3A_108] : memref<32x125x80xi32, #tpu.memory_space<hbm>> -> memref<1x125x80xi32, #tpu.memory_space<hbm>>
      %dma_start3A_110 = tpu.memref_squeeze %dma_start3A_109 : memref<1x125x80xi32, #tpu.memory_space<hbm>> -> memref<125x80xi32, #tpu.memory_space<hbm>>
      tpu.enqueue_dma source(%dma_start3A_110 : memref<125x80xi32, #tpu.memory_space<hbm>>) target(%arg8 : memref<125x80xi32, #tpu.memory_space<vmem>>) target_semaphore(%run_scoped3A_103 : memref<!tpu.dma_semaphore, #tpu.memory_space<semaphore_mem>>)
      %dma_wait3A_111 = arith.constant 0 : i32
      %dma_wait3A_112 = arith.constant 0 : i32
      %dma_wait3A_113 = tpu.memref_slice %arg3[%add3A, %dma_wait3A_111, %dma_wait3A_112] : memref<32x125x80xi32, #tpu.memory_space<hbm>> -> memref<1x125x80xi32, #tpu.memory_space<hbm>>
      %dma_wait3A_114 = tpu.memref_squeeze %dma_wait3A_113 : memref<1x125x80xi32, #tpu.memory_space<hbm>> -> memref<125x80xi32, #tpu.memory_space<hbm>>
      %dma_wait3A_115 = arith.constant 0 : i32
      %dma_wait3A_116 = arith.constant 0 : i32
      %dma_wait3A_117 = tpu.memref_slice %arg3[%add3A, %dma_wait3A_115, %dma_wait3A_116] : memref<32x125x80xi32, #tpu.memory_space<hbm>> -> memref<1x125x80xi32, #tpu.memory_space<hbm>>
      %dma_wait3A_118 = tpu.memref_squeeze %dma_wait3A_117 : memref<1x125x80xi32, #tpu.memory_space<hbm>> -> memref<125x80xi32, #tpu.memory_space<hbm>>
      tpu.wait_dma2 semaphore(%run_scoped3A_103 : memref<!tpu.dma_semaphore, #tpu.memory_space<semaphore_mem>>) src(%dma_wait3A_118 : memref<125x80xi32, #tpu.memory_space<hbm>>) dst(%arg8 : memref<125x80xi32, #tpu.memory_space<vmem>>)
      tpu.yield
    }) : () -> ()
    %barrier3A = arith.constant 0 : index
    tpu.barrier barrier_id(%barrier3A)
    %scan3A_17 = arith.constant 0 : i32
    %scan3A_18 = arith.constant 125 : i32
    %scan3A_19 = arith.addi %scan3A_17, %scan3A_18 : i32
    %scan3A_20 = arith.constant 1 : i32
    scf.for %scan3A_103 = %scan3A_17 to %scan3A_19 step %scan3A_20  : i32 {
      %rem3A = arith.constant 4 : i32
      %rem3A_104 = arith.remsi %scan3A_103, %rem3A : i32
      %ge3A = arith.constant 4 : i32
      %ge3A_105 = arith.cmpi sge, %scan3A_103, %ge3A : i32
      %convert_element_type3A = arith.extui %ge3A_105 : i1 to i32
      %cond3A = arith.constant 0 : i32
      %cond3A_106 = arith.cmpi ne, %convert_element_type3A, %cond3A : i32
      scf.if %cond3A_106 {
        %sub3A = arith.constant 4 : i32
        %sub3A_120 = arith.subi %scan3A_103, %sub3A : i32
        %dma_wait3A_121 = arith.constant 0 : i32
        %dma_wait3A_122 = tpu.memref_slice %arg7[%sub3A_120, %dma_wait3A_121] : memref<125x80xi32, #tpu.memory_space<vmem>> -> memref<1x80xi32, #tpu.memory_space<vmem>>
        %dma_wait3A_123 = tpu.memref_squeeze %dma_wait3A_122 : memref<1x80xi32, #tpu.memory_space<vmem>> -> memref<80xi32, #tpu.memory_space<vmem>>
        %dma_wait3A_124 = arith.constant 0 : i32
        %dma_wait3A_125 = tpu.memref_slice %arg5[%dma_wait3A_124] : memref<10240xf32, #tpu.memory_space<vmem_shared>> -> memref<10240xf32, #tpu.memory_space<vmem_shared>>
        %dma_wait3A_126 = tpu.memref_slice %arg11[%rem3A_104] : memref<4x!tpu.dma_semaphore, #tpu.memory_space<semaphore_mem>> -> memref<1x!tpu.dma_semaphore, #tpu.memory_space<semaphore_mem>>
        %dma_wait3A_127 = tpu.memref_squeeze %dma_wait3A_126 : memref<1x!tpu.dma_semaphore, #tpu.memory_space<semaphore_mem>> -> memref<!tpu.dma_semaphore, #tpu.memory_space<semaphore_mem>>
        tpu.wait_indirect_dma semaphore(%dma_wait3A_127 : memref<!tpu.dma_semaphore, #tpu.memory_space<semaphore_mem>>) src(%arg9 : memref<80xf32, #tpu.memory_space<vmem>>) dst(%dma_wait3A_125 : memref<10240xf32, #tpu.memory_space<vmem_shared>>)
        %sub3A_128 = arith.constant 4 : i32
        %sub3A_129 = arith.subi %scan3A_103, %sub3A_128 : i32
        %dma_wait3A_130 = arith.constant 0 : i32
        %dma_wait3A_131 = tpu.memref_slice %arg8[%sub3A_129, %dma_wait3A_130] : memref<125x80xi32, #tpu.memory_space<vmem>> -> memref<1x80xi32, #tpu.memory_space<vmem>>
        %dma_wait3A_132 = tpu.memref_squeeze %dma_wait3A_131 : memref<1x80xi32, #tpu.memory_space<vmem>> -> memref<80xi32, #tpu.memory_space<vmem>>
        %dma_wait3A_133 = arith.constant 0 : i32
        %dma_wait3A_134 = tpu.memref_slice %arg6[%dma_wait3A_133] : memref<10240xf32, #tpu.memory_space<vmem_shared>> -> memref<10240xf32, #tpu.memory_space<vmem_shared>>
        %dma_wait3A_135 = tpu.memref_slice %arg12[%rem3A_104] : memref<4x!tpu.dma_semaphore, #tpu.memory_space<semaphore_mem>> -> memref<1x!tpu.dma_semaphore, #tpu.memory_space<semaphore_mem>>
        %dma_wait3A_136 = tpu.memref_squeeze %dma_wait3A_135 : memref<1x!tpu.dma_semaphore, #tpu.memory_space<semaphore_mem>> -> memref<!tpu.dma_semaphore, #tpu.memory_space<semaphore_mem>>
        tpu.wait_indirect_dma semaphore(%dma_wait3A_136 : memref<!tpu.dma_semaphore, #tpu.memory_space<semaphore_mem>>) src(%arg9 : memref<80xf32, #tpu.memory_space<vmem>>) dst(%dma_wait3A_134 : memref<10240xf32, #tpu.memory_space<vmem_shared>>)
      } else {
      }
      %dma_start3A = arith.constant 0 : i32
      %dma_start3A_107 = tpu.memref_slice %arg7[%scan3A_103, %dma_start3A] : memref<125x80xi32, #tpu.memory_space<vmem>> -> memref<1x80xi32, #tpu.memory_space<vmem>>
      %dma_start3A_108 = tpu.memref_squeeze %dma_start3A_107 : memref<1x80xi32, #tpu.memory_space<vmem>> -> memref<80xi32, #tpu.memory_space<vmem>>
      %dma_start3A_109 = arith.constant 0 : i32
      %dma_start3A_110 = tpu.memref_slice %arg5[%dma_start3A_109] : memref<10240xf32, #tpu.memory_space<vmem_shared>> -> memref<10240xf32, #tpu.memory_space<vmem_shared>>
      %dma_start3A_111 = tpu.memref_slice %arg11[%rem3A_104] : memref<4x!tpu.dma_semaphore, #tpu.memory_space<semaphore_mem>> -> memref<1x!tpu.dma_semaphore, #tpu.memory_space<semaphore_mem>>
      %dma_start3A_112 = tpu.memref_squeeze %dma_start3A_111 : memref<1x!tpu.dma_semaphore, #tpu.memory_space<semaphore_mem>> -> memref<!tpu.dma_semaphore, #tpu.memory_space<semaphore_mem>>
      tpu.enqueue_indirect_dma source(%arg9 : memref<80xf32, #tpu.memory_space<vmem>>) target(%dma_start3A_110 : memref<10240xf32, #tpu.memory_space<vmem_shared>>) offsets(%dma_start3A_108 : memref<80xi32, #tpu.memory_space<vmem>>) semaphore(%dma_start3A_112 : memref<!tpu.dma_semaphore, #tpu.memory_space<semaphore_mem>>) {add = true}
      %dma_start3A_113 = arith.constant 0 : i32
      %dma_start3A_114 = tpu.memref_slice %arg8[%scan3A_103, %dma_start3A_113] : memref<125x80xi32, #tpu.memory_space<vmem>> -> memref<1x80xi32, #tpu.memory_space<vmem>>
      %dma_start3A_115 = tpu.memref_squeeze %dma_start3A_114 : memref<1x80xi32, #tpu.memory_space<vmem>> -> memref<80xi32, #tpu.memory_space<vmem>>
      %dma_start3A_116 = arith.constant 0 : i32
      %dma_start3A_117 = tpu.memref_slice %arg6[%dma_start3A_116] : memref<10240xf32, #tpu.memory_space<vmem_shared>> -> memref<10240xf32, #tpu.memory_space<vmem_shared>>
      %dma_start3A_118 = tpu.memref_slice %arg12[%rem3A_104] : memref<4x!tpu.dma_semaphore, #tpu.memory_space<semaphore_mem>> -> memref<1x!tpu.dma_semaphore, #tpu.memory_space<semaphore_mem>>
      %dma_start3A_119 = tpu.memref_squeeze %dma_start3A_118 : memref<1x!tpu.dma_semaphore, #tpu.memory_space<semaphore_mem>> -> memref<!tpu.dma_semaphore, #tpu.memory_space<semaphore_mem>>
      tpu.enqueue_indirect_dma source(%arg9 : memref<80xf32, #tpu.memory_space<vmem>>) target(%dma_start3A_117 : memref<10240xf32, #tpu.memory_space<vmem_shared>>) offsets(%dma_start3A_115 : memref<80xi32, #tpu.memory_space<vmem>>) semaphore(%dma_start3A_119 : memref<!tpu.dma_semaphore, #tpu.memory_space<semaphore_mem>>) {add = true}
    }
    %scan3A_21 = arith.constant 125 : i32
    %dma_wait3A = arith.constant 121 : i32
    %dma_wait3A_22 = arith.constant 1 : i32
    %dma_wait3A_23 = arith.constant 0 : i32
    %dma_wait3A_24 = tpu.memref_slice %arg7[%dma_wait3A, %dma_wait3A_23] : memref<125x80xi32, #tpu.memory_space<vmem>> -> memref<1x80xi32, #tpu.memory_space<vmem>>
    %dma_wait3A_25 = tpu.memref_squeeze %dma_wait3A_24 : memref<1x80xi32, #tpu.memory_space<vmem>> -> memref<80xi32, #tpu.memory_space<vmem>>
    %dma_wait3A_26 = arith.constant 0 : i32
    %dma_wait3A_27 = tpu.memref_slice %arg5[%dma_wait3A_26] : memref<10240xf32, #tpu.memory_space<vmem_shared>> -> memref<10240xf32, #tpu.memory_space<vmem_shared>>
    %dma_wait3A_28 = tpu.memref_slice %arg11[%dma_wait3A_22] : memref<4x!tpu.dma_semaphore, #tpu.memory_space<semaphore_mem>> -> memref<1x!tpu.dma_semaphore, #tpu.memory_space<semaphore_mem>>
    %dma_wait3A_29 = tpu.memref_squeeze %dma_wait3A_28 : memref<1x!tpu.dma_semaphore, #tpu.memory_space<semaphore_mem>> -> memref<!tpu.dma_semaphore, #tpu.memory_space<semaphore_mem>>
    tpu.wait_indirect_dma semaphore(%dma_wait3A_29 : memref<!tpu.dma_semaphore, #tpu.memory_space<semaphore_mem>>) src(%arg9 : memref<80xf32, #tpu.memory_space<vmem>>) dst(%dma_wait3A_27 : memref<10240xf32, #tpu.memory_space<vmem_shared>>)
    %dma_wait3A_30 = arith.constant 121 : i32
    %dma_wait3A_31 = arith.constant 1 : i32
    %dma_wait3A_32 = arith.constant 0 : i32
    %dma_wait3A_33 = tpu.memref_slice %arg8[%dma_wait3A_30, %dma_wait3A_32] : memref<125x80xi32, #tpu.memory_space<vmem>> -> memref<1x80xi32, #tpu.memory_space<vmem>>
    %dma_wait3A_34 = tpu.memref_squeeze %dma_wait3A_33 : memref<1x80xi32, #tpu.memory_space<vmem>> -> memref<80xi32, #tpu.memory_space<vmem>>
    %dma_wait3A_35 = arith.constant 0 : i32
    %dma_wait3A_36 = tpu.memref_slice %arg6[%dma_wait3A_35] : memref<10240xf32, #tpu.memory_space<vmem_shared>> -> memref<10240xf32, #tpu.memory_space<vmem_shared>>
    %dma_wait3A_37 = tpu.memref_slice %arg12[%dma_wait3A_31] : memref<4x!tpu.dma_semaphore, #tpu.memory_space<semaphore_mem>> -> memref<1x!tpu.dma_semaphore, #tpu.memory_space<semaphore_mem>>
    %dma_wait3A_38 = tpu.memref_squeeze %dma_wait3A_37 : memref<1x!tpu.dma_semaphore, #tpu.memory_space<semaphore_mem>> -> memref<!tpu.dma_semaphore, #tpu.memory_space<semaphore_mem>>
    tpu.wait_indirect_dma semaphore(%dma_wait3A_38 : memref<!tpu.dma_semaphore, #tpu.memory_space<semaphore_mem>>) src(%arg9 : memref<80xf32, #tpu.memory_space<vmem>>) dst(%dma_wait3A_36 : memref<10240xf32, #tpu.memory_space<vmem_shared>>)
    %dma_wait3A_39 = arith.constant 122 : i32
    %dma_wait3A_40 = arith.constant 2 : i32
    %dma_wait3A_41 = arith.constant 0 : i32
    %dma_wait3A_42 = tpu.memref_slice %arg7[%dma_wait3A_39, %dma_wait3A_41] : memref<125x80xi32, #tpu.memory_space<vmem>> -> memref<1x80xi32, #tpu.memory_space<vmem>>
    %dma_wait3A_43 = tpu.memref_squeeze %dma_wait3A_42 : memref<1x80xi32, #tpu.memory_space<vmem>> -> memref<80xi32, #tpu.memory_space<vmem>>
    %dma_wait3A_44 = arith.constant 0 : i32
    %dma_wait3A_45 = tpu.memref_slice %arg5[%dma_wait3A_44] : memref<10240xf32, #tpu.memory_space<vmem_shared>> -> memref<10240xf32, #tpu.memory_space<vmem_shared>>
    %dma_wait3A_46 = tpu.memref_slice %arg11[%dma_wait3A_40] : memref<4x!tpu.dma_semaphore, #tpu.memory_space<semaphore_mem>> -> memref<1x!tpu.dma_semaphore, #tpu.memory_space<semaphore_mem>>
    %dma_wait3A_47 = tpu.memref_squeeze %dma_wait3A_46 : memref<1x!tpu.dma_semaphore, #tpu.memory_space<semaphore_mem>> -> memref<!tpu.dma_semaphore, #tpu.memory_space<semaphore_mem>>
    tpu.wait_indirect_dma semaphore(%dma_wait3A_47 : memref<!tpu.dma_semaphore, #tpu.memory_space<semaphore_mem>>) src(%arg9 : memref<80xf32, #tpu.memory_space<vmem>>) dst(%dma_wait3A_45 : memref<10240xf32, #tpu.memory_space<vmem_shared>>)
    %dma_wait3A_48 = arith.constant 122 : i32
    %dma_wait3A_49 = arith.constant 2 : i32
    %dma_wait3A_50 = arith.constant 0 : i32
    %dma_wait3A_51 = tpu.memref_slice %arg8[%dma_wait3A_48, %dma_wait3A_50] : memref<125x80xi32, #tpu.memory_space<vmem>> -> memref<1x80xi32, #tpu.memory_space<vmem>>
    %dma_wait3A_52 = tpu.memref_squeeze %dma_wait3A_51 : memref<1x80xi32, #tpu.memory_space<vmem>> -> memref<80xi32, #tpu.memory_space<vmem>>
    %dma_wait3A_53 = arith.constant 0 : i32
    %dma_wait3A_54 = tpu.memref_slice %arg6[%dma_wait3A_53] : memref<10240xf32, #tpu.memory_space<vmem_shared>> -> memref<10240xf32, #tpu.memory_space<vmem_shared>>
    %dma_wait3A_55 = tpu.memref_slice %arg12[%dma_wait3A_49] : memref<4x!tpu.dma_semaphore, #tpu.memory_space<semaphore_mem>> -> memref<1x!tpu.dma_semaphore, #tpu.memory_space<semaphore_mem>>
    %dma_wait3A_56 = tpu.memref_squeeze %dma_wait3A_55 : memref<1x!tpu.dma_semaphore, #tpu.memory_space<semaphore_mem>> -> memref<!tpu.dma_semaphore, #tpu.memory_space<semaphore_mem>>
    tpu.wait_indirect_dma semaphore(%dma_wait3A_56 : memref<!tpu.dma_semaphore, #tpu.memory_space<semaphore_mem>>) src(%arg9 : memref<80xf32, #tpu.memory_space<vmem>>) dst(%dma_wait3A_54 : memref<10240xf32, #tpu.memory_space<vmem_shared>>)
    %dma_wait3A_57 = arith.constant 123 : i32
    %dma_wait3A_58 = arith.constant 3 : i32
    %dma_wait3A_59 = arith.constant 0 : i32
    %dma_wait3A_60 = tpu.memref_slice %arg7[%dma_wait3A_57, %dma_wait3A_59] : memref<125x80xi32, #tpu.memory_space<vmem>> -> memref<1x80xi32, #tpu.memory_space<vmem>>
    %dma_wait3A_61 = tpu.memref_squeeze %dma_wait3A_60 : memref<1x80xi32, #tpu.memory_space<vmem>> -> memref<80xi32, #tpu.memory_space<vmem>>
    %dma_wait3A_62 = arith.constant 0 : i32
    %dma_wait3A_63 = tpu.memref_slice %arg5[%dma_wait3A_62] : memref<10240xf32, #tpu.memory_space<vmem_shared>> -> memref<10240xf32, #tpu.memory_space<vmem_shared>>
    %dma_wait3A_64 = tpu.memref_slice %arg11[%dma_wait3A_58] : memref<4x!tpu.dma_semaphore, #tpu.memory_space<semaphore_mem>> -> memref<1x!tpu.dma_semaphore, #tpu.memory_space<semaphore_mem>>
    %dma_wait3A_65 = tpu.memref_squeeze %dma_wait3A_64 : memref<1x!tpu.dma_semaphore, #tpu.memory_space<semaphore_mem>> -> memref<!tpu.dma_semaphore, #tpu.memory_space<semaphore_mem>>
    tpu.wait_indirect_dma semaphore(%dma_wait3A_65 : memref<!tpu.dma_semaphore, #tpu.memory_space<semaphore_mem>>) src(%arg9 : memref<80xf32, #tpu.memory_space<vmem>>) dst(%dma_wait3A_63 : memref<10240xf32, #tpu.memory_space<vmem_shared>>)
    %dma_wait3A_66 = arith.constant 123 : i32
    %dma_wait3A_67 = arith.constant 3 : i32
    %dma_wait3A_68 = arith.constant 0 : i32
    %dma_wait3A_69 = tpu.memref_slice %arg8[%dma_wait3A_66, %dma_wait3A_68] : memref<125x80xi32, #tpu.memory_space<vmem>> -> memref<1x80xi32, #tpu.memory_space<vmem>>
    %dma_wait3A_70 = tpu.memref_squeeze %dma_wait3A_69 : memref<1x80xi32, #tpu.memory_space<vmem>> -> memref<80xi32, #tpu.memory_space<vmem>>
    %dma_wait3A_71 = arith.constant 0 : i32
    %dma_wait3A_72 = tpu.memref_slice %arg6[%dma_wait3A_71] : memref<10240xf32, #tpu.memory_space<vmem_shared>> -> memref<10240xf32, #tpu.memory_space<vmem_shared>>
    %dma_wait3A_73 = tpu.memref_slice %arg12[%dma_wait3A_67] : memref<4x!tpu.dma_semaphore, #tpu.memory_space<semaphore_mem>> -> memref<1x!tpu.dma_semaphore, #tpu.memory_space<semaphore_mem>>
    %dma_wait3A_74 = tpu.memref_squeeze %dma_wait3A_73 : memref<1x!tpu.dma_semaphore, #tpu.memory_space<semaphore_mem>> -> memref<!tpu.dma_semaphore, #tpu.memory_space<semaphore_mem>>
    tpu.wait_indirect_dma semaphore(%dma_wait3A_74 : memref<!tpu.dma_semaphore, #tpu.memory_space<semaphore_mem>>) src(%arg9 : memref<80xf32, #tpu.memory_space<vmem>>) dst(%dma_wait3A_72 : memref<10240xf32, #tpu.memory_space<vmem_shared>>)
    %dma_wait3A_75 = arith.constant 124 : i32
    %dma_wait3A_76 = arith.constant 0 : i32
    %dma_wait3A_77 = arith.constant 0 : i32
    %dma_wait3A_78 = tpu.memref_slice %arg7[%dma_wait3A_75, %dma_wait3A_77] : memref<125x80xi32, #tpu.memory_space<vmem>> -> memref<1x80xi32, #tpu.memory_space<vmem>>
    %dma_wait3A_79 = tpu.memref_squeeze %dma_wait3A_78 : memref<1x80xi32, #tpu.memory_space<vmem>> -> memref<80xi32, #tpu.memory_space<vmem>>
    %dma_wait3A_80 = arith.constant 0 : i32
    %dma_wait3A_81 = tpu.memref_slice %arg5[%dma_wait3A_80] : memref<10240xf32, #tpu.memory_space<vmem_shared>> -> memref<10240xf32, #tpu.memory_space<vmem_shared>>
    %dma_wait3A_82 = tpu.memref_slice %arg11[%dma_wait3A_76] : memref<4x!tpu.dma_semaphore, #tpu.memory_space<semaphore_mem>> -> memref<1x!tpu.dma_semaphore, #tpu.memory_space<semaphore_mem>>
    %dma_wait3A_83 = tpu.memref_squeeze %dma_wait3A_82 : memref<1x!tpu.dma_semaphore, #tpu.memory_space<semaphore_mem>> -> memref<!tpu.dma_semaphore, #tpu.memory_space<semaphore_mem>>
    tpu.wait_indirect_dma semaphore(%dma_wait3A_83 : memref<!tpu.dma_semaphore, #tpu.memory_space<semaphore_mem>>) src(%arg9 : memref<80xf32, #tpu.memory_space<vmem>>) dst(%dma_wait3A_81 : memref<10240xf32, #tpu.memory_space<vmem_shared>>)
    %dma_wait3A_84 = arith.constant 124 : i32
    %dma_wait3A_85 = arith.constant 0 : i32
    %dma_wait3A_86 = arith.constant 0 : i32
    %dma_wait3A_87 = tpu.memref_slice %arg8[%dma_wait3A_84, %dma_wait3A_86] : memref<125x80xi32, #tpu.memory_space<vmem>> -> memref<1x80xi32, #tpu.memory_space<vmem>>
    %dma_wait3A_88 = tpu.memref_squeeze %dma_wait3A_87 : memref<1x80xi32, #tpu.memory_space<vmem>> -> memref<80xi32, #tpu.memory_space<vmem>>
    %dma_wait3A_89 = arith.constant 0 : i32
    %dma_wait3A_90 = tpu.memref_slice %arg6[%dma_wait3A_89] : memref<10240xf32, #tpu.memory_space<vmem_shared>> -> memref<10240xf32, #tpu.memory_space<vmem_shared>>
    %dma_wait3A_91 = tpu.memref_slice %arg12[%dma_wait3A_85] : memref<4x!tpu.dma_semaphore, #tpu.memory_space<semaphore_mem>> -> memref<1x!tpu.dma_semaphore, #tpu.memory_space<semaphore_mem>>
    %dma_wait3A_92 = tpu.memref_squeeze %dma_wait3A_91 : memref<1x!tpu.dma_semaphore, #tpu.memory_space<semaphore_mem>> -> memref<!tpu.dma_semaphore, #tpu.memory_space<semaphore_mem>>
    tpu.wait_indirect_dma semaphore(%dma_wait3A_92 : memref<!tpu.dma_semaphore, #tpu.memory_space<semaphore_mem>>) src(%arg9 : memref<80xf32, #tpu.memory_space<vmem>>) dst(%dma_wait3A_90 : memref<10240xf32, #tpu.memory_space<vmem_shared>>)
    %barrier3A_93 = arith.constant 0 : index
    tpu.barrier barrier_id(%barrier3A_93)
    %mul3A_94 = arith.constant 640 : i32
    %mul3A_95 = arith.muli %arg1, %mul3A_94 : i32
    %mul3A_96 = arith.constant 640 : i32
    %mul3A_97 = arith.muli %arg1, %mul3A_96 : i32
    %run_scoped3A = arith.constant 0 : i32
    "tpu.region"() ({
      %run_scoped3A_103 = tpu.sem_alloc : memref<!tpu.dma_semaphore, #tpu.memory_space<semaphore_mem>>
      %dma_start3A = tpu.memref_slice %arg4[%arg0, %run_scoped3A, %mul3A_97] : memref<2x2x10240xf32, #tpu.memory_space<hbm>> -> memref<1x1x640xf32, #tpu.memory_space<hbm>>
      %dma_start3A_104 = tpu.memref_squeeze %dma_start3A : memref<1x1x640xf32, #tpu.memory_space<hbm>> -> memref<640xf32, #tpu.memory_space<hbm>>
      %dma_start3A_105 = tpu.memref_slice %arg5[%mul3A_95] : memref<10240xf32, #tpu.memory_space<vmem_shared>> -> memref<640xf32, #tpu.memory_space<vmem_shared>>
      tpu.enqueue_dma source(%dma_start3A_105 : memref<640xf32, #tpu.memory_space<vmem_shared>>) target(%dma_start3A_104 : memref<640xf32, #tpu.memory_space<hbm>>) target_semaphore(%run_scoped3A_103 : memref<!tpu.dma_semaphore, #tpu.memory_space<semaphore_mem>>)
      %dma_wait3A_106 = tpu.memref_slice %arg4[%arg0, %run_scoped3A, %mul3A_97] : memref<2x2x10240xf32, #tpu.memory_space<hbm>> -> memref<1x1x640xf32, #tpu.memory_space<hbm>>
      %dma_wait3A_107 = tpu.memref_squeeze %dma_wait3A_106 : memref<1x1x640xf32, #tpu.memory_space<hbm>> -> memref<640xf32, #tpu.memory_space<hbm>>
      %dma_wait3A_108 = tpu.memref_slice %arg5[%mul3A_95] : memref<10240xf32, #tpu.memory_space<vmem_shared>> -> memref<640xf32, #tpu.memory_space<vmem_shared>>
      tpu.wait_dma2 semaphore(%run_scoped3A_103 : memref<!tpu.dma_semaphore, #tpu.memory_space<semaphore_mem>>) src(%dma_wait3A_108 : memref<640xf32, #tpu.memory_space<vmem_shared>>) dst(%dma_wait3A_107 : memref<640xf32, #tpu.memory_space<hbm>>)
      tpu.yield
    }) : () -> ()
    %mul3A_98 = arith.constant 640 : i32
    %mul3A_99 = arith.muli %arg1, %mul3A_98 : i32
    %mul3A_100 = arith.constant 640 : i32
    %mul3A_101 = arith.muli %arg1, %mul3A_100 : i32
    %run_scoped3A_102 = arith.constant 1 : i32
    "tpu.region"() ({
      %run_scoped3A_103 = tpu.sem_alloc : memref<!tpu.dma_semaphore, #tpu.memory_space<semaphore_mem>>
      %dma_start3A = tpu.memref_slice %arg4[%arg0, %run_scoped3A_102, %mul3A_101] : memref<2x2x10240xf32, #tpu.memory_space<hbm>> -> memref<1x1x640xf32, #tpu.memory_space<hbm>>
      %dma_start3A_104 = tpu.memref_squeeze %dma_start3A : memref<1x1x640xf32, #tpu.memory_space<hbm>> -> memref<640xf32, #tpu.memory_space<hbm>>
      %dma_start3A_105 = tpu.memref_slice %arg6[%mul3A_99] : memref<10240xf32, #tpu.memory_space<vmem_shared>> -> memref<640xf32, #tpu.memory_space<vmem_shared>>
      tpu.enqueue_dma source(%dma_start3A_105 : memref<640xf32, #tpu.memory_space<vmem_shared>>) target(%dma_start3A_104 : memref<640xf32, #tpu.memory_space<hbm>>) target_semaphore(%run_scoped3A_103 : memref<!tpu.dma_semaphore, #tpu.memory_space<semaphore_mem>>)
      %dma_wait3A_106 = tpu.memref_slice %arg4[%arg0, %run_scoped3A_102, %mul3A_101] : memref<2x2x10240xf32, #tpu.memory_space<hbm>> -> memref<1x1x640xf32, #tpu.memory_space<hbm>>
      %dma_wait3A_107 = tpu.memref_squeeze %dma_wait3A_106 : memref<1x1x640xf32, #tpu.memory_space<hbm>> -> memref<640xf32, #tpu.memory_space<hbm>>
      %dma_wait3A_108 = tpu.memref_slice %arg6[%mul3A_99] : memref<10240xf32, #tpu.memory_space<vmem_shared>> -> memref<640xf32, #tpu.memory_space<vmem_shared>>
      tpu.wait_dma2 semaphore(%run_scoped3A_103 : memref<!tpu.dma_semaphore, #tpu.memory_space<semaphore_mem>>) src(%dma_wait3A_108 : memref<640xf32, #tpu.memory_space<vmem_shared>>) dst(%dma_wait3A_107 : memref<640xf32, #tpu.memory_space<hbm>>)
      tpu.yield
    }) : () -> ()
    return
  }
}

#map = affine_map<(d0, d1) -> (0, 0)>
#map1 = affine_map<(d0, d1) -> (0, 0, 0, 0)>
#map2 = affine_map<(d0, d1) -> (0, 0, 0)>
module attributes {stable_mosaic.version = 14 : i64} {
  func.func @_sc_aggregate_body(%arg0: i32, %arg1: i32, %arg2: memref<10000x128xf32, #tpu.memory_space<hbm>>, %arg3: memref<32x125x2x80xi32, #tpu.memory_space<hbm>>, %arg4: memref<625x128xf32, #tpu.memory_space<hbm>>, %arg5: memref<2x10000x128xf32, #tpu.memory_space<hbm>>, %arg6: memref<10000x128xf32, #tpu.memory_space<vmem_shared>>, %arg7: memref<6x2x80xi32, #tpu.memory_space<vmem>>, %arg8: memref<3x80x128xf32, #tpu.memory_space<vmem>>, %arg9: memref<6x!tpu.dma_semaphore, #tpu.memory_space<semaphore_mem>>, %arg10: memref<3x!tpu.dma_semaphore, #tpu.memory_space<semaphore_mem>>, %arg11: memref<3x!tpu.dma_semaphore, #tpu.memory_space<semaphore_mem>>) attributes {dimension_semantics = [#tpu.dimension_semantics<core_parallel>, #tpu.dimension_semantics<subcore_parallel>], iteration_bounds = array<i64: 2, 16>, scalar_prefetch = 0 : i64, scratch_operands = 6 : i64, tpu.core_type = #tpu.core_type<sc_vector_subcore>, window_params = [{transform_indices = #map}, {transform_indices = #map1}, {transform_indices = #map}, {transform_indices = #map2}]} {
    %mul3A = arith.constant 16 : i32
    %mul3A_0 = arith.muli %arg0, %mul3A : i32
    %add3A = arith.addi %mul3A_0, %arg1 : i32
    %dma_start3A = arith.constant 0 : i32
    %dma_start3A_1 = arith.constant 0 : i32
    %dma_start3A_2 = arith.constant 0 : i32
    %dma_start3A_3 = arith.constant 0 : i32
    %dma_start3A_4 = arith.constant 0 : i32
    %dma_start3A_5 = tpu.memref_slice %arg7[%dma_start3A_1, %dma_start3A_3, %dma_start3A_4] : memref<6x2x80xi32, #tpu.memory_space<vmem>> -> memref<1x2x80xi32, #tpu.memory_space<vmem>>
    %dma_start3A_6 = tpu.memref_squeeze %dma_start3A_5 : memref<1x2x80xi32, #tpu.memory_space<vmem>> -> memref<2x80xi32, #tpu.memory_space<vmem>>
    %dma_start3A_7 = arith.constant 0 : i32
    %dma_start3A_8 = arith.constant 0 : i32
    %dma_start3A_9 = tpu.memref_slice %arg3[%add3A, %dma_start3A, %dma_start3A_7, %dma_start3A_8] : memref<32x125x2x80xi32, #tpu.memory_space<hbm>> -> memref<1x1x2x80xi32, #tpu.memory_space<hbm>>
    %dma_start3A_10 = tpu.memref_squeeze %dma_start3A_9 : memref<1x1x2x80xi32, #tpu.memory_space<hbm>> -> memref<2x80xi32, #tpu.memory_space<hbm>>
    %dma_start3A_11 = tpu.memref_slice %arg9[%dma_start3A_2] : memref<6x!tpu.dma_semaphore, #tpu.memory_space<semaphore_mem>> -> memref<1x!tpu.dma_semaphore, #tpu.memory_space<semaphore_mem>>
    %dma_start3A_12 = tpu.memref_squeeze %dma_start3A_11 : memref<1x!tpu.dma_semaphore, #tpu.memory_space<semaphore_mem>> -> memref<!tpu.dma_semaphore, #tpu.memory_space<semaphore_mem>>
    %dma_start3A_13 = arith.constant 0 : i32
    %dma_start3A_14 = arith.constant 0 : i32
    %dma_start3A_15 = tpu.memref_slice %arg7[%dma_start3A_1, %dma_start3A_13, %dma_start3A_14] : memref<6x2x80xi32, #tpu.memory_space<vmem>> -> memref<1x2x80xi32, #tpu.memory_space<vmem>>
    %dma_start3A_16 = tpu.memref_squeeze %dma_start3A_15 : memref<1x2x80xi32, #tpu.memory_space<vmem>> -> memref<2x80xi32, #tpu.memory_space<vmem>>
    %dma_start3A_17 = arith.constant 0 : i32
    %dma_start3A_18 = arith.constant 0 : i32
    %dma_start3A_19 = tpu.memref_slice %arg3[%add3A, %dma_start3A, %dma_start3A_17, %dma_start3A_18] : memref<32x125x2x80xi32, #tpu.memory_space<hbm>> -> memref<1x1x2x80xi32, #tpu.memory_space<hbm>>
    %dma_start3A_20 = tpu.memref_squeeze %dma_start3A_19 : memref<1x1x2x80xi32, #tpu.memory_space<hbm>> -> memref<2x80xi32, #tpu.memory_space<hbm>>
    tpu.enqueue_dma source(%dma_start3A_20 : memref<2x80xi32, #tpu.memory_space<hbm>>) target(%dma_start3A_16 : memref<2x80xi32, #tpu.memory_space<vmem>>) target_semaphore(%dma_start3A_12 : memref<!tpu.dma_semaphore, #tpu.memory_space<semaphore_mem>>)
    %dma_start3A_21 = arith.constant 1 : i32
    %dma_start3A_22 = arith.constant 1 : i32
    %dma_start3A_23 = arith.constant 1 : i32
    %dma_start3A_24 = arith.constant 0 : i32
    %dma_start3A_25 = arith.constant 0 : i32
    %dma_start3A_26 = tpu.memref_slice %arg7[%dma_start3A_22, %dma_start3A_24, %dma_start3A_25] : memref<6x2x80xi32, #tpu.memory_space<vmem>> -> memref<1x2x80xi32, #tpu.memory_space<vmem>>
    %dma_start3A_27 = tpu.memref_squeeze %dma_start3A_26 : memref<1x2x80xi32, #tpu.memory_space<vmem>> -> memref<2x80xi32, #tpu.memory_space<vmem>>
    %dma_start3A_28 = arith.constant 0 : i32
    %dma_start3A_29 = arith.constant 0 : i32
    %dma_start3A_30 = tpu.memref_slice %arg3[%add3A, %dma_start3A_21, %dma_start3A_28, %dma_start3A_29] : memref<32x125x2x80xi32, #tpu.memory_space<hbm>> -> memref<1x1x2x80xi32, #tpu.memory_space<hbm>>
    %dma_start3A_31 = tpu.memref_squeeze %dma_start3A_30 : memref<1x1x2x80xi32, #tpu.memory_space<hbm>> -> memref<2x80xi32, #tpu.memory_space<hbm>>
    %dma_start3A_32 = tpu.memref_slice %arg9[%dma_start3A_23] : memref<6x!tpu.dma_semaphore, #tpu.memory_space<semaphore_mem>> -> memref<1x!tpu.dma_semaphore, #tpu.memory_space<semaphore_mem>>
    %dma_start3A_33 = tpu.memref_squeeze %dma_start3A_32 : memref<1x!tpu.dma_semaphore, #tpu.memory_space<semaphore_mem>> -> memref<!tpu.dma_semaphore, #tpu.memory_space<semaphore_mem>>
    %dma_start3A_34 = arith.constant 0 : i32
    %dma_start3A_35 = arith.constant 0 : i32
    %dma_start3A_36 = tpu.memref_slice %arg7[%dma_start3A_22, %dma_start3A_34, %dma_start3A_35] : memref<6x2x80xi32, #tpu.memory_space<vmem>> -> memref<1x2x80xi32, #tpu.memory_space<vmem>>
    %dma_start3A_37 = tpu.memref_squeeze %dma_start3A_36 : memref<1x2x80xi32, #tpu.memory_space<vmem>> -> memref<2x80xi32, #tpu.memory_space<vmem>>
    %dma_start3A_38 = arith.constant 0 : i32
    %dma_start3A_39 = arith.constant 0 : i32
    %dma_start3A_40 = tpu.memref_slice %arg3[%add3A, %dma_start3A_21, %dma_start3A_38, %dma_start3A_39] : memref<32x125x2x80xi32, #tpu.memory_space<hbm>> -> memref<1x1x2x80xi32, #tpu.memory_space<hbm>>
    %dma_start3A_41 = tpu.memref_squeeze %dma_start3A_40 : memref<1x1x2x80xi32, #tpu.memory_space<hbm>> -> memref<2x80xi32, #tpu.memory_space<hbm>>
    tpu.enqueue_dma source(%dma_start3A_41 : memref<2x80xi32, #tpu.memory_space<hbm>>) target(%dma_start3A_37 : memref<2x80xi32, #tpu.memory_space<vmem>>) target_semaphore(%dma_start3A_33 : memref<!tpu.dma_semaphore, #tpu.memory_space<semaphore_mem>>)
    %dma_start3A_42 = arith.constant 2 : i32
    %dma_start3A_43 = arith.constant 2 : i32
    %dma_start3A_44 = arith.constant 2 : i32
    %dma_start3A_45 = arith.constant 0 : i32
    %dma_start3A_46 = arith.constant 0 : i32
    %dma_start3A_47 = tpu.memref_slice %arg7[%dma_start3A_43, %dma_start3A_45, %dma_start3A_46] : memref<6x2x80xi32, #tpu.memory_space<vmem>> -> memref<1x2x80xi32, #tpu.memory_space<vmem>>
    %dma_start3A_48 = tpu.memref_squeeze %dma_start3A_47 : memref<1x2x80xi32, #tpu.memory_space<vmem>> -> memref<2x80xi32, #tpu.memory_space<vmem>>
    %dma_start3A_49 = arith.constant 0 : i32
    %dma_start3A_50 = arith.constant 0 : i32
    %dma_start3A_51 = tpu.memref_slice %arg3[%add3A, %dma_start3A_42, %dma_start3A_49, %dma_start3A_50] : memref<32x125x2x80xi32, #tpu.memory_space<hbm>> -> memref<1x1x2x80xi32, #tpu.memory_space<hbm>>
    %dma_start3A_52 = tpu.memref_squeeze %dma_start3A_51 : memref<1x1x2x80xi32, #tpu.memory_space<hbm>> -> memref<2x80xi32, #tpu.memory_space<hbm>>
    %dma_start3A_53 = tpu.memref_slice %arg9[%dma_start3A_44] : memref<6x!tpu.dma_semaphore, #tpu.memory_space<semaphore_mem>> -> memref<1x!tpu.dma_semaphore, #tpu.memory_space<semaphore_mem>>
    %dma_start3A_54 = tpu.memref_squeeze %dma_start3A_53 : memref<1x!tpu.dma_semaphore, #tpu.memory_space<semaphore_mem>> -> memref<!tpu.dma_semaphore, #tpu.memory_space<semaphore_mem>>
    %dma_start3A_55 = arith.constant 0 : i32
    %dma_start3A_56 = arith.constant 0 : i32
    %dma_start3A_57 = tpu.memref_slice %arg7[%dma_start3A_43, %dma_start3A_55, %dma_start3A_56] : memref<6x2x80xi32, #tpu.memory_space<vmem>> -> memref<1x2x80xi32, #tpu.memory_space<vmem>>
    %dma_start3A_58 = tpu.memref_squeeze %dma_start3A_57 : memref<1x2x80xi32, #tpu.memory_space<vmem>> -> memref<2x80xi32, #tpu.memory_space<vmem>>
    %dma_start3A_59 = arith.constant 0 : i32
    %dma_start3A_60 = arith.constant 0 : i32
    %dma_start3A_61 = tpu.memref_slice %arg3[%add3A, %dma_start3A_42, %dma_start3A_59, %dma_start3A_60] : memref<32x125x2x80xi32, #tpu.memory_space<hbm>> -> memref<1x1x2x80xi32, #tpu.memory_space<hbm>>
    %dma_start3A_62 = tpu.memref_squeeze %dma_start3A_61 : memref<1x1x2x80xi32, #tpu.memory_space<hbm>> -> memref<2x80xi32, #tpu.memory_space<hbm>>
    tpu.enqueue_dma source(%dma_start3A_62 : memref<2x80xi32, #tpu.memory_space<hbm>>) target(%dma_start3A_58 : memref<2x80xi32, #tpu.memory_space<vmem>>) target_semaphore(%dma_start3A_54 : memref<!tpu.dma_semaphore, #tpu.memory_space<semaphore_mem>>)
    %dma_start3A_63 = arith.constant 3 : i32
    %dma_start3A_64 = arith.constant 3 : i32
    %dma_start3A_65 = arith.constant 3 : i32
    %dma_start3A_66 = arith.constant 0 : i32
    %dma_start3A_67 = arith.constant 0 : i32
    %dma_start3A_68 = tpu.memref_slice %arg7[%dma_start3A_64, %dma_start3A_66, %dma_start3A_67] : memref<6x2x80xi32, #tpu.memory_space<vmem>> -> memref<1x2x80xi32, #tpu.memory_space<vmem>>
    %dma_start3A_69 = tpu.memref_squeeze %dma_start3A_68 : memref<1x2x80xi32, #tpu.memory_space<vmem>> -> memref<2x80xi32, #tpu.memory_space<vmem>>
    %dma_start3A_70 = arith.constant 0 : i32
    %dma_start3A_71 = arith.constant 0 : i32
    %dma_start3A_72 = tpu.memref_slice %arg3[%add3A, %dma_start3A_63, %dma_start3A_70, %dma_start3A_71] : memref<32x125x2x80xi32, #tpu.memory_space<hbm>> -> memref<1x1x2x80xi32, #tpu.memory_space<hbm>>
    %dma_start3A_73 = tpu.memref_squeeze %dma_start3A_72 : memref<1x1x2x80xi32, #tpu.memory_space<hbm>> -> memref<2x80xi32, #tpu.memory_space<hbm>>
    %dma_start3A_74 = tpu.memref_slice %arg9[%dma_start3A_65] : memref<6x!tpu.dma_semaphore, #tpu.memory_space<semaphore_mem>> -> memref<1x!tpu.dma_semaphore, #tpu.memory_space<semaphore_mem>>
    %dma_start3A_75 = tpu.memref_squeeze %dma_start3A_74 : memref<1x!tpu.dma_semaphore, #tpu.memory_space<semaphore_mem>> -> memref<!tpu.dma_semaphore, #tpu.memory_space<semaphore_mem>>
    %dma_start3A_76 = arith.constant 0 : i32
    %dma_start3A_77 = arith.constant 0 : i32
    %dma_start3A_78 = tpu.memref_slice %arg7[%dma_start3A_64, %dma_start3A_76, %dma_start3A_77] : memref<6x2x80xi32, #tpu.memory_space<vmem>> -> memref<1x2x80xi32, #tpu.memory_space<vmem>>
    %dma_start3A_79 = tpu.memref_squeeze %dma_start3A_78 : memref<1x2x80xi32, #tpu.memory_space<vmem>> -> memref<2x80xi32, #tpu.memory_space<vmem>>
    %dma_start3A_80 = arith.constant 0 : i32
    %dma_start3A_81 = arith.constant 0 : i32
    %dma_start3A_82 = tpu.memref_slice %arg3[%add3A, %dma_start3A_63, %dma_start3A_80, %dma_start3A_81] : memref<32x125x2x80xi32, #tpu.memory_space<hbm>> -> memref<1x1x2x80xi32, #tpu.memory_space<hbm>>
    %dma_start3A_83 = tpu.memref_squeeze %dma_start3A_82 : memref<1x1x2x80xi32, #tpu.memory_space<hbm>> -> memref<2x80xi32, #tpu.memory_space<hbm>>
    tpu.enqueue_dma source(%dma_start3A_83 : memref<2x80xi32, #tpu.memory_space<hbm>>) target(%dma_start3A_79 : memref<2x80xi32, #tpu.memory_space<vmem>>) target_semaphore(%dma_start3A_75 : memref<!tpu.dma_semaphore, #tpu.memory_space<semaphore_mem>>)
    %dma_wait3A = arith.constant 0 : i32
    %dma_wait3A_84 = arith.constant 0 : i32
    %dma_wait3A_85 = arith.constant 0 : i32
    %dma_wait3A_86 = arith.constant 0 : i32
    %dma_wait3A_87 = arith.constant 0 : i32
    %dma_wait3A_88 = tpu.memref_slice %arg7[%dma_wait3A_84, %dma_wait3A_86, %dma_wait3A_87] : memref<6x2x80xi32, #tpu.memory_space<vmem>> -> memref<1x2x80xi32, #tpu.memory_space<vmem>>
    %dma_wait3A_89 = tpu.memref_squeeze %dma_wait3A_88 : memref<1x2x80xi32, #tpu.memory_space<vmem>> -> memref<2x80xi32, #tpu.memory_space<vmem>>
    %dma_wait3A_90 = arith.constant 0 : i32
    %dma_wait3A_91 = arith.constant 0 : i32
    %dma_wait3A_92 = tpu.memref_slice %arg3[%add3A, %dma_wait3A, %dma_wait3A_90, %dma_wait3A_91] : memref<32x125x2x80xi32, #tpu.memory_space<hbm>> -> memref<1x1x2x80xi32, #tpu.memory_space<hbm>>
    %dma_wait3A_93 = tpu.memref_squeeze %dma_wait3A_92 : memref<1x1x2x80xi32, #tpu.memory_space<hbm>> -> memref<2x80xi32, #tpu.memory_space<hbm>>
    %dma_wait3A_94 = tpu.memref_slice %arg9[%dma_wait3A_85] : memref<6x!tpu.dma_semaphore, #tpu.memory_space<semaphore_mem>> -> memref<1x!tpu.dma_semaphore, #tpu.memory_space<semaphore_mem>>
    %dma_wait3A_95 = tpu.memref_squeeze %dma_wait3A_94 : memref<1x!tpu.dma_semaphore, #tpu.memory_space<semaphore_mem>> -> memref<!tpu.dma_semaphore, #tpu.memory_space<semaphore_mem>>
    %dma_wait3A_96 = arith.constant 0 : i32
    %dma_wait3A_97 = arith.constant 0 : i32
    %dma_wait3A_98 = tpu.memref_slice %arg7[%dma_wait3A_84, %dma_wait3A_96, %dma_wait3A_97] : memref<6x2x80xi32, #tpu.memory_space<vmem>> -> memref<1x2x80xi32, #tpu.memory_space<vmem>>
    %dma_wait3A_99 = tpu.memref_squeeze %dma_wait3A_98 : memref<1x2x80xi32, #tpu.memory_space<vmem>> -> memref<2x80xi32, #tpu.memory_space<vmem>>
    %dma_wait3A_100 = arith.constant 0 : i32
    %dma_wait3A_101 = arith.constant 0 : i32
    %dma_wait3A_102 = tpu.memref_slice %arg3[%add3A, %dma_wait3A, %dma_wait3A_100, %dma_wait3A_101] : memref<32x125x2x80xi32, #tpu.memory_space<hbm>> -> memref<1x1x2x80xi32, #tpu.memory_space<hbm>>
    %dma_wait3A_103 = tpu.memref_squeeze %dma_wait3A_102 : memref<1x1x2x80xi32, #tpu.memory_space<hbm>> -> memref<2x80xi32, #tpu.memory_space<hbm>>
    tpu.wait_dma2 semaphore(%dma_wait3A_95 : memref<!tpu.dma_semaphore, #tpu.memory_space<semaphore_mem>>) src(%dma_wait3A_103 : memref<2x80xi32, #tpu.memory_space<hbm>>) dst(%dma_wait3A_99 : memref<2x80xi32, #tpu.memory_space<vmem>>)
    %dma_start3A_104 = arith.constant 0 : i32
    %dma_start3A_105 = arith.constant 0 : i32
    %dma_start3A_106 = arith.constant 0 : i32
    %dma_start3A_107 = arith.constant 0 : i32
    %dma_start3A_108 = arith.constant 0 : i32
    %dma_start3A_109 = arith.constant 0 : i32
    %dma_start3A_110 = tpu.memref_slice %arg8[%dma_start3A_106, %dma_start3A_108, %dma_start3A_109] : memref<3x80x128xf32, #tpu.memory_space<vmem>> -> memref<1x80x128xf32, #tpu.memory_space<vmem>>
    %dma_start3A_111 = tpu.memref_squeeze %dma_start3A_110 : memref<1x80x128xf32, #tpu.memory_space<vmem>> -> memref<80x128xf32, #tpu.memory_space<vmem>>
    %dma_start3A_112 = arith.constant 0 : i32
    %dma_start3A_113 = tpu.memref_slice %arg7[%dma_start3A_104, %dma_start3A_105, %dma_start3A_112] : memref<6x2x80xi32, #tpu.memory_space<vmem>> -> memref<1x1x80xi32, #tpu.memory_space<vmem>>
    %dma_start3A_114 = tpu.memref_squeeze %dma_start3A_113 : memref<1x1x80xi32, #tpu.memory_space<vmem>> -> memref<80xi32, #tpu.memory_space<vmem>>
    %dma_start3A_115 = arith.constant 0 : i32
    %dma_start3A_116 = arith.constant 0 : i32
    %dma_start3A_117 = tpu.memref_slice %arg2[%dma_start3A_115, %dma_start3A_116] : memref<10000x128xf32, #tpu.memory_space<hbm>> -> memref<10000x128xf32, #tpu.memory_space<hbm>>
    %dma_start3A_118 = tpu.memref_slice %arg10[%dma_start3A_107] : memref<3x!tpu.dma_semaphore, #tpu.memory_space<semaphore_mem>> -> memref<1x!tpu.dma_semaphore, #tpu.memory_space<semaphore_mem>>
    %dma_start3A_119 = tpu.memref_squeeze %dma_start3A_118 : memref<1x!tpu.dma_semaphore, #tpu.memory_space<semaphore_mem>> -> memref<!tpu.dma_semaphore, #tpu.memory_space<semaphore_mem>>
    tpu.enqueue_indirect_dma source(%dma_start3A_117 : memref<10000x128xf32, #tpu.memory_space<hbm>>) target(%dma_start3A_111 : memref<80x128xf32, #tpu.memory_space<vmem>>) offsets(%dma_start3A_114 : memref<80xi32, #tpu.memory_space<vmem>>) semaphore(%dma_start3A_119 : memref<!tpu.dma_semaphore, #tpu.memory_space<semaphore_mem>>)
    %dma_wait3A_120 = arith.constant 1 : i32
    %dma_wait3A_121 = arith.constant 1 : i32
    %dma_wait3A_122 = arith.constant 1 : i32
    %dma_wait3A_123 = arith.constant 0 : i32
    %dma_wait3A_124 = arith.constant 0 : i32
    %dma_wait3A_125 = tpu.memref_slice %arg7[%dma_wait3A_121, %dma_wait3A_123, %dma_wait3A_124] : memref<6x2x80xi32, #tpu.memory_space<vmem>> -> memref<1x2x80xi32, #tpu.memory_space<vmem>>
    %dma_wait3A_126 = tpu.memref_squeeze %dma_wait3A_125 : memref<1x2x80xi32, #tpu.memory_space<vmem>> -> memref<2x80xi32, #tpu.memory_space<vmem>>
    %dma_wait3A_127 = arith.constant 0 : i32
    %dma_wait3A_128 = arith.constant 0 : i32
    %dma_wait3A_129 = tpu.memref_slice %arg3[%add3A, %dma_wait3A_120, %dma_wait3A_127, %dma_wait3A_128] : memref<32x125x2x80xi32, #tpu.memory_space<hbm>> -> memref<1x1x2x80xi32, #tpu.memory_space<hbm>>
    %dma_wait3A_130 = tpu.memref_squeeze %dma_wait3A_129 : memref<1x1x2x80xi32, #tpu.memory_space<hbm>> -> memref<2x80xi32, #tpu.memory_space<hbm>>
    %dma_wait3A_131 = tpu.memref_slice %arg9[%dma_wait3A_122] : memref<6x!tpu.dma_semaphore, #tpu.memory_space<semaphore_mem>> -> memref<1x!tpu.dma_semaphore, #tpu.memory_space<semaphore_mem>>
    %dma_wait3A_132 = tpu.memref_squeeze %dma_wait3A_131 : memref<1x!tpu.dma_semaphore, #tpu.memory_space<semaphore_mem>> -> memref<!tpu.dma_semaphore, #tpu.memory_space<semaphore_mem>>
    %dma_wait3A_133 = arith.constant 0 : i32
    %dma_wait3A_134 = arith.constant 0 : i32
    %dma_wait3A_135 = tpu.memref_slice %arg7[%dma_wait3A_121, %dma_wait3A_133, %dma_wait3A_134] : memref<6x2x80xi32, #tpu.memory_space<vmem>> -> memref<1x2x80xi32, #tpu.memory_space<vmem>>
    %dma_wait3A_136 = tpu.memref_squeeze %dma_wait3A_135 : memref<1x2x80xi32, #tpu.memory_space<vmem>> -> memref<2x80xi32, #tpu.memory_space<vmem>>
    %dma_wait3A_137 = arith.constant 0 : i32
    %dma_wait3A_138 = arith.constant 0 : i32
    %dma_wait3A_139 = tpu.memref_slice %arg3[%add3A, %dma_wait3A_120, %dma_wait3A_137, %dma_wait3A_138] : memref<32x125x2x80xi32, #tpu.memory_space<hbm>> -> memref<1x1x2x80xi32, #tpu.memory_space<hbm>>
    %dma_wait3A_140 = tpu.memref_squeeze %dma_wait3A_139 : memref<1x1x2x80xi32, #tpu.memory_space<hbm>> -> memref<2x80xi32, #tpu.memory_space<hbm>>
    tpu.wait_dma2 semaphore(%dma_wait3A_132 : memref<!tpu.dma_semaphore, #tpu.memory_space<semaphore_mem>>) src(%dma_wait3A_140 : memref<2x80xi32, #tpu.memory_space<hbm>>) dst(%dma_wait3A_136 : memref<2x80xi32, #tpu.memory_space<vmem>>)
    %dma_start3A_141 = arith.constant 1 : i32
    %dma_start3A_142 = arith.constant 0 : i32
    %dma_start3A_143 = arith.constant 1 : i32
    %dma_start3A_144 = arith.constant 1 : i32
    %dma_start3A_145 = arith.constant 0 : i32
    %dma_start3A_146 = arith.constant 0 : i32
    %dma_start3A_147 = tpu.memref_slice %arg8[%dma_start3A_143, %dma_start3A_145, %dma_start3A_146] : memref<3x80x128xf32, #tpu.memory_space<vmem>> -> memref<1x80x128xf32, #tpu.memory_space<vmem>>
    %dma_start3A_148 = tpu.memref_squeeze %dma_start3A_147 : memref<1x80x128xf32, #tpu.memory_space<vmem>> -> memref<80x128xf32, #tpu.memory_space<vmem>>
    %dma_start3A_149 = arith.constant 0 : i32
    %dma_start3A_150 = tpu.memref_slice %arg7[%dma_start3A_141, %dma_start3A_142, %dma_start3A_149] : memref<6x2x80xi32, #tpu.memory_space<vmem>> -> memref<1x1x80xi32, #tpu.memory_space<vmem>>
    %dma_start3A_151 = tpu.memref_squeeze %dma_start3A_150 : memref<1x1x80xi32, #tpu.memory_space<vmem>> -> memref<80xi32, #tpu.memory_space<vmem>>
    %dma_start3A_152 = arith.constant 0 : i32
    %dma_start3A_153 = arith.constant 0 : i32
    %dma_start3A_154 = tpu.memref_slice %arg2[%dma_start3A_152, %dma_start3A_153] : memref<10000x128xf32, #tpu.memory_space<hbm>> -> memref<10000x128xf32, #tpu.memory_space<hbm>>
    %dma_start3A_155 = tpu.memref_slice %arg10[%dma_start3A_144] : memref<3x!tpu.dma_semaphore, #tpu.memory_space<semaphore_mem>> -> memref<1x!tpu.dma_semaphore, #tpu.memory_space<semaphore_mem>>
    %dma_start3A_156 = tpu.memref_squeeze %dma_start3A_155 : memref<1x!tpu.dma_semaphore, #tpu.memory_space<semaphore_mem>> -> memref<!tpu.dma_semaphore, #tpu.memory_space<semaphore_mem>>
    tpu.enqueue_indirect_dma source(%dma_start3A_154 : memref<10000x128xf32, #tpu.memory_space<hbm>>) target(%dma_start3A_148 : memref<80x128xf32, #tpu.memory_space<vmem>>) offsets(%dma_start3A_151 : memref<80xi32, #tpu.memory_space<vmem>>) semaphore(%dma_start3A_156 : memref<!tpu.dma_semaphore, #tpu.memory_space<semaphore_mem>>)
    %mul3A_157 = arith.constant 624 : i32
    %mul3A_158 = arith.muli %arg1, %mul3A_157 : i32
    "tpu.region"() ({
      %run_scoped3A = tpu.sem_alloc : memref<!tpu.dma_semaphore, #tpu.memory_space<semaphore_mem>>
      %dma_start3A_191 = arith.constant 0 : i32
      %dma_start3A_192 = tpu.memref_slice %arg6[%mul3A_158, %dma_start3A_191] : memref<10000x128xf32, #tpu.memory_space<vmem_shared>> -> memref<624x128xf32, #tpu.memory_space<vmem_shared>>
      %dma_start3A_193 = arith.constant 0 : i32
      %dma_start3A_194 = arith.constant 0 : i32
      %dma_start3A_195 = tpu.memref_slice %arg4[%dma_start3A_193, %dma_start3A_194] : memref<625x128xf32, #tpu.memory_space<hbm>> -> memref<624x128xf32, #tpu.memory_space<hbm>>
      tpu.enqueue_dma source(%dma_start3A_195 : memref<624x128xf32, #tpu.memory_space<hbm>>) target(%dma_start3A_192 : memref<624x128xf32, #tpu.memory_space<vmem_shared>>) target_semaphore(%run_scoped3A : memref<!tpu.dma_semaphore, #tpu.memory_space<semaphore_mem>>)
      %dma_wait3A_196 = arith.constant 0 : i32
      %dma_wait3A_197 = tpu.memref_slice %arg6[%mul3A_158, %dma_wait3A_196] : memref<10000x128xf32, #tpu.memory_space<vmem_shared>> -> memref<624x128xf32, #tpu.memory_space<vmem_shared>>
      %dma_wait3A_198 = arith.constant 0 : i32
      %dma_wait3A_199 = arith.constant 0 : i32
      %dma_wait3A_200 = tpu.memref_slice %arg4[%dma_wait3A_198, %dma_wait3A_199] : memref<625x128xf32, #tpu.memory_space<hbm>> -> memref<624x128xf32, #tpu.memory_space<hbm>>
      tpu.wait_dma2 semaphore(%run_scoped3A : memref<!tpu.dma_semaphore, #tpu.memory_space<semaphore_mem>>) src(%dma_wait3A_200 : memref<624x128xf32, #tpu.memory_space<hbm>>) dst(%dma_wait3A_197 : memref<624x128xf32, #tpu.memory_space<vmem_shared>>)
      tpu.yield
    }) : () -> ()
    %eq3A = arith.constant 15 : i32
    %eq3A_159 = arith.cmpi eq, %arg1, %eq3A : i32
    %convert_element_type3A = arith.extui %eq3A_159 : i1 to i32
    %cond3A = arith.constant 0 : i32
    %cond3A_160 = arith.cmpi ne, %convert_element_type3A, %cond3A : i32
    scf.if %cond3A_160 {
      "tpu.region"() ({
        %run_scoped3A = tpu.sem_alloc : memref<!tpu.dma_semaphore, #tpu.memory_space<semaphore_mem>>
        %dma_start3A_191 = arith.constant 9984 : i32
        %dma_start3A_192 = arith.constant 0 : i32
        %dma_start3A_193 = tpu.memref_slice %arg6[%dma_start3A_191, %dma_start3A_192] : memref<10000x128xf32, #tpu.memory_space<vmem_shared>> -> memref<16x128xf32, #tpu.memory_space<vmem_shared>>
        %dma_start3A_194 = arith.constant 0 : i32
        %dma_start3A_195 = arith.constant 0 : i32
        %dma_start3A_196 = tpu.memref_slice %arg4[%dma_start3A_194, %dma_start3A_195] : memref<625x128xf32, #tpu.memory_space<hbm>> -> memref<16x128xf32, #tpu.memory_space<hbm>>
        tpu.enqueue_dma source(%dma_start3A_196 : memref<16x128xf32, #tpu.memory_space<hbm>>) target(%dma_start3A_193 : memref<16x128xf32, #tpu.memory_space<vmem_shared>>) target_semaphore(%run_scoped3A : memref<!tpu.dma_semaphore, #tpu.memory_space<semaphore_mem>>)
        %dma_wait3A_197 = arith.constant 9984 : i32
        %dma_wait3A_198 = arith.constant 0 : i32
        %dma_wait3A_199 = tpu.memref_slice %arg6[%dma_wait3A_197, %dma_wait3A_198] : memref<10000x128xf32, #tpu.memory_space<vmem_shared>> -> memref<16x128xf32, #tpu.memory_space<vmem_shared>>
        %dma_wait3A_200 = arith.constant 0 : i32
        %dma_wait3A_201 = arith.constant 0 : i32
        %dma_wait3A_202 = tpu.memref_slice %arg4[%dma_wait3A_200, %dma_wait3A_201] : memref<625x128xf32, #tpu.memory_space<hbm>> -> memref<16x128xf32, #tpu.memory_space<hbm>>
        tpu.wait_dma2 semaphore(%run_scoped3A : memref<!tpu.dma_semaphore, #tpu.memory_space<semaphore_mem>>) src(%dma_wait3A_202 : memref<16x128xf32, #tpu.memory_space<hbm>>) dst(%dma_wait3A_199 : memref<16x128xf32, #tpu.memory_space<vmem_shared>>)
        tpu.yield
      }) : () -> ()
    } else {
    }
    %barrier3A = arith.constant 0 : index
    tpu.barrier barrier_id(%barrier3A)
    %scan3A = arith.constant 0 : i32
    %scan3A_161 = arith.constant 125 : i32
    %scan3A_162 = arith.addi %scan3A, %scan3A_161 : i32
    %scan3A_163 = arith.constant 1 : i32
    scf.for %scan3A_191 = %scan3A to %scan3A_162 step %scan3A_163  : i32 {
      %rem3A = arith.constant 3 : i32
      %rem3A_192 = arith.remsi %scan3A_191, %rem3A : i32
      %rem3A_193 = arith.constant 6 : i32
      %rem3A_194 = arith.remsi %scan3A_191, %rem3A_193 : i32
      %add3A_195 = arith.constant 3 : i32
      %add3A_196 = arith.addi %scan3A_191, %add3A_195 : i32
      %sub3A = arith.constant 1 : i32
      %sub3A_197 = arith.subi %add3A_196, %sub3A : i32
      %rem3A_198 = arith.constant 3 : i32
      %rem3A_199 = arith.remsi %sub3A_197, %rem3A_198 : i32
      %add3A_200 = arith.constant 3 : i32
      %add3A_201 = arith.addi %scan3A_191, %add3A_200 : i32
      %sub3A_202 = arith.constant 1 : i32
      %sub3A_203 = arith.subi %add3A_201, %sub3A_202 : i32
      %rem3A_204 = arith.constant 6 : i32
      %rem3A_205 = arith.remsi %sub3A_203, %rem3A_204 : i32
      %ge3A = arith.constant 1 : i32
      %ge3A_206 = arith.cmpi sge, %scan3A_191, %ge3A : i32
      %convert_element_type3A_207 = arith.extui %ge3A_206 : i1 to i32
      %cond3A_208 = arith.constant 0 : i32
      %cond3A_209 = arith.cmpi ne, %convert_element_type3A_207, %cond3A_208 : i32
      scf.if %cond3A_209 {
        %sub3A_251 = arith.constant 1 : i32
        %sub3A_252 = arith.subi %scan3A_191, %sub3A_251 : i32
        %add3A_253 = arith.constant 6 : i32
        %add3A_254 = arith.addi %scan3A_191, %add3A_253 : i32
        %sub3A_255 = arith.constant 1 : i32
        %sub3A_256 = arith.subi %add3A_254, %sub3A_255 : i32
        %rem3A_257 = arith.constant 6 : i32
        %rem3A_258 = arith.remsi %sub3A_256, %rem3A_257 : i32
        %dma_wait3A_259 = arith.constant 1 : i32
        %dma_wait3A_260 = arith.constant 0 : i32
        %dma_wait3A_261 = arith.constant 0 : i32
        %dma_wait3A_262 = tpu.memref_slice %arg8[%rem3A_199, %dma_wait3A_260, %dma_wait3A_261] : memref<3x80x128xf32, #tpu.memory_space<vmem>> -> memref<1x80x128xf32, #tpu.memory_space<vmem>>
        %dma_wait3A_263 = tpu.memref_squeeze %dma_wait3A_262 : memref<1x80x128xf32, #tpu.memory_space<vmem>> -> memref<80x128xf32, #tpu.memory_space<vmem>>
        %dma_wait3A_264 = arith.constant 0 : i32
        %dma_wait3A_265 = tpu.memref_slice %arg7[%rem3A_258, %dma_wait3A_259, %dma_wait3A_264] : memref<6x2x80xi32, #tpu.memory_space<vmem>> -> memref<1x1x80xi32, #tpu.memory_space<vmem>>
        %dma_wait3A_266 = tpu.memref_squeeze %dma_wait3A_265 : memref<1x1x80xi32, #tpu.memory_space<vmem>> -> memref<80xi32, #tpu.memory_space<vmem>>
        %dma_wait3A_267 = arith.constant 0 : i32
        %dma_wait3A_268 = arith.constant 0 : i32
        %dma_wait3A_269 = tpu.memref_slice %arg6[%dma_wait3A_267, %dma_wait3A_268] : memref<10000x128xf32, #tpu.memory_space<vmem_shared>> -> memref<10000x128xf32, #tpu.memory_space<vmem_shared>>
        %dma_wait3A_270 = tpu.memref_slice %arg11[%rem3A_199] : memref<3x!tpu.dma_semaphore, #tpu.memory_space<semaphore_mem>> -> memref<1x!tpu.dma_semaphore, #tpu.memory_space<semaphore_mem>>
        %dma_wait3A_271 = tpu.memref_squeeze %dma_wait3A_270 : memref<1x!tpu.dma_semaphore, #tpu.memory_space<semaphore_mem>> -> memref<!tpu.dma_semaphore, #tpu.memory_space<semaphore_mem>>
        tpu.wait_indirect_dma semaphore(%dma_wait3A_271 : memref<!tpu.dma_semaphore, #tpu.memory_space<semaphore_mem>>) src(%dma_wait3A_263 : memref<80x128xf32, #tpu.memory_space<vmem>>) dst(%dma_wait3A_269 : memref<10000x128xf32, #tpu.memory_space<vmem_shared>>)
      } else {
      }
      %add3A_210 = arith.constant 3 : i32
      %add3A_211 = arith.addi %scan3A_191, %add3A_210 : i32
      %sub3A_212 = arith.constant 1 : i32
      %sub3A_213 = arith.subi %add3A_211, %sub3A_212 : i32
      %lt3A = arith.constant 125 : i32
      %lt3A_214 = arith.cmpi slt, %sub3A_213, %lt3A : i32
      %convert_element_type3A_215 = arith.extui %lt3A_214 : i1 to i32
      %cond3A_216 = arith.constant 0 : i32
      %cond3A_217 = arith.cmpi ne, %convert_element_type3A_215, %cond3A_216 : i32
      scf.if %cond3A_217 {
        %add3A_251 = arith.constant 3 : i32
        %add3A_252 = arith.addi %scan3A_191, %add3A_251 : i32
        %sub3A_253 = arith.constant 1 : i32
        %sub3A_254 = arith.subi %add3A_252, %sub3A_253 : i32
        %dma_wait3A_255 = arith.constant 0 : i32
        %dma_wait3A_256 = arith.constant 0 : i32
        %dma_wait3A_257 = tpu.memref_slice %arg7[%rem3A_205, %dma_wait3A_255, %dma_wait3A_256] : memref<6x2x80xi32, #tpu.memory_space<vmem>> -> memref<1x2x80xi32, #tpu.memory_space<vmem>>
        %dma_wait3A_258 = tpu.memref_squeeze %dma_wait3A_257 : memref<1x2x80xi32, #tpu.memory_space<vmem>> -> memref<2x80xi32, #tpu.memory_space<vmem>>
        %dma_wait3A_259 = arith.constant 0 : i32
        %dma_wait3A_260 = arith.constant 0 : i32
        %dma_wait3A_261 = tpu.memref_slice %arg3[%add3A, %sub3A_254, %dma_wait3A_259, %dma_wait3A_260] : memref<32x125x2x80xi32, #tpu.memory_space<hbm>> -> memref<1x1x2x80xi32, #tpu.memory_space<hbm>>
        %dma_wait3A_262 = tpu.memref_squeeze %dma_wait3A_261 : memref<1x1x2x80xi32, #tpu.memory_space<hbm>> -> memref<2x80xi32, #tpu.memory_space<hbm>>
        %dma_wait3A_263 = tpu.memref_slice %arg9[%rem3A_205] : memref<6x!tpu.dma_semaphore, #tpu.memory_space<semaphore_mem>> -> memref<1x!tpu.dma_semaphore, #tpu.memory_space<semaphore_mem>>
        %dma_wait3A_264 = tpu.memref_squeeze %dma_wait3A_263 : memref<1x!tpu.dma_semaphore, #tpu.memory_space<semaphore_mem>> -> memref<!tpu.dma_semaphore, #tpu.memory_space<semaphore_mem>>
        %dma_wait3A_265 = arith.constant 0 : i32
        %dma_wait3A_266 = arith.constant 0 : i32
        %dma_wait3A_267 = tpu.memref_slice %arg7[%rem3A_205, %dma_wait3A_265, %dma_wait3A_266] : memref<6x2x80xi32, #tpu.memory_space<vmem>> -> memref<1x2x80xi32, #tpu.memory_space<vmem>>
        %dma_wait3A_268 = tpu.memref_squeeze %dma_wait3A_267 : memref<1x2x80xi32, #tpu.memory_space<vmem>> -> memref<2x80xi32, #tpu.memory_space<vmem>>
        %dma_wait3A_269 = arith.constant 0 : i32
        %dma_wait3A_270 = arith.constant 0 : i32
        %dma_wait3A_271 = tpu.memref_slice %arg3[%add3A, %sub3A_254, %dma_wait3A_269, %dma_wait3A_270] : memref<32x125x2x80xi32, #tpu.memory_space<hbm>> -> memref<1x1x2x80xi32, #tpu.memory_space<hbm>>
        %dma_wait3A_272 = tpu.memref_squeeze %dma_wait3A_271 : memref<1x1x2x80xi32, #tpu.memory_space<hbm>> -> memref<2x80xi32, #tpu.memory_space<hbm>>
        tpu.wait_dma2 semaphore(%dma_wait3A_264 : memref<!tpu.dma_semaphore, #tpu.memory_space<semaphore_mem>>) src(%dma_wait3A_272 : memref<2x80xi32, #tpu.memory_space<hbm>>) dst(%dma_wait3A_268 : memref<2x80xi32, #tpu.memory_space<vmem>>)
        %add3A_273 = arith.constant 3 : i32
        %add3A_274 = arith.addi %scan3A_191, %add3A_273 : i32
        %sub3A_275 = arith.constant 1 : i32
        %sub3A_276 = arith.subi %add3A_274, %sub3A_275 : i32
        %dma_start3A_277 = arith.constant 0 : i32
        %dma_start3A_278 = arith.constant 0 : i32
        %dma_start3A_279 = arith.constant 0 : i32
        %dma_start3A_280 = tpu.memref_slice %arg8[%rem3A_199, %dma_start3A_278, %dma_start3A_279] : memref<3x80x128xf32, #tpu.memory_space<vmem>> -> memref<1x80x128xf32, #tpu.memory_space<vmem>>
        %dma_start3A_281 = tpu.memref_squeeze %dma_start3A_280 : memref<1x80x128xf32, #tpu.memory_space<vmem>> -> memref<80x128xf32, #tpu.memory_space<vmem>>
        %dma_start3A_282 = arith.constant 0 : i32
        %dma_start3A_283 = tpu.memref_slice %arg7[%rem3A_205, %dma_start3A_277, %dma_start3A_282] : memref<6x2x80xi32, #tpu.memory_space<vmem>> -> memref<1x1x80xi32, #tpu.memory_space<vmem>>
        %dma_start3A_284 = tpu.memref_squeeze %dma_start3A_283 : memref<1x1x80xi32, #tpu.memory_space<vmem>> -> memref<80xi32, #tpu.memory_space<vmem>>
        %dma_start3A_285 = arith.constant 0 : i32
        %dma_start3A_286 = arith.constant 0 : i32
        %dma_start3A_287 = tpu.memref_slice %arg2[%dma_start3A_285, %dma_start3A_286] : memref<10000x128xf32, #tpu.memory_space<hbm>> -> memref<10000x128xf32, #tpu.memory_space<hbm>>
        %dma_start3A_288 = tpu.memref_slice %arg10[%rem3A_199] : memref<3x!tpu.dma_semaphore, #tpu.memory_space<semaphore_mem>> -> memref<1x!tpu.dma_semaphore, #tpu.memory_space<semaphore_mem>>
        %dma_start3A_289 = tpu.memref_squeeze %dma_start3A_288 : memref<1x!tpu.dma_semaphore, #tpu.memory_space<semaphore_mem>> -> memref<!tpu.dma_semaphore, #tpu.memory_space<semaphore_mem>>
        tpu.enqueue_indirect_dma source(%dma_start3A_287 : memref<10000x128xf32, #tpu.memory_space<hbm>>) target(%dma_start3A_281 : memref<80x128xf32, #tpu.memory_space<vmem>>) offsets(%dma_start3A_284 : memref<80xi32, #tpu.memory_space<vmem>>) semaphore(%dma_start3A_289 : memref<!tpu.dma_semaphore, #tpu.memory_space<semaphore_mem>>)
      } else {
      }
      %add3A_218 = arith.constant 4 : i32
      %add3A_219 = arith.addi %scan3A_191, %add3A_218 : i32
      %lt3A_220 = arith.constant 125 : i32
      %lt3A_221 = arith.cmpi slt, %add3A_219, %lt3A_220 : i32
      %convert_element_type3A_222 = arith.extui %lt3A_221 : i1 to i32
      %cond3A_223 = arith.constant 0 : i32
      %cond3A_224 = arith.cmpi ne, %convert_element_type3A_222, %cond3A_223 : i32
      scf.if %cond3A_224 {
        %add3A_251 = arith.constant 4 : i32
        %add3A_252 = arith.addi %scan3A_191, %add3A_251 : i32
        %add3A_253 = arith.constant 4 : i32
        %add3A_254 = arith.addi %scan3A_191, %add3A_253 : i32
        %rem3A_255 = arith.constant 6 : i32
        %rem3A_256 = arith.remsi %add3A_254, %rem3A_255 : i32
        %dma_start3A_257 = arith.constant 0 : i32
        %dma_start3A_258 = arith.constant 0 : i32
        %dma_start3A_259 = tpu.memref_slice %arg7[%rem3A_256, %dma_start3A_257, %dma_start3A_258] : memref<6x2x80xi32, #tpu.memory_space<vmem>> -> memref<1x2x80xi32, #tpu.memory_space<vmem>>
        %dma_start3A_260 = tpu.memref_squeeze %dma_start3A_259 : memref<1x2x80xi32, #tpu.memory_space<vmem>> -> memref<2x80xi32, #tpu.memory_space<vmem>>
        %dma_start3A_261 = arith.constant 0 : i32
        %dma_start3A_262 = arith.constant 0 : i32
        %dma_start3A_263 = tpu.memref_slice %arg3[%add3A, %add3A_252, %dma_start3A_261, %dma_start3A_262] : memref<32x125x2x80xi32, #tpu.memory_space<hbm>> -> memref<1x1x2x80xi32, #tpu.memory_space<hbm>>
        %dma_start3A_264 = tpu.memref_squeeze %dma_start3A_263 : memref<1x1x2x80xi32, #tpu.memory_space<hbm>> -> memref<2x80xi32, #tpu.memory_space<hbm>>
        %dma_start3A_265 = tpu.memref_slice %arg9[%rem3A_256] : memref<6x!tpu.dma_semaphore, #tpu.memory_space<semaphore_mem>> -> memref<1x!tpu.dma_semaphore, #tpu.memory_space<semaphore_mem>>
        %dma_start3A_266 = tpu.memref_squeeze %dma_start3A_265 : memref<1x!tpu.dma_semaphore, #tpu.memory_space<semaphore_mem>> -> memref<!tpu.dma_semaphore, #tpu.memory_space<semaphore_mem>>
        %dma_start3A_267 = arith.constant 0 : i32
        %dma_start3A_268 = arith.constant 0 : i32
        %dma_start3A_269 = tpu.memref_slice %arg7[%rem3A_256, %dma_start3A_267, %dma_start3A_268] : memref<6x2x80xi32, #tpu.memory_space<vmem>> -> memref<1x2x80xi32, #tpu.memory_space<vmem>>
        %dma_start3A_270 = tpu.memref_squeeze %dma_start3A_269 : memref<1x2x80xi32, #tpu.memory_space<vmem>> -> memref<2x80xi32, #tpu.memory_space<vmem>>
        %dma_start3A_271 = arith.constant 0 : i32
        %dma_start3A_272 = arith.constant 0 : i32
        %dma_start3A_273 = tpu.memref_slice %arg3[%add3A, %add3A_252, %dma_start3A_271, %dma_start3A_272] : memref<32x125x2x80xi32, #tpu.memory_space<hbm>> -> memref<1x1x2x80xi32, #tpu.memory_space<hbm>>
        %dma_start3A_274 = tpu.memref_squeeze %dma_start3A_273 : memref<1x1x2x80xi32, #tpu.memory_space<hbm>> -> memref<2x80xi32, #tpu.memory_space<hbm>>
        tpu.enqueue_dma source(%dma_start3A_274 : memref<2x80xi32, #tpu.memory_space<hbm>>) target(%dma_start3A_270 : memref<2x80xi32, #tpu.memory_space<vmem>>) target_semaphore(%dma_start3A_266 : memref<!tpu.dma_semaphore, #tpu.memory_space<semaphore_mem>>)
      } else {
      }
      %dma_wait3A_225 = arith.constant 0 : i32
      %dma_wait3A_226 = arith.constant 0 : i32
      %dma_wait3A_227 = arith.constant 0 : i32
      %dma_wait3A_228 = tpu.memref_slice %arg8[%rem3A_192, %dma_wait3A_226, %dma_wait3A_227] : memref<3x80x128xf32, #tpu.memory_space<vmem>> -> memref<1x80x128xf32, #tpu.memory_space<vmem>>
      %dma_wait3A_229 = tpu.memref_squeeze %dma_wait3A_228 : memref<1x80x128xf32, #tpu.memory_space<vmem>> -> memref<80x128xf32, #tpu.memory_space<vmem>>
      %dma_wait3A_230 = arith.constant 0 : i32
      %dma_wait3A_231 = tpu.memref_slice %arg7[%rem3A_194, %dma_wait3A_225, %dma_wait3A_230] : memref<6x2x80xi32, #tpu.memory_space<vmem>> -> memref<1x1x80xi32, #tpu.memory_space<vmem>>
      %dma_wait3A_232 = tpu.memref_squeeze %dma_wait3A_231 : memref<1x1x80xi32, #tpu.memory_space<vmem>> -> memref<80xi32, #tpu.memory_space<vmem>>
      %dma_wait3A_233 = arith.constant 0 : i32
      %dma_wait3A_234 = arith.constant 0 : i32
      %dma_wait3A_235 = tpu.memref_slice %arg2[%dma_wait3A_233, %dma_wait3A_234] : memref<10000x128xf32, #tpu.memory_space<hbm>> -> memref<10000x128xf32, #tpu.memory_space<hbm>>
      %dma_wait3A_236 = tpu.memref_slice %arg10[%rem3A_192] : memref<3x!tpu.dma_semaphore, #tpu.memory_space<semaphore_mem>> -> memref<1x!tpu.dma_semaphore, #tpu.memory_space<semaphore_mem>>
      %dma_wait3A_237 = tpu.memref_squeeze %dma_wait3A_236 : memref<1x!tpu.dma_semaphore, #tpu.memory_space<semaphore_mem>> -> memref<!tpu.dma_semaphore, #tpu.memory_space<semaphore_mem>>
      tpu.wait_indirect_dma semaphore(%dma_wait3A_237 : memref<!tpu.dma_semaphore, #tpu.memory_space<semaphore_mem>>) src(%dma_wait3A_235 : memref<10000x128xf32, #tpu.memory_space<hbm>>) dst(%dma_wait3A_229 : memref<80x128xf32, #tpu.memory_space<vmem>>)
      %dma_start3A_238 = arith.constant 1 : i32
      %dma_start3A_239 = arith.constant 0 : i32
      %dma_start3A_240 = arith.constant 0 : i32
      %dma_start3A_241 = tpu.memref_slice %arg8[%rem3A_192, %dma_start3A_239, %dma_start3A_240] : memref<3x80x128xf32, #tpu.memory_space<vmem>> -> memref<1x80x128xf32, #tpu.memory_space<vmem>>
      %dma_start3A_242 = tpu.memref_squeeze %dma_start3A_241 : memref<1x80x128xf32, #tpu.memory_space<vmem>> -> memref<80x128xf32, #tpu.memory_space<vmem>>
      %dma_start3A_243 = arith.constant 0 : i32
      %dma_start3A_244 = tpu.memref_slice %arg7[%rem3A_194, %dma_start3A_238, %dma_start3A_243] : memref<6x2x80xi32, #tpu.memory_space<vmem>> -> memref<1x1x80xi32, #tpu.memory_space<vmem>>
      %dma_start3A_245 = tpu.memref_squeeze %dma_start3A_244 : memref<1x1x80xi32, #tpu.memory_space<vmem>> -> memref<80xi32, #tpu.memory_space<vmem>>
      %dma_start3A_246 = arith.constant 0 : i32
      %dma_start3A_247 = arith.constant 0 : i32
      %dma_start3A_248 = tpu.memref_slice %arg6[%dma_start3A_246, %dma_start3A_247] : memref<10000x128xf32, #tpu.memory_space<vmem_shared>> -> memref<10000x128xf32, #tpu.memory_space<vmem_shared>>
      %dma_start3A_249 = tpu.memref_slice %arg11[%rem3A_192] : memref<3x!tpu.dma_semaphore, #tpu.memory_space<semaphore_mem>> -> memref<1x!tpu.dma_semaphore, #tpu.memory_space<semaphore_mem>>
      %dma_start3A_250 = tpu.memref_squeeze %dma_start3A_249 : memref<1x!tpu.dma_semaphore, #tpu.memory_space<semaphore_mem>> -> memref<!tpu.dma_semaphore, #tpu.memory_space<semaphore_mem>>
      tpu.enqueue_indirect_dma source(%dma_start3A_242 : memref<80x128xf32, #tpu.memory_space<vmem>>) target(%dma_start3A_248 : memref<10000x128xf32, #tpu.memory_space<vmem_shared>>) offsets(%dma_start3A_245 : memref<80xi32, #tpu.memory_space<vmem>>) semaphore(%dma_start3A_250 : memref<!tpu.dma_semaphore, #tpu.memory_space<semaphore_mem>>) {add = true}
    }
    %scan3A_164 = arith.constant 125 : i32
    %dma_wait3A_165 = arith.constant 1 : i32
    %dma_wait3A_166 = arith.constant 4 : i32
    %dma_wait3A_167 = arith.constant 1 : i32
    %dma_wait3A_168 = arith.constant 1 : i32
    %dma_wait3A_169 = arith.constant 0 : i32
    %dma_wait3A_170 = arith.constant 0 : i32
    %dma_wait3A_171 = tpu.memref_slice %arg8[%dma_wait3A_165, %dma_wait3A_169, %dma_wait3A_170] : memref<3x80x128xf32, #tpu.memory_space<vmem>> -> memref<1x80x128xf32, #tpu.memory_space<vmem>>
    %dma_wait3A_172 = tpu.memref_squeeze %dma_wait3A_171 : memref<1x80x128xf32, #tpu.memory_space<vmem>> -> memref<80x128xf32, #tpu.memory_space<vmem>>
    %dma_wait3A_173 = arith.constant 0 : i32
    %dma_wait3A_174 = tpu.memref_slice %arg7[%dma_wait3A_166, %dma_wait3A_167, %dma_wait3A_173] : memref<6x2x80xi32, #tpu.memory_space<vmem>> -> memref<1x1x80xi32, #tpu.memory_space<vmem>>
    %dma_wait3A_175 = tpu.memref_squeeze %dma_wait3A_174 : memref<1x1x80xi32, #tpu.memory_space<vmem>> -> memref<80xi32, #tpu.memory_space<vmem>>
    %dma_wait3A_176 = arith.constant 0 : i32
    %dma_wait3A_177 = arith.constant 0 : i32
    %dma_wait3A_178 = tpu.memref_slice %arg6[%dma_wait3A_176, %dma_wait3A_177] : memref<10000x128xf32, #tpu.memory_space<vmem_shared>> -> memref<10000x128xf32, #tpu.memory_space<vmem_shared>>
    %dma_wait3A_179 = tpu.memref_slice %arg11[%dma_wait3A_168] : memref<3x!tpu.dma_semaphore, #tpu.memory_space<semaphore_mem>> -> memref<1x!tpu.dma_semaphore, #tpu.memory_space<semaphore_mem>>
    %dma_wait3A_180 = tpu.memref_squeeze %dma_wait3A_179 : memref<1x!tpu.dma_semaphore, #tpu.memory_space<semaphore_mem>> -> memref<!tpu.dma_semaphore, #tpu.memory_space<semaphore_mem>>
    tpu.wait_indirect_dma semaphore(%dma_wait3A_180 : memref<!tpu.dma_semaphore, #tpu.memory_space<semaphore_mem>>) src(%dma_wait3A_172 : memref<80x128xf32, #tpu.memory_space<vmem>>) dst(%dma_wait3A_178 : memref<10000x128xf32, #tpu.memory_space<vmem_shared>>)
    %barrier3A_181 = arith.constant 0 : index
    tpu.barrier barrier_id(%barrier3A_181)
    %mul3A_182 = arith.constant 624 : i32
    %mul3A_183 = arith.muli %arg1, %mul3A_182 : i32
    %mul3A_184 = arith.constant 624 : i32
    %mul3A_185 = arith.muli %arg1, %mul3A_184 : i32
    "tpu.region"() ({
      %run_scoped3A = tpu.sem_alloc : memref<!tpu.dma_semaphore, #tpu.memory_space<semaphore_mem>>
      %dma_start3A_191 = arith.constant 0 : i32
      %dma_start3A_192 = tpu.memref_slice %arg5[%arg0, %mul3A_185, %dma_start3A_191] : memref<2x10000x128xf32, #tpu.memory_space<hbm>> -> memref<1x624x128xf32, #tpu.memory_space<hbm>>
      %dma_start3A_193 = tpu.memref_squeeze %dma_start3A_192 : memref<1x624x128xf32, #tpu.memory_space<hbm>> -> memref<624x128xf32, #tpu.memory_space<hbm>>
      %dma_start3A_194 = arith.constant 0 : i32
      %dma_start3A_195 = tpu.memref_slice %arg6[%mul3A_183, %dma_start3A_194] : memref<10000x128xf32, #tpu.memory_space<vmem_shared>> -> memref<624x128xf32, #tpu.memory_space<vmem_shared>>
      tpu.enqueue_dma source(%dma_start3A_195 : memref<624x128xf32, #tpu.memory_space<vmem_shared>>) target(%dma_start3A_193 : memref<624x128xf32, #tpu.memory_space<hbm>>) target_semaphore(%run_scoped3A : memref<!tpu.dma_semaphore, #tpu.memory_space<semaphore_mem>>)
      %dma_wait3A_196 = arith.constant 0 : i32
      %dma_wait3A_197 = tpu.memref_slice %arg5[%arg0, %mul3A_185, %dma_wait3A_196] : memref<2x10000x128xf32, #tpu.memory_space<hbm>> -> memref<1x624x128xf32, #tpu.memory_space<hbm>>
      %dma_wait3A_198 = tpu.memref_squeeze %dma_wait3A_197 : memref<1x624x128xf32, #tpu.memory_space<hbm>> -> memref<624x128xf32, #tpu.memory_space<hbm>>
      %dma_wait3A_199 = arith.constant 0 : i32
      %dma_wait3A_200 = tpu.memref_slice %arg6[%mul3A_183, %dma_wait3A_199] : memref<10000x128xf32, #tpu.memory_space<vmem_shared>> -> memref<624x128xf32, #tpu.memory_space<vmem_shared>>
      tpu.wait_dma2 semaphore(%run_scoped3A : memref<!tpu.dma_semaphore, #tpu.memory_space<semaphore_mem>>) src(%dma_wait3A_200 : memref<624x128xf32, #tpu.memory_space<vmem_shared>>) dst(%dma_wait3A_198 : memref<624x128xf32, #tpu.memory_space<hbm>>)
      tpu.yield
    }) : () -> ()
    %eq3A_186 = arith.constant 15 : i32
    %eq3A_187 = arith.cmpi eq, %arg1, %eq3A_186 : i32
    %convert_element_type3A_188 = arith.extui %eq3A_187 : i1 to i32
    %cond3A_189 = arith.constant 0 : i32
    %cond3A_190 = arith.cmpi ne, %convert_element_type3A_188, %cond3A_189 : i32
    scf.if %cond3A_190 {
      "tpu.region"() ({
        %run_scoped3A = tpu.sem_alloc : memref<!tpu.dma_semaphore, #tpu.memory_space<semaphore_mem>>
        %dma_start3A_191 = arith.constant 9984 : i32
        %dma_start3A_192 = arith.constant 0 : i32
        %dma_start3A_193 = tpu.memref_slice %arg5[%arg0, %dma_start3A_191, %dma_start3A_192] : memref<2x10000x128xf32, #tpu.memory_space<hbm>> -> memref<1x16x128xf32, #tpu.memory_space<hbm>>
        %dma_start3A_194 = tpu.memref_squeeze %dma_start3A_193 : memref<1x16x128xf32, #tpu.memory_space<hbm>> -> memref<16x128xf32, #tpu.memory_space<hbm>>
        %dma_start3A_195 = arith.constant 9984 : i32
        %dma_start3A_196 = arith.constant 0 : i32
        %dma_start3A_197 = tpu.memref_slice %arg6[%dma_start3A_195, %dma_start3A_196] : memref<10000x128xf32, #tpu.memory_space<vmem_shared>> -> memref<16x128xf32, #tpu.memory_space<vmem_shared>>
        tpu.enqueue_dma source(%dma_start3A_197 : memref<16x128xf32, #tpu.memory_space<vmem_shared>>) target(%dma_start3A_194 : memref<16x128xf32, #tpu.memory_space<hbm>>) target_semaphore(%run_scoped3A : memref<!tpu.dma_semaphore, #tpu.memory_space<semaphore_mem>>)
        %dma_wait3A_198 = arith.constant 9984 : i32
        %dma_wait3A_199 = arith.constant 0 : i32
        %dma_wait3A_200 = tpu.memref_slice %arg5[%arg0, %dma_wait3A_198, %dma_wait3A_199] : memref<2x10000x128xf32, #tpu.memory_space<hbm>> -> memref<1x16x128xf32, #tpu.memory_space<hbm>>
        %dma_wait3A_201 = tpu.memref_squeeze %dma_wait3A_200 : memref<1x16x128xf32, #tpu.memory_space<hbm>> -> memref<16x128xf32, #tpu.memory_space<hbm>>
        %dma_wait3A_202 = arith.constant 9984 : i32
        %dma_wait3A_203 = arith.constant 0 : i32
        %dma_wait3A_204 = tpu.memref_slice %arg6[%dma_wait3A_202, %dma_wait3A_203] : memref<10000x128xf32, #tpu.memory_space<vmem_shared>> -> memref<16x128xf32, #tpu.memory_space<vmem_shared>>
        tpu.wait_dma2 semaphore(%run_scoped3A : memref<!tpu.dma_semaphore, #tpu.memory_space<semaphore_mem>>) src(%dma_wait3A_204 : memref<16x128xf32, #tpu.memory_space<vmem_shared>>) dst(%dma_wait3A_201 : memref<16x128xf32, #tpu.memory_space<hbm>>)
        tpu.yield
      }) : () -> ()
    } else {
    }
    return
  }
}

#map = affine_map<(d0, d1) -> (0, 0)>
#map1 = affine_map<(d0, d1) -> (0, 0, 0, 0)>
#map2 = affine_map<(d0, d1) -> (0, 0, 0)>
module attributes {stable_mosaic.version = 14 : i64} {
  func.func @_sc_aggregate_body(%arg0: i32, %arg1: i32, %arg2: memref<10000x128xf32, #tpu.memory_space<hbm>>, %arg3: memref<32x125x2x80xi32, #tpu.memory_space<hbm>>, %arg4: memref<625x128xf32, #tpu.memory_space<hbm>>, %arg5: memref<2x10000x128xf32, #tpu.memory_space<hbm>>, %arg6: memref<10000x128xf32, #tpu.memory_space<vmem_shared>>, %arg7: memref<6x2x80xi32, #tpu.memory_space<vmem>>, %arg8: memref<3x80x128xf32, #tpu.memory_space<vmem>>, %arg9: memref<6x!tpu.dma_semaphore, #tpu.memory_space<semaphore_mem>>, %arg10: memref<3x!tpu.dma_semaphore, #tpu.memory_space<semaphore_mem>>, %arg11: memref<3x!tpu.dma_semaphore, #tpu.memory_space<semaphore_mem>>) attributes {dimension_semantics = [#tpu.dimension_semantics<core_parallel>, #tpu.dimension_semantics<subcore_parallel>], iteration_bounds = array<i64: 2, 16>, scalar_prefetch = 0 : i64, scratch_operands = 6 : i64, tpu.core_type = #tpu.core_type<sc_vector_subcore>, window_params = [{transform_indices = #map}, {transform_indices = #map1}, {transform_indices = #map}, {transform_indices = #map2}]} {
    %mul3A = arith.constant 16 : i32
    %mul3A_0 = arith.muli %arg0, %mul3A : i32
    %add3A = arith.addi %mul3A_0, %arg1 : i32
    %dma_start3A = arith.constant 0 : i32
    %dma_start3A_1 = arith.constant 0 : i32
    %dma_start3A_2 = arith.constant 0 : i32
    %dma_start3A_3 = arith.constant 0 : i32
    %dma_start3A_4 = arith.constant 0 : i32
    %dma_start3A_5 = tpu.memref_slice %arg7[%dma_start3A_1, %dma_start3A_3, %dma_start3A_4] : memref<6x2x80xi32, #tpu.memory_space<vmem>> -> memref<1x2x80xi32, #tpu.memory_space<vmem>>
    %dma_start3A_6 = tpu.memref_squeeze %dma_start3A_5 : memref<1x2x80xi32, #tpu.memory_space<vmem>> -> memref<2x80xi32, #tpu.memory_space<vmem>>
    %dma_start3A_7 = arith.constant 0 : i32
    %dma_start3A_8 = arith.constant 0 : i32
    %dma_start3A_9 = tpu.memref_slice %arg3[%add3A, %dma_start3A, %dma_start3A_7, %dma_start3A_8] : memref<32x125x2x80xi32, #tpu.memory_space<hbm>> -> memref<1x1x2x80xi32, #tpu.memory_space<hbm>>
    %dma_start3A_10 = tpu.memref_squeeze %dma_start3A_9 : memref<1x1x2x80xi32, #tpu.memory_space<hbm>> -> memref<2x80xi32, #tpu.memory_space<hbm>>
    %dma_start3A_11 = tpu.memref_slice %arg9[%dma_start3A_2] : memref<6x!tpu.dma_semaphore, #tpu.memory_space<semaphore_mem>> -> memref<1x!tpu.dma_semaphore, #tpu.memory_space<semaphore_mem>>
    %dma_start3A_12 = tpu.memref_squeeze %dma_start3A_11 : memref<1x!tpu.dma_semaphore, #tpu.memory_space<semaphore_mem>> -> memref<!tpu.dma_semaphore, #tpu.memory_space<semaphore_mem>>
    %dma_start3A_13 = arith.constant 0 : i32
    %dma_start3A_14 = arith.constant 0 : i32
    %dma_start3A_15 = tpu.memref_slice %arg7[%dma_start3A_1, %dma_start3A_13, %dma_start3A_14] : memref<6x2x80xi32, #tpu.memory_space<vmem>> -> memref<1x2x80xi32, #tpu.memory_space<vmem>>
    %dma_start3A_16 = tpu.memref_squeeze %dma_start3A_15 : memref<1x2x80xi32, #tpu.memory_space<vmem>> -> memref<2x80xi32, #tpu.memory_space<vmem>>
    %dma_start3A_17 = arith.constant 0 : i32
    %dma_start3A_18 = arith.constant 0 : i32
    %dma_start3A_19 = tpu.memref_slice %arg3[%add3A, %dma_start3A, %dma_start3A_17, %dma_start3A_18] : memref<32x125x2x80xi32, #tpu.memory_space<hbm>> -> memref<1x1x2x80xi32, #tpu.memory_space<hbm>>
    %dma_start3A_20 = tpu.memref_squeeze %dma_start3A_19 : memref<1x1x2x80xi32, #tpu.memory_space<hbm>> -> memref<2x80xi32, #tpu.memory_space<hbm>>
    tpu.enqueue_dma source(%dma_start3A_20 : memref<2x80xi32, #tpu.memory_space<hbm>>) target(%dma_start3A_16 : memref<2x80xi32, #tpu.memory_space<vmem>>) target_semaphore(%dma_start3A_12 : memref<!tpu.dma_semaphore, #tpu.memory_space<semaphore_mem>>)
    %dma_start3A_21 = arith.constant 1 : i32
    %dma_start3A_22 = arith.constant 1 : i32
    %dma_start3A_23 = arith.constant 1 : i32
    %dma_start3A_24 = arith.constant 0 : i32
    %dma_start3A_25 = arith.constant 0 : i32
    %dma_start3A_26 = tpu.memref_slice %arg7[%dma_start3A_22, %dma_start3A_24, %dma_start3A_25] : memref<6x2x80xi32, #tpu.memory_space<vmem>> -> memref<1x2x80xi32, #tpu.memory_space<vmem>>
    %dma_start3A_27 = tpu.memref_squeeze %dma_start3A_26 : memref<1x2x80xi32, #tpu.memory_space<vmem>> -> memref<2x80xi32, #tpu.memory_space<vmem>>
    %dma_start3A_28 = arith.constant 0 : i32
    %dma_start3A_29 = arith.constant 0 : i32
    %dma_start3A_30 = tpu.memref_slice %arg3[%add3A, %dma_start3A_21, %dma_start3A_28, %dma_start3A_29] : memref<32x125x2x80xi32, #tpu.memory_space<hbm>> -> memref<1x1x2x80xi32, #tpu.memory_space<hbm>>
    %dma_start3A_31 = tpu.memref_squeeze %dma_start3A_30 : memref<1x1x2x80xi32, #tpu.memory_space<hbm>> -> memref<2x80xi32, #tpu.memory_space<hbm>>
    %dma_start3A_32 = tpu.memref_slice %arg9[%dma_start3A_23] : memref<6x!tpu.dma_semaphore, #tpu.memory_space<semaphore_mem>> -> memref<1x!tpu.dma_semaphore, #tpu.memory_space<semaphore_mem>>
    %dma_start3A_33 = tpu.memref_squeeze %dma_start3A_32 : memref<1x!tpu.dma_semaphore, #tpu.memory_space<semaphore_mem>> -> memref<!tpu.dma_semaphore, #tpu.memory_space<semaphore_mem>>
    %dma_start3A_34 = arith.constant 0 : i32
    %dma_start3A_35 = arith.constant 0 : i32
    %dma_start3A_36 = tpu.memref_slice %arg7[%dma_start3A_22, %dma_start3A_34, %dma_start3A_35] : memref<6x2x80xi32, #tpu.memory_space<vmem>> -> memref<1x2x80xi32, #tpu.memory_space<vmem>>
    %dma_start3A_37 = tpu.memref_squeeze %dma_start3A_36 : memref<1x2x80xi32, #tpu.memory_space<vmem>> -> memref<2x80xi32, #tpu.memory_space<vmem>>
    %dma_start3A_38 = arith.constant 0 : i32
    %dma_start3A_39 = arith.constant 0 : i32
    %dma_start3A_40 = tpu.memref_slice %arg3[%add3A, %dma_start3A_21, %dma_start3A_38, %dma_start3A_39] : memref<32x125x2x80xi32, #tpu.memory_space<hbm>> -> memref<1x1x2x80xi32, #tpu.memory_space<hbm>>
    %dma_start3A_41 = tpu.memref_squeeze %dma_start3A_40 : memref<1x1x2x80xi32, #tpu.memory_space<hbm>> -> memref<2x80xi32, #tpu.memory_space<hbm>>
    tpu.enqueue_dma source(%dma_start3A_41 : memref<2x80xi32, #tpu.memory_space<hbm>>) target(%dma_start3A_37 : memref<2x80xi32, #tpu.memory_space<vmem>>) target_semaphore(%dma_start3A_33 : memref<!tpu.dma_semaphore, #tpu.memory_space<semaphore_mem>>)
    %dma_start3A_42 = arith.constant 2 : i32
    %dma_start3A_43 = arith.constant 2 : i32
    %dma_start3A_44 = arith.constant 2 : i32
    %dma_start3A_45 = arith.constant 0 : i32
    %dma_start3A_46 = arith.constant 0 : i32
    %dma_start3A_47 = tpu.memref_slice %arg7[%dma_start3A_43, %dma_start3A_45, %dma_start3A_46] : memref<6x2x80xi32, #tpu.memory_space<vmem>> -> memref<1x2x80xi32, #tpu.memory_space<vmem>>
    %dma_start3A_48 = tpu.memref_squeeze %dma_start3A_47 : memref<1x2x80xi32, #tpu.memory_space<vmem>> -> memref<2x80xi32, #tpu.memory_space<vmem>>
    %dma_start3A_49 = arith.constant 0 : i32
    %dma_start3A_50 = arith.constant 0 : i32
    %dma_start3A_51 = tpu.memref_slice %arg3[%add3A, %dma_start3A_42, %dma_start3A_49, %dma_start3A_50] : memref<32x125x2x80xi32, #tpu.memory_space<hbm>> -> memref<1x1x2x80xi32, #tpu.memory_space<hbm>>
    %dma_start3A_52 = tpu.memref_squeeze %dma_start3A_51 : memref<1x1x2x80xi32, #tpu.memory_space<hbm>> -> memref<2x80xi32, #tpu.memory_space<hbm>>
    %dma_start3A_53 = tpu.memref_slice %arg9[%dma_start3A_44] : memref<6x!tpu.dma_semaphore, #tpu.memory_space<semaphore_mem>> -> memref<1x!tpu.dma_semaphore, #tpu.memory_space<semaphore_mem>>
    %dma_start3A_54 = tpu.memref_squeeze %dma_start3A_53 : memref<1x!tpu.dma_semaphore, #tpu.memory_space<semaphore_mem>> -> memref<!tpu.dma_semaphore, #tpu.memory_space<semaphore_mem>>
    %dma_start3A_55 = arith.constant 0 : i32
    %dma_start3A_56 = arith.constant 0 : i32
    %dma_start3A_57 = tpu.memref_slice %arg7[%dma_start3A_43, %dma_start3A_55, %dma_start3A_56] : memref<6x2x80xi32, #tpu.memory_space<vmem>> -> memref<1x2x80xi32, #tpu.memory_space<vmem>>
    %dma_start3A_58 = tpu.memref_squeeze %dma_start3A_57 : memref<1x2x80xi32, #tpu.memory_space<vmem>> -> memref<2x80xi32, #tpu.memory_space<vmem>>
    %dma_start3A_59 = arith.constant 0 : i32
    %dma_start3A_60 = arith.constant 0 : i32
    %dma_start3A_61 = tpu.memref_slice %arg3[%add3A, %dma_start3A_42, %dma_start3A_59, %dma_start3A_60] : memref<32x125x2x80xi32, #tpu.memory_space<hbm>> -> memref<1x1x2x80xi32, #tpu.memory_space<hbm>>
    %dma_start3A_62 = tpu.memref_squeeze %dma_start3A_61 : memref<1x1x2x80xi32, #tpu.memory_space<hbm>> -> memref<2x80xi32, #tpu.memory_space<hbm>>
    tpu.enqueue_dma source(%dma_start3A_62 : memref<2x80xi32, #tpu.memory_space<hbm>>) target(%dma_start3A_58 : memref<2x80xi32, #tpu.memory_space<vmem>>) target_semaphore(%dma_start3A_54 : memref<!tpu.dma_semaphore, #tpu.memory_space<semaphore_mem>>)
    %dma_start3A_63 = arith.constant 3 : i32
    %dma_start3A_64 = arith.constant 3 : i32
    %dma_start3A_65 = arith.constant 3 : i32
    %dma_start3A_66 = arith.constant 0 : i32
    %dma_start3A_67 = arith.constant 0 : i32
    %dma_start3A_68 = tpu.memref_slice %arg7[%dma_start3A_64, %dma_start3A_66, %dma_start3A_67] : memref<6x2x80xi32, #tpu.memory_space<vmem>> -> memref<1x2x80xi32, #tpu.memory_space<vmem>>
    %dma_start3A_69 = tpu.memref_squeeze %dma_start3A_68 : memref<1x2x80xi32, #tpu.memory_space<vmem>> -> memref<2x80xi32, #tpu.memory_space<vmem>>
    %dma_start3A_70 = arith.constant 0 : i32
    %dma_start3A_71 = arith.constant 0 : i32
    %dma_start3A_72 = tpu.memref_slice %arg3[%add3A, %dma_start3A_63, %dma_start3A_70, %dma_start3A_71] : memref<32x125x2x80xi32, #tpu.memory_space<hbm>> -> memref<1x1x2x80xi32, #tpu.memory_space<hbm>>
    %dma_start3A_73 = tpu.memref_squeeze %dma_start3A_72 : memref<1x1x2x80xi32, #tpu.memory_space<hbm>> -> memref<2x80xi32, #tpu.memory_space<hbm>>
    %dma_start3A_74 = tpu.memref_slice %arg9[%dma_start3A_65] : memref<6x!tpu.dma_semaphore, #tpu.memory_space<semaphore_mem>> -> memref<1x!tpu.dma_semaphore, #tpu.memory_space<semaphore_mem>>
    %dma_start3A_75 = tpu.memref_squeeze %dma_start3A_74 : memref<1x!tpu.dma_semaphore, #tpu.memory_space<semaphore_mem>> -> memref<!tpu.dma_semaphore, #tpu.memory_space<semaphore_mem>>
    %dma_start3A_76 = arith.constant 0 : i32
    %dma_start3A_77 = arith.constant 0 : i32
    %dma_start3A_78 = tpu.memref_slice %arg7[%dma_start3A_64, %dma_start3A_76, %dma_start3A_77] : memref<6x2x80xi32, #tpu.memory_space<vmem>> -> memref<1x2x80xi32, #tpu.memory_space<vmem>>
    %dma_start3A_79 = tpu.memref_squeeze %dma_start3A_78 : memref<1x2x80xi32, #tpu.memory_space<vmem>> -> memref<2x80xi32, #tpu.memory_space<vmem>>
    %dma_start3A_80 = arith.constant 0 : i32
    %dma_start3A_81 = arith.constant 0 : i32
    %dma_start3A_82 = tpu.memref_slice %arg3[%add3A, %dma_start3A_63, %dma_start3A_80, %dma_start3A_81] : memref<32x125x2x80xi32, #tpu.memory_space<hbm>> -> memref<1x1x2x80xi32, #tpu.memory_space<hbm>>
    %dma_start3A_83 = tpu.memref_squeeze %dma_start3A_82 : memref<1x1x2x80xi32, #tpu.memory_space<hbm>> -> memref<2x80xi32, #tpu.memory_space<hbm>>
    tpu.enqueue_dma source(%dma_start3A_83 : memref<2x80xi32, #tpu.memory_space<hbm>>) target(%dma_start3A_79 : memref<2x80xi32, #tpu.memory_space<vmem>>) target_semaphore(%dma_start3A_75 : memref<!tpu.dma_semaphore, #tpu.memory_space<semaphore_mem>>)
    %dma_wait3A = arith.constant 0 : i32
    %dma_wait3A_84 = arith.constant 0 : i32
    %dma_wait3A_85 = arith.constant 0 : i32
    %dma_wait3A_86 = arith.constant 0 : i32
    %dma_wait3A_87 = arith.constant 0 : i32
    %dma_wait3A_88 = tpu.memref_slice %arg7[%dma_wait3A_84, %dma_wait3A_86, %dma_wait3A_87] : memref<6x2x80xi32, #tpu.memory_space<vmem>> -> memref<1x2x80xi32, #tpu.memory_space<vmem>>
    %dma_wait3A_89 = tpu.memref_squeeze %dma_wait3A_88 : memref<1x2x80xi32, #tpu.memory_space<vmem>> -> memref<2x80xi32, #tpu.memory_space<vmem>>
    %dma_wait3A_90 = arith.constant 0 : i32
    %dma_wait3A_91 = arith.constant 0 : i32
    %dma_wait3A_92 = tpu.memref_slice %arg3[%add3A, %dma_wait3A, %dma_wait3A_90, %dma_wait3A_91] : memref<32x125x2x80xi32, #tpu.memory_space<hbm>> -> memref<1x1x2x80xi32, #tpu.memory_space<hbm>>
    %dma_wait3A_93 = tpu.memref_squeeze %dma_wait3A_92 : memref<1x1x2x80xi32, #tpu.memory_space<hbm>> -> memref<2x80xi32, #tpu.memory_space<hbm>>
    %dma_wait3A_94 = tpu.memref_slice %arg9[%dma_wait3A_85] : memref<6x!tpu.dma_semaphore, #tpu.memory_space<semaphore_mem>> -> memref<1x!tpu.dma_semaphore, #tpu.memory_space<semaphore_mem>>
    %dma_wait3A_95 = tpu.memref_squeeze %dma_wait3A_94 : memref<1x!tpu.dma_semaphore, #tpu.memory_space<semaphore_mem>> -> memref<!tpu.dma_semaphore, #tpu.memory_space<semaphore_mem>>
    %dma_wait3A_96 = arith.constant 0 : i32
    %dma_wait3A_97 = arith.constant 0 : i32
    %dma_wait3A_98 = tpu.memref_slice %arg7[%dma_wait3A_84, %dma_wait3A_96, %dma_wait3A_97] : memref<6x2x80xi32, #tpu.memory_space<vmem>> -> memref<1x2x80xi32, #tpu.memory_space<vmem>>
    %dma_wait3A_99 = tpu.memref_squeeze %dma_wait3A_98 : memref<1x2x80xi32, #tpu.memory_space<vmem>> -> memref<2x80xi32, #tpu.memory_space<vmem>>
    %dma_wait3A_100 = arith.constant 0 : i32
    %dma_wait3A_101 = arith.constant 0 : i32
    %dma_wait3A_102 = tpu.memref_slice %arg3[%add3A, %dma_wait3A, %dma_wait3A_100, %dma_wait3A_101] : memref<32x125x2x80xi32, #tpu.memory_space<hbm>> -> memref<1x1x2x80xi32, #tpu.memory_space<hbm>>
    %dma_wait3A_103 = tpu.memref_squeeze %dma_wait3A_102 : memref<1x1x2x80xi32, #tpu.memory_space<hbm>> -> memref<2x80xi32, #tpu.memory_space<hbm>>
    tpu.wait_dma2 semaphore(%dma_wait3A_95 : memref<!tpu.dma_semaphore, #tpu.memory_space<semaphore_mem>>) src(%dma_wait3A_103 : memref<2x80xi32, #tpu.memory_space<hbm>>) dst(%dma_wait3A_99 : memref<2x80xi32, #tpu.memory_space<vmem>>)
    %dma_start3A_104 = arith.constant 0 : i32
    %dma_start3A_105 = arith.constant 0 : i32
    %dma_start3A_106 = arith.constant 0 : i32
    %dma_start3A_107 = arith.constant 0 : i32
    %dma_start3A_108 = arith.constant 0 : i32
    %dma_start3A_109 = arith.constant 0 : i32
    %dma_start3A_110 = tpu.memref_slice %arg8[%dma_start3A_106, %dma_start3A_108, %dma_start3A_109] : memref<3x80x128xf32, #tpu.memory_space<vmem>> -> memref<1x80x128xf32, #tpu.memory_space<vmem>>
    %dma_start3A_111 = tpu.memref_squeeze %dma_start3A_110 : memref<1x80x128xf32, #tpu.memory_space<vmem>> -> memref<80x128xf32, #tpu.memory_space<vmem>>
    %dma_start3A_112 = arith.constant 0 : i32
    %dma_start3A_113 = tpu.memref_slice %arg7[%dma_start3A_104, %dma_start3A_105, %dma_start3A_112] : memref<6x2x80xi32, #tpu.memory_space<vmem>> -> memref<1x1x80xi32, #tpu.memory_space<vmem>>
    %dma_start3A_114 = tpu.memref_squeeze %dma_start3A_113 : memref<1x1x80xi32, #tpu.memory_space<vmem>> -> memref<80xi32, #tpu.memory_space<vmem>>
    %dma_start3A_115 = arith.constant 0 : i32
    %dma_start3A_116 = arith.constant 0 : i32
    %dma_start3A_117 = tpu.memref_slice %arg2[%dma_start3A_115, %dma_start3A_116] : memref<10000x128xf32, #tpu.memory_space<hbm>> -> memref<10000x128xf32, #tpu.memory_space<hbm>>
    %dma_start3A_118 = tpu.memref_slice %arg10[%dma_start3A_107] : memref<3x!tpu.dma_semaphore, #tpu.memory_space<semaphore_mem>> -> memref<1x!tpu.dma_semaphore, #tpu.memory_space<semaphore_mem>>
    %dma_start3A_119 = tpu.memref_squeeze %dma_start3A_118 : memref<1x!tpu.dma_semaphore, #tpu.memory_space<semaphore_mem>> -> memref<!tpu.dma_semaphore, #tpu.memory_space<semaphore_mem>>
    tpu.enqueue_indirect_dma source(%dma_start3A_117 : memref<10000x128xf32, #tpu.memory_space<hbm>>) target(%dma_start3A_111 : memref<80x128xf32, #tpu.memory_space<vmem>>) offsets(%dma_start3A_114 : memref<80xi32, #tpu.memory_space<vmem>>) semaphore(%dma_start3A_119 : memref<!tpu.dma_semaphore, #tpu.memory_space<semaphore_mem>>)
    %dma_wait3A_120 = arith.constant 1 : i32
    %dma_wait3A_121 = arith.constant 1 : i32
    %dma_wait3A_122 = arith.constant 1 : i32
    %dma_wait3A_123 = arith.constant 0 : i32
    %dma_wait3A_124 = arith.constant 0 : i32
    %dma_wait3A_125 = tpu.memref_slice %arg7[%dma_wait3A_121, %dma_wait3A_123, %dma_wait3A_124] : memref<6x2x80xi32, #tpu.memory_space<vmem>> -> memref<1x2x80xi32, #tpu.memory_space<vmem>>
    %dma_wait3A_126 = tpu.memref_squeeze %dma_wait3A_125 : memref<1x2x80xi32, #tpu.memory_space<vmem>> -> memref<2x80xi32, #tpu.memory_space<vmem>>
    %dma_wait3A_127 = arith.constant 0 : i32
    %dma_wait3A_128 = arith.constant 0 : i32
    %dma_wait3A_129 = tpu.memref_slice %arg3[%add3A, %dma_wait3A_120, %dma_wait3A_127, %dma_wait3A_128] : memref<32x125x2x80xi32, #tpu.memory_space<hbm>> -> memref<1x1x2x80xi32, #tpu.memory_space<hbm>>
    %dma_wait3A_130 = tpu.memref_squeeze %dma_wait3A_129 : memref<1x1x2x80xi32, #tpu.memory_space<hbm>> -> memref<2x80xi32, #tpu.memory_space<hbm>>
    %dma_wait3A_131 = tpu.memref_slice %arg9[%dma_wait3A_122] : memref<6x!tpu.dma_semaphore, #tpu.memory_space<semaphore_mem>> -> memref<1x!tpu.dma_semaphore, #tpu.memory_space<semaphore_mem>>
    %dma_wait3A_132 = tpu.memref_squeeze %dma_wait3A_131 : memref<1x!tpu.dma_semaphore, #tpu.memory_space<semaphore_mem>> -> memref<!tpu.dma_semaphore, #tpu.memory_space<semaphore_mem>>
    %dma_wait3A_133 = arith.constant 0 : i32
    %dma_wait3A_134 = arith.constant 0 : i32
    %dma_wait3A_135 = tpu.memref_slice %arg7[%dma_wait3A_121, %dma_wait3A_133, %dma_wait3A_134] : memref<6x2x80xi32, #tpu.memory_space<vmem>> -> memref<1x2x80xi32, #tpu.memory_space<vmem>>
    %dma_wait3A_136 = tpu.memref_squeeze %dma_wait3A_135 : memref<1x2x80xi32, #tpu.memory_space<vmem>> -> memref<2x80xi32, #tpu.memory_space<vmem>>
    %dma_wait3A_137 = arith.constant 0 : i32
    %dma_wait3A_138 = arith.constant 0 : i32
    %dma_wait3A_139 = tpu.memref_slice %arg3[%add3A, %dma_wait3A_120, %dma_wait3A_137, %dma_wait3A_138] : memref<32x125x2x80xi32, #tpu.memory_space<hbm>> -> memref<1x1x2x80xi32, #tpu.memory_space<hbm>>
    %dma_wait3A_140 = tpu.memref_squeeze %dma_wait3A_139 : memref<1x1x2x80xi32, #tpu.memory_space<hbm>> -> memref<2x80xi32, #tpu.memory_space<hbm>>
    tpu.wait_dma2 semaphore(%dma_wait3A_132 : memref<!tpu.dma_semaphore, #tpu.memory_space<semaphore_mem>>) src(%dma_wait3A_140 : memref<2x80xi32, #tpu.memory_space<hbm>>) dst(%dma_wait3A_136 : memref<2x80xi32, #tpu.memory_space<vmem>>)
    %dma_start3A_141 = arith.constant 1 : i32
    %dma_start3A_142 = arith.constant 0 : i32
    %dma_start3A_143 = arith.constant 1 : i32
    %dma_start3A_144 = arith.constant 1 : i32
    %dma_start3A_145 = arith.constant 0 : i32
    %dma_start3A_146 = arith.constant 0 : i32
    %dma_start3A_147 = tpu.memref_slice %arg8[%dma_start3A_143, %dma_start3A_145, %dma_start3A_146] : memref<3x80x128xf32, #tpu.memory_space<vmem>> -> memref<1x80x128xf32, #tpu.memory_space<vmem>>
    %dma_start3A_148 = tpu.memref_squeeze %dma_start3A_147 : memref<1x80x128xf32, #tpu.memory_space<vmem>> -> memref<80x128xf32, #tpu.memory_space<vmem>>
    %dma_start3A_149 = arith.constant 0 : i32
    %dma_start3A_150 = tpu.memref_slice %arg7[%dma_start3A_141, %dma_start3A_142, %dma_start3A_149] : memref<6x2x80xi32, #tpu.memory_space<vmem>> -> memref<1x1x80xi32, #tpu.memory_space<vmem>>
    %dma_start3A_151 = tpu.memref_squeeze %dma_start3A_150 : memref<1x1x80xi32, #tpu.memory_space<vmem>> -> memref<80xi32, #tpu.memory_space<vmem>>
    %dma_start3A_152 = arith.constant 0 : i32
    %dma_start3A_153 = arith.constant 0 : i32
    %dma_start3A_154 = tpu.memref_slice %arg2[%dma_start3A_152, %dma_start3A_153] : memref<10000x128xf32, #tpu.memory_space<hbm>> -> memref<10000x128xf32, #tpu.memory_space<hbm>>
    %dma_start3A_155 = tpu.memref_slice %arg10[%dma_start3A_144] : memref<3x!tpu.dma_semaphore, #tpu.memory_space<semaphore_mem>> -> memref<1x!tpu.dma_semaphore, #tpu.memory_space<semaphore_mem>>
    %dma_start3A_156 = tpu.memref_squeeze %dma_start3A_155 : memref<1x!tpu.dma_semaphore, #tpu.memory_space<semaphore_mem>> -> memref<!tpu.dma_semaphore, #tpu.memory_space<semaphore_mem>>
    tpu.enqueue_indirect_dma source(%dma_start3A_154 : memref<10000x128xf32, #tpu.memory_space<hbm>>) target(%dma_start3A_148 : memref<80x128xf32, #tpu.memory_space<vmem>>) offsets(%dma_start3A_151 : memref<80xi32, #tpu.memory_space<vmem>>) semaphore(%dma_start3A_156 : memref<!tpu.dma_semaphore, #tpu.memory_space<semaphore_mem>>)
    %mul3A_157 = arith.constant 624 : i32
    %mul3A_158 = arith.muli %arg1, %mul3A_157 : i32
    "tpu.region"() ({
      %run_scoped3A = tpu.sem_alloc : memref<!tpu.dma_semaphore, #tpu.memory_space<semaphore_mem>>
      %dma_start3A_191 = arith.constant 0 : i32
      %dma_start3A_192 = tpu.memref_slice %arg6[%mul3A_158, %dma_start3A_191] : memref<10000x128xf32, #tpu.memory_space<vmem_shared>> -> memref<624x128xf32, #tpu.memory_space<vmem_shared>>
      %dma_start3A_193 = arith.constant 0 : i32
      %dma_start3A_194 = arith.constant 0 : i32
      %dma_start3A_195 = tpu.memref_slice %arg4[%dma_start3A_193, %dma_start3A_194] : memref<625x128xf32, #tpu.memory_space<hbm>> -> memref<624x128xf32, #tpu.memory_space<hbm>>
      tpu.enqueue_dma source(%dma_start3A_195 : memref<624x128xf32, #tpu.memory_space<hbm>>) target(%dma_start3A_192 : memref<624x128xf32, #tpu.memory_space<vmem_shared>>) target_semaphore(%run_scoped3A : memref<!tpu.dma_semaphore, #tpu.memory_space<semaphore_mem>>)
      %dma_wait3A_196 = arith.constant 0 : i32
      %dma_wait3A_197 = tpu.memref_slice %arg6[%mul3A_158, %dma_wait3A_196] : memref<10000x128xf32, #tpu.memory_space<vmem_shared>> -> memref<624x128xf32, #tpu.memory_space<vmem_shared>>
      %dma_wait3A_198 = arith.constant 0 : i32
      %dma_wait3A_199 = arith.constant 0 : i32
      %dma_wait3A_200 = tpu.memref_slice %arg4[%dma_wait3A_198, %dma_wait3A_199] : memref<625x128xf32, #tpu.memory_space<hbm>> -> memref<624x128xf32, #tpu.memory_space<hbm>>
      tpu.wait_dma2 semaphore(%run_scoped3A : memref<!tpu.dma_semaphore, #tpu.memory_space<semaphore_mem>>) src(%dma_wait3A_200 : memref<624x128xf32, #tpu.memory_space<hbm>>) dst(%dma_wait3A_197 : memref<624x128xf32, #tpu.memory_space<vmem_shared>>)
      tpu.yield
    }) : () -> ()
    %eq3A = arith.constant 15 : i32
    %eq3A_159 = arith.cmpi eq, %arg1, %eq3A : i32
    %convert_element_type3A = arith.extui %eq3A_159 : i1 to i32
    %cond3A = arith.constant 0 : i32
    %cond3A_160 = arith.cmpi ne, %convert_element_type3A, %cond3A : i32
    scf.if %cond3A_160 {
      "tpu.region"() ({
        %run_scoped3A = tpu.sem_alloc : memref<!tpu.dma_semaphore, #tpu.memory_space<semaphore_mem>>
        %dma_start3A_191 = arith.constant 9984 : i32
        %dma_start3A_192 = arith.constant 0 : i32
        %dma_start3A_193 = tpu.memref_slice %arg6[%dma_start3A_191, %dma_start3A_192] : memref<10000x128xf32, #tpu.memory_space<vmem_shared>> -> memref<16x128xf32, #tpu.memory_space<vmem_shared>>
        %dma_start3A_194 = arith.constant 0 : i32
        %dma_start3A_195 = arith.constant 0 : i32
        %dma_start3A_196 = tpu.memref_slice %arg4[%dma_start3A_194, %dma_start3A_195] : memref<625x128xf32, #tpu.memory_space<hbm>> -> memref<16x128xf32, #tpu.memory_space<hbm>>
        tpu.enqueue_dma source(%dma_start3A_196 : memref<16x128xf32, #tpu.memory_space<hbm>>) target(%dma_start3A_193 : memref<16x128xf32, #tpu.memory_space<vmem_shared>>) target_semaphore(%run_scoped3A : memref<!tpu.dma_semaphore, #tpu.memory_space<semaphore_mem>>)
        %dma_wait3A_197 = arith.constant 9984 : i32
        %dma_wait3A_198 = arith.constant 0 : i32
        %dma_wait3A_199 = tpu.memref_slice %arg6[%dma_wait3A_197, %dma_wait3A_198] : memref<10000x128xf32, #tpu.memory_space<vmem_shared>> -> memref<16x128xf32, #tpu.memory_space<vmem_shared>>
        %dma_wait3A_200 = arith.constant 0 : i32
        %dma_wait3A_201 = arith.constant 0 : i32
        %dma_wait3A_202 = tpu.memref_slice %arg4[%dma_wait3A_200, %dma_wait3A_201] : memref<625x128xf32, #tpu.memory_space<hbm>> -> memref<16x128xf32, #tpu.memory_space<hbm>>
        tpu.wait_dma2 semaphore(%run_scoped3A : memref<!tpu.dma_semaphore, #tpu.memory_space<semaphore_mem>>) src(%dma_wait3A_202 : memref<16x128xf32, #tpu.memory_space<hbm>>) dst(%dma_wait3A_199 : memref<16x128xf32, #tpu.memory_space<vmem_shared>>)
        tpu.yield
      }) : () -> ()
    } else {
    }
    %barrier3A = arith.constant 0 : index
    tpu.barrier barrier_id(%barrier3A)
    %scan3A = arith.constant 0 : i32
    %scan3A_161 = arith.constant 125 : i32
    %scan3A_162 = arith.addi %scan3A, %scan3A_161 : i32
    %scan3A_163 = arith.constant 1 : i32
    scf.for %scan3A_191 = %scan3A to %scan3A_162 step %scan3A_163  : i32 {
      %rem3A = arith.constant 3 : i32
      %rem3A_192 = arith.remsi %scan3A_191, %rem3A : i32
      %rem3A_193 = arith.constant 6 : i32
      %rem3A_194 = arith.remsi %scan3A_191, %rem3A_193 : i32
      %add3A_195 = arith.constant 3 : i32
      %add3A_196 = arith.addi %scan3A_191, %add3A_195 : i32
      %sub3A = arith.constant 1 : i32
      %sub3A_197 = arith.subi %add3A_196, %sub3A : i32
      %rem3A_198 = arith.constant 3 : i32
      %rem3A_199 = arith.remsi %sub3A_197, %rem3A_198 : i32
      %add3A_200 = arith.constant 3 : i32
      %add3A_201 = arith.addi %scan3A_191, %add3A_200 : i32
      %sub3A_202 = arith.constant 1 : i32
      %sub3A_203 = arith.subi %add3A_201, %sub3A_202 : i32
      %rem3A_204 = arith.constant 6 : i32
      %rem3A_205 = arith.remsi %sub3A_203, %rem3A_204 : i32
      %ge3A = arith.constant 1 : i32
      %ge3A_206 = arith.cmpi sge, %scan3A_191, %ge3A : i32
      %convert_element_type3A_207 = arith.extui %ge3A_206 : i1 to i32
      %cond3A_208 = arith.constant 0 : i32
      %cond3A_209 = arith.cmpi ne, %convert_element_type3A_207, %cond3A_208 : i32
      scf.if %cond3A_209 {
        %sub3A_251 = arith.constant 1 : i32
        %sub3A_252 = arith.subi %scan3A_191, %sub3A_251 : i32
        %add3A_253 = arith.constant 6 : i32
        %add3A_254 = arith.addi %scan3A_191, %add3A_253 : i32
        %sub3A_255 = arith.constant 1 : i32
        %sub3A_256 = arith.subi %add3A_254, %sub3A_255 : i32
        %rem3A_257 = arith.constant 6 : i32
        %rem3A_258 = arith.remsi %sub3A_256, %rem3A_257 : i32
        %dma_wait3A_259 = arith.constant 1 : i32
        %dma_wait3A_260 = arith.constant 0 : i32
        %dma_wait3A_261 = arith.constant 0 : i32
        %dma_wait3A_262 = tpu.memref_slice %arg8[%rem3A_199, %dma_wait3A_260, %dma_wait3A_261] : memref<3x80x128xf32, #tpu.memory_space<vmem>> -> memref<1x80x128xf32, #tpu.memory_space<vmem>>
        %dma_wait3A_263 = tpu.memref_squeeze %dma_wait3A_262 : memref<1x80x128xf32, #tpu.memory_space<vmem>> -> memref<80x128xf32, #tpu.memory_space<vmem>>
        %dma_wait3A_264 = arith.constant 0 : i32
        %dma_wait3A_265 = tpu.memref_slice %arg7[%rem3A_258, %dma_wait3A_259, %dma_wait3A_264] : memref<6x2x80xi32, #tpu.memory_space<vmem>> -> memref<1x1x80xi32, #tpu.memory_space<vmem>>
        %dma_wait3A_266 = tpu.memref_squeeze %dma_wait3A_265 : memref<1x1x80xi32, #tpu.memory_space<vmem>> -> memref<80xi32, #tpu.memory_space<vmem>>
        %dma_wait3A_267 = arith.constant 0 : i32
        %dma_wait3A_268 = arith.constant 0 : i32
        %dma_wait3A_269 = tpu.memref_slice %arg6[%dma_wait3A_267, %dma_wait3A_268] : memref<10000x128xf32, #tpu.memory_space<vmem_shared>> -> memref<10000x128xf32, #tpu.memory_space<vmem_shared>>
        %dma_wait3A_270 = tpu.memref_slice %arg11[%rem3A_199] : memref<3x!tpu.dma_semaphore, #tpu.memory_space<semaphore_mem>> -> memref<1x!tpu.dma_semaphore, #tpu.memory_space<semaphore_mem>>
        %dma_wait3A_271 = tpu.memref_squeeze %dma_wait3A_270 : memref<1x!tpu.dma_semaphore, #tpu.memory_space<semaphore_mem>> -> memref<!tpu.dma_semaphore, #tpu.memory_space<semaphore_mem>>
        tpu.wait_indirect_dma semaphore(%dma_wait3A_271 : memref<!tpu.dma_semaphore, #tpu.memory_space<semaphore_mem>>) src(%dma_wait3A_263 : memref<80x128xf32, #tpu.memory_space<vmem>>) dst(%dma_wait3A_269 : memref<10000x128xf32, #tpu.memory_space<vmem_shared>>)
      } else {
      }
      %add3A_210 = arith.constant 3 : i32
      %add3A_211 = arith.addi %scan3A_191, %add3A_210 : i32
      %sub3A_212 = arith.constant 1 : i32
      %sub3A_213 = arith.subi %add3A_211, %sub3A_212 : i32
      %lt3A = arith.constant 125 : i32
      %lt3A_214 = arith.cmpi slt, %sub3A_213, %lt3A : i32
      %convert_element_type3A_215 = arith.extui %lt3A_214 : i1 to i32
      %cond3A_216 = arith.constant 0 : i32
      %cond3A_217 = arith.cmpi ne, %convert_element_type3A_215, %cond3A_216 : i32
      scf.if %cond3A_217 {
        %add3A_251 = arith.constant 3 : i32
        %add3A_252 = arith.addi %scan3A_191, %add3A_251 : i32
        %sub3A_253 = arith.constant 1 : i32
        %sub3A_254 = arith.subi %add3A_252, %sub3A_253 : i32
        %dma_wait3A_255 = arith.constant 0 : i32
        %dma_wait3A_256 = arith.constant 0 : i32
        %dma_wait3A_257 = tpu.memref_slice %arg7[%rem3A_205, %dma_wait3A_255, %dma_wait3A_256] : memref<6x2x80xi32, #tpu.memory_space<vmem>> -> memref<1x2x80xi32, #tpu.memory_space<vmem>>
        %dma_wait3A_258 = tpu.memref_squeeze %dma_wait3A_257 : memref<1x2x80xi32, #tpu.memory_space<vmem>> -> memref<2x80xi32, #tpu.memory_space<vmem>>
        %dma_wait3A_259 = arith.constant 0 : i32
        %dma_wait3A_260 = arith.constant 0 : i32
        %dma_wait3A_261 = tpu.memref_slice %arg3[%add3A, %sub3A_254, %dma_wait3A_259, %dma_wait3A_260] : memref<32x125x2x80xi32, #tpu.memory_space<hbm>> -> memref<1x1x2x80xi32, #tpu.memory_space<hbm>>
        %dma_wait3A_262 = tpu.memref_squeeze %dma_wait3A_261 : memref<1x1x2x80xi32, #tpu.memory_space<hbm>> -> memref<2x80xi32, #tpu.memory_space<hbm>>
        %dma_wait3A_263 = tpu.memref_slice %arg9[%rem3A_205] : memref<6x!tpu.dma_semaphore, #tpu.memory_space<semaphore_mem>> -> memref<1x!tpu.dma_semaphore, #tpu.memory_space<semaphore_mem>>
        %dma_wait3A_264 = tpu.memref_squeeze %dma_wait3A_263 : memref<1x!tpu.dma_semaphore, #tpu.memory_space<semaphore_mem>> -> memref<!tpu.dma_semaphore, #tpu.memory_space<semaphore_mem>>
        %dma_wait3A_265 = arith.constant 0 : i32
        %dma_wait3A_266 = arith.constant 0 : i32
        %dma_wait3A_267 = tpu.memref_slice %arg7[%rem3A_205, %dma_wait3A_265, %dma_wait3A_266] : memref<6x2x80xi32, #tpu.memory_space<vmem>> -> memref<1x2x80xi32, #tpu.memory_space<vmem>>
        %dma_wait3A_268 = tpu.memref_squeeze %dma_wait3A_267 : memref<1x2x80xi32, #tpu.memory_space<vmem>> -> memref<2x80xi32, #tpu.memory_space<vmem>>
        %dma_wait3A_269 = arith.constant 0 : i32
        %dma_wait3A_270 = arith.constant 0 : i32
        %dma_wait3A_271 = tpu.memref_slice %arg3[%add3A, %sub3A_254, %dma_wait3A_269, %dma_wait3A_270] : memref<32x125x2x80xi32, #tpu.memory_space<hbm>> -> memref<1x1x2x80xi32, #tpu.memory_space<hbm>>
        %dma_wait3A_272 = tpu.memref_squeeze %dma_wait3A_271 : memref<1x1x2x80xi32, #tpu.memory_space<hbm>> -> memref<2x80xi32, #tpu.memory_space<hbm>>
        tpu.wait_dma2 semaphore(%dma_wait3A_264 : memref<!tpu.dma_semaphore, #tpu.memory_space<semaphore_mem>>) src(%dma_wait3A_272 : memref<2x80xi32, #tpu.memory_space<hbm>>) dst(%dma_wait3A_268 : memref<2x80xi32, #tpu.memory_space<vmem>>)
        %add3A_273 = arith.constant 3 : i32
        %add3A_274 = arith.addi %scan3A_191, %add3A_273 : i32
        %sub3A_275 = arith.constant 1 : i32
        %sub3A_276 = arith.subi %add3A_274, %sub3A_275 : i32
        %dma_start3A_277 = arith.constant 0 : i32
        %dma_start3A_278 = arith.constant 0 : i32
        %dma_start3A_279 = arith.constant 0 : i32
        %dma_start3A_280 = tpu.memref_slice %arg8[%rem3A_199, %dma_start3A_278, %dma_start3A_279] : memref<3x80x128xf32, #tpu.memory_space<vmem>> -> memref<1x80x128xf32, #tpu.memory_space<vmem>>
        %dma_start3A_281 = tpu.memref_squeeze %dma_start3A_280 : memref<1x80x128xf32, #tpu.memory_space<vmem>> -> memref<80x128xf32, #tpu.memory_space<vmem>>
        %dma_start3A_282 = arith.constant 0 : i32
        %dma_start3A_283 = tpu.memref_slice %arg7[%rem3A_205, %dma_start3A_277, %dma_start3A_282] : memref<6x2x80xi32, #tpu.memory_space<vmem>> -> memref<1x1x80xi32, #tpu.memory_space<vmem>>
        %dma_start3A_284 = tpu.memref_squeeze %dma_start3A_283 : memref<1x1x80xi32, #tpu.memory_space<vmem>> -> memref<80xi32, #tpu.memory_space<vmem>>
        %dma_start3A_285 = arith.constant 0 : i32
        %dma_start3A_286 = arith.constant 0 : i32
        %dma_start3A_287 = tpu.memref_slice %arg2[%dma_start3A_285, %dma_start3A_286] : memref<10000x128xf32, #tpu.memory_space<hbm>> -> memref<10000x128xf32, #tpu.memory_space<hbm>>
        %dma_start3A_288 = tpu.memref_slice %arg10[%rem3A_199] : memref<3x!tpu.dma_semaphore, #tpu.memory_space<semaphore_mem>> -> memref<1x!tpu.dma_semaphore, #tpu.memory_space<semaphore_mem>>
        %dma_start3A_289 = tpu.memref_squeeze %dma_start3A_288 : memref<1x!tpu.dma_semaphore, #tpu.memory_space<semaphore_mem>> -> memref<!tpu.dma_semaphore, #tpu.memory_space<semaphore_mem>>
        tpu.enqueue_indirect_dma source(%dma_start3A_287 : memref<10000x128xf32, #tpu.memory_space<hbm>>) target(%dma_start3A_281 : memref<80x128xf32, #tpu.memory_space<vmem>>) offsets(%dma_start3A_284 : memref<80xi32, #tpu.memory_space<vmem>>) semaphore(%dma_start3A_289 : memref<!tpu.dma_semaphore, #tpu.memory_space<semaphore_mem>>)
      } else {
      }
      %add3A_218 = arith.constant 4 : i32
      %add3A_219 = arith.addi %scan3A_191, %add3A_218 : i32
      %lt3A_220 = arith.constant 125 : i32
      %lt3A_221 = arith.cmpi slt, %add3A_219, %lt3A_220 : i32
      %convert_element_type3A_222 = arith.extui %lt3A_221 : i1 to i32
      %cond3A_223 = arith.constant 0 : i32
      %cond3A_224 = arith.cmpi ne, %convert_element_type3A_222, %cond3A_223 : i32
      scf.if %cond3A_224 {
        %add3A_251 = arith.constant 4 : i32
        %add3A_252 = arith.addi %scan3A_191, %add3A_251 : i32
        %add3A_253 = arith.constant 4 : i32
        %add3A_254 = arith.addi %scan3A_191, %add3A_253 : i32
        %rem3A_255 = arith.constant 6 : i32
        %rem3A_256 = arith.remsi %add3A_254, %rem3A_255 : i32
        %dma_start3A_257 = arith.constant 0 : i32
        %dma_start3A_258 = arith.constant 0 : i32
        %dma_start3A_259 = tpu.memref_slice %arg7[%rem3A_256, %dma_start3A_257, %dma_start3A_258] : memref<6x2x80xi32, #tpu.memory_space<vmem>> -> memref<1x2x80xi32, #tpu.memory_space<vmem>>
        %dma_start3A_260 = tpu.memref_squeeze %dma_start3A_259 : memref<1x2x80xi32, #tpu.memory_space<vmem>> -> memref<2x80xi32, #tpu.memory_space<vmem>>
        %dma_start3A_261 = arith.constant 0 : i32
        %dma_start3A_262 = arith.constant 0 : i32
        %dma_start3A_263 = tpu.memref_slice %arg3[%add3A, %add3A_252, %dma_start3A_261, %dma_start3A_262] : memref<32x125x2x80xi32, #tpu.memory_space<hbm>> -> memref<1x1x2x80xi32, #tpu.memory_space<hbm>>
        %dma_start3A_264 = tpu.memref_squeeze %dma_start3A_263 : memref<1x1x2x80xi32, #tpu.memory_space<hbm>> -> memref<2x80xi32, #tpu.memory_space<hbm>>
        %dma_start3A_265 = tpu.memref_slice %arg9[%rem3A_256] : memref<6x!tpu.dma_semaphore, #tpu.memory_space<semaphore_mem>> -> memref<1x!tpu.dma_semaphore, #tpu.memory_space<semaphore_mem>>
        %dma_start3A_266 = tpu.memref_squeeze %dma_start3A_265 : memref<1x!tpu.dma_semaphore, #tpu.memory_space<semaphore_mem>> -> memref<!tpu.dma_semaphore, #tpu.memory_space<semaphore_mem>>
        %dma_start3A_267 = arith.constant 0 : i32
        %dma_start3A_268 = arith.constant 0 : i32
        %dma_start3A_269 = tpu.memref_slice %arg7[%rem3A_256, %dma_start3A_267, %dma_start3A_268] : memref<6x2x80xi32, #tpu.memory_space<vmem>> -> memref<1x2x80xi32, #tpu.memory_space<vmem>>
        %dma_start3A_270 = tpu.memref_squeeze %dma_start3A_269 : memref<1x2x80xi32, #tpu.memory_space<vmem>> -> memref<2x80xi32, #tpu.memory_space<vmem>>
        %dma_start3A_271 = arith.constant 0 : i32
        %dma_start3A_272 = arith.constant 0 : i32
        %dma_start3A_273 = tpu.memref_slice %arg3[%add3A, %add3A_252, %dma_start3A_271, %dma_start3A_272] : memref<32x125x2x80xi32, #tpu.memory_space<hbm>> -> memref<1x1x2x80xi32, #tpu.memory_space<hbm>>
        %dma_start3A_274 = tpu.memref_squeeze %dma_start3A_273 : memref<1x1x2x80xi32, #tpu.memory_space<hbm>> -> memref<2x80xi32, #tpu.memory_space<hbm>>
        tpu.enqueue_dma source(%dma_start3A_274 : memref<2x80xi32, #tpu.memory_space<hbm>>) target(%dma_start3A_270 : memref<2x80xi32, #tpu.memory_space<vmem>>) target_semaphore(%dma_start3A_266 : memref<!tpu.dma_semaphore, #tpu.memory_space<semaphore_mem>>)
      } else {
      }
      %dma_wait3A_225 = arith.constant 0 : i32
      %dma_wait3A_226 = arith.constant 0 : i32
      %dma_wait3A_227 = arith.constant 0 : i32
      %dma_wait3A_228 = tpu.memref_slice %arg8[%rem3A_192, %dma_wait3A_226, %dma_wait3A_227] : memref<3x80x128xf32, #tpu.memory_space<vmem>> -> memref<1x80x128xf32, #tpu.memory_space<vmem>>
      %dma_wait3A_229 = tpu.memref_squeeze %dma_wait3A_228 : memref<1x80x128xf32, #tpu.memory_space<vmem>> -> memref<80x128xf32, #tpu.memory_space<vmem>>
      %dma_wait3A_230 = arith.constant 0 : i32
      %dma_wait3A_231 = tpu.memref_slice %arg7[%rem3A_194, %dma_wait3A_225, %dma_wait3A_230] : memref<6x2x80xi32, #tpu.memory_space<vmem>> -> memref<1x1x80xi32, #tpu.memory_space<vmem>>
      %dma_wait3A_232 = tpu.memref_squeeze %dma_wait3A_231 : memref<1x1x80xi32, #tpu.memory_space<vmem>> -> memref<80xi32, #tpu.memory_space<vmem>>
      %dma_wait3A_233 = arith.constant 0 : i32
      %dma_wait3A_234 = arith.constant 0 : i32
      %dma_wait3A_235 = tpu.memref_slice %arg2[%dma_wait3A_233, %dma_wait3A_234] : memref<10000x128xf32, #tpu.memory_space<hbm>> -> memref<10000x128xf32, #tpu.memory_space<hbm>>
      %dma_wait3A_236 = tpu.memref_slice %arg10[%rem3A_192] : memref<3x!tpu.dma_semaphore, #tpu.memory_space<semaphore_mem>> -> memref<1x!tpu.dma_semaphore, #tpu.memory_space<semaphore_mem>>
      %dma_wait3A_237 = tpu.memref_squeeze %dma_wait3A_236 : memref<1x!tpu.dma_semaphore, #tpu.memory_space<semaphore_mem>> -> memref<!tpu.dma_semaphore, #tpu.memory_space<semaphore_mem>>
      tpu.wait_indirect_dma semaphore(%dma_wait3A_237 : memref<!tpu.dma_semaphore, #tpu.memory_space<semaphore_mem>>) src(%dma_wait3A_235 : memref<10000x128xf32, #tpu.memory_space<hbm>>) dst(%dma_wait3A_229 : memref<80x128xf32, #tpu.memory_space<vmem>>)
      %dma_start3A_238 = arith.constant 1 : i32
      %dma_start3A_239 = arith.constant 0 : i32
      %dma_start3A_240 = arith.constant 0 : i32
      %dma_start3A_241 = tpu.memref_slice %arg8[%rem3A_192, %dma_start3A_239, %dma_start3A_240] : memref<3x80x128xf32, #tpu.memory_space<vmem>> -> memref<1x80x128xf32, #tpu.memory_space<vmem>>
      %dma_start3A_242 = tpu.memref_squeeze %dma_start3A_241 : memref<1x80x128xf32, #tpu.memory_space<vmem>> -> memref<80x128xf32, #tpu.memory_space<vmem>>
      %dma_start3A_243 = arith.constant 0 : i32
      %dma_start3A_244 = tpu.memref_slice %arg7[%rem3A_194, %dma_start3A_238, %dma_start3A_243] : memref<6x2x80xi32, #tpu.memory_space<vmem>> -> memref<1x1x80xi32, #tpu.memory_space<vmem>>
      %dma_start3A_245 = tpu.memref_squeeze %dma_start3A_244 : memref<1x1x80xi32, #tpu.memory_space<vmem>> -> memref<80xi32, #tpu.memory_space<vmem>>
      %dma_start3A_246 = arith.constant 0 : i32
      %dma_start3A_247 = arith.constant 0 : i32
      %dma_start3A_248 = tpu.memref_slice %arg6[%dma_start3A_246, %dma_start3A_247] : memref<10000x128xf32, #tpu.memory_space<vmem_shared>> -> memref<10000x128xf32, #tpu.memory_space<vmem_shared>>
      %dma_start3A_249 = tpu.memref_slice %arg11[%rem3A_192] : memref<3x!tpu.dma_semaphore, #tpu.memory_space<semaphore_mem>> -> memref<1x!tpu.dma_semaphore, #tpu.memory_space<semaphore_mem>>
      %dma_start3A_250 = tpu.memref_squeeze %dma_start3A_249 : memref<1x!tpu.dma_semaphore, #tpu.memory_space<semaphore_mem>> -> memref<!tpu.dma_semaphore, #tpu.memory_space<semaphore_mem>>
      tpu.enqueue_indirect_dma source(%dma_start3A_242 : memref<80x128xf32, #tpu.memory_space<vmem>>) target(%dma_start3A_248 : memref<10000x128xf32, #tpu.memory_space<vmem_shared>>) offsets(%dma_start3A_245 : memref<80xi32, #tpu.memory_space<vmem>>) semaphore(%dma_start3A_250 : memref<!tpu.dma_semaphore, #tpu.memory_space<semaphore_mem>>) {add = true}
    }
    %scan3A_164 = arith.constant 125 : i32
    %dma_wait3A_165 = arith.constant 1 : i32
    %dma_wait3A_166 = arith.constant 4 : i32
    %dma_wait3A_167 = arith.constant 1 : i32
    %dma_wait3A_168 = arith.constant 1 : i32
    %dma_wait3A_169 = arith.constant 0 : i32
    %dma_wait3A_170 = arith.constant 0 : i32
    %dma_wait3A_171 = tpu.memref_slice %arg8[%dma_wait3A_165, %dma_wait3A_169, %dma_wait3A_170] : memref<3x80x128xf32, #tpu.memory_space<vmem>> -> memref<1x80x128xf32, #tpu.memory_space<vmem>>
    %dma_wait3A_172 = tpu.memref_squeeze %dma_wait3A_171 : memref<1x80x128xf32, #tpu.memory_space<vmem>> -> memref<80x128xf32, #tpu.memory_space<vmem>>
    %dma_wait3A_173 = arith.constant 0 : i32
    %dma_wait3A_174 = tpu.memref_slice %arg7[%dma_wait3A_166, %dma_wait3A_167, %dma_wait3A_173] : memref<6x2x80xi32, #tpu.memory_space<vmem>> -> memref<1x1x80xi32, #tpu.memory_space<vmem>>
    %dma_wait3A_175 = tpu.memref_squeeze %dma_wait3A_174 : memref<1x1x80xi32, #tpu.memory_space<vmem>> -> memref<80xi32, #tpu.memory_space<vmem>>
    %dma_wait3A_176 = arith.constant 0 : i32
    %dma_wait3A_177 = arith.constant 0 : i32
    %dma_wait3A_178 = tpu.memref_slice %arg6[%dma_wait3A_176, %dma_wait3A_177] : memref<10000x128xf32, #tpu.memory_space<vmem_shared>> -> memref<10000x128xf32, #tpu.memory_space<vmem_shared>>
    %dma_wait3A_179 = tpu.memref_slice %arg11[%dma_wait3A_168] : memref<3x!tpu.dma_semaphore, #tpu.memory_space<semaphore_mem>> -> memref<1x!tpu.dma_semaphore, #tpu.memory_space<semaphore_mem>>
    %dma_wait3A_180 = tpu.memref_squeeze %dma_wait3A_179 : memref<1x!tpu.dma_semaphore, #tpu.memory_space<semaphore_mem>> -> memref<!tpu.dma_semaphore, #tpu.memory_space<semaphore_mem>>
    tpu.wait_indirect_dma semaphore(%dma_wait3A_180 : memref<!tpu.dma_semaphore, #tpu.memory_space<semaphore_mem>>) src(%dma_wait3A_172 : memref<80x128xf32, #tpu.memory_space<vmem>>) dst(%dma_wait3A_178 : memref<10000x128xf32, #tpu.memory_space<vmem_shared>>)
    %barrier3A_181 = arith.constant 0 : index
    tpu.barrier barrier_id(%barrier3A_181)
    %mul3A_182 = arith.constant 624 : i32
    %mul3A_183 = arith.muli %arg1, %mul3A_182 : i32
    %mul3A_184 = arith.constant 624 : i32
    %mul3A_185 = arith.muli %arg1, %mul3A_184 : i32
    "tpu.region"() ({
      %run_scoped3A = tpu.sem_alloc : memref<!tpu.dma_semaphore, #tpu.memory_space<semaphore_mem>>
      %dma_start3A_191 = arith.constant 0 : i32
      %dma_start3A_192 = tpu.memref_slice %arg5[%arg0, %mul3A_185, %dma_start3A_191] : memref<2x10000x128xf32, #tpu.memory_space<hbm>> -> memref<1x624x128xf32, #tpu.memory_space<hbm>>
      %dma_start3A_193 = tpu.memref_squeeze %dma_start3A_192 : memref<1x624x128xf32, #tpu.memory_space<hbm>> -> memref<624x128xf32, #tpu.memory_space<hbm>>
      %dma_start3A_194 = arith.constant 0 : i32
      %dma_start3A_195 = tpu.memref_slice %arg6[%mul3A_183, %dma_start3A_194] : memref<10000x128xf32, #tpu.memory_space<vmem_shared>> -> memref<624x128xf32, #tpu.memory_space<vmem_shared>>
      tpu.enqueue_dma source(%dma_start3A_195 : memref<624x128xf32, #tpu.memory_space<vmem_shared>>) target(%dma_start3A_193 : memref<624x128xf32, #tpu.memory_space<hbm>>) target_semaphore(%run_scoped3A : memref<!tpu.dma_semaphore, #tpu.memory_space<semaphore_mem>>)
      %dma_wait3A_196 = arith.constant 0 : i32
      %dma_wait3A_197 = tpu.memref_slice %arg5[%arg0, %mul3A_185, %dma_wait3A_196] : memref<2x10000x128xf32, #tpu.memory_space<hbm>> -> memref<1x624x128xf32, #tpu.memory_space<hbm>>
      %dma_wait3A_198 = tpu.memref_squeeze %dma_wait3A_197 : memref<1x624x128xf32, #tpu.memory_space<hbm>> -> memref<624x128xf32, #tpu.memory_space<hbm>>
      %dma_wait3A_199 = arith.constant 0 : i32
      %dma_wait3A_200 = tpu.memref_slice %arg6[%mul3A_183, %dma_wait3A_199] : memref<10000x128xf32, #tpu.memory_space<vmem_shared>> -> memref<624x128xf32, #tpu.memory_space<vmem_shared>>
      tpu.wait_dma2 semaphore(%run_scoped3A : memref<!tpu.dma_semaphore, #tpu.memory_space<semaphore_mem>>) src(%dma_wait3A_200 : memref<624x128xf32, #tpu.memory_space<vmem_shared>>) dst(%dma_wait3A_198 : memref<624x128xf32, #tpu.memory_space<hbm>>)
      tpu.yield
    }) : () -> ()
    %eq3A_186 = arith.constant 15 : i32
    %eq3A_187 = arith.cmpi eq, %arg1, %eq3A_186 : i32
    %convert_element_type3A_188 = arith.extui %eq3A_187 : i1 to i32
    %cond3A_189 = arith.constant 0 : i32
    %cond3A_190 = arith.cmpi ne, %convert_element_type3A_188, %cond3A_189 : i32
    scf.if %cond3A_190 {
      "tpu.region"() ({
        %run_scoped3A = tpu.sem_alloc : memref<!tpu.dma_semaphore, #tpu.memory_space<semaphore_mem>>
        %dma_start3A_191 = arith.constant 9984 : i32
        %dma_start3A_192 = arith.constant 0 : i32
        %dma_start3A_193 = tpu.memref_slice %arg5[%arg0, %dma_start3A_191, %dma_start3A_192] : memref<2x10000x128xf32, #tpu.memory_space<hbm>> -> memref<1x16x128xf32, #tpu.memory_space<hbm>>
        %dma_start3A_194 = tpu.memref_squeeze %dma_start3A_193 : memref<1x16x128xf32, #tpu.memory_space<hbm>> -> memref<16x128xf32, #tpu.memory_space<hbm>>
        %dma_start3A_195 = arith.constant 9984 : i32
        %dma_start3A_196 = arith.constant 0 : i32
        %dma_start3A_197 = tpu.memref_slice %arg6[%dma_start3A_195, %dma_start3A_196] : memref<10000x128xf32, #tpu.memory_space<vmem_shared>> -> memref<16x128xf32, #tpu.memory_space<vmem_shared>>
        tpu.enqueue_dma source(%dma_start3A_197 : memref<16x128xf32, #tpu.memory_space<vmem_shared>>) target(%dma_start3A_194 : memref<16x128xf32, #tpu.memory_space<hbm>>) target_semaphore(%run_scoped3A : memref<!tpu.dma_semaphore, #tpu.memory_space<semaphore_mem>>)
        %dma_wait3A_198 = arith.constant 9984 : i32
        %dma_wait3A_199 = arith.constant 0 : i32
        %dma_wait3A_200 = tpu.memref_slice %arg5[%arg0, %dma_wait3A_198, %dma_wait3A_199] : memref<2x10000x128xf32, #tpu.memory_space<hbm>> -> memref<1x16x128xf32, #tpu.memory_space<hbm>>
        %dma_wait3A_201 = tpu.memref_squeeze %dma_wait3A_200 : memref<1x16x128xf32, #tpu.memory_space<hbm>> -> memref<16x128xf32, #tpu.memory_space<hbm>>
        %dma_wait3A_202 = arith.constant 9984 : i32
        %dma_wait3A_203 = arith.constant 0 : i32
        %dma_wait3A_204 = tpu.memref_slice %arg6[%dma_wait3A_202, %dma_wait3A_203] : memref<10000x128xf32, #tpu.memory_space<vmem_shared>> -> memref<16x128xf32, #tpu.memory_space<vmem_shared>>
        tpu.wait_dma2 semaphore(%run_scoped3A : memref<!tpu.dma_semaphore, #tpu.memory_space<semaphore_mem>>) src(%dma_wait3A_204 : memref<16x128xf32, #tpu.memory_space<vmem_shared>>) dst(%dma_wait3A_201 : memref<16x128xf32, #tpu.memory_space<hbm>>)
        tpu.yield
      }) : () -> ()
    } else {
    }
    return
  }
}

#map = affine_map<(d0, d1) -> (0, 0)>
#map1 = affine_map<(d0, d1) -> (0, 0, 0, 0)>
#map2 = affine_map<(d0, d1) -> (0, 0, 0)>
module attributes {stable_mosaic.version = 14 : i64} {
  func.func @_sc_aggregate_body(%arg0: i32, %arg1: i32, %arg2: memref<10000x128xf32, #tpu.memory_space<hbm>>, %arg3: memref<32x125x2x80xi32, #tpu.memory_space<hbm>>, %arg4: memref<625x128xf32, #tpu.memory_space<hbm>>, %arg5: memref<2x10000x128xf32, #tpu.memory_space<hbm>>, %arg6: memref<10000x128xf32, #tpu.memory_space<vmem_shared>>, %arg7: memref<6x2x80xi32, #tpu.memory_space<vmem>>, %arg8: memref<3x80x128xf32, #tpu.memory_space<vmem>>, %arg9: memref<6x!tpu.dma_semaphore, #tpu.memory_space<semaphore_mem>>, %arg10: memref<3x!tpu.dma_semaphore, #tpu.memory_space<semaphore_mem>>, %arg11: memref<3x!tpu.dma_semaphore, #tpu.memory_space<semaphore_mem>>) attributes {dimension_semantics = [#tpu.dimension_semantics<core_parallel>, #tpu.dimension_semantics<subcore_parallel>], iteration_bounds = array<i64: 2, 16>, scalar_prefetch = 0 : i64, scratch_operands = 6 : i64, tpu.core_type = #tpu.core_type<sc_vector_subcore>, window_params = [{transform_indices = #map}, {transform_indices = #map1}, {transform_indices = #map}, {transform_indices = #map2}]} {
    %mul3A = arith.constant 16 : i32
    %mul3A_0 = arith.muli %arg0, %mul3A : i32
    %add3A = arith.addi %mul3A_0, %arg1 : i32
    %dma_start3A = arith.constant 0 : i32
    %dma_start3A_1 = arith.constant 0 : i32
    %dma_start3A_2 = arith.constant 0 : i32
    %dma_start3A_3 = arith.constant 0 : i32
    %dma_start3A_4 = arith.constant 0 : i32
    %dma_start3A_5 = tpu.memref_slice %arg7[%dma_start3A_1, %dma_start3A_3, %dma_start3A_4] : memref<6x2x80xi32, #tpu.memory_space<vmem>> -> memref<1x2x80xi32, #tpu.memory_space<vmem>>
    %dma_start3A_6 = tpu.memref_squeeze %dma_start3A_5 : memref<1x2x80xi32, #tpu.memory_space<vmem>> -> memref<2x80xi32, #tpu.memory_space<vmem>>
    %dma_start3A_7 = arith.constant 0 : i32
    %dma_start3A_8 = arith.constant 0 : i32
    %dma_start3A_9 = tpu.memref_slice %arg3[%add3A, %dma_start3A, %dma_start3A_7, %dma_start3A_8] : memref<32x125x2x80xi32, #tpu.memory_space<hbm>> -> memref<1x1x2x80xi32, #tpu.memory_space<hbm>>
    %dma_start3A_10 = tpu.memref_squeeze %dma_start3A_9 : memref<1x1x2x80xi32, #tpu.memory_space<hbm>> -> memref<2x80xi32, #tpu.memory_space<hbm>>
    %dma_start3A_11 = tpu.memref_slice %arg9[%dma_start3A_2] : memref<6x!tpu.dma_semaphore, #tpu.memory_space<semaphore_mem>> -> memref<1x!tpu.dma_semaphore, #tpu.memory_space<semaphore_mem>>
    %dma_start3A_12 = tpu.memref_squeeze %dma_start3A_11 : memref<1x!tpu.dma_semaphore, #tpu.memory_space<semaphore_mem>> -> memref<!tpu.dma_semaphore, #tpu.memory_space<semaphore_mem>>
    %dma_start3A_13 = arith.constant 0 : i32
    %dma_start3A_14 = arith.constant 0 : i32
    %dma_start3A_15 = tpu.memref_slice %arg7[%dma_start3A_1, %dma_start3A_13, %dma_start3A_14] : memref<6x2x80xi32, #tpu.memory_space<vmem>> -> memref<1x2x80xi32, #tpu.memory_space<vmem>>
    %dma_start3A_16 = tpu.memref_squeeze %dma_start3A_15 : memref<1x2x80xi32, #tpu.memory_space<vmem>> -> memref<2x80xi32, #tpu.memory_space<vmem>>
    %dma_start3A_17 = arith.constant 0 : i32
    %dma_start3A_18 = arith.constant 0 : i32
    %dma_start3A_19 = tpu.memref_slice %arg3[%add3A, %dma_start3A, %dma_start3A_17, %dma_start3A_18] : memref<32x125x2x80xi32, #tpu.memory_space<hbm>> -> memref<1x1x2x80xi32, #tpu.memory_space<hbm>>
    %dma_start3A_20 = tpu.memref_squeeze %dma_start3A_19 : memref<1x1x2x80xi32, #tpu.memory_space<hbm>> -> memref<2x80xi32, #tpu.memory_space<hbm>>
    tpu.enqueue_dma source(%dma_start3A_20 : memref<2x80xi32, #tpu.memory_space<hbm>>) target(%dma_start3A_16 : memref<2x80xi32, #tpu.memory_space<vmem>>) target_semaphore(%dma_start3A_12 : memref<!tpu.dma_semaphore, #tpu.memory_space<semaphore_mem>>)
    %dma_start3A_21 = arith.constant 1 : i32
    %dma_start3A_22 = arith.constant 1 : i32
    %dma_start3A_23 = arith.constant 1 : i32
    %dma_start3A_24 = arith.constant 0 : i32
    %dma_start3A_25 = arith.constant 0 : i32
    %dma_start3A_26 = tpu.memref_slice %arg7[%dma_start3A_22, %dma_start3A_24, %dma_start3A_25] : memref<6x2x80xi32, #tpu.memory_space<vmem>> -> memref<1x2x80xi32, #tpu.memory_space<vmem>>
    %dma_start3A_27 = tpu.memref_squeeze %dma_start3A_26 : memref<1x2x80xi32, #tpu.memory_space<vmem>> -> memref<2x80xi32, #tpu.memory_space<vmem>>
    %dma_start3A_28 = arith.constant 0 : i32
    %dma_start3A_29 = arith.constant 0 : i32
    %dma_start3A_30 = tpu.memref_slice %arg3[%add3A, %dma_start3A_21, %dma_start3A_28, %dma_start3A_29] : memref<32x125x2x80xi32, #tpu.memory_space<hbm>> -> memref<1x1x2x80xi32, #tpu.memory_space<hbm>>
    %dma_start3A_31 = tpu.memref_squeeze %dma_start3A_30 : memref<1x1x2x80xi32, #tpu.memory_space<hbm>> -> memref<2x80xi32, #tpu.memory_space<hbm>>
    %dma_start3A_32 = tpu.memref_slice %arg9[%dma_start3A_23] : memref<6x!tpu.dma_semaphore, #tpu.memory_space<semaphore_mem>> -> memref<1x!tpu.dma_semaphore, #tpu.memory_space<semaphore_mem>>
    %dma_start3A_33 = tpu.memref_squeeze %dma_start3A_32 : memref<1x!tpu.dma_semaphore, #tpu.memory_space<semaphore_mem>> -> memref<!tpu.dma_semaphore, #tpu.memory_space<semaphore_mem>>
    %dma_start3A_34 = arith.constant 0 : i32
    %dma_start3A_35 = arith.constant 0 : i32
    %dma_start3A_36 = tpu.memref_slice %arg7[%dma_start3A_22, %dma_start3A_34, %dma_start3A_35] : memref<6x2x80xi32, #tpu.memory_space<vmem>> -> memref<1x2x80xi32, #tpu.memory_space<vmem>>
    %dma_start3A_37 = tpu.memref_squeeze %dma_start3A_36 : memref<1x2x80xi32, #tpu.memory_space<vmem>> -> memref<2x80xi32, #tpu.memory_space<vmem>>
    %dma_start3A_38 = arith.constant 0 : i32
    %dma_start3A_39 = arith.constant 0 : i32
    %dma_start3A_40 = tpu.memref_slice %arg3[%add3A, %dma_start3A_21, %dma_start3A_38, %dma_start3A_39] : memref<32x125x2x80xi32, #tpu.memory_space<hbm>> -> memref<1x1x2x80xi32, #tpu.memory_space<hbm>>
    %dma_start3A_41 = tpu.memref_squeeze %dma_start3A_40 : memref<1x1x2x80xi32, #tpu.memory_space<hbm>> -> memref<2x80xi32, #tpu.memory_space<hbm>>
    tpu.enqueue_dma source(%dma_start3A_41 : memref<2x80xi32, #tpu.memory_space<hbm>>) target(%dma_start3A_37 : memref<2x80xi32, #tpu.memory_space<vmem>>) target_semaphore(%dma_start3A_33 : memref<!tpu.dma_semaphore, #tpu.memory_space<semaphore_mem>>)
    %dma_start3A_42 = arith.constant 2 : i32
    %dma_start3A_43 = arith.constant 2 : i32
    %dma_start3A_44 = arith.constant 2 : i32
    %dma_start3A_45 = arith.constant 0 : i32
    %dma_start3A_46 = arith.constant 0 : i32
    %dma_start3A_47 = tpu.memref_slice %arg7[%dma_start3A_43, %dma_start3A_45, %dma_start3A_46] : memref<6x2x80xi32, #tpu.memory_space<vmem>> -> memref<1x2x80xi32, #tpu.memory_space<vmem>>
    %dma_start3A_48 = tpu.memref_squeeze %dma_start3A_47 : memref<1x2x80xi32, #tpu.memory_space<vmem>> -> memref<2x80xi32, #tpu.memory_space<vmem>>
    %dma_start3A_49 = arith.constant 0 : i32
    %dma_start3A_50 = arith.constant 0 : i32
    %dma_start3A_51 = tpu.memref_slice %arg3[%add3A, %dma_start3A_42, %dma_start3A_49, %dma_start3A_50] : memref<32x125x2x80xi32, #tpu.memory_space<hbm>> -> memref<1x1x2x80xi32, #tpu.memory_space<hbm>>
    %dma_start3A_52 = tpu.memref_squeeze %dma_start3A_51 : memref<1x1x2x80xi32, #tpu.memory_space<hbm>> -> memref<2x80xi32, #tpu.memory_space<hbm>>
    %dma_start3A_53 = tpu.memref_slice %arg9[%dma_start3A_44] : memref<6x!tpu.dma_semaphore, #tpu.memory_space<semaphore_mem>> -> memref<1x!tpu.dma_semaphore, #tpu.memory_space<semaphore_mem>>
    %dma_start3A_54 = tpu.memref_squeeze %dma_start3A_53 : memref<1x!tpu.dma_semaphore, #tpu.memory_space<semaphore_mem>> -> memref<!tpu.dma_semaphore, #tpu.memory_space<semaphore_mem>>
    %dma_start3A_55 = arith.constant 0 : i32
    %dma_start3A_56 = arith.constant 0 : i32
    %dma_start3A_57 = tpu.memref_slice %arg7[%dma_start3A_43, %dma_start3A_55, %dma_start3A_56] : memref<6x2x80xi32, #tpu.memory_space<vmem>> -> memref<1x2x80xi32, #tpu.memory_space<vmem>>
    %dma_start3A_58 = tpu.memref_squeeze %dma_start3A_57 : memref<1x2x80xi32, #tpu.memory_space<vmem>> -> memref<2x80xi32, #tpu.memory_space<vmem>>
    %dma_start3A_59 = arith.constant 0 : i32
    %dma_start3A_60 = arith.constant 0 : i32
    %dma_start3A_61 = tpu.memref_slice %arg3[%add3A, %dma_start3A_42, %dma_start3A_59, %dma_start3A_60] : memref<32x125x2x80xi32, #tpu.memory_space<hbm>> -> memref<1x1x2x80xi32, #tpu.memory_space<hbm>>
    %dma_start3A_62 = tpu.memref_squeeze %dma_start3A_61 : memref<1x1x2x80xi32, #tpu.memory_space<hbm>> -> memref<2x80xi32, #tpu.memory_space<hbm>>
    tpu.enqueue_dma source(%dma_start3A_62 : memref<2x80xi32, #tpu.memory_space<hbm>>) target(%dma_start3A_58 : memref<2x80xi32, #tpu.memory_space<vmem>>) target_semaphore(%dma_start3A_54 : memref<!tpu.dma_semaphore, #tpu.memory_space<semaphore_mem>>)
    %dma_start3A_63 = arith.constant 3 : i32
    %dma_start3A_64 = arith.constant 3 : i32
    %dma_start3A_65 = arith.constant 3 : i32
    %dma_start3A_66 = arith.constant 0 : i32
    %dma_start3A_67 = arith.constant 0 : i32
    %dma_start3A_68 = tpu.memref_slice %arg7[%dma_start3A_64, %dma_start3A_66, %dma_start3A_67] : memref<6x2x80xi32, #tpu.memory_space<vmem>> -> memref<1x2x80xi32, #tpu.memory_space<vmem>>
    %dma_start3A_69 = tpu.memref_squeeze %dma_start3A_68 : memref<1x2x80xi32, #tpu.memory_space<vmem>> -> memref<2x80xi32, #tpu.memory_space<vmem>>
    %dma_start3A_70 = arith.constant 0 : i32
    %dma_start3A_71 = arith.constant 0 : i32
    %dma_start3A_72 = tpu.memref_slice %arg3[%add3A, %dma_start3A_63, %dma_start3A_70, %dma_start3A_71] : memref<32x125x2x80xi32, #tpu.memory_space<hbm>> -> memref<1x1x2x80xi32, #tpu.memory_space<hbm>>
    %dma_start3A_73 = tpu.memref_squeeze %dma_start3A_72 : memref<1x1x2x80xi32, #tpu.memory_space<hbm>> -> memref<2x80xi32, #tpu.memory_space<hbm>>
    %dma_start3A_74 = tpu.memref_slice %arg9[%dma_start3A_65] : memref<6x!tpu.dma_semaphore, #tpu.memory_space<semaphore_mem>> -> memref<1x!tpu.dma_semaphore, #tpu.memory_space<semaphore_mem>>
    %dma_start3A_75 = tpu.memref_squeeze %dma_start3A_74 : memref<1x!tpu.dma_semaphore, #tpu.memory_space<semaphore_mem>> -> memref<!tpu.dma_semaphore, #tpu.memory_space<semaphore_mem>>
    %dma_start3A_76 = arith.constant 0 : i32
    %dma_start3A_77 = arith.constant 0 : i32
    %dma_start3A_78 = tpu.memref_slice %arg7[%dma_start3A_64, %dma_start3A_76, %dma_start3A_77] : memref<6x2x80xi32, #tpu.memory_space<vmem>> -> memref<1x2x80xi32, #tpu.memory_space<vmem>>
    %dma_start3A_79 = tpu.memref_squeeze %dma_start3A_78 : memref<1x2x80xi32, #tpu.memory_space<vmem>> -> memref<2x80xi32, #tpu.memory_space<vmem>>
    %dma_start3A_80 = arith.constant 0 : i32
    %dma_start3A_81 = arith.constant 0 : i32
    %dma_start3A_82 = tpu.memref_slice %arg3[%add3A, %dma_start3A_63, %dma_start3A_80, %dma_start3A_81] : memref<32x125x2x80xi32, #tpu.memory_space<hbm>> -> memref<1x1x2x80xi32, #tpu.memory_space<hbm>>
    %dma_start3A_83 = tpu.memref_squeeze %dma_start3A_82 : memref<1x1x2x80xi32, #tpu.memory_space<hbm>> -> memref<2x80xi32, #tpu.memory_space<hbm>>
    tpu.enqueue_dma source(%dma_start3A_83 : memref<2x80xi32, #tpu.memory_space<hbm>>) target(%dma_start3A_79 : memref<2x80xi32, #tpu.memory_space<vmem>>) target_semaphore(%dma_start3A_75 : memref<!tpu.dma_semaphore, #tpu.memory_space<semaphore_mem>>)
    %dma_wait3A = arith.constant 0 : i32
    %dma_wait3A_84 = arith.constant 0 : i32
    %dma_wait3A_85 = arith.constant 0 : i32
    %dma_wait3A_86 = arith.constant 0 : i32
    %dma_wait3A_87 = arith.constant 0 : i32
    %dma_wait3A_88 = tpu.memref_slice %arg7[%dma_wait3A_84, %dma_wait3A_86, %dma_wait3A_87] : memref<6x2x80xi32, #tpu.memory_space<vmem>> -> memref<1x2x80xi32, #tpu.memory_space<vmem>>
    %dma_wait3A_89 = tpu.memref_squeeze %dma_wait3A_88 : memref<1x2x80xi32, #tpu.memory_space<vmem>> -> memref<2x80xi32, #tpu.memory_space<vmem>>
    %dma_wait3A_90 = arith.constant 0 : i32
    %dma_wait3A_91 = arith.constant 0 : i32
    %dma_wait3A_92 = tpu.memref_slice %arg3[%add3A, %dma_wait3A, %dma_wait3A_90, %dma_wait3A_91] : memref<32x125x2x80xi32, #tpu.memory_space<hbm>> -> memref<1x1x2x80xi32, #tpu.memory_space<hbm>>
    %dma_wait3A_93 = tpu.memref_squeeze %dma_wait3A_92 : memref<1x1x2x80xi32, #tpu.memory_space<hbm>> -> memref<2x80xi32, #tpu.memory_space<hbm>>
    %dma_wait3A_94 = tpu.memref_slice %arg9[%dma_wait3A_85] : memref<6x!tpu.dma_semaphore, #tpu.memory_space<semaphore_mem>> -> memref<1x!tpu.dma_semaphore, #tpu.memory_space<semaphore_mem>>
    %dma_wait3A_95 = tpu.memref_squeeze %dma_wait3A_94 : memref<1x!tpu.dma_semaphore, #tpu.memory_space<semaphore_mem>> -> memref<!tpu.dma_semaphore, #tpu.memory_space<semaphore_mem>>
    %dma_wait3A_96 = arith.constant 0 : i32
    %dma_wait3A_97 = arith.constant 0 : i32
    %dma_wait3A_98 = tpu.memref_slice %arg7[%dma_wait3A_84, %dma_wait3A_96, %dma_wait3A_97] : memref<6x2x80xi32, #tpu.memory_space<vmem>> -> memref<1x2x80xi32, #tpu.memory_space<vmem>>
    %dma_wait3A_99 = tpu.memref_squeeze %dma_wait3A_98 : memref<1x2x80xi32, #tpu.memory_space<vmem>> -> memref<2x80xi32, #tpu.memory_space<vmem>>
    %dma_wait3A_100 = arith.constant 0 : i32
    %dma_wait3A_101 = arith.constant 0 : i32
    %dma_wait3A_102 = tpu.memref_slice %arg3[%add3A, %dma_wait3A, %dma_wait3A_100, %dma_wait3A_101] : memref<32x125x2x80xi32, #tpu.memory_space<hbm>> -> memref<1x1x2x80xi32, #tpu.memory_space<hbm>>
    %dma_wait3A_103 = tpu.memref_squeeze %dma_wait3A_102 : memref<1x1x2x80xi32, #tpu.memory_space<hbm>> -> memref<2x80xi32, #tpu.memory_space<hbm>>
    tpu.wait_dma2 semaphore(%dma_wait3A_95 : memref<!tpu.dma_semaphore, #tpu.memory_space<semaphore_mem>>) src(%dma_wait3A_103 : memref<2x80xi32, #tpu.memory_space<hbm>>) dst(%dma_wait3A_99 : memref<2x80xi32, #tpu.memory_space<vmem>>)
    %dma_start3A_104 = arith.constant 0 : i32
    %dma_start3A_105 = arith.constant 0 : i32
    %dma_start3A_106 = arith.constant 0 : i32
    %dma_start3A_107 = arith.constant 0 : i32
    %dma_start3A_108 = arith.constant 0 : i32
    %dma_start3A_109 = arith.constant 0 : i32
    %dma_start3A_110 = tpu.memref_slice %arg8[%dma_start3A_106, %dma_start3A_108, %dma_start3A_109] : memref<3x80x128xf32, #tpu.memory_space<vmem>> -> memref<1x80x128xf32, #tpu.memory_space<vmem>>
    %dma_start3A_111 = tpu.memref_squeeze %dma_start3A_110 : memref<1x80x128xf32, #tpu.memory_space<vmem>> -> memref<80x128xf32, #tpu.memory_space<vmem>>
    %dma_start3A_112 = arith.constant 0 : i32
    %dma_start3A_113 = tpu.memref_slice %arg7[%dma_start3A_104, %dma_start3A_105, %dma_start3A_112] : memref<6x2x80xi32, #tpu.memory_space<vmem>> -> memref<1x1x80xi32, #tpu.memory_space<vmem>>
    %dma_start3A_114 = tpu.memref_squeeze %dma_start3A_113 : memref<1x1x80xi32, #tpu.memory_space<vmem>> -> memref<80xi32, #tpu.memory_space<vmem>>
    %dma_start3A_115 = arith.constant 0 : i32
    %dma_start3A_116 = arith.constant 0 : i32
    %dma_start3A_117 = tpu.memref_slice %arg2[%dma_start3A_115, %dma_start3A_116] : memref<10000x128xf32, #tpu.memory_space<hbm>> -> memref<10000x128xf32, #tpu.memory_space<hbm>>
    %dma_start3A_118 = tpu.memref_slice %arg10[%dma_start3A_107] : memref<3x!tpu.dma_semaphore, #tpu.memory_space<semaphore_mem>> -> memref<1x!tpu.dma_semaphore, #tpu.memory_space<semaphore_mem>>
    %dma_start3A_119 = tpu.memref_squeeze %dma_start3A_118 : memref<1x!tpu.dma_semaphore, #tpu.memory_space<semaphore_mem>> -> memref<!tpu.dma_semaphore, #tpu.memory_space<semaphore_mem>>
    tpu.enqueue_indirect_dma source(%dma_start3A_117 : memref<10000x128xf32, #tpu.memory_space<hbm>>) target(%dma_start3A_111 : memref<80x128xf32, #tpu.memory_space<vmem>>) offsets(%dma_start3A_114 : memref<80xi32, #tpu.memory_space<vmem>>) semaphore(%dma_start3A_119 : memref<!tpu.dma_semaphore, #tpu.memory_space<semaphore_mem>>)
    %dma_wait3A_120 = arith.constant 1 : i32
    %dma_wait3A_121 = arith.constant 1 : i32
    %dma_wait3A_122 = arith.constant 1 : i32
    %dma_wait3A_123 = arith.constant 0 : i32
    %dma_wait3A_124 = arith.constant 0 : i32
    %dma_wait3A_125 = tpu.memref_slice %arg7[%dma_wait3A_121, %dma_wait3A_123, %dma_wait3A_124] : memref<6x2x80xi32, #tpu.memory_space<vmem>> -> memref<1x2x80xi32, #tpu.memory_space<vmem>>
    %dma_wait3A_126 = tpu.memref_squeeze %dma_wait3A_125 : memref<1x2x80xi32, #tpu.memory_space<vmem>> -> memref<2x80xi32, #tpu.memory_space<vmem>>
    %dma_wait3A_127 = arith.constant 0 : i32
    %dma_wait3A_128 = arith.constant 0 : i32
    %dma_wait3A_129 = tpu.memref_slice %arg3[%add3A, %dma_wait3A_120, %dma_wait3A_127, %dma_wait3A_128] : memref<32x125x2x80xi32, #tpu.memory_space<hbm>> -> memref<1x1x2x80xi32, #tpu.memory_space<hbm>>
    %dma_wait3A_130 = tpu.memref_squeeze %dma_wait3A_129 : memref<1x1x2x80xi32, #tpu.memory_space<hbm>> -> memref<2x80xi32, #tpu.memory_space<hbm>>
    %dma_wait3A_131 = tpu.memref_slice %arg9[%dma_wait3A_122] : memref<6x!tpu.dma_semaphore, #tpu.memory_space<semaphore_mem>> -> memref<1x!tpu.dma_semaphore, #tpu.memory_space<semaphore_mem>>
    %dma_wait3A_132 = tpu.memref_squeeze %dma_wait3A_131 : memref<1x!tpu.dma_semaphore, #tpu.memory_space<semaphore_mem>> -> memref<!tpu.dma_semaphore, #tpu.memory_space<semaphore_mem>>
    %dma_wait3A_133 = arith.constant 0 : i32
    %dma_wait3A_134 = arith.constant 0 : i32
    %dma_wait3A_135 = tpu.memref_slice %arg7[%dma_wait3A_121, %dma_wait3A_133, %dma_wait3A_134] : memref<6x2x80xi32, #tpu.memory_space<vmem>> -> memref<1x2x80xi32, #tpu.memory_space<vmem>>
    %dma_wait3A_136 = tpu.memref_squeeze %dma_wait3A_135 : memref<1x2x80xi32, #tpu.memory_space<vmem>> -> memref<2x80xi32, #tpu.memory_space<vmem>>
    %dma_wait3A_137 = arith.constant 0 : i32
    %dma_wait3A_138 = arith.constant 0 : i32
    %dma_wait3A_139 = tpu.memref_slice %arg3[%add3A, %dma_wait3A_120, %dma_wait3A_137, %dma_wait3A_138] : memref<32x125x2x80xi32, #tpu.memory_space<hbm>> -> memref<1x1x2x80xi32, #tpu.memory_space<hbm>>
    %dma_wait3A_140 = tpu.memref_squeeze %dma_wait3A_139 : memref<1x1x2x80xi32, #tpu.memory_space<hbm>> -> memref<2x80xi32, #tpu.memory_space<hbm>>
    tpu.wait_dma2 semaphore(%dma_wait3A_132 : memref<!tpu.dma_semaphore, #tpu.memory_space<semaphore_mem>>) src(%dma_wait3A_140 : memref<2x80xi32, #tpu.memory_space<hbm>>) dst(%dma_wait3A_136 : memref<2x80xi32, #tpu.memory_space<vmem>>)
    %dma_start3A_141 = arith.constant 1 : i32
    %dma_start3A_142 = arith.constant 0 : i32
    %dma_start3A_143 = arith.constant 1 : i32
    %dma_start3A_144 = arith.constant 1 : i32
    %dma_start3A_145 = arith.constant 0 : i32
    %dma_start3A_146 = arith.constant 0 : i32
    %dma_start3A_147 = tpu.memref_slice %arg8[%dma_start3A_143, %dma_start3A_145, %dma_start3A_146] : memref<3x80x128xf32, #tpu.memory_space<vmem>> -> memref<1x80x128xf32, #tpu.memory_space<vmem>>
    %dma_start3A_148 = tpu.memref_squeeze %dma_start3A_147 : memref<1x80x128xf32, #tpu.memory_space<vmem>> -> memref<80x128xf32, #tpu.memory_space<vmem>>
    %dma_start3A_149 = arith.constant 0 : i32
    %dma_start3A_150 = tpu.memref_slice %arg7[%dma_start3A_141, %dma_start3A_142, %dma_start3A_149] : memref<6x2x80xi32, #tpu.memory_space<vmem>> -> memref<1x1x80xi32, #tpu.memory_space<vmem>>
    %dma_start3A_151 = tpu.memref_squeeze %dma_start3A_150 : memref<1x1x80xi32, #tpu.memory_space<vmem>> -> memref<80xi32, #tpu.memory_space<vmem>>
    %dma_start3A_152 = arith.constant 0 : i32
    %dma_start3A_153 = arith.constant 0 : i32
    %dma_start3A_154 = tpu.memref_slice %arg2[%dma_start3A_152, %dma_start3A_153] : memref<10000x128xf32, #tpu.memory_space<hbm>> -> memref<10000x128xf32, #tpu.memory_space<hbm>>
    %dma_start3A_155 = tpu.memref_slice %arg10[%dma_start3A_144] : memref<3x!tpu.dma_semaphore, #tpu.memory_space<semaphore_mem>> -> memref<1x!tpu.dma_semaphore, #tpu.memory_space<semaphore_mem>>
    %dma_start3A_156 = tpu.memref_squeeze %dma_start3A_155 : memref<1x!tpu.dma_semaphore, #tpu.memory_space<semaphore_mem>> -> memref<!tpu.dma_semaphore, #tpu.memory_space<semaphore_mem>>
    tpu.enqueue_indirect_dma source(%dma_start3A_154 : memref<10000x128xf32, #tpu.memory_space<hbm>>) target(%dma_start3A_148 : memref<80x128xf32, #tpu.memory_space<vmem>>) offsets(%dma_start3A_151 : memref<80xi32, #tpu.memory_space<vmem>>) semaphore(%dma_start3A_156 : memref<!tpu.dma_semaphore, #tpu.memory_space<semaphore_mem>>)
    %mul3A_157 = arith.constant 624 : i32
    %mul3A_158 = arith.muli %arg1, %mul3A_157 : i32
    "tpu.region"() ({
      %run_scoped3A = tpu.sem_alloc : memref<!tpu.dma_semaphore, #tpu.memory_space<semaphore_mem>>
      %dma_start3A_191 = arith.constant 0 : i32
      %dma_start3A_192 = tpu.memref_slice %arg6[%mul3A_158, %dma_start3A_191] : memref<10000x128xf32, #tpu.memory_space<vmem_shared>> -> memref<624x128xf32, #tpu.memory_space<vmem_shared>>
      %dma_start3A_193 = arith.constant 0 : i32
      %dma_start3A_194 = arith.constant 0 : i32
      %dma_start3A_195 = tpu.memref_slice %arg4[%dma_start3A_193, %dma_start3A_194] : memref<625x128xf32, #tpu.memory_space<hbm>> -> memref<624x128xf32, #tpu.memory_space<hbm>>
      tpu.enqueue_dma source(%dma_start3A_195 : memref<624x128xf32, #tpu.memory_space<hbm>>) target(%dma_start3A_192 : memref<624x128xf32, #tpu.memory_space<vmem_shared>>) target_semaphore(%run_scoped3A : memref<!tpu.dma_semaphore, #tpu.memory_space<semaphore_mem>>)
      %dma_wait3A_196 = arith.constant 0 : i32
      %dma_wait3A_197 = tpu.memref_slice %arg6[%mul3A_158, %dma_wait3A_196] : memref<10000x128xf32, #tpu.memory_space<vmem_shared>> -> memref<624x128xf32, #tpu.memory_space<vmem_shared>>
      %dma_wait3A_198 = arith.constant 0 : i32
      %dma_wait3A_199 = arith.constant 0 : i32
      %dma_wait3A_200 = tpu.memref_slice %arg4[%dma_wait3A_198, %dma_wait3A_199] : memref<625x128xf32, #tpu.memory_space<hbm>> -> memref<624x128xf32, #tpu.memory_space<hbm>>
      tpu.wait_dma2 semaphore(%run_scoped3A : memref<!tpu.dma_semaphore, #tpu.memory_space<semaphore_mem>>) src(%dma_wait3A_200 : memref<624x128xf32, #tpu.memory_space<hbm>>) dst(%dma_wait3A_197 : memref<624x128xf32, #tpu.memory_space<vmem_shared>>)
      tpu.yield
    }) : () -> ()
    %eq3A = arith.constant 15 : i32
    %eq3A_159 = arith.cmpi eq, %arg1, %eq3A : i32
    %convert_element_type3A = arith.extui %eq3A_159 : i1 to i32
    %cond3A = arith.constant 0 : i32
    %cond3A_160 = arith.cmpi ne, %convert_element_type3A, %cond3A : i32
    scf.if %cond3A_160 {
      "tpu.region"() ({
        %run_scoped3A = tpu.sem_alloc : memref<!tpu.dma_semaphore, #tpu.memory_space<semaphore_mem>>
        %dma_start3A_191 = arith.constant 9984 : i32
        %dma_start3A_192 = arith.constant 0 : i32
        %dma_start3A_193 = tpu.memref_slice %arg6[%dma_start3A_191, %dma_start3A_192] : memref<10000x128xf32, #tpu.memory_space<vmem_shared>> -> memref<16x128xf32, #tpu.memory_space<vmem_shared>>
        %dma_start3A_194 = arith.constant 0 : i32
        %dma_start3A_195 = arith.constant 0 : i32
        %dma_start3A_196 = tpu.memref_slice %arg4[%dma_start3A_194, %dma_start3A_195] : memref<625x128xf32, #tpu.memory_space<hbm>> -> memref<16x128xf32, #tpu.memory_space<hbm>>
        tpu.enqueue_dma source(%dma_start3A_196 : memref<16x128xf32, #tpu.memory_space<hbm>>) target(%dma_start3A_193 : memref<16x128xf32, #tpu.memory_space<vmem_shared>>) target_semaphore(%run_scoped3A : memref<!tpu.dma_semaphore, #tpu.memory_space<semaphore_mem>>)
        %dma_wait3A_197 = arith.constant 9984 : i32
        %dma_wait3A_198 = arith.constant 0 : i32
        %dma_wait3A_199 = tpu.memref_slice %arg6[%dma_wait3A_197, %dma_wait3A_198] : memref<10000x128xf32, #tpu.memory_space<vmem_shared>> -> memref<16x128xf32, #tpu.memory_space<vmem_shared>>
        %dma_wait3A_200 = arith.constant 0 : i32
        %dma_wait3A_201 = arith.constant 0 : i32
        %dma_wait3A_202 = tpu.memref_slice %arg4[%dma_wait3A_200, %dma_wait3A_201] : memref<625x128xf32, #tpu.memory_space<hbm>> -> memref<16x128xf32, #tpu.memory_space<hbm>>
        tpu.wait_dma2 semaphore(%run_scoped3A : memref<!tpu.dma_semaphore, #tpu.memory_space<semaphore_mem>>) src(%dma_wait3A_202 : memref<16x128xf32, #tpu.memory_space<hbm>>) dst(%dma_wait3A_199 : memref<16x128xf32, #tpu.memory_space<vmem_shared>>)
        tpu.yield
      }) : () -> ()
    } else {
    }
    %barrier3A = arith.constant 0 : index
    tpu.barrier barrier_id(%barrier3A)
    %scan3A = arith.constant 0 : i32
    %scan3A_161 = arith.constant 125 : i32
    %scan3A_162 = arith.addi %scan3A, %scan3A_161 : i32
    %scan3A_163 = arith.constant 1 : i32
    scf.for %scan3A_191 = %scan3A to %scan3A_162 step %scan3A_163  : i32 {
      %rem3A = arith.constant 3 : i32
      %rem3A_192 = arith.remsi %scan3A_191, %rem3A : i32
      %rem3A_193 = arith.constant 6 : i32
      %rem3A_194 = arith.remsi %scan3A_191, %rem3A_193 : i32
      %add3A_195 = arith.constant 3 : i32
      %add3A_196 = arith.addi %scan3A_191, %add3A_195 : i32
      %sub3A = arith.constant 1 : i32
      %sub3A_197 = arith.subi %add3A_196, %sub3A : i32
      %rem3A_198 = arith.constant 3 : i32
      %rem3A_199 = arith.remsi %sub3A_197, %rem3A_198 : i32
      %add3A_200 = arith.constant 3 : i32
      %add3A_201 = arith.addi %scan3A_191, %add3A_200 : i32
      %sub3A_202 = arith.constant 1 : i32
      %sub3A_203 = arith.subi %add3A_201, %sub3A_202 : i32
      %rem3A_204 = arith.constant 6 : i32
      %rem3A_205 = arith.remsi %sub3A_203, %rem3A_204 : i32
      %ge3A = arith.constant 1 : i32
      %ge3A_206 = arith.cmpi sge, %scan3A_191, %ge3A : i32
      %convert_element_type3A_207 = arith.extui %ge3A_206 : i1 to i32
      %cond3A_208 = arith.constant 0 : i32
      %cond3A_209 = arith.cmpi ne, %convert_element_type3A_207, %cond3A_208 : i32
      scf.if %cond3A_209 {
        %sub3A_251 = arith.constant 1 : i32
        %sub3A_252 = arith.subi %scan3A_191, %sub3A_251 : i32
        %add3A_253 = arith.constant 6 : i32
        %add3A_254 = arith.addi %scan3A_191, %add3A_253 : i32
        %sub3A_255 = arith.constant 1 : i32
        %sub3A_256 = arith.subi %add3A_254, %sub3A_255 : i32
        %rem3A_257 = arith.constant 6 : i32
        %rem3A_258 = arith.remsi %sub3A_256, %rem3A_257 : i32
        %dma_wait3A_259 = arith.constant 1 : i32
        %dma_wait3A_260 = arith.constant 0 : i32
        %dma_wait3A_261 = arith.constant 0 : i32
        %dma_wait3A_262 = tpu.memref_slice %arg8[%rem3A_199, %dma_wait3A_260, %dma_wait3A_261] : memref<3x80x128xf32, #tpu.memory_space<vmem>> -> memref<1x80x128xf32, #tpu.memory_space<vmem>>
        %dma_wait3A_263 = tpu.memref_squeeze %dma_wait3A_262 : memref<1x80x128xf32, #tpu.memory_space<vmem>> -> memref<80x128xf32, #tpu.memory_space<vmem>>
        %dma_wait3A_264 = arith.constant 0 : i32
        %dma_wait3A_265 = tpu.memref_slice %arg7[%rem3A_258, %dma_wait3A_259, %dma_wait3A_264] : memref<6x2x80xi32, #tpu.memory_space<vmem>> -> memref<1x1x80xi32, #tpu.memory_space<vmem>>
        %dma_wait3A_266 = tpu.memref_squeeze %dma_wait3A_265 : memref<1x1x80xi32, #tpu.memory_space<vmem>> -> memref<80xi32, #tpu.memory_space<vmem>>
        %dma_wait3A_267 = arith.constant 0 : i32
        %dma_wait3A_268 = arith.constant 0 : i32
        %dma_wait3A_269 = tpu.memref_slice %arg6[%dma_wait3A_267, %dma_wait3A_268] : memref<10000x128xf32, #tpu.memory_space<vmem_shared>> -> memref<10000x128xf32, #tpu.memory_space<vmem_shared>>
        %dma_wait3A_270 = tpu.memref_slice %arg11[%rem3A_199] : memref<3x!tpu.dma_semaphore, #tpu.memory_space<semaphore_mem>> -> memref<1x!tpu.dma_semaphore, #tpu.memory_space<semaphore_mem>>
        %dma_wait3A_271 = tpu.memref_squeeze %dma_wait3A_270 : memref<1x!tpu.dma_semaphore, #tpu.memory_space<semaphore_mem>> -> memref<!tpu.dma_semaphore, #tpu.memory_space<semaphore_mem>>
        tpu.wait_indirect_dma semaphore(%dma_wait3A_271 : memref<!tpu.dma_semaphore, #tpu.memory_space<semaphore_mem>>) src(%dma_wait3A_263 : memref<80x128xf32, #tpu.memory_space<vmem>>) dst(%dma_wait3A_269 : memref<10000x128xf32, #tpu.memory_space<vmem_shared>>)
      } else {
      }
      %add3A_210 = arith.constant 3 : i32
      %add3A_211 = arith.addi %scan3A_191, %add3A_210 : i32
      %sub3A_212 = arith.constant 1 : i32
      %sub3A_213 = arith.subi %add3A_211, %sub3A_212 : i32
      %lt3A = arith.constant 125 : i32
      %lt3A_214 = arith.cmpi slt, %sub3A_213, %lt3A : i32
      %convert_element_type3A_215 = arith.extui %lt3A_214 : i1 to i32
      %cond3A_216 = arith.constant 0 : i32
      %cond3A_217 = arith.cmpi ne, %convert_element_type3A_215, %cond3A_216 : i32
      scf.if %cond3A_217 {
        %add3A_251 = arith.constant 3 : i32
        %add3A_252 = arith.addi %scan3A_191, %add3A_251 : i32
        %sub3A_253 = arith.constant 1 : i32
        %sub3A_254 = arith.subi %add3A_252, %sub3A_253 : i32
        %dma_wait3A_255 = arith.constant 0 : i32
        %dma_wait3A_256 = arith.constant 0 : i32
        %dma_wait3A_257 = tpu.memref_slice %arg7[%rem3A_205, %dma_wait3A_255, %dma_wait3A_256] : memref<6x2x80xi32, #tpu.memory_space<vmem>> -> memref<1x2x80xi32, #tpu.memory_space<vmem>>
        %dma_wait3A_258 = tpu.memref_squeeze %dma_wait3A_257 : memref<1x2x80xi32, #tpu.memory_space<vmem>> -> memref<2x80xi32, #tpu.memory_space<vmem>>
        %dma_wait3A_259 = arith.constant 0 : i32
        %dma_wait3A_260 = arith.constant 0 : i32
        %dma_wait3A_261 = tpu.memref_slice %arg3[%add3A, %sub3A_254, %dma_wait3A_259, %dma_wait3A_260] : memref<32x125x2x80xi32, #tpu.memory_space<hbm>> -> memref<1x1x2x80xi32, #tpu.memory_space<hbm>>
        %dma_wait3A_262 = tpu.memref_squeeze %dma_wait3A_261 : memref<1x1x2x80xi32, #tpu.memory_space<hbm>> -> memref<2x80xi32, #tpu.memory_space<hbm>>
        %dma_wait3A_263 = tpu.memref_slice %arg9[%rem3A_205] : memref<6x!tpu.dma_semaphore, #tpu.memory_space<semaphore_mem>> -> memref<1x!tpu.dma_semaphore, #tpu.memory_space<semaphore_mem>>
        %dma_wait3A_264 = tpu.memref_squeeze %dma_wait3A_263 : memref<1x!tpu.dma_semaphore, #tpu.memory_space<semaphore_mem>> -> memref<!tpu.dma_semaphore, #tpu.memory_space<semaphore_mem>>
        %dma_wait3A_265 = arith.constant 0 : i32
        %dma_wait3A_266 = arith.constant 0 : i32
        %dma_wait3A_267 = tpu.memref_slice %arg7[%rem3A_205, %dma_wait3A_265, %dma_wait3A_266] : memref<6x2x80xi32, #tpu.memory_space<vmem>> -> memref<1x2x80xi32, #tpu.memory_space<vmem>>
        %dma_wait3A_268 = tpu.memref_squeeze %dma_wait3A_267 : memref<1x2x80xi32, #tpu.memory_space<vmem>> -> memref<2x80xi32, #tpu.memory_space<vmem>>
        %dma_wait3A_269 = arith.constant 0 : i32
        %dma_wait3A_270 = arith.constant 0 : i32
        %dma_wait3A_271 = tpu.memref_slice %arg3[%add3A, %sub3A_254, %dma_wait3A_269, %dma_wait3A_270] : memref<32x125x2x80xi32, #tpu.memory_space<hbm>> -> memref<1x1x2x80xi32, #tpu.memory_space<hbm>>
        %dma_wait3A_272 = tpu.memref_squeeze %dma_wait3A_271 : memref<1x1x2x80xi32, #tpu.memory_space<hbm>> -> memref<2x80xi32, #tpu.memory_space<hbm>>
        tpu.wait_dma2 semaphore(%dma_wait3A_264 : memref<!tpu.dma_semaphore, #tpu.memory_space<semaphore_mem>>) src(%dma_wait3A_272 : memref<2x80xi32, #tpu.memory_space<hbm>>) dst(%dma_wait3A_268 : memref<2x80xi32, #tpu.memory_space<vmem>>)
        %add3A_273 = arith.constant 3 : i32
        %add3A_274 = arith.addi %scan3A_191, %add3A_273 : i32
        %sub3A_275 = arith.constant 1 : i32
        %sub3A_276 = arith.subi %add3A_274, %sub3A_275 : i32
        %dma_start3A_277 = arith.constant 0 : i32
        %dma_start3A_278 = arith.constant 0 : i32
        %dma_start3A_279 = arith.constant 0 : i32
        %dma_start3A_280 = tpu.memref_slice %arg8[%rem3A_199, %dma_start3A_278, %dma_start3A_279] : memref<3x80x128xf32, #tpu.memory_space<vmem>> -> memref<1x80x128xf32, #tpu.memory_space<vmem>>
        %dma_start3A_281 = tpu.memref_squeeze %dma_start3A_280 : memref<1x80x128xf32, #tpu.memory_space<vmem>> -> memref<80x128xf32, #tpu.memory_space<vmem>>
        %dma_start3A_282 = arith.constant 0 : i32
        %dma_start3A_283 = tpu.memref_slice %arg7[%rem3A_205, %dma_start3A_277, %dma_start3A_282] : memref<6x2x80xi32, #tpu.memory_space<vmem>> -> memref<1x1x80xi32, #tpu.memory_space<vmem>>
        %dma_start3A_284 = tpu.memref_squeeze %dma_start3A_283 : memref<1x1x80xi32, #tpu.memory_space<vmem>> -> memref<80xi32, #tpu.memory_space<vmem>>
        %dma_start3A_285 = arith.constant 0 : i32
        %dma_start3A_286 = arith.constant 0 : i32
        %dma_start3A_287 = tpu.memref_slice %arg2[%dma_start3A_285, %dma_start3A_286] : memref<10000x128xf32, #tpu.memory_space<hbm>> -> memref<10000x128xf32, #tpu.memory_space<hbm>>
        %dma_start3A_288 = tpu.memref_slice %arg10[%rem3A_199] : memref<3x!tpu.dma_semaphore, #tpu.memory_space<semaphore_mem>> -> memref<1x!tpu.dma_semaphore, #tpu.memory_space<semaphore_mem>>
        %dma_start3A_289 = tpu.memref_squeeze %dma_start3A_288 : memref<1x!tpu.dma_semaphore, #tpu.memory_space<semaphore_mem>> -> memref<!tpu.dma_semaphore, #tpu.memory_space<semaphore_mem>>
        tpu.enqueue_indirect_dma source(%dma_start3A_287 : memref<10000x128xf32, #tpu.memory_space<hbm>>) target(%dma_start3A_281 : memref<80x128xf32, #tpu.memory_space<vmem>>) offsets(%dma_start3A_284 : memref<80xi32, #tpu.memory_space<vmem>>) semaphore(%dma_start3A_289 : memref<!tpu.dma_semaphore, #tpu.memory_space<semaphore_mem>>)
      } else {
      }
      %add3A_218 = arith.constant 4 : i32
      %add3A_219 = arith.addi %scan3A_191, %add3A_218 : i32
      %lt3A_220 = arith.constant 125 : i32
      %lt3A_221 = arith.cmpi slt, %add3A_219, %lt3A_220 : i32
      %convert_element_type3A_222 = arith.extui %lt3A_221 : i1 to i32
      %cond3A_223 = arith.constant 0 : i32
      %cond3A_224 = arith.cmpi ne, %convert_element_type3A_222, %cond3A_223 : i32
      scf.if %cond3A_224 {
        %add3A_251 = arith.constant 4 : i32
        %add3A_252 = arith.addi %scan3A_191, %add3A_251 : i32
        %add3A_253 = arith.constant 4 : i32
        %add3A_254 = arith.addi %scan3A_191, %add3A_253 : i32
        %rem3A_255 = arith.constant 6 : i32
        %rem3A_256 = arith.remsi %add3A_254, %rem3A_255 : i32
        %dma_start3A_257 = arith.constant 0 : i32
        %dma_start3A_258 = arith.constant 0 : i32
        %dma_start3A_259 = tpu.memref_slice %arg7[%rem3A_256, %dma_start3A_257, %dma_start3A_258] : memref<6x2x80xi32, #tpu.memory_space<vmem>> -> memref<1x2x80xi32, #tpu.memory_space<vmem>>
        %dma_start3A_260 = tpu.memref_squeeze %dma_start3A_259 : memref<1x2x80xi32, #tpu.memory_space<vmem>> -> memref<2x80xi32, #tpu.memory_space<vmem>>
        %dma_start3A_261 = arith.constant 0 : i32
        %dma_start3A_262 = arith.constant 0 : i32
        %dma_start3A_263 = tpu.memref_slice %arg3[%add3A, %add3A_252, %dma_start3A_261, %dma_start3A_262] : memref<32x125x2x80xi32, #tpu.memory_space<hbm>> -> memref<1x1x2x80xi32, #tpu.memory_space<hbm>>
        %dma_start3A_264 = tpu.memref_squeeze %dma_start3A_263 : memref<1x1x2x80xi32, #tpu.memory_space<hbm>> -> memref<2x80xi32, #tpu.memory_space<hbm>>
        %dma_start3A_265 = tpu.memref_slice %arg9[%rem3A_256] : memref<6x!tpu.dma_semaphore, #tpu.memory_space<semaphore_mem>> -> memref<1x!tpu.dma_semaphore, #tpu.memory_space<semaphore_mem>>
        %dma_start3A_266 = tpu.memref_squeeze %dma_start3A_265 : memref<1x!tpu.dma_semaphore, #tpu.memory_space<semaphore_mem>> -> memref<!tpu.dma_semaphore, #tpu.memory_space<semaphore_mem>>
        %dma_start3A_267 = arith.constant 0 : i32
        %dma_start3A_268 = arith.constant 0 : i32
        %dma_start3A_269 = tpu.memref_slice %arg7[%rem3A_256, %dma_start3A_267, %dma_start3A_268] : memref<6x2x80xi32, #tpu.memory_space<vmem>> -> memref<1x2x80xi32, #tpu.memory_space<vmem>>
        %dma_start3A_270 = tpu.memref_squeeze %dma_start3A_269 : memref<1x2x80xi32, #tpu.memory_space<vmem>> -> memref<2x80xi32, #tpu.memory_space<vmem>>
        %dma_start3A_271 = arith.constant 0 : i32
        %dma_start3A_272 = arith.constant 0 : i32
        %dma_start3A_273 = tpu.memref_slice %arg3[%add3A, %add3A_252, %dma_start3A_271, %dma_start3A_272] : memref<32x125x2x80xi32, #tpu.memory_space<hbm>> -> memref<1x1x2x80xi32, #tpu.memory_space<hbm>>
        %dma_start3A_274 = tpu.memref_squeeze %dma_start3A_273 : memref<1x1x2x80xi32, #tpu.memory_space<hbm>> -> memref<2x80xi32, #tpu.memory_space<hbm>>
        tpu.enqueue_dma source(%dma_start3A_274 : memref<2x80xi32, #tpu.memory_space<hbm>>) target(%dma_start3A_270 : memref<2x80xi32, #tpu.memory_space<vmem>>) target_semaphore(%dma_start3A_266 : memref<!tpu.dma_semaphore, #tpu.memory_space<semaphore_mem>>)
      } else {
      }
      %dma_wait3A_225 = arith.constant 0 : i32
      %dma_wait3A_226 = arith.constant 0 : i32
      %dma_wait3A_227 = arith.constant 0 : i32
      %dma_wait3A_228 = tpu.memref_slice %arg8[%rem3A_192, %dma_wait3A_226, %dma_wait3A_227] : memref<3x80x128xf32, #tpu.memory_space<vmem>> -> memref<1x80x128xf32, #tpu.memory_space<vmem>>
      %dma_wait3A_229 = tpu.memref_squeeze %dma_wait3A_228 : memref<1x80x128xf32, #tpu.memory_space<vmem>> -> memref<80x128xf32, #tpu.memory_space<vmem>>
      %dma_wait3A_230 = arith.constant 0 : i32
      %dma_wait3A_231 = tpu.memref_slice %arg7[%rem3A_194, %dma_wait3A_225, %dma_wait3A_230] : memref<6x2x80xi32, #tpu.memory_space<vmem>> -> memref<1x1x80xi32, #tpu.memory_space<vmem>>
      %dma_wait3A_232 = tpu.memref_squeeze %dma_wait3A_231 : memref<1x1x80xi32, #tpu.memory_space<vmem>> -> memref<80xi32, #tpu.memory_space<vmem>>
      %dma_wait3A_233 = arith.constant 0 : i32
      %dma_wait3A_234 = arith.constant 0 : i32
      %dma_wait3A_235 = tpu.memref_slice %arg2[%dma_wait3A_233, %dma_wait3A_234] : memref<10000x128xf32, #tpu.memory_space<hbm>> -> memref<10000x128xf32, #tpu.memory_space<hbm>>
      %dma_wait3A_236 = tpu.memref_slice %arg10[%rem3A_192] : memref<3x!tpu.dma_semaphore, #tpu.memory_space<semaphore_mem>> -> memref<1x!tpu.dma_semaphore, #tpu.memory_space<semaphore_mem>>
      %dma_wait3A_237 = tpu.memref_squeeze %dma_wait3A_236 : memref<1x!tpu.dma_semaphore, #tpu.memory_space<semaphore_mem>> -> memref<!tpu.dma_semaphore, #tpu.memory_space<semaphore_mem>>
      tpu.wait_indirect_dma semaphore(%dma_wait3A_237 : memref<!tpu.dma_semaphore, #tpu.memory_space<semaphore_mem>>) src(%dma_wait3A_235 : memref<10000x128xf32, #tpu.memory_space<hbm>>) dst(%dma_wait3A_229 : memref<80x128xf32, #tpu.memory_space<vmem>>)
      %dma_start3A_238 = arith.constant 1 : i32
      %dma_start3A_239 = arith.constant 0 : i32
      %dma_start3A_240 = arith.constant 0 : i32
      %dma_start3A_241 = tpu.memref_slice %arg8[%rem3A_192, %dma_start3A_239, %dma_start3A_240] : memref<3x80x128xf32, #tpu.memory_space<vmem>> -> memref<1x80x128xf32, #tpu.memory_space<vmem>>
      %dma_start3A_242 = tpu.memref_squeeze %dma_start3A_241 : memref<1x80x128xf32, #tpu.memory_space<vmem>> -> memref<80x128xf32, #tpu.memory_space<vmem>>
      %dma_start3A_243 = arith.constant 0 : i32
      %dma_start3A_244 = tpu.memref_slice %arg7[%rem3A_194, %dma_start3A_238, %dma_start3A_243] : memref<6x2x80xi32, #tpu.memory_space<vmem>> -> memref<1x1x80xi32, #tpu.memory_space<vmem>>
      %dma_start3A_245 = tpu.memref_squeeze %dma_start3A_244 : memref<1x1x80xi32, #tpu.memory_space<vmem>> -> memref<80xi32, #tpu.memory_space<vmem>>
      %dma_start3A_246 = arith.constant 0 : i32
      %dma_start3A_247 = arith.constant 0 : i32
      %dma_start3A_248 = tpu.memref_slice %arg6[%dma_start3A_246, %dma_start3A_247] : memref<10000x128xf32, #tpu.memory_space<vmem_shared>> -> memref<10000x128xf32, #tpu.memory_space<vmem_shared>>
      %dma_start3A_249 = tpu.memref_slice %arg11[%rem3A_192] : memref<3x!tpu.dma_semaphore, #tpu.memory_space<semaphore_mem>> -> memref<1x!tpu.dma_semaphore, #tpu.memory_space<semaphore_mem>>
      %dma_start3A_250 = tpu.memref_squeeze %dma_start3A_249 : memref<1x!tpu.dma_semaphore, #tpu.memory_space<semaphore_mem>> -> memref<!tpu.dma_semaphore, #tpu.memory_space<semaphore_mem>>
      tpu.enqueue_indirect_dma source(%dma_start3A_242 : memref<80x128xf32, #tpu.memory_space<vmem>>) target(%dma_start3A_248 : memref<10000x128xf32, #tpu.memory_space<vmem_shared>>) offsets(%dma_start3A_245 : memref<80xi32, #tpu.memory_space<vmem>>) semaphore(%dma_start3A_250 : memref<!tpu.dma_semaphore, #tpu.memory_space<semaphore_mem>>) {add = true}
    }
    %scan3A_164 = arith.constant 125 : i32
    %dma_wait3A_165 = arith.constant 1 : i32
    %dma_wait3A_166 = arith.constant 4 : i32
    %dma_wait3A_167 = arith.constant 1 : i32
    %dma_wait3A_168 = arith.constant 1 : i32
    %dma_wait3A_169 = arith.constant 0 : i32
    %dma_wait3A_170 = arith.constant 0 : i32
    %dma_wait3A_171 = tpu.memref_slice %arg8[%dma_wait3A_165, %dma_wait3A_169, %dma_wait3A_170] : memref<3x80x128xf32, #tpu.memory_space<vmem>> -> memref<1x80x128xf32, #tpu.memory_space<vmem>>
    %dma_wait3A_172 = tpu.memref_squeeze %dma_wait3A_171 : memref<1x80x128xf32, #tpu.memory_space<vmem>> -> memref<80x128xf32, #tpu.memory_space<vmem>>
    %dma_wait3A_173 = arith.constant 0 : i32
    %dma_wait3A_174 = tpu.memref_slice %arg7[%dma_wait3A_166, %dma_wait3A_167, %dma_wait3A_173] : memref<6x2x80xi32, #tpu.memory_space<vmem>> -> memref<1x1x80xi32, #tpu.memory_space<vmem>>
    %dma_wait3A_175 = tpu.memref_squeeze %dma_wait3A_174 : memref<1x1x80xi32, #tpu.memory_space<vmem>> -> memref<80xi32, #tpu.memory_space<vmem>>
    %dma_wait3A_176 = arith.constant 0 : i32
    %dma_wait3A_177 = arith.constant 0 : i32
    %dma_wait3A_178 = tpu.memref_slice %arg6[%dma_wait3A_176, %dma_wait3A_177] : memref<10000x128xf32, #tpu.memory_space<vmem_shared>> -> memref<10000x128xf32, #tpu.memory_space<vmem_shared>>
    %dma_wait3A_179 = tpu.memref_slice %arg11[%dma_wait3A_168] : memref<3x!tpu.dma_semaphore, #tpu.memory_space<semaphore_mem>> -> memref<1x!tpu.dma_semaphore, #tpu.memory_space<semaphore_mem>>
    %dma_wait3A_180 = tpu.memref_squeeze %dma_wait3A_179 : memref<1x!tpu.dma_semaphore, #tpu.memory_space<semaphore_mem>> -> memref<!tpu.dma_semaphore, #tpu.memory_space<semaphore_mem>>
    tpu.wait_indirect_dma semaphore(%dma_wait3A_180 : memref<!tpu.dma_semaphore, #tpu.memory_space<semaphore_mem>>) src(%dma_wait3A_172 : memref<80x128xf32, #tpu.memory_space<vmem>>) dst(%dma_wait3A_178 : memref<10000x128xf32, #tpu.memory_space<vmem_shared>>)
    %barrier3A_181 = arith.constant 0 : index
    tpu.barrier barrier_id(%barrier3A_181)
    %mul3A_182 = arith.constant 624 : i32
    %mul3A_183 = arith.muli %arg1, %mul3A_182 : i32
    %mul3A_184 = arith.constant 624 : i32
    %mul3A_185 = arith.muli %arg1, %mul3A_184 : i32
    "tpu.region"() ({
      %run_scoped3A = tpu.sem_alloc : memref<!tpu.dma_semaphore, #tpu.memory_space<semaphore_mem>>
      %dma_start3A_191 = arith.constant 0 : i32
      %dma_start3A_192 = tpu.memref_slice %arg5[%arg0, %mul3A_185, %dma_start3A_191] : memref<2x10000x128xf32, #tpu.memory_space<hbm>> -> memref<1x624x128xf32, #tpu.memory_space<hbm>>
      %dma_start3A_193 = tpu.memref_squeeze %dma_start3A_192 : memref<1x624x128xf32, #tpu.memory_space<hbm>> -> memref<624x128xf32, #tpu.memory_space<hbm>>
      %dma_start3A_194 = arith.constant 0 : i32
      %dma_start3A_195 = tpu.memref_slice %arg6[%mul3A_183, %dma_start3A_194] : memref<10000x128xf32, #tpu.memory_space<vmem_shared>> -> memref<624x128xf32, #tpu.memory_space<vmem_shared>>
      tpu.enqueue_dma source(%dma_start3A_195 : memref<624x128xf32, #tpu.memory_space<vmem_shared>>) target(%dma_start3A_193 : memref<624x128xf32, #tpu.memory_space<hbm>>) target_semaphore(%run_scoped3A : memref<!tpu.dma_semaphore, #tpu.memory_space<semaphore_mem>>)
      %dma_wait3A_196 = arith.constant 0 : i32
      %dma_wait3A_197 = tpu.memref_slice %arg5[%arg0, %mul3A_185, %dma_wait3A_196] : memref<2x10000x128xf32, #tpu.memory_space<hbm>> -> memref<1x624x128xf32, #tpu.memory_space<hbm>>
      %dma_wait3A_198 = tpu.memref_squeeze %dma_wait3A_197 : memref<1x624x128xf32, #tpu.memory_space<hbm>> -> memref<624x128xf32, #tpu.memory_space<hbm>>
      %dma_wait3A_199 = arith.constant 0 : i32
      %dma_wait3A_200 = tpu.memref_slice %arg6[%mul3A_183, %dma_wait3A_199] : memref<10000x128xf32, #tpu.memory_space<vmem_shared>> -> memref<624x128xf32, #tpu.memory_space<vmem_shared>>
      tpu.wait_dma2 semaphore(%run_scoped3A : memref<!tpu.dma_semaphore, #tpu.memory_space<semaphore_mem>>) src(%dma_wait3A_200 : memref<624x128xf32, #tpu.memory_space<vmem_shared>>) dst(%dma_wait3A_198 : memref<624x128xf32, #tpu.memory_space<hbm>>)
      tpu.yield
    }) : () -> ()
    %eq3A_186 = arith.constant 15 : i32
    %eq3A_187 = arith.cmpi eq, %arg1, %eq3A_186 : i32
    %convert_element_type3A_188 = arith.extui %eq3A_187 : i1 to i32
    %cond3A_189 = arith.constant 0 : i32
    %cond3A_190 = arith.cmpi ne, %convert_element_type3A_188, %cond3A_189 : i32
    scf.if %cond3A_190 {
      "tpu.region"() ({
        %run_scoped3A = tpu.sem_alloc : memref<!tpu.dma_semaphore, #tpu.memory_space<semaphore_mem>>
        %dma_start3A_191 = arith.constant 9984 : i32
        %dma_start3A_192 = arith.constant 0 : i32
        %dma_start3A_193 = tpu.memref_slice %arg5[%arg0, %dma_start3A_191, %dma_start3A_192] : memref<2x10000x128xf32, #tpu.memory_space<hbm>> -> memref<1x16x128xf32, #tpu.memory_space<hbm>>
        %dma_start3A_194 = tpu.memref_squeeze %dma_start3A_193 : memref<1x16x128xf32, #tpu.memory_space<hbm>> -> memref<16x128xf32, #tpu.memory_space<hbm>>
        %dma_start3A_195 = arith.constant 9984 : i32
        %dma_start3A_196 = arith.constant 0 : i32
        %dma_start3A_197 = tpu.memref_slice %arg6[%dma_start3A_195, %dma_start3A_196] : memref<10000x128xf32, #tpu.memory_space<vmem_shared>> -> memref<16x128xf32, #tpu.memory_space<vmem_shared>>
        tpu.enqueue_dma source(%dma_start3A_197 : memref<16x128xf32, #tpu.memory_space<vmem_shared>>) target(%dma_start3A_194 : memref<16x128xf32, #tpu.memory_space<hbm>>) target_semaphore(%run_scoped3A : memref<!tpu.dma_semaphore, #tpu.memory_space<semaphore_mem>>)
        %dma_wait3A_198 = arith.constant 9984 : i32
        %dma_wait3A_199 = arith.constant 0 : i32
        %dma_wait3A_200 = tpu.memref_slice %arg5[%arg0, %dma_wait3A_198, %dma_wait3A_199] : memref<2x10000x128xf32, #tpu.memory_space<hbm>> -> memref<1x16x128xf32, #tpu.memory_space<hbm>>
        %dma_wait3A_201 = tpu.memref_squeeze %dma_wait3A_200 : memref<1x16x128xf32, #tpu.memory_space<hbm>> -> memref<16x128xf32, #tpu.memory_space<hbm>>
        %dma_wait3A_202 = arith.constant 9984 : i32
        %dma_wait3A_203 = arith.constant 0 : i32
        %dma_wait3A_204 = tpu.memref_slice %arg6[%dma_wait3A_202, %dma_wait3A_203] : memref<10000x128xf32, #tpu.memory_space<vmem_shared>> -> memref<16x128xf32, #tpu.memory_space<vmem_shared>>
        tpu.wait_dma2 semaphore(%run_scoped3A : memref<!tpu.dma_semaphore, #tpu.memory_space<semaphore_mem>>) src(%dma_wait3A_204 : memref<16x128xf32, #tpu.memory_space<vmem_shared>>) dst(%dma_wait3A_201 : memref<16x128xf32, #tpu.memory_space<hbm>>)
        tpu.yield
      }) : () -> ()
    } else {
    }
    return
  }
}

module attributes {stable_mosaic.version = 14 : i64} {
  func.func @_mm0_body(%arg0: i32, %arg1: memref<2000x128xf32, #tpu.memory_space<vmem>>, %arg2: memref<128x128xf32, #tpu.memory_space<vmem>>, %arg3: memref<2000x1xf32, #tpu.memory_space<vmem>>, %arg4: memref<2000x128xf32, #tpu.memory_space<vmem>>) attributes {dimension_semantics = [#tpu.dimension_semantics<arbitrary>], iteration_bounds = array<i64: 5>, scalar_prefetch = 0 : i64, scratch_operands = 0 : i64, tpu.core_type = #tpu.core_type<tc>, window_params = [{transform_indices = @transform_0, window_bounds = array<i64: 2000, 128>}, {pipeline_mode = #tpu.pipeline_mode<synchronous>, transform_indices = @transform_1, window_bounds = array<i64: 128, 128>}, {transform_indices = @transform_2, window_bounds = array<i64: 2000, 1>}, {transform_indices = @transform_3, window_bounds = array<i64: 2000, 128>}]} {
    %get3A = arith.constant 0 : index
    %get3A_0 = arith.constant 0 : index
    %get3A_1 = vector.load %arg1[%get3A, %get3A_0] : memref<2000x128xf32, #tpu.memory_space<vmem>>, vector<2000x128xf32>
    %get3A_2 = arith.constant 0 : index
    %get3A_3 = arith.constant 0 : index
    %get3A_4 = vector.load %arg2[%get3A_2, %get3A_3] : memref<128x128xf32, #tpu.memory_space<vmem>>, vector<128x128xf32>
    %dot_general3A = arith.constant dense<0.000000e+00> : vector<2000x128xf32>
    %dot_general3A_5 = tpu.matmul %get3A_1, %get3A_4, %dot_general3A {dimension_numbers = #tpu.dot_dimension_numbers<[1], [0], [0], [1], [0, 0, 1, 1], [], []>, transpose_lhs_hint = false} : vector<2000x128xf32>, vector<128x128xf32>, vector<2000x128xf32> -> vector<2000x128xf32>
    %get3A_6 = arith.constant 0 : index
    %get3A_7 = arith.constant 0 : index
    %get3A_8 = vector.load %arg3[%get3A_6, %get3A_7] : memref<2000x1xf32, #tpu.memory_space<vmem>>, vector<2000x1xf32>
    %mul3A = vector.broadcast %get3A_8 : vector<2000x1xf32> to vector<2000x128xf32>
    %mul3A_9 = arith.mulf %dot_general3A_5, %mul3A : vector<2000x128xf32>
    %swap3A = arith.constant 0 : index
    %swap3A_10 = arith.constant 0 : index
    %swap3A_11 = vector.load %arg4[%swap3A, %swap3A_10] : memref<2000x128xf32, #tpu.memory_space<vmem>>, vector<2000x128xf32>
    tpu.vector_store %arg4[%swap3A, %swap3A_10], %mul3A_9 {strides = array<i32>} : memref<2000x128xf32, #tpu.memory_space<vmem>>, vector<2000x128xf32>,
    return
  }
  func.func @transform_0(%arg0: i32) -> (i32, i32) {
    %c0_i32 = arith.constant 0 : i32
    %c0_i32_0 = arith.constant 0 : i32
    return %arg0, %c0_i32 : i32, i32
  }
  func.func @transform_1(%arg0: i32) -> (i32, i32) {
    %c0_i32 = arith.constant 0 : i32
    %c0_i32_0 = arith.constant 0 : i32
    %c0_i32_1 = arith.constant 0 : i32
    return %c0_i32, %c0_i32_0 : i32, i32
  }
  func.func @transform_2(%arg0: i32) -> (i32, i32) {
    %c0_i32 = arith.constant 0 : i32
    %c0_i32_0 = arith.constant 0 : i32
    return %arg0, %c0_i32 : i32, i32
  }
  func.func @transform_3(%arg0: i32) -> (i32, i32) {
    %c0_i32 = arith.constant 0 : i32
    %c0_i32_0 = arith.constant 0 : i32
    return %arg0, %c0_i32 : i32, i32
  }
}

module attributes {stable_mosaic.version = 14 : i64} {
  func.func @_layer_body(%arg0: i32, %arg1: memref<2x2000x128xf32, #tpu.memory_space<vmem>>, %arg2: memref<2000x1xf32, #tpu.memory_space<vmem>>, %arg3: memref<2000x1xf32, #tpu.memory_space<vmem>>, %arg4: memref<4x128xf32, #tpu.memory_space<vmem>>, %arg5: memref<4x128xf32, #tpu.memory_space<vmem>>, %arg6: memref<4x128xf32, #tpu.memory_space<vmem>>, %arg7: memref<2000x128xf32, #tpu.memory_space<vmem>>, %arg8: memref<1x128x128xf32, #tpu.memory_space<vmem>>, %arg9: memref<2000x1xf32, #tpu.memory_space<vmem>>, %arg10: memref<2000x128xf32, #tpu.memory_space<vmem>>, %arg11: memref<2000x128xf32, #tpu.memory_space<vmem>>, %arg12: memref<10000x128xf32, #tpu.memory_space<vmem>>, %arg13: memref<1x128xf32, #tpu.memory_space<vmem>>, %arg14: memref<1x128xf32, #tpu.memory_space<vmem>>) attributes {dimension_semantics = [#tpu.dimension_semantics<arbitrary>], iteration_bounds = array<i64: 10>, scalar_prefetch = 0 : i64, scratch_operands = 3 : i64, tpu.core_type = #tpu.core_type<tc>, window_params = [{transform_indices = @transform_0, window_bounds = array<i64: 2, 2000, 128>}, {transform_indices = @transform_1, window_bounds = array<i64: 2000, 1>}, {transform_indices = @transform_2, window_bounds = array<i64: 2000, 1>}, {pipeline_mode = #tpu.pipeline_mode<synchronous>, transform_indices = @transform_3, window_bounds = array<i64: 4, 128>}, {pipeline_mode = #tpu.pipeline_mode<synchronous>, transform_indices = @transform_4, window_bounds = array<i64: 4, 128>}, {pipeline_mode = #tpu.pipeline_mode<synchronous>, transform_indices = @transform_5, window_bounds = array<i64: 4, 128>}, {transform_indices = @transform_6, window_bounds = array<i64: 2000, 128>}, {transform_indices = @transform_7, window_bounds = array<i64: 1, 128, 128>}, {transform_indices = @transform_8, window_bounds = array<i64: 2000, 1>}, {transform_indices = @transform_9, window_bounds = array<i64: 2000, 128>}, {transform_indices = @transform_10, window_bounds = array<i64: 2000, 128>}]} {
    %eq3A = arith.constant 0 : i32
    %eq3A_0 = arith.cmpi eq, %arg0, %eq3A : i32
    %convert_element_type3A = arith.extui %eq3A_0 : i1 to i32
    %cond3A = arith.constant 0 : i32
    %cond3A_1 = arith.cmpi ne, %convert_element_type3A, %cond3A : i32
    scf.if %cond3A_1 {
      %broadcast_in_dim3A = arith.constant 0.000000e+00 : f32
      %broadcast_in_dim3A_10 = vector.broadcast %broadcast_in_dim3A : f32 to vector<1x128xf32>
      %swap3A = arith.constant 0 : index
      %swap3A_11 = arith.constant 0 : index
      %swap3A_12 = vector.load %arg13[%swap3A, %swap3A_11] : memref<1x128xf32, #tpu.memory_space<vmem>>, vector<1x128xf32>
      tpu.vector_store %arg13[%swap3A, %swap3A_11], %broadcast_in_dim3A_10 {strides = array<i32>} : memref<1x128xf32, #tpu.memory_space<vmem>>, vector<1x128xf32>,
      %broadcast_in_dim3A_13 = arith.constant 0.000000e+00 : f32
      %broadcast_in_dim3A_14 = vector.broadcast %broadcast_in_dim3A_13 : f32 to vector<1x128xf32>
      %swap3A_15 = arith.constant 0 : index
      %swap3A_16 = arith.constant 0 : index
      %swap3A_17 = vector.load %arg14[%swap3A_15, %swap3A_16] : memref<1x128xf32, #tpu.memory_space<vmem>>, vector<1x128xf32>
      tpu.vector_store %arg14[%swap3A_15, %swap3A_16], %broadcast_in_dim3A_14 {strides = array<i32>} : memref<1x128xf32, #tpu.memory_space<vmem>>, vector<1x128xf32>,
    } else {
    }
    %lt3A = arith.constant 5 : i32
    %lt3A_2 = arith.cmpi slt, %arg0, %lt3A : i32
    %convert_element_type3A_3 = arith.extui %lt3A_2 : i1 to i32
    %cond3A_4 = arith.constant 0 : i32
    %cond3A_5 = arith.cmpi ne, %convert_element_type3A_3, %cond3A_4 : i32
    scf.if %cond3A_5 {
      %get3A = arith.constant 0 : index
      %get3A_10 = arith.constant 0 : index
      %get3A_11 = arith.constant 0 : index
      %get3A_12 = vector.load %arg1[%get3A, %get3A_10, %get3A_11] : memref<2x2000x128xf32, #tpu.memory_space<vmem>>, vector<1x2000x128xf32>
      %get3A_13 = vector.shape_cast %get3A_12 : vector<1x2000x128xf32> to vector<2000x128xf32>
      %get3A_14 = arith.constant 1 : index
      %get3A_15 = arith.constant 0 : index
      %get3A_16 = arith.constant 0 : index
      %get3A_17 = vector.load %arg1[%get3A_14, %get3A_15, %get3A_16] : memref<2x2000x128xf32, #tpu.memory_space<vmem>>, vector<1x2000x128xf32>
      %get3A_18 = vector.shape_cast %get3A_17 : vector<1x2000x128xf32> to vector<2000x128xf32>
      %add3A = arith.addf %get3A_13, %get3A_18 : vector<2000x128xf32>
      %get3A_19 = arith.constant 0 : index
      %get3A_20 = arith.constant 0 : index
      %get3A_21 = vector.load %arg2[%get3A_19, %get3A_20] : memref<2000x1xf32, #tpu.memory_space<vmem>>, vector<2000x1xf32>
      %mul3A = vector.broadcast %get3A_21 : vector<2000x1xf32> to vector<2000x128xf32>
      %mul3A_22 = arith.mulf %add3A, %mul3A : vector<2000x128xf32>
      %get3A_23 = arith.constant 0 : index
      %get3A_24 = arith.constant 0 : index
      %get3A_25 = vector.load %arg4[%get3A_23, %get3A_24] : memref<4x128xf32, #tpu.memory_space<vmem>>, vector<1x128xf32>
      %add3A_26 = vector.broadcast %get3A_25 : vector<1x128xf32> to vector<2000x128xf32>
      %add3A_27 = arith.addf %mul3A_22, %add3A_26 : vector<2000x128xf32>
      %get3A_28 = arith.constant 0 : index
      %get3A_29 = arith.constant 0 : index
      %get3A_30 = vector.load %arg3[%get3A_28, %get3A_29] : memref<2000x1xf32, #tpu.memory_space<vmem>>, vector<2000x1xf32>
      %mul3A_31 = vector.broadcast %get3A_30 : vector<2000x1xf32> to vector<2000x128xf32>
      %mul3A_32 = arith.mulf %add3A_27, %mul3A_31 : vector<2000x128xf32>
      %mul3A_33 = arith.constant 2000 : i32
      %mul3A_34 = arith.muli %arg0, %mul3A_33 : i32
      %swap3A = arith.index_cast %mul3A_34 : i32 to index
      %swap3A_35 = arith.constant 0 : index
      %swap3A_36 = vector.load %arg12[%swap3A, %swap3A_35] : memref<10000x128xf32, #tpu.memory_space<vmem>>, vector<2000x128xf32>
      tpu.vector_store %arg12[%swap3A, %swap3A_35], %mul3A_32 {strides = array<i32>} : memref<10000x128xf32, #tpu.memory_space<vmem>>, vector<2000x128xf32>,
      %get3A_37 = arith.constant 0 : index
      %get3A_38 = arith.constant 0 : index
      %get3A_39 = vector.load %arg13[%get3A_37, %get3A_38] : memref<1x128xf32, #tpu.memory_space<vmem>>, vector<1x128xf32>
      %reduce_sum3A = arith.constant dense<0.000000e+00> : vector<128xf32>
      %reduce_sum3A_40 = vector.multi_reduction <add>, %mul3A_32, %reduce_sum3A [0] : vector<2000x128xf32> to vector<128xf32>
      %broadcast_in_dim3A = vector.shape_cast %reduce_sum3A_40 : vector<128xf32> to vector<1x128xf32>
      %add3A_41 = arith.addf %get3A_39, %broadcast_in_dim3A : vector<1x128xf32>
      %swap3A_42 = arith.constant 0 : index
      %swap3A_43 = arith.constant 0 : index
      %swap3A_44 = vector.load %arg13[%swap3A_42, %swap3A_43] : memref<1x128xf32, #tpu.memory_space<vmem>>, vector<1x128xf32>
      tpu.vector_store %arg13[%swap3A_42, %swap3A_43], %add3A_41 {strides = array<i32>} : memref<1x128xf32, #tpu.memory_space<vmem>>, vector<1x128xf32>,
      %get3A_45 = arith.constant 0 : index
      %get3A_46 = arith.constant 0 : index
      %get3A_47 = vector.load %arg14[%get3A_45, %get3A_46] : memref<1x128xf32, #tpu.memory_space<vmem>>, vector<1x128xf32>
      %mul3A_48 = arith.mulf %mul3A_32, %mul3A_32 : vector<2000x128xf32>
      %reduce_sum3A_49 = arith.constant dense<0.000000e+00> : vector<128xf32>
      %reduce_sum3A_50 = vector.multi_reduction <add>, %mul3A_48, %reduce_sum3A_49 [0] : vector<2000x128xf32> to vector<128xf32>
      %broadcast_in_dim3A_51 = vector.shape_cast %reduce_sum3A_50 : vector<128xf32> to vector<1x128xf32>
      %add3A_52 = arith.addf %get3A_47, %broadcast_in_dim3A_51 : vector<1x128xf32>
      %swap3A_53 = arith.constant 0 : index
      %swap3A_54 = arith.constant 0 : index
      %swap3A_55 = vector.load %arg14[%swap3A_53, %swap3A_54] : memref<1x128xf32, #tpu.memory_space<vmem>>, vector<1x128xf32>
      tpu.vector_store %arg14[%swap3A_53, %swap3A_54], %add3A_52 {strides = array<i32>} : memref<1x128xf32, #tpu.memory_space<vmem>>, vector<1x128xf32>,
    } else {
    }
    %ge3A = arith.constant 5 : i32
    %ge3A_6 = arith.cmpi sge, %arg0, %ge3A : i32
    %convert_element_type3A_7 = arith.extui %ge3A_6 : i1 to i32
    %cond3A_8 = arith.constant 0 : i32
    %cond3A_9 = arith.cmpi ne, %convert_element_type3A_7, %cond3A_8 : i32
    scf.if %cond3A_9 {
      %sub3A = arith.constant 5 : i32
      %sub3A_10 = arith.subi %arg0, %sub3A : i32
      %mul3A = arith.constant 2000 : i32
      %mul3A_11 = arith.muli %sub3A_10, %mul3A : i32
      %get3A = arith.index_cast %mul3A_11 : i32 to index
      %get3A_12 = arith.constant 0 : index
      %get3A_13 = vector.load %arg12[%get3A, %get3A_12] : memref<10000x128xf32, #tpu.memory_space<vmem>>, vector<2000x128xf32>
      %get3A_14 = arith.constant 0 : index
      %get3A_15 = arith.constant 0 : index
      %get3A_16 = vector.load %arg13[%get3A_14, %get3A_15] : memref<1x128xf32, #tpu.memory_space<vmem>>, vector<1x128xf32>
      %div3A = arith.constant 1.000000e+04 : f32
      %div3A_17 = vector.broadcast %div3A : f32 to vector<1x128xf32>
      %div3A_18 = arith.divf %get3A_16, %div3A_17 : vector<1x128xf32>
      %get3A_19 = arith.constant 0 : index
      %get3A_20 = arith.constant 0 : index
      %get3A_21 = vector.load %arg5[%get3A_19, %get3A_20] : memref<4x128xf32, #tpu.memory_space<vmem>>, vector<1x128xf32>
      %get3A_22 = arith.constant 0 : index
      %get3A_23 = arith.constant 0 : index
      %get3A_24 = vector.load %arg14[%get3A_22, %get3A_23] : memref<1x128xf32, #tpu.memory_space<vmem>>, vector<1x128xf32>
      %div3A_25 = arith.constant 1.000000e+04 : f32
      %div3A_26 = vector.broadcast %div3A_25 : f32 to vector<1x128xf32>
      %div3A_27 = arith.divf %get3A_24, %div3A_26 : vector<1x128xf32>
      %mul3A_28 = arith.mulf %div3A_18, %div3A_18 : vector<1x128xf32>
      %sub3A_29 = arith.subf %div3A_27, %mul3A_28 : vector<1x128xf32>
      %add3A = arith.constant 9.99999974E-6 : f32
      %add3A_30 = vector.broadcast %add3A : f32 to vector<1x128xf32>
      %add3A_31 = arith.addf %sub3A_29, %add3A_30 : vector<1x128xf32>
      %rsqrt3A = math.rsqrt %add3A_31 : vector<1x128xf32>
      %mul3A_32 = arith.mulf %get3A_21, %rsqrt3A : vector<1x128xf32>
      %get3A_33 = arith.constant 0 : index
      %get3A_34 = arith.constant 0 : index
      %get3A_35 = vector.load %arg7[%get3A_33, %get3A_34] : memref<2000x128xf32, #tpu.memory_space<vmem>>, vector<2000x128xf32>
      %sub3A_36 = vector.broadcast %div3A_18 : vector<1x128xf32> to vector<2000x128xf32>
      %sub3A_37 = arith.subf %get3A_13, %sub3A_36 : vector<2000x128xf32>
      %mul3A_38 = vector.broadcast %mul3A_32 : vector<1x128xf32> to vector<2000x128xf32>
      %mul3A_39 = arith.mulf %sub3A_37, %mul3A_38 : vector<2000x128xf32>
      %get3A_40 = arith.constant 0 : index
      %get3A_41 = arith.constant 0 : index
      %get3A_42 = vector.load %arg6[%get3A_40, %get3A_41] : memref<4x128xf32, #tpu.memory_space<vmem>>, vector<1x128xf32>
      %add3A_43 = vector.broadcast %get3A_42 : vector<1x128xf32> to vector<2000x128xf32>
      %add3A_44 = arith.addf %mul3A_39, %add3A_43 : vector<2000x128xf32>
      %max3A = arith.constant 0.000000e+00 : f32
      %max3A_45 = vector.broadcast %max3A : f32 to vector<2000x128xf32>
      %max3A_46 = arith.maximumf %add3A_44, %max3A_45 : vector<2000x128xf32>
      %add3A_47 = arith.addf %get3A_35, %max3A_46 : vector<2000x128xf32>
      %swap3A = arith.constant 0 : index
      %swap3A_48 = arith.constant 0 : index
      %swap3A_49 = vector.load %arg10[%swap3A, %swap3A_48] : memref<2000x128xf32, #tpu.memory_space<vmem>>, vector<2000x128xf32>
      tpu.vector_store %arg10[%swap3A, %swap3A_48], %add3A_47 {strides = array<i32>} : memref<2000x128xf32, #tpu.memory_space<vmem>>, vector<2000x128xf32>,
      %get3A_50 = arith.constant 0 : index
      %get3A_51 = arith.constant 0 : index
      %get3A_52 = arith.constant 0 : index
      %get3A_53 = vector.load %arg8[%get3A_50, %get3A_51, %get3A_52] : memref<1x128x128xf32, #tpu.memory_space<vmem>>, vector<1x128x128xf32>
      %get3A_54 = vector.shape_cast %get3A_53 : vector<1x128x128xf32> to vector<128x128xf32>
      %dot_general3A = arith.constant dense<0.000000e+00> : vector<2000x128xf32>
      %dot_general3A_55 = tpu.matmul %add3A_47, %get3A_54, %dot_general3A {dimension_numbers = #tpu.dot_dimension_numbers<[1], [0], [0], [1], [0, 0, 1, 1], [], []>, transpose_lhs_hint = false} : vector<2000x128xf32>, vector<128x128xf32>, vector<2000x128xf32> -> vector<2000x128xf32>
      %get3A_56 = arith.constant 0 : index
      %get3A_57 = arith.constant 0 : index
      %get3A_58 = vector.load %arg9[%get3A_56, %get3A_57] : memref<2000x1xf32, #tpu.memory_space<vmem>>, vector<2000x1xf32>
      %mul3A_59 = vector.broadcast %get3A_58 : vector<2000x1xf32> to vector<2000x128xf32>
      %mul3A_60 = arith.mulf %dot_general3A_55, %mul3A_59 : vector<2000x128xf32>
      %swap3A_61 = arith.constant 0 : index
      %swap3A_62 = arith.constant 0 : index
      %swap3A_63 = vector.load %arg11[%swap3A_61, %swap3A_62] : memref<2000x128xf32, #tpu.memory_space<vmem>>, vector<2000x128xf32>
      tpu.vector_store %arg11[%swap3A_61, %swap3A_62], %mul3A_60 {strides = array<i32>} : memref<2000x128xf32, #tpu.memory_space<vmem>>, vector<2000x128xf32>,
    } else {
    }
    return
  }
  func.func @transform_0(%arg0: i32) -> (i32, i32, i32) {
    %min3A = arith.constant 4 : i32
    %min3A_0 = arith.minsi %arg0, %min3A : i32
    %c0_i32 = arith.constant 0 : i32
    %c0_i32_1 = arith.constant 0 : i32
    %c0_i32_2 = arith.constant 0 : i32
    return %c0_i32, %min3A_0, %c0_i32_1 : i32, i32, i32
  }
  func.func @transform_1(%arg0: i32) -> (i32, i32) {
    %min3A = arith.constant 4 : i32
    %min3A_0 = arith.minsi %arg0, %min3A : i32
    %c0_i32 = arith.constant 0 : i32
    %c0_i32_1 = arith.constant 0 : i32
    return %min3A_0, %c0_i32 : i32, i32
  }
  func.func @transform_2(%arg0: i32) -> (i32, i32) {
    %min3A = arith.constant 4 : i32
    %min3A_0 = arith.minsi %arg0, %min3A : i32
    %c0_i32 = arith.constant 0 : i32
    %c0_i32_1 = arith.constant 0 : i32
    return %min3A_0, %c0_i32 : i32, i32
  }
  func.func @transform_3(%arg0: i32) -> (i32, i32) {
    %c0_i32 = arith.constant 0 : i32
    %c0_i32_0 = arith.constant 0 : i32
    %c0_i32_1 = arith.constant 0 : i32
    return %c0_i32, %c0_i32_0 : i32, i32
  }
  func.func @transform_4(%arg0: i32) -> (i32, i32) {
    %c0_i32 = arith.constant 0 : i32
    %c0_i32_0 = arith.constant 0 : i32
    %c0_i32_1 = arith.constant 0 : i32
    return %c0_i32, %c0_i32_0 : i32, i32
  }
  func.func @transform_5(%arg0: i32) -> (i32, i32) {
    %c0_i32 = arith.constant 0 : i32
    %c0_i32_0 = arith.constant 0 : i32
    %c0_i32_1 = arith.constant 0 : i32
    return %c0_i32, %c0_i32_0 : i32, i32
  }
  func.func @transform_6(%arg0: i32) -> (i32, i32) {
    %sub3A = arith.constant 5 : i32
    %sub3A_0 = arith.subi %arg0, %sub3A : i32
    %max3A = arith.constant 0 : i32
    %max3A_1 = arith.maxsi %sub3A_0, %max3A : i32
    %c0_i32 = arith.constant 0 : i32
    %c0_i32_2 = arith.constant 0 : i32
    return %max3A_1, %c0_i32 : i32, i32
  }
  func.func @transform_7(%arg0: i32) -> (i32, i32, i32) {
    %c1_i32 = arith.constant 1 : i32
    %c0_i32 = arith.constant 0 : i32
    %c0_i32_0 = arith.constant 0 : i32
    %c0_i32_1 = arith.constant 0 : i32
    return %c1_i32, %c0_i32, %c0_i32_0 : i32, i32, i32
  }
  func.func @transform_8(%arg0: i32) -> (i32, i32) {
    %sub3A = arith.constant 5 : i32
    %sub3A_0 = arith.subi %arg0, %sub3A : i32
    %max3A = arith.constant 0 : i32
    %max3A_1 = arith.maxsi %sub3A_0, %max3A : i32
    %c0_i32 = arith.constant 0 : i32
    %c0_i32_2 = arith.constant 0 : i32
    return %max3A_1, %c0_i32 : i32, i32
  }
  func.func @transform_9(%arg0: i32) -> (i32, i32) {
    %sub3A = arith.constant 5 : i32
    %sub3A_0 = arith.subi %arg0, %sub3A : i32
    %max3A = arith.constant 0 : i32
    %max3A_1 = arith.maxsi %sub3A_0, %max3A : i32
    %c0_i32 = arith.constant 0 : i32
    %c0_i32_2 = arith.constant 0 : i32
    return %max3A_1, %c0_i32 : i32, i32
  }
  func.func @transform_10(%arg0: i32) -> (i32, i32) {
    %sub3A = arith.constant 5 : i32
    %sub3A_0 = arith.subi %arg0, %sub3A : i32
    %max3A = arith.constant 0 : i32
    %max3A_1 = arith.maxsi %sub3A_0, %max3A : i32
    %c0_i32 = arith.constant 0 : i32
    %c0_i32_2 = arith.constant 0 : i32
    return %max3A_1, %c0_i32 : i32, i32
  }
}

module attributes {stable_mosaic.version = 14 : i64} {
  func.func @_layer_body(%arg0: i32, %arg1: memref<2x2000x128xf32, #tpu.memory_space<vmem>>, %arg2: memref<2000x1xf32, #tpu.memory_space<vmem>>, %arg3: memref<2000x1xf32, #tpu.memory_space<vmem>>, %arg4: memref<4x128xf32, #tpu.memory_space<vmem>>, %arg5: memref<4x128xf32, #tpu.memory_space<vmem>>, %arg6: memref<4x128xf32, #tpu.memory_space<vmem>>, %arg7: memref<2000x128xf32, #tpu.memory_space<vmem>>, %arg8: memref<1x128x128xf32, #tpu.memory_space<vmem>>, %arg9: memref<2000x1xf32, #tpu.memory_space<vmem>>, %arg10: memref<2000x128xf32, #tpu.memory_space<vmem>>, %arg11: memref<2000x128xf32, #tpu.memory_space<vmem>>, %arg12: memref<10000x128xf32, #tpu.memory_space<vmem>>, %arg13: memref<1x128xf32, #tpu.memory_space<vmem>>, %arg14: memref<1x128xf32, #tpu.memory_space<vmem>>) attributes {dimension_semantics = [#tpu.dimension_semantics<arbitrary>], iteration_bounds = array<i64: 10>, scalar_prefetch = 0 : i64, scratch_operands = 3 : i64, tpu.core_type = #tpu.core_type<tc>, window_params = [{transform_indices = @transform_0, window_bounds = array<i64: 2, 2000, 128>}, {transform_indices = @transform_1, window_bounds = array<i64: 2000, 1>}, {transform_indices = @transform_2, window_bounds = array<i64: 2000, 1>}, {pipeline_mode = #tpu.pipeline_mode<synchronous>, transform_indices = @transform_3, window_bounds = array<i64: 4, 128>}, {pipeline_mode = #tpu.pipeline_mode<synchronous>, transform_indices = @transform_4, window_bounds = array<i64: 4, 128>}, {pipeline_mode = #tpu.pipeline_mode<synchronous>, transform_indices = @transform_5, window_bounds = array<i64: 4, 128>}, {transform_indices = @transform_6, window_bounds = array<i64: 2000, 128>}, {transform_indices = @transform_7, window_bounds = array<i64: 1, 128, 128>}, {transform_indices = @transform_8, window_bounds = array<i64: 2000, 1>}, {transform_indices = @transform_9, window_bounds = array<i64: 2000, 128>}, {transform_indices = @transform_10, window_bounds = array<i64: 2000, 128>}]} {
    %eq3A = arith.constant 0 : i32
    %eq3A_0 = arith.cmpi eq, %arg0, %eq3A : i32
    %convert_element_type3A = arith.extui %eq3A_0 : i1 to i32
    %cond3A = arith.constant 0 : i32
    %cond3A_1 = arith.cmpi ne, %convert_element_type3A, %cond3A : i32
    scf.if %cond3A_1 {
      %broadcast_in_dim3A = arith.constant 0.000000e+00 : f32
      %broadcast_in_dim3A_10 = vector.broadcast %broadcast_in_dim3A : f32 to vector<1x128xf32>
      %swap3A = arith.constant 0 : index
      %swap3A_11 = arith.constant 0 : index
      %swap3A_12 = vector.load %arg13[%swap3A, %swap3A_11] : memref<1x128xf32, #tpu.memory_space<vmem>>, vector<1x128xf32>
      tpu.vector_store %arg13[%swap3A, %swap3A_11], %broadcast_in_dim3A_10 {strides = array<i32>} : memref<1x128xf32, #tpu.memory_space<vmem>>, vector<1x128xf32>,
      %broadcast_in_dim3A_13 = arith.constant 0.000000e+00 : f32
      %broadcast_in_dim3A_14 = vector.broadcast %broadcast_in_dim3A_13 : f32 to vector<1x128xf32>
      %swap3A_15 = arith.constant 0 : index
      %swap3A_16 = arith.constant 0 : index
      %swap3A_17 = vector.load %arg14[%swap3A_15, %swap3A_16] : memref<1x128xf32, #tpu.memory_space<vmem>>, vector<1x128xf32>
      tpu.vector_store %arg14[%swap3A_15, %swap3A_16], %broadcast_in_dim3A_14 {strides = array<i32>} : memref<1x128xf32, #tpu.memory_space<vmem>>, vector<1x128xf32>,
    } else {
    }
    %lt3A = arith.constant 5 : i32
    %lt3A_2 = arith.cmpi slt, %arg0, %lt3A : i32
    %convert_element_type3A_3 = arith.extui %lt3A_2 : i1 to i32
    %cond3A_4 = arith.constant 0 : i32
    %cond3A_5 = arith.cmpi ne, %convert_element_type3A_3, %cond3A_4 : i32
    scf.if %cond3A_5 {
      %get3A = arith.constant 0 : index
      %get3A_10 = arith.constant 0 : index
      %get3A_11 = arith.constant 0 : index
      %get3A_12 = vector.load %arg1[%get3A, %get3A_10, %get3A_11] : memref<2x2000x128xf32, #tpu.memory_space<vmem>>, vector<1x2000x128xf32>
      %get3A_13 = vector.shape_cast %get3A_12 : vector<1x2000x128xf32> to vector<2000x128xf32>
      %get3A_14 = arith.constant 1 : index
      %get3A_15 = arith.constant 0 : index
      %get3A_16 = arith.constant 0 : index
      %get3A_17 = vector.load %arg1[%get3A_14, %get3A_15, %get3A_16] : memref<2x2000x128xf32, #tpu.memory_space<vmem>>, vector<1x2000x128xf32>
      %get3A_18 = vector.shape_cast %get3A_17 : vector<1x2000x128xf32> to vector<2000x128xf32>
      %add3A = arith.addf %get3A_13, %get3A_18 : vector<2000x128xf32>
      %get3A_19 = arith.constant 0 : index
      %get3A_20 = arith.constant 0 : index
      %get3A_21 = vector.load %arg2[%get3A_19, %get3A_20] : memref<2000x1xf32, #tpu.memory_space<vmem>>, vector<2000x1xf32>
      %mul3A = vector.broadcast %get3A_21 : vector<2000x1xf32> to vector<2000x128xf32>
      %mul3A_22 = arith.mulf %add3A, %mul3A : vector<2000x128xf32>
      %get3A_23 = arith.constant 1 : index
      %get3A_24 = arith.constant 0 : index
      %get3A_25 = vector.load %arg4[%get3A_23, %get3A_24] : memref<4x128xf32, #tpu.memory_space<vmem>>, vector<1x128xf32>
      %add3A_26 = vector.broadcast %get3A_25 : vector<1x128xf32> to vector<2000x128xf32>
      %add3A_27 = arith.addf %mul3A_22, %add3A_26 : vector<2000x128xf32>
      %get3A_28 = arith.constant 0 : index
      %get3A_29 = arith.constant 0 : index
      %get3A_30 = vector.load %arg3[%get3A_28, %get3A_29] : memref<2000x1xf32, #tpu.memory_space<vmem>>, vector<2000x1xf32>
      %mul3A_31 = vector.broadcast %get3A_30 : vector<2000x1xf32> to vector<2000x128xf32>
      %mul3A_32 = arith.mulf %add3A_27, %mul3A_31 : vector<2000x128xf32>
      %mul3A_33 = arith.constant 2000 : i32
      %mul3A_34 = arith.muli %arg0, %mul3A_33 : i32
      %swap3A = arith.index_cast %mul3A_34 : i32 to index
      %swap3A_35 = arith.constant 0 : index
      %swap3A_36 = vector.load %arg12[%swap3A, %swap3A_35] : memref<10000x128xf32, #tpu.memory_space<vmem>>, vector<2000x128xf32>
      tpu.vector_store %arg12[%swap3A, %swap3A_35], %mul3A_32 {strides = array<i32>} : memref<10000x128xf32, #tpu.memory_space<vmem>>, vector<2000x128xf32>,
      %get3A_37 = arith.constant 0 : index
      %get3A_38 = arith.constant 0 : index
      %get3A_39 = vector.load %arg13[%get3A_37, %get3A_38] : memref<1x128xf32, #tpu.memory_space<vmem>>, vector<1x128xf32>
      %reduce_sum3A = arith.constant dense<0.000000e+00> : vector<128xf32>
      %reduce_sum3A_40 = vector.multi_reduction <add>, %mul3A_32, %reduce_sum3A [0] : vector<2000x128xf32> to vector<128xf32>
      %broadcast_in_dim3A = vector.shape_cast %reduce_sum3A_40 : vector<128xf32> to vector<1x128xf32>
      %add3A_41 = arith.addf %get3A_39, %broadcast_in_dim3A : vector<1x128xf32>
      %swap3A_42 = arith.constant 0 : index
      %swap3A_43 = arith.constant 0 : index
      %swap3A_44 = vector.load %arg13[%swap3A_42, %swap3A_43] : memref<1x128xf32, #tpu.memory_space<vmem>>, vector<1x128xf32>
      tpu.vector_store %arg13[%swap3A_42, %swap3A_43], %add3A_41 {strides = array<i32>} : memref<1x128xf32, #tpu.memory_space<vmem>>, vector<1x128xf32>,
      %get3A_45 = arith.constant 0 : index
      %get3A_46 = arith.constant 0 : index
      %get3A_47 = vector.load %arg14[%get3A_45, %get3A_46] : memref<1x128xf32, #tpu.memory_space<vmem>>, vector<1x128xf32>
      %mul3A_48 = arith.mulf %mul3A_32, %mul3A_32 : vector<2000x128xf32>
      %reduce_sum3A_49 = arith.constant dense<0.000000e+00> : vector<128xf32>
      %reduce_sum3A_50 = vector.multi_reduction <add>, %mul3A_48, %reduce_sum3A_49 [0] : vector<2000x128xf32> to vector<128xf32>
      %broadcast_in_dim3A_51 = vector.shape_cast %reduce_sum3A_50 : vector<128xf32> to vector<1x128xf32>
      %add3A_52 = arith.addf %get3A_47, %broadcast_in_dim3A_51 : vector<1x128xf32>
      %swap3A_53 = arith.constant 0 : index
      %swap3A_54 = arith.constant 0 : index
      %swap3A_55 = vector.load %arg14[%swap3A_53, %swap3A_54] : memref<1x128xf32, #tpu.memory_space<vmem>>, vector<1x128xf32>
      tpu.vector_store %arg14[%swap3A_53, %swap3A_54], %add3A_52 {strides = array<i32>} : memref<1x128xf32, #tpu.memory_space<vmem>>, vector<1x128xf32>,
    } else {
    }
    %ge3A = arith.constant 5 : i32
    %ge3A_6 = arith.cmpi sge, %arg0, %ge3A : i32
    %convert_element_type3A_7 = arith.extui %ge3A_6 : i1 to i32
    %cond3A_8 = arith.constant 0 : i32
    %cond3A_9 = arith.cmpi ne, %convert_element_type3A_7, %cond3A_8 : i32
    scf.if %cond3A_9 {
      %sub3A = arith.constant 5 : i32
      %sub3A_10 = arith.subi %arg0, %sub3A : i32
      %mul3A = arith.constant 2000 : i32
      %mul3A_11 = arith.muli %sub3A_10, %mul3A : i32
      %get3A = arith.index_cast %mul3A_11 : i32 to index
      %get3A_12 = arith.constant 0 : index
      %get3A_13 = vector.load %arg12[%get3A, %get3A_12] : memref<10000x128xf32, #tpu.memory_space<vmem>>, vector<2000x128xf32>
      %get3A_14 = arith.constant 0 : index
      %get3A_15 = arith.constant 0 : index
      %get3A_16 = vector.load %arg13[%get3A_14, %get3A_15] : memref<1x128xf32, #tpu.memory_space<vmem>>, vector<1x128xf32>
      %div3A = arith.constant 1.000000e+04 : f32
      %div3A_17 = vector.broadcast %div3A : f32 to vector<1x128xf32>
      %div3A_18 = arith.divf %get3A_16, %div3A_17 : vector<1x128xf32>
      %get3A_19 = arith.constant 1 : index
      %get3A_20 = arith.constant 0 : index
      %get3A_21 = vector.load %arg5[%get3A_19, %get3A_20] : memref<4x128xf32, #tpu.memory_space<vmem>>, vector<1x128xf32>
      %get3A_22 = arith.constant 0 : index
      %get3A_23 = arith.constant 0 : index
      %get3A_24 = vector.load %arg14[%get3A_22, %get3A_23] : memref<1x128xf32, #tpu.memory_space<vmem>>, vector<1x128xf32>
      %div3A_25 = arith.constant 1.000000e+04 : f32
      %div3A_26 = vector.broadcast %div3A_25 : f32 to vector<1x128xf32>
      %div3A_27 = arith.divf %get3A_24, %div3A_26 : vector<1x128xf32>
      %mul3A_28 = arith.mulf %div3A_18, %div3A_18 : vector<1x128xf32>
      %sub3A_29 = arith.subf %div3A_27, %mul3A_28 : vector<1x128xf32>
      %add3A = arith.constant 9.99999974E-6 : f32
      %add3A_30 = vector.broadcast %add3A : f32 to vector<1x128xf32>
      %add3A_31 = arith.addf %sub3A_29, %add3A_30 : vector<1x128xf32>
      %rsqrt3A = math.rsqrt %add3A_31 : vector<1x128xf32>
      %mul3A_32 = arith.mulf %get3A_21, %rsqrt3A : vector<1x128xf32>
      %get3A_33 = arith.constant 0 : index
      %get3A_34 = arith.constant 0 : index
      %get3A_35 = vector.load %arg7[%get3A_33, %get3A_34] : memref<2000x128xf32, #tpu.memory_space<vmem>>, vector<2000x128xf32>
      %sub3A_36 = vector.broadcast %div3A_18 : vector<1x128xf32> to vector<2000x128xf32>
      %sub3A_37 = arith.subf %get3A_13, %sub3A_36 : vector<2000x128xf32>
      %mul3A_38 = vector.broadcast %mul3A_32 : vector<1x128xf32> to vector<2000x128xf32>
      %mul3A_39 = arith.mulf %sub3A_37, %mul3A_38 : vector<2000x128xf32>
      %get3A_40 = arith.constant 1 : index
      %get3A_41 = arith.constant 0 : index
      %get3A_42 = vector.load %arg6[%get3A_40, %get3A_41] : memref<4x128xf32, #tpu.memory_space<vmem>>, vector<1x128xf32>
      %add3A_43 = vector.broadcast %get3A_42 : vector<1x128xf32> to vector<2000x128xf32>
      %add3A_44 = arith.addf %mul3A_39, %add3A_43 : vector<2000x128xf32>
      %max3A = arith.constant 0.000000e+00 : f32
      %max3A_45 = vector.broadcast %max3A : f32 to vector<2000x128xf32>
      %max3A_46 = arith.maximumf %add3A_44, %max3A_45 : vector<2000x128xf32>
      %add3A_47 = arith.addf %get3A_35, %max3A_46 : vector<2000x128xf32>
      %swap3A = arith.constant 0 : index
      %swap3A_48 = arith.constant 0 : index
      %swap3A_49 = vector.load %arg10[%swap3A, %swap3A_48] : memref<2000x128xf32, #tpu.memory_space<vmem>>, vector<2000x128xf32>
      tpu.vector_store %arg10[%swap3A, %swap3A_48], %add3A_47 {strides = array<i32>} : memref<2000x128xf32, #tpu.memory_space<vmem>>, vector<2000x128xf32>,
      %get3A_50 = arith.constant 0 : index
      %get3A_51 = arith.constant 0 : index
      %get3A_52 = arith.constant 0 : index
      %get3A_53 = vector.load %arg8[%get3A_50, %get3A_51, %get3A_52] : memref<1x128x128xf32, #tpu.memory_space<vmem>>, vector<1x128x128xf32>
      %get3A_54 = vector.shape_cast %get3A_53 : vector<1x128x128xf32> to vector<128x128xf32>
      %dot_general3A = arith.constant dense<0.000000e+00> : vector<2000x128xf32>
      %dot_general3A_55 = tpu.matmul %add3A_47, %get3A_54, %dot_general3A {dimension_numbers = #tpu.dot_dimension_numbers<[1], [0], [0], [1], [0, 0, 1, 1], [], []>, transpose_lhs_hint = false} : vector<2000x128xf32>, vector<128x128xf32>, vector<2000x128xf32> -> vector<2000x128xf32>
      %get3A_56 = arith.constant 0 : index
      %get3A_57 = arith.constant 0 : index
      %get3A_58 = vector.load %arg9[%get3A_56, %get3A_57] : memref<2000x1xf32, #tpu.memory_space<vmem>>, vector<2000x1xf32>
      %mul3A_59 = vector.broadcast %get3A_58 : vector<2000x1xf32> to vector<2000x128xf32>
      %mul3A_60 = arith.mulf %dot_general3A_55, %mul3A_59 : vector<2000x128xf32>
      %swap3A_61 = arith.constant 0 : index
      %swap3A_62 = arith.constant 0 : index
      %swap3A_63 = vector.load %arg11[%swap3A_61, %swap3A_62] : memref<2000x128xf32, #tpu.memory_space<vmem>>, vector<2000x128xf32>
      tpu.vector_store %arg11[%swap3A_61, %swap3A_62], %mul3A_60 {strides = array<i32>} : memref<2000x128xf32, #tpu.memory_space<vmem>>, vector<2000x128xf32>,
    } else {
    }
    return
  }
  func.func @transform_0(%arg0: i32) -> (i32, i32, i32) {
    %min3A = arith.constant 4 : i32
    %min3A_0 = arith.minsi %arg0, %min3A : i32
    %c0_i32 = arith.constant 0 : i32
    %c0_i32_1 = arith.constant 0 : i32
    %c0_i32_2 = arith.constant 0 : i32
    return %c0_i32, %min3A_0, %c0_i32_1 : i32, i32, i32
  }
  func.func @transform_1(%arg0: i32) -> (i32, i32) {
    %min3A = arith.constant 4 : i32
    %min3A_0 = arith.minsi %arg0, %min3A : i32
    %c0_i32 = arith.constant 0 : i32
    %c0_i32_1 = arith.constant 0 : i32
    return %min3A_0, %c0_i32 : i32, i32
  }
  func.func @transform_2(%arg0: i32) -> (i32, i32) {
    %min3A = arith.constant 4 : i32
    %min3A_0 = arith.minsi %arg0, %min3A : i32
    %c0_i32 = arith.constant 0 : i32
    %c0_i32_1 = arith.constant 0 : i32
    return %min3A_0, %c0_i32 : i32, i32
  }
  func.func @transform_3(%arg0: i32) -> (i32, i32) {
    %c0_i32 = arith.constant 0 : i32
    %c0_i32_0 = arith.constant 0 : i32
    %c0_i32_1 = arith.constant 0 : i32
    return %c0_i32, %c0_i32_0 : i32, i32
  }
  func.func @transform_4(%arg0: i32) -> (i32, i32) {
    %c0_i32 = arith.constant 0 : i32
    %c0_i32_0 = arith.constant 0 : i32
    %c0_i32_1 = arith.constant 0 : i32
    return %c0_i32, %c0_i32_0 : i32, i32
  }
  func.func @transform_5(%arg0: i32) -> (i32, i32) {
    %c0_i32 = arith.constant 0 : i32
    %c0_i32_0 = arith.constant 0 : i32
    %c0_i32_1 = arith.constant 0 : i32
    return %c0_i32, %c0_i32_0 : i32, i32
  }
  func.func @transform_6(%arg0: i32) -> (i32, i32) {
    %sub3A = arith.constant 5 : i32
    %sub3A_0 = arith.subi %arg0, %sub3A : i32
    %max3A = arith.constant 0 : i32
    %max3A_1 = arith.maxsi %sub3A_0, %max3A : i32
    %c0_i32 = arith.constant 0 : i32
    %c0_i32_2 = arith.constant 0 : i32
    return %max3A_1, %c0_i32 : i32, i32
  }
  func.func @transform_7(%arg0: i32) -> (i32, i32, i32) {
    %c2_i32 = arith.constant 2 : i32
    %c0_i32 = arith.constant 0 : i32
    %c0_i32_0 = arith.constant 0 : i32
    %c0_i32_1 = arith.constant 0 : i32
    return %c2_i32, %c0_i32, %c0_i32_0 : i32, i32, i32
  }
  func.func @transform_8(%arg0: i32) -> (i32, i32) {
    %sub3A = arith.constant 5 : i32
    %sub3A_0 = arith.subi %arg0, %sub3A : i32
    %max3A = arith.constant 0 : i32
    %max3A_1 = arith.maxsi %sub3A_0, %max3A : i32
    %c0_i32 = arith.constant 0 : i32
    %c0_i32_2 = arith.constant 0 : i32
    return %max3A_1, %c0_i32 : i32, i32
  }
  func.func @transform_9(%arg0: i32) -> (i32, i32) {
    %sub3A = arith.constant 5 : i32
    %sub3A_0 = arith.subi %arg0, %sub3A : i32
    %max3A = arith.constant 0 : i32
    %max3A_1 = arith.maxsi %sub3A_0, %max3A : i32
    %c0_i32 = arith.constant 0 : i32
    %c0_i32_2 = arith.constant 0 : i32
    return %max3A_1, %c0_i32 : i32, i32
  }
  func.func @transform_10(%arg0: i32) -> (i32, i32) {
    %sub3A = arith.constant 5 : i32
    %sub3A_0 = arith.subi %arg0, %sub3A : i32
    %max3A = arith.constant 0 : i32
    %max3A_1 = arith.maxsi %sub3A_0, %max3A : i32
    %c0_i32 = arith.constant 0 : i32
    %c0_i32_2 = arith.constant 0 : i32
    return %max3A_1, %c0_i32 : i32, i32
  }
}

module attributes {stable_mosaic.version = 14 : i64} {
  func.func @_layer_body(%arg0: i32, %arg1: memref<2x2000x128xf32, #tpu.memory_space<vmem>>, %arg2: memref<2000x1xf32, #tpu.memory_space<vmem>>, %arg3: memref<2000x1xf32, #tpu.memory_space<vmem>>, %arg4: memref<4x128xf32, #tpu.memory_space<vmem>>, %arg5: memref<4x128xf32, #tpu.memory_space<vmem>>, %arg6: memref<4x128xf32, #tpu.memory_space<vmem>>, %arg7: memref<2000x128xf32, #tpu.memory_space<vmem>>, %arg8: memref<1x128x128xf32, #tpu.memory_space<vmem>>, %arg9: memref<2000x1xf32, #tpu.memory_space<vmem>>, %arg10: memref<2000x128xf32, #tpu.memory_space<vmem>>, %arg11: memref<2000x128xf32, #tpu.memory_space<vmem>>, %arg12: memref<10000x128xf32, #tpu.memory_space<vmem>>, %arg13: memref<1x128xf32, #tpu.memory_space<vmem>>, %arg14: memref<1x128xf32, #tpu.memory_space<vmem>>) attributes {dimension_semantics = [#tpu.dimension_semantics<arbitrary>], iteration_bounds = array<i64: 10>, scalar_prefetch = 0 : i64, scratch_operands = 3 : i64, tpu.core_type = #tpu.core_type<tc>, window_params = [{transform_indices = @transform_0, window_bounds = array<i64: 2, 2000, 128>}, {transform_indices = @transform_1, window_bounds = array<i64: 2000, 1>}, {transform_indices = @transform_2, window_bounds = array<i64: 2000, 1>}, {pipeline_mode = #tpu.pipeline_mode<synchronous>, transform_indices = @transform_3, window_bounds = array<i64: 4, 128>}, {pipeline_mode = #tpu.pipeline_mode<synchronous>, transform_indices = @transform_4, window_bounds = array<i64: 4, 128>}, {pipeline_mode = #tpu.pipeline_mode<synchronous>, transform_indices = @transform_5, window_bounds = array<i64: 4, 128>}, {transform_indices = @transform_6, window_bounds = array<i64: 2000, 128>}, {transform_indices = @transform_7, window_bounds = array<i64: 1, 128, 128>}, {transform_indices = @transform_8, window_bounds = array<i64: 2000, 1>}, {transform_indices = @transform_9, window_bounds = array<i64: 2000, 128>}, {transform_indices = @transform_10, window_bounds = array<i64: 2000, 128>}]} {
    %eq3A = arith.constant 0 : i32
    %eq3A_0 = arith.cmpi eq, %arg0, %eq3A : i32
    %convert_element_type3A = arith.extui %eq3A_0 : i1 to i32
    %cond3A = arith.constant 0 : i32
    %cond3A_1 = arith.cmpi ne, %convert_element_type3A, %cond3A : i32
    scf.if %cond3A_1 {
      %broadcast_in_dim3A = arith.constant 0.000000e+00 : f32
      %broadcast_in_dim3A_10 = vector.broadcast %broadcast_in_dim3A : f32 to vector<1x128xf32>
      %swap3A = arith.constant 0 : index
      %swap3A_11 = arith.constant 0 : index
      %swap3A_12 = vector.load %arg13[%swap3A, %swap3A_11] : memref<1x128xf32, #tpu.memory_space<vmem>>, vector<1x128xf32>
      tpu.vector_store %arg13[%swap3A, %swap3A_11], %broadcast_in_dim3A_10 {strides = array<i32>} : memref<1x128xf32, #tpu.memory_space<vmem>>, vector<1x128xf32>,
      %broadcast_in_dim3A_13 = arith.constant 0.000000e+00 : f32
      %broadcast_in_dim3A_14 = vector.broadcast %broadcast_in_dim3A_13 : f32 to vector<1x128xf32>
      %swap3A_15 = arith.constant 0 : index
      %swap3A_16 = arith.constant 0 : index
      %swap3A_17 = vector.load %arg14[%swap3A_15, %swap3A_16] : memref<1x128xf32, #tpu.memory_space<vmem>>, vector<1x128xf32>
      tpu.vector_store %arg14[%swap3A_15, %swap3A_16], %broadcast_in_dim3A_14 {strides = array<i32>} : memref<1x128xf32, #tpu.memory_space<vmem>>, vector<1x128xf32>,
    } else {
    }
    %lt3A = arith.constant 5 : i32
    %lt3A_2 = arith.cmpi slt, %arg0, %lt3A : i32
    %convert_element_type3A_3 = arith.extui %lt3A_2 : i1 to i32
    %cond3A_4 = arith.constant 0 : i32
    %cond3A_5 = arith.cmpi ne, %convert_element_type3A_3, %cond3A_4 : i32
    scf.if %cond3A_5 {
      %get3A = arith.constant 0 : index
      %get3A_10 = arith.constant 0 : index
      %get3A_11 = arith.constant 0 : index
      %get3A_12 = vector.load %arg1[%get3A, %get3A_10, %get3A_11] : memref<2x2000x128xf32, #tpu.memory_space<vmem>>, vector<1x2000x128xf32>
      %get3A_13 = vector.shape_cast %get3A_12 : vector<1x2000x128xf32> to vector<2000x128xf32>
      %get3A_14 = arith.constant 1 : index
      %get3A_15 = arith.constant 0 : index
      %get3A_16 = arith.constant 0 : index
      %get3A_17 = vector.load %arg1[%get3A_14, %get3A_15, %get3A_16] : memref<2x2000x128xf32, #tpu.memory_space<vmem>>, vector<1x2000x128xf32>
      %get3A_18 = vector.shape_cast %get3A_17 : vector<1x2000x128xf32> to vector<2000x128xf32>
      %add3A = arith.addf %get3A_13, %get3A_18 : vector<2000x128xf32>
      %get3A_19 = arith.constant 0 : index
      %get3A_20 = arith.constant 0 : index
      %get3A_21 = vector.load %arg2[%get3A_19, %get3A_20] : memref<2000x1xf32, #tpu.memory_space<vmem>>, vector<2000x1xf32>
      %mul3A = vector.broadcast %get3A_21 : vector<2000x1xf32> to vector<2000x128xf32>
      %mul3A_22 = arith.mulf %add3A, %mul3A : vector<2000x128xf32>
      %get3A_23 = arith.constant 2 : index
      %get3A_24 = arith.constant 0 : index
      %get3A_25 = vector.load %arg4[%get3A_23, %get3A_24] : memref<4x128xf32, #tpu.memory_space<vmem>>, vector<1x128xf32>
      %add3A_26 = vector.broadcast %get3A_25 : vector<1x128xf32> to vector<2000x128xf32>
      %add3A_27 = arith.addf %mul3A_22, %add3A_26 : vector<2000x128xf32>
      %get3A_28 = arith.constant 0 : index
      %get3A_29 = arith.constant 0 : index
      %get3A_30 = vector.load %arg3[%get3A_28, %get3A_29] : memref<2000x1xf32, #tpu.memory_space<vmem>>, vector<2000x1xf32>
      %mul3A_31 = vector.broadcast %get3A_30 : vector<2000x1xf32> to vector<2000x128xf32>
      %mul3A_32 = arith.mulf %add3A_27, %mul3A_31 : vector<2000x128xf32>
      %mul3A_33 = arith.constant 2000 : i32
      %mul3A_34 = arith.muli %arg0, %mul3A_33 : i32
      %swap3A = arith.index_cast %mul3A_34 : i32 to index
      %swap3A_35 = arith.constant 0 : index
      %swap3A_36 = vector.load %arg12[%swap3A, %swap3A_35] : memref<10000x128xf32, #tpu.memory_space<vmem>>, vector<2000x128xf32>
      tpu.vector_store %arg12[%swap3A, %swap3A_35], %mul3A_32 {strides = array<i32>} : memref<10000x128xf32, #tpu.memory_space<vmem>>, vector<2000x128xf32>,
      %get3A_37 = arith.constant 0 : index
      %get3A_38 = arith.constant 0 : index
      %get3A_39 = vector.load %arg13[%get3A_37, %get3A_38] : memref<1x128xf32, #tpu.memory_space<vmem>>, vector<1x128xf32>
      %reduce_sum3A = arith.constant dense<0.000000e+00> : vector<128xf32>
      %reduce_sum3A_40 = vector.multi_reduction <add>, %mul3A_32, %reduce_sum3A [0] : vector<2000x128xf32> to vector<128xf32>
      %broadcast_in_dim3A = vector.shape_cast %reduce_sum3A_40 : vector<128xf32> to vector<1x128xf32>
      %add3A_41 = arith.addf %get3A_39, %broadcast_in_dim3A : vector<1x128xf32>
      %swap3A_42 = arith.constant 0 : index
      %swap3A_43 = arith.constant 0 : index
      %swap3A_44 = vector.load %arg13[%swap3A_42, %swap3A_43] : memref<1x128xf32, #tpu.memory_space<vmem>>, vector<1x128xf32>
      tpu.vector_store %arg13[%swap3A_42, %swap3A_43], %add3A_41 {strides = array<i32>} : memref<1x128xf32, #tpu.memory_space<vmem>>, vector<1x128xf32>,
      %get3A_45 = arith.constant 0 : index
      %get3A_46 = arith.constant 0 : index
      %get3A_47 = vector.load %arg14[%get3A_45, %get3A_46] : memref<1x128xf32, #tpu.memory_space<vmem>>, vector<1x128xf32>
      %mul3A_48 = arith.mulf %mul3A_32, %mul3A_32 : vector<2000x128xf32>
      %reduce_sum3A_49 = arith.constant dense<0.000000e+00> : vector<128xf32>
      %reduce_sum3A_50 = vector.multi_reduction <add>, %mul3A_48, %reduce_sum3A_49 [0] : vector<2000x128xf32> to vector<128xf32>
      %broadcast_in_dim3A_51 = vector.shape_cast %reduce_sum3A_50 : vector<128xf32> to vector<1x128xf32>
      %add3A_52 = arith.addf %get3A_47, %broadcast_in_dim3A_51 : vector<1x128xf32>
      %swap3A_53 = arith.constant 0 : index
      %swap3A_54 = arith.constant 0 : index
      %swap3A_55 = vector.load %arg14[%swap3A_53, %swap3A_54] : memref<1x128xf32, #tpu.memory_space<vmem>>, vector<1x128xf32>
      tpu.vector_store %arg14[%swap3A_53, %swap3A_54], %add3A_52 {strides = array<i32>} : memref<1x128xf32, #tpu.memory_space<vmem>>, vector<1x128xf32>,
    } else {
    }
    %ge3A = arith.constant 5 : i32
    %ge3A_6 = arith.cmpi sge, %arg0, %ge3A : i32
    %convert_element_type3A_7 = arith.extui %ge3A_6 : i1 to i32
    %cond3A_8 = arith.constant 0 : i32
    %cond3A_9 = arith.cmpi ne, %convert_element_type3A_7, %cond3A_8 : i32
    scf.if %cond3A_9 {
      %sub3A = arith.constant 5 : i32
      %sub3A_10 = arith.subi %arg0, %sub3A : i32
      %mul3A = arith.constant 2000 : i32
      %mul3A_11 = arith.muli %sub3A_10, %mul3A : i32
      %get3A = arith.index_cast %mul3A_11 : i32 to index
      %get3A_12 = arith.constant 0 : index
      %get3A_13 = vector.load %arg12[%get3A, %get3A_12] : memref<10000x128xf32, #tpu.memory_space<vmem>>, vector<2000x128xf32>
      %get3A_14 = arith.constant 0 : index
      %get3A_15 = arith.constant 0 : index
      %get3A_16 = vector.load %arg13[%get3A_14, %get3A_15] : memref<1x128xf32, #tpu.memory_space<vmem>>, vector<1x128xf32>
      %div3A = arith.constant 1.000000e+04 : f32
      %div3A_17 = vector.broadcast %div3A : f32 to vector<1x128xf32>
      %div3A_18 = arith.divf %get3A_16, %div3A_17 : vector<1x128xf32>
      %get3A_19 = arith.constant 2 : index
      %get3A_20 = arith.constant 0 : index
      %get3A_21 = vector.load %arg5[%get3A_19, %get3A_20] : memref<4x128xf32, #tpu.memory_space<vmem>>, vector<1x128xf32>
      %get3A_22 = arith.constant 0 : index
      %get3A_23 = arith.constant 0 : index
      %get3A_24 = vector.load %arg14[%get3A_22, %get3A_23] : memref<1x128xf32, #tpu.memory_space<vmem>>, vector<1x128xf32>
      %div3A_25 = arith.constant 1.000000e+04 : f32
      %div3A_26 = vector.broadcast %div3A_25 : f32 to vector<1x128xf32>
      %div3A_27 = arith.divf %get3A_24, %div3A_26 : vector<1x128xf32>
      %mul3A_28 = arith.mulf %div3A_18, %div3A_18 : vector<1x128xf32>
      %sub3A_29 = arith.subf %div3A_27, %mul3A_28 : vector<1x128xf32>
      %add3A = arith.constant 9.99999974E-6 : f32
      %add3A_30 = vector.broadcast %add3A : f32 to vector<1x128xf32>
      %add3A_31 = arith.addf %sub3A_29, %add3A_30 : vector<1x128xf32>
      %rsqrt3A = math.rsqrt %add3A_31 : vector<1x128xf32>
      %mul3A_32 = arith.mulf %get3A_21, %rsqrt3A : vector<1x128xf32>
      %get3A_33 = arith.constant 0 : index
      %get3A_34 = arith.constant 0 : index
      %get3A_35 = vector.load %arg7[%get3A_33, %get3A_34] : memref<2000x128xf32, #tpu.memory_space<vmem>>, vector<2000x128xf32>
      %sub3A_36 = vector.broadcast %div3A_18 : vector<1x128xf32> to vector<2000x128xf32>
      %sub3A_37 = arith.subf %get3A_13, %sub3A_36 : vector<2000x128xf32>
      %mul3A_38 = vector.broadcast %mul3A_32 : vector<1x128xf32> to vector<2000x128xf32>
      %mul3A_39 = arith.mulf %sub3A_37, %mul3A_38 : vector<2000x128xf32>
      %get3A_40 = arith.constant 2 : index
      %get3A_41 = arith.constant 0 : index
      %get3A_42 = vector.load %arg6[%get3A_40, %get3A_41] : memref<4x128xf32, #tpu.memory_space<vmem>>, vector<1x128xf32>
      %add3A_43 = vector.broadcast %get3A_42 : vector<1x128xf32> to vector<2000x128xf32>
      %add3A_44 = arith.addf %mul3A_39, %add3A_43 : vector<2000x128xf32>
      %max3A = arith.constant 0.000000e+00 : f32
      %max3A_45 = vector.broadcast %max3A : f32 to vector<2000x128xf32>
      %max3A_46 = arith.maximumf %add3A_44, %max3A_45 : vector<2000x128xf32>
      %add3A_47 = arith.addf %get3A_35, %max3A_46 : vector<2000x128xf32>
      %swap3A = arith.constant 0 : index
      %swap3A_48 = arith.constant 0 : index
      %swap3A_49 = vector.load %arg10[%swap3A, %swap3A_48] : memref<2000x128xf32, #tpu.memory_space<vmem>>, vector<2000x128xf32>
      tpu.vector_store %arg10[%swap3A, %swap3A_48], %add3A_47 {strides = array<i32>} : memref<2000x128xf32, #tpu.memory_space<vmem>>, vector<2000x128xf32>,
      %get3A_50 = arith.constant 0 : index
      %get3A_51 = arith.constant 0 : index
      %get3A_52 = arith.constant 0 : index
      %get3A_53 = vector.load %arg8[%get3A_50, %get3A_51, %get3A_52] : memref<1x128x128xf32, #tpu.memory_space<vmem>>, vector<1x128x128xf32>
      %get3A_54 = vector.shape_cast %get3A_53 : vector<1x128x128xf32> to vector<128x128xf32>
      %dot_general3A = arith.constant dense<0.000000e+00> : vector<2000x128xf32>
      %dot_general3A_55 = tpu.matmul %add3A_47, %get3A_54, %dot_general3A {dimension_numbers = #tpu.dot_dimension_numbers<[1], [0], [0], [1], [0, 0, 1, 1], [], []>, transpose_lhs_hint = false} : vector<2000x128xf32>, vector<128x128xf32>, vector<2000x128xf32> -> vector<2000x128xf32>
      %get3A_56 = arith.constant 0 : index
      %get3A_57 = arith.constant 0 : index
      %get3A_58 = vector.load %arg9[%get3A_56, %get3A_57] : memref<2000x1xf32, #tpu.memory_space<vmem>>, vector<2000x1xf32>
      %mul3A_59 = vector.broadcast %get3A_58 : vector<2000x1xf32> to vector<2000x128xf32>
      %mul3A_60 = arith.mulf %dot_general3A_55, %mul3A_59 : vector<2000x128xf32>
      %swap3A_61 = arith.constant 0 : index
      %swap3A_62 = arith.constant 0 : index
      %swap3A_63 = vector.load %arg11[%swap3A_61, %swap3A_62] : memref<2000x128xf32, #tpu.memory_space<vmem>>, vector<2000x128xf32>
      tpu.vector_store %arg11[%swap3A_61, %swap3A_62], %mul3A_60 {strides = array<i32>} : memref<2000x128xf32, #tpu.memory_space<vmem>>, vector<2000x128xf32>,
    } else {
    }
    return
  }
  func.func @transform_0(%arg0: i32) -> (i32, i32, i32) {
    %min3A = arith.constant 4 : i32
    %min3A_0 = arith.minsi %arg0, %min3A : i32
    %c0_i32 = arith.constant 0 : i32
    %c0_i32_1 = arith.constant 0 : i32
    %c0_i32_2 = arith.constant 0 : i32
    return %c0_i32, %min3A_0, %c0_i32_1 : i32, i32, i32
  }
  func.func @transform_1(%arg0: i32) -> (i32, i32) {
    %min3A = arith.constant 4 : i32
    %min3A_0 = arith.minsi %arg0, %min3A : i32
    %c0_i32 = arith.constant 0 : i32
    %c0_i32_1 = arith.constant 0 : i32
    return %min3A_0, %c0_i32 : i32, i32
  }
  func.func @transform_2(%arg0: i32) -> (i32, i32) {
    %min3A = arith.constant 4 : i32
    %min3A_0 = arith.minsi %arg0, %min3A : i32
    %c0_i32 = arith.constant 0 : i32
    %c0_i32_1 = arith.constant 0 : i32
    return %min3A_0, %c0_i32 : i32, i32
  }
  func.func @transform_3(%arg0: i32) -> (i32, i32) {
    %c0_i32 = arith.constant 0 : i32
    %c0_i32_0 = arith.constant 0 : i32
    %c0_i32_1 = arith.constant 0 : i32
    return %c0_i32, %c0_i32_0 : i32, i32
  }
  func.func @transform_4(%arg0: i32) -> (i32, i32) {
    %c0_i32 = arith.constant 0 : i32
    %c0_i32_0 = arith.constant 0 : i32
    %c0_i32_1 = arith.constant 0 : i32
    return %c0_i32, %c0_i32_0 : i32, i32
  }
  func.func @transform_5(%arg0: i32) -> (i32, i32) {
    %c0_i32 = arith.constant 0 : i32
    %c0_i32_0 = arith.constant 0 : i32
    %c0_i32_1 = arith.constant 0 : i32
    return %c0_i32, %c0_i32_0 : i32, i32
  }
  func.func @transform_6(%arg0: i32) -> (i32, i32) {
    %sub3A = arith.constant 5 : i32
    %sub3A_0 = arith.subi %arg0, %sub3A : i32
    %max3A = arith.constant 0 : i32
    %max3A_1 = arith.maxsi %sub3A_0, %max3A : i32
    %c0_i32 = arith.constant 0 : i32
    %c0_i32_2 = arith.constant 0 : i32
    return %max3A_1, %c0_i32 : i32, i32
  }
  func.func @transform_7(%arg0: i32) -> (i32, i32, i32) {
    %c3_i32 = arith.constant 3 : i32
    %c0_i32 = arith.constant 0 : i32
    %c0_i32_0 = arith.constant 0 : i32
    %c0_i32_1 = arith.constant 0 : i32
    return %c3_i32, %c0_i32, %c0_i32_0 : i32, i32, i32
  }
  func.func @transform_8(%arg0: i32) -> (i32, i32) {
    %sub3A = arith.constant 5 : i32
    %sub3A_0 = arith.subi %arg0, %sub3A : i32
    %max3A = arith.constant 0 : i32
    %max3A_1 = arith.maxsi %sub3A_0, %max3A : i32
    %c0_i32 = arith.constant 0 : i32
    %c0_i32_2 = arith.constant 0 : i32
    return %max3A_1, %c0_i32 : i32, i32
  }
  func.func @transform_9(%arg0: i32) -> (i32, i32) {
    %sub3A = arith.constant 5 : i32
    %sub3A_0 = arith.subi %arg0, %sub3A : i32
    %max3A = arith.constant 0 : i32
    %max3A_1 = arith.maxsi %sub3A_0, %max3A : i32
    %c0_i32 = arith.constant 0 : i32
    %c0_i32_2 = arith.constant 0 : i32
    return %max3A_1, %c0_i32 : i32, i32
  }
  func.func @transform_10(%arg0: i32) -> (i32, i32) {
    %sub3A = arith.constant 5 : i32
    %sub3A_0 = arith.subi %arg0, %sub3A : i32
    %max3A = arith.constant 0 : i32
    %max3A_1 = arith.maxsi %sub3A_0, %max3A : i32
    %c0_i32 = arith.constant 0 : i32
    %c0_i32_2 = arith.constant 0 : i32
    return %max3A_1, %c0_i32 : i32, i32
  }
}

module attributes {stable_mosaic.version = 14 : i64} {
  func.func @_final_body(%arg0: i32, %arg1: memref<2x2000x128xf32, #tpu.memory_space<vmem>>, %arg2: memref<2000x1xf32, #tpu.memory_space<vmem>>, %arg3: memref<2000x1xf32, #tpu.memory_space<vmem>>, %arg4: memref<4x128xf32, #tpu.memory_space<vmem>>, %arg5: memref<4x128xf32, #tpu.memory_space<vmem>>, %arg6: memref<4x128xf32, #tpu.memory_space<vmem>>, %arg7: memref<2000x128xf32, #tpu.memory_space<vmem>>, %arg8: memref<2000x1xi32, #tpu.memory_space<vmem>>, %arg9: memref<64x128xf32, #tpu.memory_space<vmem>>, %arg10: memref<10000x128xf32, #tpu.memory_space<vmem>>, %arg11: memref<1x128xf32, #tpu.memory_space<vmem>>, %arg12: memref<1x128xf32, #tpu.memory_space<vmem>>, %arg13: memref<64x128xf32, #tpu.memory_space<vmem>>, %arg14: memref<64x128xf32, #tpu.memory_space<vmem>>) attributes {dimension_semantics = [#tpu.dimension_semantics<arbitrary>], iteration_bounds = array<i64: 10>, scalar_prefetch = 0 : i64, scratch_operands = 5 : i64, tpu.core_type = #tpu.core_type<tc>, window_params = [{transform_indices = @transform_0, window_bounds = array<i64: 2, 2000, 128>}, {transform_indices = @transform_1, window_bounds = array<i64: 2000, 1>}, {transform_indices = @transform_2, window_bounds = array<i64: 2000, 1>}, {pipeline_mode = #tpu.pipeline_mode<synchronous>, transform_indices = @transform_3, window_bounds = array<i64: 4, 128>}, {pipeline_mode = #tpu.pipeline_mode<synchronous>, transform_indices = @transform_4, window_bounds = array<i64: 4, 128>}, {pipeline_mode = #tpu.pipeline_mode<synchronous>, transform_indices = @transform_5, window_bounds = array<i64: 4, 128>}, {transform_indices = @transform_6, window_bounds = array<i64: 2000, 128>}, {transform_indices = @transform_7, window_bounds = array<i64: 2000, 1>}, {pipeline_mode = #tpu.pipeline_mode<synchronous>, transform_indices = @transform_8, window_bounds = array<i64: 64, 128>}]} {
    %eq3A = arith.constant 0 : i32
    %eq3A_0 = arith.cmpi eq, %arg0, %eq3A : i32
    %convert_element_type3A = arith.extui %eq3A_0 : i1 to i32
    %cond3A = arith.constant 0 : i32
    %cond3A_1 = arith.cmpi ne, %convert_element_type3A, %cond3A : i32
    scf.if %cond3A_1 {
      %broadcast_in_dim3A = arith.constant 0.000000e+00 : f32
      %broadcast_in_dim3A_10 = vector.broadcast %broadcast_in_dim3A : f32 to vector<1x128xf32>
      %swap3A = arith.constant 0 : index
      %swap3A_11 = arith.constant 0 : index
      %swap3A_12 = vector.load %arg11[%swap3A, %swap3A_11] : memref<1x128xf32, #tpu.memory_space<vmem>>, vector<1x128xf32>
      tpu.vector_store %arg11[%swap3A, %swap3A_11], %broadcast_in_dim3A_10 {strides = array<i32>} : memref<1x128xf32, #tpu.memory_space<vmem>>, vector<1x128xf32>,
      %broadcast_in_dim3A_13 = arith.constant 0.000000e+00 : f32
      %broadcast_in_dim3A_14 = vector.broadcast %broadcast_in_dim3A_13 : f32 to vector<1x128xf32>
      %swap3A_15 = arith.constant 0 : index
      %swap3A_16 = arith.constant 0 : index
      %swap3A_17 = vector.load %arg12[%swap3A_15, %swap3A_16] : memref<1x128xf32, #tpu.memory_space<vmem>>, vector<1x128xf32>
      tpu.vector_store %arg12[%swap3A_15, %swap3A_16], %broadcast_in_dim3A_14 {strides = array<i32>} : memref<1x128xf32, #tpu.memory_space<vmem>>, vector<1x128xf32>,
    } else {
    }
    %lt3A = arith.constant 5 : i32
    %lt3A_2 = arith.cmpi slt, %arg0, %lt3A : i32
    %convert_element_type3A_3 = arith.extui %lt3A_2 : i1 to i32
    %cond3A_4 = arith.constant 0 : i32
    %cond3A_5 = arith.cmpi ne, %convert_element_type3A_3, %cond3A_4 : i32
    scf.if %cond3A_5 {
      %get3A = arith.constant 0 : index
      %get3A_10 = arith.constant 0 : index
      %get3A_11 = arith.constant 0 : index
      %get3A_12 = vector.load %arg1[%get3A, %get3A_10, %get3A_11] : memref<2x2000x128xf32, #tpu.memory_space<vmem>>, vector<1x2000x128xf32>
      %get3A_13 = vector.shape_cast %get3A_12 : vector<1x2000x128xf32> to vector<2000x128xf32>
      %get3A_14 = arith.constant 1 : index
      %get3A_15 = arith.constant 0 : index
      %get3A_16 = arith.constant 0 : index
      %get3A_17 = vector.load %arg1[%get3A_14, %get3A_15, %get3A_16] : memref<2x2000x128xf32, #tpu.memory_space<vmem>>, vector<1x2000x128xf32>
      %get3A_18 = vector.shape_cast %get3A_17 : vector<1x2000x128xf32> to vector<2000x128xf32>
      %add3A = arith.addf %get3A_13, %get3A_18 : vector<2000x128xf32>
      %get3A_19 = arith.constant 0 : index
      %get3A_20 = arith.constant 0 : index
      %get3A_21 = vector.load %arg2[%get3A_19, %get3A_20] : memref<2000x1xf32, #tpu.memory_space<vmem>>, vector<2000x1xf32>
      %mul3A = vector.broadcast %get3A_21 : vector<2000x1xf32> to vector<2000x128xf32>
      %mul3A_22 = arith.mulf %add3A, %mul3A : vector<2000x128xf32>
      %get3A_23 = arith.constant 3 : index
      %get3A_24 = arith.constant 0 : index
      %get3A_25 = vector.load %arg4[%get3A_23, %get3A_24] : memref<4x128xf32, #tpu.memory_space<vmem>>, vector<1x128xf32>
      %add3A_26 = vector.broadcast %get3A_25 : vector<1x128xf32> to vector<2000x128xf32>
      %add3A_27 = arith.addf %mul3A_22, %add3A_26 : vector<2000x128xf32>
      %get3A_28 = arith.constant 0 : index
      %get3A_29 = arith.constant 0 : index
      %get3A_30 = vector.load %arg3[%get3A_28, %get3A_29] : memref<2000x1xf32, #tpu.memory_space<vmem>>, vector<2000x1xf32>
      %mul3A_31 = vector.broadcast %get3A_30 : vector<2000x1xf32> to vector<2000x128xf32>
      %mul3A_32 = arith.mulf %add3A_27, %mul3A_31 : vector<2000x128xf32>
      %mul3A_33 = arith.constant 2000 : i32
      %mul3A_34 = arith.muli %arg0, %mul3A_33 : i32
      %swap3A = arith.index_cast %mul3A_34 : i32 to index
      %swap3A_35 = arith.constant 0 : index
      %swap3A_36 = vector.load %arg10[%swap3A, %swap3A_35] : memref<10000x128xf32, #tpu.memory_space<vmem>>, vector<2000x128xf32>
      tpu.vector_store %arg10[%swap3A, %swap3A_35], %mul3A_32 {strides = array<i32>} : memref<10000x128xf32, #tpu.memory_space<vmem>>, vector<2000x128xf32>,
      %get3A_37 = arith.constant 0 : index
      %get3A_38 = arith.constant 0 : index
      %get3A_39 = vector.load %arg11[%get3A_37, %get3A_38] : memref<1x128xf32, #tpu.memory_space<vmem>>, vector<1x128xf32>
      %reduce_sum3A = arith.constant dense<0.000000e+00> : vector<128xf32>
      %reduce_sum3A_40 = vector.multi_reduction <add>, %mul3A_32, %reduce_sum3A [0] : vector<2000x128xf32> to vector<128xf32>
      %broadcast_in_dim3A = vector.shape_cast %reduce_sum3A_40 : vector<128xf32> to vector<1x128xf32>
      %add3A_41 = arith.addf %get3A_39, %broadcast_in_dim3A : vector<1x128xf32>
      %swap3A_42 = arith.constant 0 : index
      %swap3A_43 = arith.constant 0 : index
      %swap3A_44 = vector.load %arg11[%swap3A_42, %swap3A_43] : memref<1x128xf32, #tpu.memory_space<vmem>>, vector<1x128xf32>
      tpu.vector_store %arg11[%swap3A_42, %swap3A_43], %add3A_41 {strides = array<i32>} : memref<1x128xf32, #tpu.memory_space<vmem>>, vector<1x128xf32>,
      %get3A_45 = arith.constant 0 : index
      %get3A_46 = arith.constant 0 : index
      %get3A_47 = vector.load %arg12[%get3A_45, %get3A_46] : memref<1x128xf32, #tpu.memory_space<vmem>>, vector<1x128xf32>
      %mul3A_48 = arith.mulf %mul3A_32, %mul3A_32 : vector<2000x128xf32>
      %reduce_sum3A_49 = arith.constant dense<0.000000e+00> : vector<128xf32>
      %reduce_sum3A_50 = vector.multi_reduction <add>, %mul3A_48, %reduce_sum3A_49 [0] : vector<2000x128xf32> to vector<128xf32>
      %broadcast_in_dim3A_51 = vector.shape_cast %reduce_sum3A_50 : vector<128xf32> to vector<1x128xf32>
      %add3A_52 = arith.addf %get3A_47, %broadcast_in_dim3A_51 : vector<1x128xf32>
      %swap3A_53 = arith.constant 0 : index
      %swap3A_54 = arith.constant 0 : index
      %swap3A_55 = vector.load %arg12[%swap3A_53, %swap3A_54] : memref<1x128xf32, #tpu.memory_space<vmem>>, vector<1x128xf32>
      tpu.vector_store %arg12[%swap3A_53, %swap3A_54], %add3A_52 {strides = array<i32>} : memref<1x128xf32, #tpu.memory_space<vmem>>, vector<1x128xf32>,
    } else {
    }
    %ge3A = arith.constant 5 : i32
    %ge3A_6 = arith.cmpi sge, %arg0, %ge3A : i32
    %convert_element_type3A_7 = arith.extui %ge3A_6 : i1 to i32
    %cond3A_8 = arith.constant 0 : i32
    %cond3A_9 = arith.cmpi ne, %convert_element_type3A_7, %cond3A_8 : i32
    scf.if %cond3A_9 {
      %sub3A = arith.constant 5 : i32
      %sub3A_10 = arith.subi %arg0, %sub3A : i32
      %mul3A = arith.constant 2000 : i32
      %mul3A_11 = arith.muli %sub3A_10, %mul3A : i32
      %get3A = arith.index_cast %mul3A_11 : i32 to index
      %get3A_12 = arith.constant 0 : index
      %get3A_13 = vector.load %arg10[%get3A, %get3A_12] : memref<10000x128xf32, #tpu.memory_space<vmem>>, vector<2000x128xf32>
      %get3A_14 = arith.constant 0 : index
      %get3A_15 = arith.constant 0 : index
      %get3A_16 = vector.load %arg11[%get3A_14, %get3A_15] : memref<1x128xf32, #tpu.memory_space<vmem>>, vector<1x128xf32>
      %div3A = arith.constant 1.000000e+04 : f32
      %div3A_17 = vector.broadcast %div3A : f32 to vector<1x128xf32>
      %div3A_18 = arith.divf %get3A_16, %div3A_17 : vector<1x128xf32>
      %get3A_19 = arith.constant 3 : index
      %get3A_20 = arith.constant 0 : index
      %get3A_21 = vector.load %arg5[%get3A_19, %get3A_20] : memref<4x128xf32, #tpu.memory_space<vmem>>, vector<1x128xf32>
      %get3A_22 = arith.constant 0 : index
      %get3A_23 = arith.constant 0 : index
      %get3A_24 = vector.load %arg12[%get3A_22, %get3A_23] : memref<1x128xf32, #tpu.memory_space<vmem>>, vector<1x128xf32>
      %div3A_25 = arith.constant 1.000000e+04 : f32
      %div3A_26 = vector.broadcast %div3A_25 : f32 to vector<1x128xf32>
      %div3A_27 = arith.divf %get3A_24, %div3A_26 : vector<1x128xf32>
      %mul3A_28 = arith.mulf %div3A_18, %div3A_18 : vector<1x128xf32>
      %sub3A_29 = arith.subf %div3A_27, %mul3A_28 : vector<1x128xf32>
      %add3A = arith.constant 9.99999974E-6 : f32
      %add3A_30 = vector.broadcast %add3A : f32 to vector<1x128xf32>
      %add3A_31 = arith.addf %sub3A_29, %add3A_30 : vector<1x128xf32>
      %rsqrt3A = math.rsqrt %add3A_31 : vector<1x128xf32>
      %mul3A_32 = arith.mulf %get3A_21, %rsqrt3A : vector<1x128xf32>
      %get3A_33 = arith.constant 0 : index
      %get3A_34 = arith.constant 0 : index
      %get3A_35 = vector.load %arg7[%get3A_33, %get3A_34] : memref<2000x128xf32, #tpu.memory_space<vmem>>, vector<2000x128xf32>
      %sub3A_36 = vector.broadcast %div3A_18 : vector<1x128xf32> to vector<2000x128xf32>
      %sub3A_37 = arith.subf %get3A_13, %sub3A_36 : vector<2000x128xf32>
      %mul3A_38 = vector.broadcast %mul3A_32 : vector<1x128xf32> to vector<2000x128xf32>
      %mul3A_39 = arith.mulf %sub3A_37, %mul3A_38 : vector<2000x128xf32>
      %get3A_40 = arith.constant 3 : index
      %get3A_41 = arith.constant 0 : index
      %get3A_42 = vector.load %arg6[%get3A_40, %get3A_41] : memref<4x128xf32, #tpu.memory_space<vmem>>, vector<1x128xf32>
      %add3A_43 = vector.broadcast %get3A_42 : vector<1x128xf32> to vector<2000x128xf32>
      %add3A_44 = arith.addf %mul3A_39, %add3A_43 : vector<2000x128xf32>
      %max3A = arith.constant 0.000000e+00 : f32
      %max3A_45 = vector.broadcast %max3A : f32 to vector<2000x128xf32>
      %max3A_46 = arith.maximumf %add3A_44, %max3A_45 : vector<2000x128xf32>
      %add3A_47 = arith.addf %get3A_35, %max3A_46 : vector<2000x128xf32>
      %get3A_48 = arith.constant 0 : index
      %get3A_49 = arith.constant 0 : index
      %get3A_50 = vector.load %arg8[%get3A_48, %get3A_49] : memref<2000x1xi32, #tpu.memory_space<vmem>>, vector<2000x1xi32>
      %iota3A = tpu.iota {dimensions = array<i32: 1>} : vector<2000x64xi32>
      %eq3A_51 = vector.broadcast %get3A_50 : vector<2000x1xi32> to vector<2000x64xi32>
      %eq3A_52 = arith.cmpi eq, %eq3A_51, %iota3A : vector<2000x64xi32>
      %convert_element_type3A_53 = arith.extui %eq3A_52 : vector<2000x64xi1> to vector<2000x64xi32>
      %convert_element_type3A_54 = arith.sitofp %convert_element_type3A_53 : vector<2000x64xi32> to vector<2000x64xf32>
      %eq3A_55 = arith.constant 5 : i32
      %eq3A_56 = arith.cmpi eq, %arg0, %eq3A_55 : i32
      %convert_element_type3A_57 = arith.extui %eq3A_56 : i1 to i32
      %cond3A_58 = arith.constant 0 : i32
      %cond3A_59 = arith.cmpi ne, %convert_element_type3A_57, %cond3A_58 : i32
      scf.if %cond3A_59 {
        %broadcast_in_dim3A_82 = arith.constant 0.000000e+00 : f32
        %broadcast_in_dim3A_83 = vector.broadcast %broadcast_in_dim3A_82 : f32 to vector<64x128xf32>
        %swap3A_84 = arith.constant 0 : index
        %swap3A_85 = arith.constant 0 : index
        %swap3A_86 = vector.load %arg13[%swap3A_84, %swap3A_85] : memref<64x128xf32, #tpu.memory_space<vmem>>, vector<64x128xf32>
        tpu.vector_store %arg13[%swap3A_84, %swap3A_85], %broadcast_in_dim3A_83 {strides = array<i32>} : memref<64x128xf32, #tpu.memory_space<vmem>>, vector<64x128xf32>,
        %broadcast_in_dim3A_87 = arith.constant 0.000000e+00 : f32
        %broadcast_in_dim3A_88 = vector.broadcast %broadcast_in_dim3A_87 : f32 to vector<64x128xf32>
        %swap3A_89 = arith.constant 0 : index
        %swap3A_90 = arith.constant 0 : index
        %swap3A_91 = vector.load %arg14[%swap3A_89, %swap3A_90] : memref<64x128xf32, #tpu.memory_space<vmem>>, vector<64x128xf32>
        tpu.vector_store %arg14[%swap3A_89, %swap3A_90], %broadcast_in_dim3A_88 {strides = array<i32>} : memref<64x128xf32, #tpu.memory_space<vmem>>, vector<64x128xf32>,
      } else {
      }
      %get3A_60 = arith.constant 0 : index
      %get3A_61 = arith.constant 0 : index
      %get3A_62 = vector.load %arg13[%get3A_60, %get3A_61] : memref<64x128xf32, #tpu.memory_space<vmem>>, vector<64x128xf32>
      %dot_general3A = arith.constant dense<0.000000e+00> : vector<64x128xf32>
      %dot_general3A_63 = tpu.matmul %convert_element_type3A_54, %add3A_47, %dot_general3A {dimension_numbers = #tpu.dot_dimension_numbers<[0], [0], [1], [1], [0, 1, 1, 1], [], []>, transpose_lhs_hint = false} : vector<2000x64xf32>, vector<2000x128xf32>, vector<64x128xf32> -> vector<64x128xf32>
      %add3A_64 = arith.addf %get3A_62, %dot_general3A_63 : vector<64x128xf32>
      %swap3A = arith.constant 0 : index
      %swap3A_65 = arith.constant 0 : index
      %swap3A_66 = vector.load %arg13[%swap3A, %swap3A_65] : memref<64x128xf32, #tpu.memory_space<vmem>>, vector<64x128xf32>
      tpu.vector_store %arg13[%swap3A, %swap3A_65], %add3A_64 {strides = array<i32>} : memref<64x128xf32, #tpu.memory_space<vmem>>, vector<64x128xf32>,
      %get3A_67 = arith.constant 0 : index
      %get3A_68 = arith.constant 0 : index
      %get3A_69 = vector.load %arg14[%get3A_67, %get3A_68] : memref<64x128xf32, #tpu.memory_space<vmem>>, vector<64x128xf32>
      %broadcast_in_dim3A = arith.constant 1.000000e+00 : f32
      %broadcast_in_dim3A_70 = vector.broadcast %broadcast_in_dim3A : f32 to vector<2000x128xf32>
      %dot_general3A_71 = arith.constant dense<0.000000e+00> : vector<64x128xf32>
      %dot_general3A_72 = tpu.matmul %convert_element_type3A_54, %broadcast_in_dim3A_70, %dot_general3A_71 {dimension_numbers = #tpu.dot_dimension_numbers<[0], [0], [1], [1], [0, 1, 1, 1], [], []>, transpose_lhs_hint = false} : vector<2000x64xf32>, vector<2000x128xf32>, vector<64x128xf32> -> vector<64x128xf32>
      %add3A_73 = arith.addf %get3A_69, %dot_general3A_72 : vector<64x128xf32>
      %swap3A_74 = arith.constant 0 : index
      %swap3A_75 = arith.constant 0 : index
      %swap3A_76 = vector.load %arg14[%swap3A_74, %swap3A_75] : memref<64x128xf32, #tpu.memory_space<vmem>>, vector<64x128xf32>
      tpu.vector_store %arg14[%swap3A_74, %swap3A_75], %add3A_73 {strides = array<i32>} : memref<64x128xf32, #tpu.memory_space<vmem>>, vector<64x128xf32>,
      %eq3A_77 = arith.constant 9 : i32
      %eq3A_78 = arith.cmpi eq, %arg0, %eq3A_77 : i32
      %convert_element_type3A_79 = arith.extui %eq3A_78 : i1 to i32
      %cond3A_80 = arith.constant 0 : i32
      %cond3A_81 = arith.cmpi ne, %convert_element_type3A_79, %cond3A_80 : i32
      scf.if %cond3A_81 {
        %get3A_82 = arith.constant 0 : index
        %get3A_83 = arith.constant 0 : index
        %get3A_84 = vector.load %arg13[%get3A_82, %get3A_83] : memref<64x128xf32, #tpu.memory_space<vmem>>, vector<64x128xf32>
        %get3A_85 = arith.constant 0 : index
        %get3A_86 = arith.constant 0 : index
        %get3A_87 = vector.load %arg14[%get3A_85, %get3A_86] : memref<64x128xf32, #tpu.memory_space<vmem>>, vector<64x128xf32>
        %max3A_88 = arith.constant 1.000000e+00 : f32
        %max3A_89 = vector.broadcast %max3A_88 : f32 to vector<64x128xf32>
        %max3A_90 = arith.maximumf %get3A_87, %max3A_89 : vector<64x128xf32>
        %div3A_91 = arith.divf %get3A_84, %max3A_90 : vector<64x128xf32>
        %swap3A_92 = arith.constant 0 : index
        %swap3A_93 = arith.constant 0 : index
        %swap3A_94 = vector.load %arg9[%swap3A_92, %swap3A_93] : memref<64x128xf32, #tpu.memory_space<vmem>>, vector<64x128xf32>
        tpu.vector_store %arg9[%swap3A_92, %swap3A_93], %div3A_91 {strides = array<i32>} : memref<64x128xf32, #tpu.memory_space<vmem>>, vector<64x128xf32>,
      } else {
      }
    } else {
    }
    return
  }
  func.func @transform_0(%arg0: i32) -> (i32, i32, i32) {
    %min3A = arith.constant 4 : i32
    %min3A_0 = arith.minsi %arg0, %min3A : i32
    %c0_i32 = arith.constant 0 : i32
    %c0_i32_1 = arith.constant 0 : i32
    %c0_i32_2 = arith.constant 0 : i32
    return %c0_i32, %min3A_0, %c0_i32_1 : i32, i32, i32
  }
  func.func @transform_1(%arg0: i32) -> (i32, i32) {
    %min3A = arith.constant 4 : i32
    %min3A_0 = arith.minsi %arg0, %min3A : i32
    %c0_i32 = arith.constant 0 : i32
    %c0_i32_1 = arith.constant 0 : i32
    return %min3A_0, %c0_i32 : i32, i32
  }
  func.func @transform_2(%arg0: i32) -> (i32, i32) {
    %min3A = arith.constant 4 : i32
    %min3A_0 = arith.minsi %arg0, %min3A : i32
    %c0_i32 = arith.constant 0 : i32
    %c0_i32_1 = arith.constant 0 : i32
    return %min3A_0, %c0_i32 : i32, i32
  }
  func.func @transform_3(%arg0: i32) -> (i32, i32) {
    %c0_i32 = arith.constant 0 : i32
    %c0_i32_0 = arith.constant 0 : i32
    %c0_i32_1 = arith.constant 0 : i32
    return %c0_i32, %c0_i32_0 : i32, i32
  }
  func.func @transform_4(%arg0: i32) -> (i32, i32) {
    %c0_i32 = arith.constant 0 : i32
    %c0_i32_0 = arith.constant 0 : i32
    %c0_i32_1 = arith.constant 0 : i32
    return %c0_i32, %c0_i32_0 : i32, i32
  }
  func.func @transform_5(%arg0: i32) -> (i32, i32) {
    %c0_i32 = arith.constant 0 : i32
    %c0_i32_0 = arith.constant 0 : i32
    %c0_i32_1 = arith.constant 0 : i32
    return %c0_i32, %c0_i32_0 : i32, i32
  }
  func.func @transform_6(%arg0: i32) -> (i32, i32) {
    %sub3A = arith.constant 5 : i32
    %sub3A_0 = arith.subi %arg0, %sub3A : i32
    %max3A = arith.constant 0 : i32
    %max3A_1 = arith.maxsi %sub3A_0, %max3A : i32
    %c0_i32 = arith.constant 0 : i32
    %c0_i32_2 = arith.constant 0 : i32
    return %max3A_1, %c0_i32 : i32, i32
  }
  func.func @transform_7(%arg0: i32) -> (i32, i32) {
    %sub3A = arith.constant 5 : i32
    %sub3A_0 = arith.subi %arg0, %sub3A : i32
    %max3A = arith.constant 0 : i32
    %max3A_1 = arith.maxsi %sub3A_0, %max3A : i32
    %c0_i32 = arith.constant 0 : i32
    %c0_i32_2 = arith.constant 0 : i32
    return %max3A_1, %c0_i32 : i32, i32
  }
  func.func @transform_8(%arg0: i32) -> (i32, i32) {
    %c0_i32 = arith.constant 0 : i32
    %c0_i32_0 = arith.constant 0 : i32
    %c0_i32_1 = arith.constant 0 : i32
    return %c0_i32, %c0_i32_0 : i32, i32
  }
}

</mosaic_0001>

<sc_bundles>
// kernel: kernel.12.cloned.1.call-start
scs
__scs_entry_jumppad:
0x0: {  	(pc) =	sbr.rel $0x88, $3  }
0x1: {  	(tag) =	ssettag $0x0;
	lr =	simm.s32 $0x1  }
0x2: {  	[smem:$0x3F99] =	sst lr;
	_ =	strace $0xD0000000  }
0x3: {  	_ = 	snop  }
0x4: {  	_ = 	snop  }
0x5: {  	_ = 	snop  }
0x6: {  	_ = 	snop  }
0x7: {  	_ = 	snop  }
__scs_overlays_trampoline_lowered:
0x8: {  	[smem:$0x3FA8] =	sst s0  }
0x9: {  	[smem:$0x3FA9] =	sst s1  }
0xa: {  	[smem:$0x3FAA] =	sst s2  }
0xb: {  	[smem:$0x3FAB] =	sst s3  }
0xc: {  	[smem:$0x3FAC] =	sst s4  }
0xd: {  	[smem:$0x3FAD] =	sst s5  }
0xe: {  	[smem:$0x3FAE] =	sst s6  }
0xf: {  	[smem:$0x3FAF] =	sst s7  }
0x10: {  	[smem:$0x3FB0] =	sst s8  }
0x11: {  	[smem:$0x3FB1] =	sst s9;
	s0 =	simm.s32 @!p0 $0x0  }
0x12: {  	s1 =	sld [smem:$0x3F97];
	s0 =	simm.s32 @p0 $0x1  }
0x13: {  	[smem:$0x3FB2] =	sst s0;
	s0 =	simm.s32 @!p1 $0x0  }
0x14: {  	s2 =	sld [smem:$0x3F96];
	s0 =	simm.s32 @p1 $0x1  }
0x15: {  	[smem:$0x3FB3] =	sst s0;
	s0 =	simm.s32 @!p2 $0x0  }
0x16: {  	s3 =	sld [smem:$0x3FDB];
	s0 =	simm.s32 @p2 $0x1  }
0x17: {  	s4 =	simm.s32 $0x1BF5;
	[smem:$0x3FB5] =	sst s0  }
0x18: {  	s0 =	sld [smem:$0x3F98];
	_ =	swait.ge [sflag:s4], $0x0  }
0x19: {  	s7 =	sld [smem:$0x3F99]  }
0x1a: {  	s8 =	sadd.s32 $0xFFFFE003, lr  }
0x1b: {  	s9 =	sadd.s32 $0xFFFFFEF7, lr;
	s5 =	simm.s32 $0xFFFFFFFF;
	p2 =	slt.u32 s8, $0xFFFFF086  }
0x1c: {  	p1 =	slt.u32 s9, $0xF7A;
	s5 =	simm.s32 @!p2 $0x0  }
0x1d: {  	s5 =	simm.s32 @p1 $0x1;
	p0 =	seq.s32 s7, s2  }
0x1e: {  	s7 =	smul.u32 @!p0 $0xF7A, s2;
	p2 =	seq.s32 @!p0 s5, $0x0  }
0x1f: {  	s9 =	smul.u32 $0xF7A, s1;
	s8 =	simm.s32 @!p0 $0x1BF5;
	p2 =	por !p2, p0  }
0x20: {  	[sflag:s8] =	ssyncset.s32 @!p0 $0xFFFFF086;
	s6 =	sadd.s32 @!p0 s3, s7;
	s7 =	simm.s32 @!p0 $0x108  }
0x21: {  	s3 =	sadd.s32 s3, s9;
	s6 =	sadd.s32 @!p0 $0x88, s6;
	s7 =	simm.s32 @p2 $0x1082  }
0x22: {  	[simem:s7], [sflag:s8] =	dma.local @!p0 [hbm:s6], $0xF7A  }
0x23: {  	s9 =	sor.u32 $0xD0000000, s2;
	s6 =	simm.s32 $0x108;
	_ =	swait.ge @!p0 [sflag:s8], $0x0  }
0x24: {  	s3 =	sadd.s32 $0x88, s3;
	s6 =	simm.s32 @!p1 $0x1082;
	[sflag:s4] =	ssyncset.s32 $0xFFFFF086  }
0x25: {  	[simem:s6], [sflag:s4] =	dma.local [hbm:s3], $0xF7A  }
0x26: {  	[smem:$0x3F99] =	sst s1;
	(tag) =	ssettag s2;
	_ =	strace s9  }
0x27: {  	s1 =	sld [smem:$0x3FA9]  }
0x28: {  	s2 =	sld [smem:$0x3FAA]  }
0x29: {  	s4 =	sld [smem:$0x3FAC]  }
0x2a: {  	p0 =	seq.s32 s5, $0x0;
	s5 =	sld [smem:$0x3FAD]  }
0x2b: {  	s6 =	sld [smem:$0x3FAE]  }
0x2c: {  	s7 =	sld [smem:$0x3FAF]  }
0x2d: {  	s3 =	simm.s32 $0x108;
	s8 =	sld [smem:$0x3FB0]  }
0x2e: {  	s3 =	simm.s32 @!p0 $0x1082;
	s9 =	sld [smem:$0x3FB1]  }
0x2f: {  	lr =	sadd.s32 s0, s3;
	s0 =	sld [smem:$0x3FA8]  }
0x30: {  	s3 =	sld [smem:$0x3FAB]  }
0x31: {  	[smem:$0x3FB4] =	sst s10  }
0x32: {  	s10 =	sld [smem:$0x3FB2];
	_ =	sdelay $0x3  }
0x33: {  	p0 =	seq.s32 s10, $0x1;
	s10 =	sld [smem:$0x3FB4];
	_ =	sdelay $0x3  }
0x34: {  	[smem:$0x3FB4] =	sst s10  }
0x35: {  	s10 =	sld [smem:$0x3FB3];
	_ =	sdelay $0x3  }
0x36: {  	p1 =	seq.s32 s10, $0x1;
	s10 =	sld [smem:$0x3FB4];
	_ =	sdelay $0x3  }
0x37: {  	[smem:$0x3FB4] =	sst s10  }
0x38: {  	s10 =	sld [smem:$0x3FB5]  }
0x39: {  	_ = 	snop;
	(pc) =	sbr.ind lr, $3  }
0x3a: {  	_ = 	snop  }
0x3b: {  	_ = 	snop  }
0x3c: {  	p2 =	seq.s32 s10, $0x1;
	s10 =	sld [smem:$0x3FB4]  }
0x3d: {  	_ =	shalt  }
0x3e: {  	_ =	shalt  }
0x3f: {  	_ =	shalt  }
0x40: {  	_ =	shalt  }
0x41: {  	_ =	shalt  }
0x42: {  	_ =	shalt  }
0x43: {  	_ =	shalt  }
0x44: {  	_ =	shalt  }
0x45: {  	_ =	shalt  }
0x46: {  	_ =	shalt  }
0x47: {  	_ =	shalt  }
0x48: {  	_ =	shalt  }
0x49: {  	_ =	shalt  }
0x4a: {  	_ =	shalt  }
0x4b: {  	_ =	shalt  }
0x4c: {  	_ =	shalt  }
0x4d: {  	_ =	shalt  }
0x4e: {  	_ =	shalt  }
0x4f: {  	_ =	shalt  }
0x50: {  	_ =	shalt  }
0x51: {  	_ =	shalt  }
0x52: {  	_ =	shalt  }
0x53: {  	_ =	shalt  }
0x54: {  	_ =	shalt  }
0x55: {  	_ =	shalt  }
0x56: {  	_ =	shalt  }
0x57: {  	_ =	shalt  }
0x58: {  	_ =	shalt  }
0x59: {  	_ =	shalt  }
0x5a: {  	_ =	shalt  }
0x5b: {  	_ =	shalt  }
0x5c: {  	_ =	shalt  }
0x5d: {  	_ =	shalt  }
0x5e: {  	_ =	shalt  }
0x5f: {  	_ =	shalt  }
0x60: {  	_ =	shalt  }
0x61: {  	_ =	shalt  }
0x62: {  	_ =	shalt  }
0x63: {  	_ =	shalt  }
0x64: {  	_ =	shalt  }
0x65: {  	_ =	shalt  }
0x66: {  	_ =	shalt  }
0x67: {  	_ =	shalt  }
0x68: {  	_ =	shalt  }
0x69: {  	_ =	shalt  }
0x6a: {  	_ =	shalt  }
0x6b: {  	_ =	shalt  }
0x6c: {  	_ =	shalt  }
0x6d: {  	_ =	shalt  }
0x6e: {  	_ =	shalt  }
0x6f: {  	_ =	shalt  }
0x70: {  	_ =	shalt  }
0x71: {  	_ =	shalt  }
0x72: {  	_ =	shalt  }
0x73: {  	_ =	shalt  }
0x74: {  	_ =	shalt  }
0x75: {  	_ =	shalt  }
0x76: {  	_ =	shalt  }
0x77: {  	_ =	shalt  }
0x78: {  	_ =	shalt  }
0x79: {  	_ =	shalt  }
0x7a: {  	_ =	shalt  }
0x7b: {  	_ =	shalt  }
0x7c: {  	_ =	shalt  }
0x7d: {  	_ =	shalt  }
0x7e: {  	_ =	shalt  }
0x7f: {  	_ =	shalt  }
0x80: {  	_ =	shalt  }
0x81: {  	_ =	shalt  }
0x82: {  	_ =	shalt  }
0x83: {  	_ =	shalt  }
0x84: {  	_ =	shalt  }
0x85: {  	_ =	shalt  }
0x86: {  	_ =	shalt  }
0x87: {  	_ =	shalt  }
.Lfunc_end0:
.L_simem_size_0:
called_computation_lowered:
.L_overlay_start_0:
0x88: {  	s2 =	sld [smem:$0x3FD9]  }
0x89: {  	s3 =	sld [smem:$0x3FFE];
	_ =	sdelay $0x1  }
0x8a: {  	s1 =	srdreg.scid  }
0x8b: {  	s0 =	sand.u32 $0x1, s1  }
0x8c: {  	s16 =	sshll.u32 s0, $0xA;
	s2 =	sadd.s32 s3, s2  }
0x8d: {  	s2 =	sadd.s32 s2, s16  }
0x8e: {  	[smem:$0x3FC0] =	sst s2  }
0x8f: {  	_ = 	snop  }
0x90: {  	(tm) =	ssettm $0x1  }
0x91: {  	s17 =	sld [smem:$0x3FFB];
	_ =	sdelay $0x3  }
0x92: {  	_ =	strace s17  }
0x93: {  	s2 =	sld [smem:$0x3FFC];
	_ =	sdelay $0x3  }
0x94: {  	_ =	strace s2  }
0x95: {  	s2 =	sld [smem:$0x3FFD];
	_ =	sdelay $0x3  }
0x96: {  	_ =	strace s2  }
0x97: {  	_ =	strace $0x8FFFFFFF  }
0x98: {  	s18 =	sld [smem:$0x3FDB];
	_ =	sdelay $0x1  }
0x99: {  	s19 =	simm.s32 $_scs_section_size  }
0x9a: {  	s4 =	simm.s32 $_size__tile_overlayer_lowered;
	s5 =	simm.s32 $_tile_overlayer_lowered  }
0x9b: {  	s22 =	simm.s32 $0x1BFF;
	s21 =	sshll.u32 s5, $0x1;
	s2 =	sadd.s32 s19, s18  }
0x9c: {  	s6 =	simm.s32 $0x0;
	s20 =	sshll.u32 s4, $0x1;
	s4 =	sadd.s32 s21, s2  }
0x9d: {  	[timem:s6], [sflag:s22] =	dma.local [hbm:s4], s20  }
0x9e: {  	_ =	swait.ge [sflag:s22], s20  }
0x9f: {  	s3 =	ssub.s32 $0x0, s20;
	[sflag:s22] =	ssyncset.done $0x0  }
0xa0: {  	[sflag:s22] =	ssyncadd.s32 s3;
	_ =	sdelay $0x1  }
0xa1: {  	s23 =	simm.s32 $0x1B8B  }
0xa2: {  	_ =	swait.ge [sflag:s23], $0x1  }
0xa3: {  	[sflag:s23] =	ssyncset.done $0x0  }
0xa4: {  	s25 =	simm.s32 $0x1B8E;
	s24 =	sld [smem:$0x3FFE];
	[sflag:s23] =	ssyncadd.s32 $0xFFFFFFFF  }
0xa5: {  	s26 =	simm.s32 $execute0_lowered;
	[smem:$0x3FD2] =	sst s25  }
0xa6: {  	s4 =	sshll.u32 s26, $0x1;
	_ =	strace $0x80000046;
	[dreg:$0x1] =	wrdreg $0xFFFFFFFF  }
0xa7: {  	s28 =	simm.s32 $_size_execute0_lowered;
	s2 =	sadd.s32 s2, s4;
	[dreg:$0x0] =	wrdreg $0x0  }
0xa8: {  	s4 =	sshll.u32 s28, $0x1;
	[dreg:$0x2] =	wrdreg s2  }
0xa9: {  	[dreg:$0x3] =	wrdreg s4  }
0xaa: {  	[dreg:$0x4] =	wrdreg $0xC0  }
0xab: {  	_ =	task [dreg:s6], $0x5FFFF  }
0xac: {  	[dreg:$0x1] =	wrdreg $0xFFFFFFFF  }
0xad: {  	[dreg:$0x0] =	wrdreg $0x60  }
0xae: {  	[dreg:$0x2] =	wrdreg s24  }
0xaf: {  	[dreg:$0x3] =	wrdreg $0x0  }
0xb0: {  	[dreg:$0x4] =	wrdreg $0x2800  }
0xb1: {  	[dreg:$0x5] =	wrdreg $0x9  }
0xb2: {  	_ =	task.clear_ibuf [dreg:s6], $0x6FFFF;
	_ =	strace $0x90000046  }
0xb3: {  	s29 =	simm.s32 $0x9;
	_ =	strace $0x80000048  }
0xb4: {  	_ =	swait.ge [sflag:s29], $0x1  }
0xb5: {  	[sflag:s29] =	ssyncadd.s32 $0xFFFFFFFF  }
0xb6: {  	_ =	strace $0x90000048  }
0xb7: {  	_ =	sfence  }
0xb8: {  	s30 =	sld [smem:$0x0];
	_ =	sdelay $0x2  }
0xb9: {  	s31 =	sshll.u32 s1, $0xD;
	s1 =	sshrl.u32 s1, $0x2  }
0xba: {  	s3 =	sand.u32 $0x4000, s31;
	s1 =	sadd.s32 s1, s30  }
0xbb: {  	s0 =	sor.u32 s3, s0;
	s1 =	sshll.u32 s1, $0x11  }
0xbc: {  	s0 =	sor.u32 s1, s0  }
0xbd: {  	s0 =	sadd.s32 $0x8F2B, s0  }
0xbe: {  	[sflag:s0] =	ssyncadd.remote.s32 $0x1  }
0xbf: {  	_ =	sfence.sel $0xFFFF  }
0xc0: {  	[dreg:$0x0] =	wrdreg $0xFFFFFFFF;
	(pc) =	sbr.abs _section_cstart, $3  }
0xc1: {  	[dreg:$0x1] =	wrdreg $0xFFFFFFFF  }
0xc2: {  	_ =	task.clear_ibuf [dreg:s6], $0x2FFFF;
	_ =	strace $0x9FFFFFFF  }
0xc3: {  	(tm) =	ssettm $0x7FFFFFFF  }
tec
execute0_lowered:
.L_overlay_start_1:
0x0: {  	(tag) =	ssettag $0x1  }
0x1: {  	s0 =	rddreg [dreg:$0x0]  }
0x2: {  	s1 =	rddreg [dreg:$0x1]  }
0x3: {  	s2 =	rddreg [dreg:$0x2]  }
0x4: {  	s3 =	srdreg.scid;
	s5 =	simm.s32 $0x0;
	s8 =	stileid.u32  }
0x5: {  	s13 =	simm.s32 $0x9;
	s14 =	simm.s32 $0x500;
	s15 =	simm.s32 $0x4500  }
0x6: {  	s16 =	simm.s32 $0x50;
	s17 =	simm.s32 $0x8500;
	s28 =	simm.s32 $0x7  }
0x7: {  	s29 =	simm.s32 $0x4;
	s30 =	simm.s32 $0x8;
	s31 =	simm.s32 $0x1  }
0x8: {  	s18 =	simm.s32 $0x10;
	s19 =	simm.s32 $0x0;
	s20 =	smul.u32 $0x500, s8  }
0x9: {  	s3 =	sand.u32 $0x1, s3;
	[smem:$0x7FF] =	sst s5;
	s22 =	smul.u32 $0x280, s8  }
0xa: {  	s7 =	sshll.u32 s8, $0xB;
	s4 =	smul.u32 $0x5000, s3;
	s6 =	sshll.u32 s3, $0xF  }
0xb: {  	_ =	strace $0x80000047;
	s3 =	ssub.s32 $0x2, s3;
	s6 =	sor.u32 s7, s6  }
0xc: {  	s21 =	sshrl.u32 s3, $0x1;
	s5 =	sadd.s32 s22, s1;
	s4 =	sadd.s32 s20, s4  }
0xd: {  	s23 =	sadd.s32 s6, s0;
	s3 =	ssub.s32 s3, s21;
	s6 =	sadd.s32 s22, s2  }
0xe: {  	s4 =	sshrl.u32 s4, $0x3;
	s24 =	sadd.s32 $0x13600, s23;
	s25 =	sadd.s32 $0x3600, s23  }
0xf: {  	s11 =	smax.u32 s3, $0x1;
	s3 =	simm.s32 $0x20;
	[dreg:$0x4] =	wrdreg s24  }
0x10: {  	s0 =	sadd.s32 s4, s0;
	[dreg:$0x5] =	wrdreg s25;
	s24 =	simm.s32 $0x2  }
0x11: {  	s25 =	simm.s32 $0x6;
	s26 =	sadd.s32 $0x23600, s0;
	s10 =	sadd.s32 $0x23610, s0  }
0x12: {  	v0 =	vimm.f32 $0.0e+00;
	v1 =	vimm.f32 $1.000000000e+00;
	s0 =	simm.s32 $0x5;
	[dreg:$0x6] =	wrdreg s26;
	s26 =	simm.s32 $0x3  }
.LBB2_1:
0x13: {  	[tilespmem:$0x8580] =	vst v0  }
0x14: {  	[tilespmem:$0x8590] =	vst v0  }
0x15: {  	[tilespmem:$0x85A0] =	vst v0  }
0x16: {  	[tilespmem:$0x85B0] =	vst v0  }
0x17: {  	[tilespmem:$0x85C0] =	vst v0  }
0x18: {  	[tilespmem:$0x85D0] =	vst v0  }
0x19: {  	[tilespmem:$0x85E0] =	vst v0  }
0x1a: {  	[tilespmem:$0x85F0] =	vst v0  }
0x1b: {  	[tilespmem:$0x8600] =	vst v0  }
0x1c: {  	[tilespmem:$0x8610] =	vst v0  }
0x1d: {  	[tilespmem:$0x8620] =	vst v0  }
0x1e: {  	[tilespmem:$0x8630] =	vst v0  }
0x1f: {  	[tilespmem:$0x8640] =	vst v0  }
0x20: {  	[tilespmem:$0x8650] =	vst v0  }
0x21: {  	[tilespmem:$0x8660] =	vst v0  }
0x22: {  	[tilespmem:$0x8670] =	vst v0  }
0x23: {  	[tilespmem:$0x8680] =	vst v0  }
0x24: {  	[tilespmem:$0x8690] =	vst v0  }
0x25: {  	[tilespmem:$0x86A0] =	vst v0  }
0x26: {  	[tilespmem:$0x86B0] =	vst v0  }
0x27: {  	[tilespmem:$0x86C0] =	vst v0  }
0x28: {  	[tilespmem:$0x86D0] =	vst v0  }
0x29: {  	[tilespmem:$0x86E0] =	vst v0  }
0x2a: {  	[tilespmem:$0x86F0] =	vst v0  }
0x2b: {  	[tilespmem:$0x8700] =	vst v0  }
0x2c: {  	[tilespmem:$0x8710] =	vst v0  }
0x2d: {  	[tilespmem:$0x8720] =	vst v0  }
0x2e: {  	[tilespmem:$0x8730] =	vst v0  }
0x2f: {  	[tilespmem:$0x8740] =	vst v0  }
0x30: {  	[tilespmem:$0x8750] =	vst v0  }
0x31: {  	[tilespmem:$0x8760] =	vst v0  }
0x32: {  	[tilespmem:$0x8770] =	vst v0  }
0x33: {  	[tilespmem:$0x8780] =	vst v0  }
0x34: {  	[tilespmem:$0x8790] =	vst v0  }
0x35: {  	[tilespmem:$0x87A0] =	vst v0  }
0x36: {  	[tilespmem:$0x87B0] =	vst v0  }
0x37: {  	[tilespmem:$0x87C0] =	vst v0  }
0x38: {  	[tilespmem:$0x87D0] =	vst v0  }
0x39: {  	[tilespmem:$0x87E0] =	vst v0  }
0x3a: {  	[tilespmem:$0x87F0] =	vst v0  }
0x3b: {  	[tilespmem:$0x8500] =	vst v1  }
0x3c: {  	[tilespmem:$0x8510] =	vst v1  }
0x3d: {  	[tilespmem:$0x8520] =	vst v1  }
0x3e: {  	[tilespmem:$0x8530] =	vst v1  }
0x3f: {  	[tilespmem:$0x8540] =	vst v1;
	s4 =	simm.s32 $0x8580  }
0x40: {  	[spmem:s5] =	stream.linear.scatter [tilespmem:s4], [sflag:$0x9], $0x280, $0x38;
	[tilespmem:$0x8800] =	vst v63  }
0x41: {  	_ =	swait.ge [sflag:s13], $0x280  }
0x42: {  	[sflag:s13] =	ssyncset.done $0x0  }
0x43: {  	[sflag:s13] =	ssyncadd.s32 $0xFFFFFD80  }
0x44: {  	[spmem:s6] =	stream.linear.scatter [tilespmem:s4], [sflag:$0x9], $0x280, $0x38;
	[tilespmem:$0x8800] =	vst v63  }
0x45: {  	_ =	swait.ge [sflag:s13], $0x280  }
0x46: {  	[sflag:s13] =	ssyncset.done $0x0  }
0x47: {  	s9 =	simm.s32 $0x0;
	s7 =	rddreg [dreg:$0x4];
	[sflag:s13] =	ssyncadd.s32 $0xFFFFFD80  }
0x48: {  	[tilespmem:s14], [sflag:$0x9] =	stream.linear.gather [hbm4b:s7+s9], $0x3E80, $0x38;
	[tilespmem:$0x8800] =	vst v63  }
0x49: {  	_ =	swait.ge [sflag:s13], $0x3E80  }
0x4a: {  	[sflag:s13] =	ssyncset.done $0x0  }
0x4b: {  	s12 =	rddreg [dreg:$0x5];
	[sflag:s13] =	ssyncadd.s32 $0xFFFFC180  }
0x4c: {  	[tilespmem:s15], [sflag:$0x9] =	stream.linear.gather [hbm4b:s12+s9], $0x3E80, $0x38;
	[tilespmem:$0x8800] =	vst v63  }
0x4d: {  	_ =	swait.ge [sflag:s13], $0x3E80  }
0x4e: {  	[sflag:s13] =	ssyncset.done $0x0  }
0x4f: {  	[sflag:s13] =	ssyncadd.s32 $0xFFFFC180  }
0x50: {  	[bflag:$0x0] =	sbarrier.arrive $0xFFFF  }
0x51: {  	[spmem:s1] =	stream.indirect.scatter.add.f32 [tilespmem:s17], [sflag:$0x1], $0x1, s14, s16, $0xb8;
	[tilespmem:$0x8800] =	vst v63  }
0x52: {  	_ = 	snop  }
0x53: {  	[spmem:s2] =	stream.indirect.scatter.add.f32 [tilespmem:s17], [sflag:$0x5], $0x1, s15, s16, $0xb8;
	[tilespmem:$0x8800] =	vst v63  }
0x54: {  	s20 =	simm.s32 $0x580  }
0x55: {  	[spmem:s1] =	stream.indirect.scatter.add.f32 [tilespmem:s17], [sflag:$0x2], $0x1, s20, s16, $0xb8;
	[tilespmem:$0x8800] =	vst v63  }
0x56: {  	s21 =	simm.s32 $0x4580  }
0x57: {  	[spmem:s2] =	stream.indirect.scatter.add.f32 [tilespmem:s17], [sflag:$0x6], $0x1, s21, s16, $0xb8;
	[tilespmem:$0x8800] =	vst v63  }
0x58: {  	s22 =	simm.s32 $0x600  }
0x59: {  	[spmem:s1] =	stream.indirect.scatter.add.f32 [tilespmem:s17], [sflag:$0x3], $0x1, s22, s16, $0xb8;
	[tilespmem:$0x8800] =	vst v63  }
0x5a: {  	s23 =	simm.s32 $0x4600  }
0x5b: {  	[spmem:s2] =	stream.indirect.scatter.add.f32 [tilespmem:s17], [sflag:$0x7], $0x1, s23, s16, $0xb8;
	[tilespmem:$0x8800] =	vst v63  }
0x5c: {  	s7 =	simm.s32 $0x680;
	s9 =	sand.u32 $0x3, s29  }
0x5d: {  	[spmem:s1] =	stream.indirect.scatter.add.f32 [tilespmem:s17], [sflag:$0x4], $0x1, s7, s16, $0xb8;
	[tilespmem:$0x8800] =	vst v63  }
0x5e: {  	s8 =	simm.s32 $0x4680;
	s12 =	sadd.s32 $0x1, s9  }
0x5f: {  	[spmem:s2] =	stream.indirect.scatter.add.f32 [tilespmem:s17], [sflag:$0x8], $0x1, s8, s16, $0xb8;
	[tilespmem:$0x8800] =	vst v63  }
0x60: {  	_ =	swait.ge [sflag:s12], $0x50  }
0x61: {  	[sflag:s12] =	ssyncset.done $0x0  }
0x62: {  	s22 =	sadd.s32 $0x5, s9;
	[sflag:s12] =	ssyncadd.s32 $0xFFFFFFB0  }
0x63: {  	s20 =	simm.s32 $0x700;
	s21 =	simm.s32 $0x5;
	_ =	swait.ge [sflag:s22], $0x50  }
0x64: {  	s4 =	sand.u32 $0x3, s21;
	s21 =	simm.s32 $0x4780;
	[sflag:s22] =	ssyncset.done $0x0  }
0x65: {  	s23 =	simm.s32 $0x4700;
	s7 =	simm.s32 $0x6;
	[sflag:s22] =	ssyncadd.s32 $0xFFFFFFB0  }
0x66: {  	[spmem:s1] =	stream.indirect.scatter.add.f32 [tilespmem:s17], [sflag:s12], $0x1, s20, s16, $0xb8;
	[tilespmem:$0x8800] =	vst v63  }
.LBB2_2:
0x67: {  	s8 =	sadd.s32 $0x1, s4  }
0x68: {  	s20 =	sadd.s32 $0x80, s20;
	s12 =	smov.u32 s7;
	s9 =	sadd.s32 $0x1, s7  }
0x69: {  	[spmem:s2] =	stream.indirect.scatter.add.f32 [tilespmem:s17], [sflag:s22], $0x1, s23, s16, $0xb8;
	[tilespmem:$0x8800] =	vst v63  }
0x6a: {  	p0 =	sne.s32 s7, $0x7C;
	s23 =	smov.u32 s21;
	_ =	swait.ge [sflag:s8], $0x50  }
0x6b: {  	[sflag:s8] =	ssyncset.done $0x0  }
.Ltmp0:
0x6c: {  	s22 =	sadd.s32 $0x5, s4;
	[sflag:s8] =	ssyncadd.s32 $0xFFFFFFB0;
	(pc) =	sbr.rel @p0 .LBB2_2-.Ltmp0, $4  }
0x6d: {  	_ =	swait.ge [sflag:s22], $0x50  }
0x6e: {  	s4 =	sand.u32 $0x3, s12;
	[sflag:s22] =	ssyncset.done $0x0  }
0x6f: {  	s21 =	sadd.s32 $0x80, s21;
	s7 =	smov.u32 s9;
	[sflag:s22] =	ssyncadd.s32 $0xFFFFFFB0  }
0x70: {  	[spmem:s1] =	stream.indirect.scatter.add.f32 [tilespmem:s17], [sflag:s8], $0x1, s20, s16, $0xb8;
	[tilespmem:$0x8800] =	vst v63  }
0x71: {  	[spmem:s2] =	stream.indirect.scatter.add.f32 [tilespmem:s17], [sflag:s22], $0x1, s23, s16, $0xb8;
	[tilespmem:$0x8800] =	vst v63  }
0x72: {  	s7 =	sadd.s32 $0x1, s4  }
0x73: {  	_ =	swait.ge [sflag:s7], $0x50  }
0x74: {  	[sflag:s7] =	ssyncset.done $0x0  }
0x75: {  	s12 =	sadd.s32 $0x5, s4;
	[sflag:s7] =	ssyncadd.s32 $0xFFFFFFB0  }
0x76: {  	_ =	swait.ge [sflag:s12], $0x50  }
0x77: {  	[sflag:s12] =	ssyncset.done $0x0  }
0x78: {  	s8 =	sadd.s32 $0x80, s20;
	[sflag:s12] =	ssyncadd.s32 $0xFFFFFFB0  }
0x79: {  	[spmem:s1] =	stream.indirect.scatter.add.f32 [tilespmem:s17], [sflag:s7], $0x1, s8, s16, $0xb8;
	[tilespmem:$0x8800] =	vst v63  }
0x7a: {  	_ = 	snop  }
0x7b: {  	[spmem:s2] =	stream.indirect.scatter.add.f32 [tilespmem:s17], [sflag:s12], $0x1, s21, s16, $0xb8;
	[tilespmem:$0x8800] =	vst v63  }
0x7c: {  	_ =	swait.ge [sflag:s24], $0x50  }
0x7d: {  	[sflag:s24] =	ssyncset.done $0x0  }
0x7e: {  	[sflag:s24] =	ssyncadd.s32 $0xFFFFFFB0  }
0x7f: {  	_ =	swait.ge [sflag:s25], $0x50  }
0x80: {  	[sflag:s25] =	ssyncset.done $0x0  }
0x81: {  	[sflag:s25] =	ssyncadd.s32 $0xFFFFFFB0  }
0x82: {  	_ =	swait.ge [sflag:s26], $0x50  }
0x83: {  	[sflag:s26] =	ssyncset.done $0x0  }
0x84: {  	[sflag:s26] =	ssyncadd.s32 $0xFFFFFFB0  }
0x85: {  	_ =	swait.ge [sflag:s28], $0x50  }
0x86: {  	[sflag:s28] =	ssyncset.done $0x0  }
0x87: {  	[sflag:s28] =	ssyncadd.s32 $0xFFFFFFB0  }
0x88: {  	_ =	swait.ge [sflag:s29], $0x50  }
0x89: {  	[sflag:s29] =	ssyncset.done $0x0  }
0x8a: {  	[sflag:s29] =	ssyncadd.s32 $0xFFFFFFB0  }
0x8b: {  	_ =	swait.ge [sflag:s30], $0x50  }
0x8c: {  	[sflag:s30] =	ssyncset.done $0x0  }
0x8d: {  	[sflag:s30] =	ssyncadd.s32 $0xFFFFFFB0  }
0x8e: {  	_ =	swait.ge [sflag:s31], $0x50  }
0x8f: {  	[sflag:s31] =	ssyncset.done $0x0  }
0x90: {  	[sflag:s31] =	ssyncadd.s32 $0xFFFFFFB0  }
0x91: {  	_ =	swait.ge [sflag:s0], $0x50  }
0x92: {  	[sflag:s0] =	ssyncset.done $0x0  }
0x93: {  	s20 =	stileid.u32;
	[sflag:s0] =	ssyncadd.s32 $0xFFFFFFB0  }
0x94: {  	s4 =	sshll.u32 s20, $0x6;
	[bflag:$0x0] =	sbarrier.arrive $0xFFFF  }
0x95: {  	s4 =	sor.u32 $0x1C09, s4;
	s21 =	sshrl.u32 s5, $0x3;
	s22 =	rddreg [dreg:$0x6]  }
0x96: {  	[hbm:s22@s3], [sflag:s4] =	dma.strided [spmem:s21@s18], $0x50, s31, $0x10   }
0x97: {  	s19 =	sadd.s32 $0x1, s19;
	_ =	swait.ge [sflag:s13], $0x50  }
0x98: {  	p0 =	sne.s32 s19, s11;
	[sflag:s13] =	ssyncset.done $0x0  }
.Ltmp1:
0x99: {  	s23 =	sshrl.u32 s6, $0x3;
	[sflag:s13] =	ssyncadd.s32 $0xFFFFFFB0;
	(pc) =	sbr.rel @p0 .LBB2_1-.Ltmp1, $4  }
0x9a: {  	[hbm:s10@s3], [sflag:s4] =	dma.strided [spmem:s23@s18], $0x50, s31, $0x10   }
0x9b: {  	_ =	swait.ge [sflag:s13], $0x50  }
0x9c: {  	[sflag:s13] =	ssyncset.done $0x0  }
0x9d: {  	[sflag:s13] =	ssyncadd.s32 $0xFFFFFFB0  }
0x9e: {  	_ =	sfence.sel $0x180000  }
0x9f: {  	[bflag:$0x0] =	sbarrier.arrive $0xFFFF  }
0xa0: {  	_ =	strace $0x90000047  }
0xa1: {  	s0 =	stileid.u32;
	[bflag:$0x2] =	sbarrier.arrive $0xFFFF  }
0xa2: {  	p0 =	sne.s32 s0, $0x0;
	s0 =	rddreg [dreg:$0x3]  }
0xa3: {  	s0 =	sadd.s32 @!p0 $0x100000, s0  }
0xa4: {  	[sflag:s0] =	ssyncadd.tile.s32 @!p0 $0x1;
	_ =	shalt  }
.Lfunc_end2:
_tile_overlayer_lowered:
.L_overlay_start_2:
0xa5: {  	(tag) =	ssettag $0x2  }
0xa6: {  	s0 =	rddreg [dreg:$0x0];
	s2 =	stileid.u32  }
0xa7: {  	s1 =	rddreg [dreg:$0x1];
	p0 =	sne.s32 s2, $0x0  }
0xa8: {  	s3 =	rddreg [dreg:$0x2];
	[bflag:$0x3] =	sbarrier.arrive $0xFFFF;
	s2 =	simm.s32 @!p0 $0x1C09  }
0xa9: {  	[timem:s3], [sflag:s2] =	dma.local @!p0 [hbm:s0], s1  }
0xaa: {  	s0 =	simm.s32 @!p0 $0x9  }
0xab: {  	_ =	swait.ge @!p0 [sflag:s0], s1  }
0xac: {  	s1 =	ssub.s32 @!p0 $0x0, s1;
	[sflag:s0] =	ssyncset.done @!p0 $0x0  }
0xad: {  	[sflag:s0] =	ssyncadd.s32 @!p0 s1  }
0xae: {  	[bflag:$0x3] =	sbarrier.arrive $0xFFFF  }
0xaf: {  	_ =	shalt  }

// kernel: kernel.15.cloned.1.call-start
scs
__scs_entry_jumppad:
0x0: {  	(pc) =	sbr.rel $0x88, $3  }
0x1: {  	(tag) =	ssettag $0x0;
	lr =	simm.s32 $0x1  }
0x2: {  	[smem:$0x3F99] =	sst lr;
	_ =	strace $0xD0000000  }
0x3: {  	_ = 	snop  }
0x4: {  	_ = 	snop  }
0x5: {  	_ = 	snop  }
0x6: {  	_ = 	snop  }
0x7: {  	_ = 	snop  }
__scs_overlays_trampoline_lowered:
0x8: {  	[smem:$0x3FA8] =	sst s0  }
0x9: {  	[smem:$0x3FA9] =	sst s1  }
0xa: {  	[smem:$0x3FAA] =	sst s2  }
0xb: {  	[smem:$0x3FAB] =	sst s3  }
0xc: {  	[smem:$0x3FAC] =	sst s4  }
0xd: {  	[smem:$0x3FAD] =	sst s5  }
0xe: {  	[smem:$0x3FAE] =	sst s6  }
0xf: {  	[smem:$0x3FAF] =	sst s7  }
0x10: {  	[smem:$0x3FB0] =	sst s8  }
0x11: {  	[smem:$0x3FB1] =	sst s9;
	s0 =	simm.s32 @!p0 $0x0  }
0x12: {  	s1 =	sld [smem:$0x3F97];
	s0 =	simm.s32 @p0 $0x1  }
0x13: {  	[smem:$0x3FB2] =	sst s0;
	s0 =	simm.s32 @!p1 $0x0  }
0x14: {  	s2 =	sld [smem:$0x3F96];
	s0 =	simm.s32 @p1 $0x1  }
0x15: {  	[smem:$0x3FB3] =	sst s0;
	s0 =	simm.s32 @!p2 $0x0  }
0x16: {  	s3 =	sld [smem:$0x3FDB];
	s0 =	simm.s32 @p2 $0x1  }
0x17: {  	s4 =	simm.s32 $0x1BF5;
	[smem:$0x3FB5] =	sst s0  }
0x18: {  	s0 =	sld [smem:$0x3F98];
	_ =	swait.ge [sflag:s4], $0x0  }
0x19: {  	s7 =	sld [smem:$0x3F99]  }
0x1a: {  	s8 =	sadd.s32 $0xFFFFE003, lr  }
0x1b: {  	s9 =	sadd.s32 $0xFFFFFEF7, lr;
	s5 =	simm.s32 $0xFFFFFFFF;
	p2 =	slt.u32 s8, $0xFFFFF086  }
0x1c: {  	p1 =	slt.u32 s9, $0xF7A;
	s5 =	simm.s32 @!p2 $0x0  }
0x1d: {  	s5 =	simm.s32 @p1 $0x1;
	p0 =	seq.s32 s7, s2  }
0x1e: {  	s7 =	smul.u32 @!p0 $0xF7A, s2;
	p2 =	seq.s32 @!p0 s5, $0x0  }
0x1f: {  	s9 =	smul.u32 $0xF7A, s1;
	s8 =	simm.s32 @!p0 $0x1BF5;
	p2 =	por !p2, p0  }
0x20: {  	[sflag:s8] =	ssyncset.s32 @!p0 $0xFFFFF086;
	s6 =	sadd.s32 @!p0 s3, s7;
	s7 =	simm.s32 @!p0 $0x108  }
0x21: {  	s3 =	sadd.s32 s3, s9;
	s6 =	sadd.s32 @!p0 $0x88, s6;
	s7 =	simm.s32 @p2 $0x1082  }
0x22: {  	[simem:s7], [sflag:s8] =	dma.local @!p0 [hbm:s6], $0xF7A  }
0x23: {  	s9 =	sor.u32 $0xD0000000, s2;
	s6 =	simm.s32 $0x108;
	_ =	swait.ge @!p0 [sflag:s8], $0x0  }
0x24: {  	s3 =	sadd.s32 $0x88, s3;
	s6 =	simm.s32 @!p1 $0x1082;
	[sflag:s4] =	ssyncset.s32 $0xFFFFF086  }
0x25: {  	[simem:s6], [sflag:s4] =	dma.local [hbm:s3], $0xF7A  }
0x26: {  	[smem:$0x3F99] =	sst s1;
	(tag) =	ssettag s2;
	_ =	strace s9  }
0x27: {  	s1 =	sld [smem:$0x3FA9]  }
0x28: {  	s2 =	sld [smem:$0x3FAA]  }
0x29: {  	s4 =	sld [smem:$0x3FAC]  }
0x2a: {  	p0 =	seq.s32 s5, $0x0;
	s5 =	sld [smem:$0x3FAD]  }
0x2b: {  	s6 =	sld [smem:$0x3FAE]  }
0x2c: {  	s7 =	sld [smem:$0x3FAF]  }
0x2d: {  	s3 =	simm.s32 $0x108;
	s8 =	sld [smem:$0x3FB0]  }
0x2e: {  	s3 =	simm.s32 @!p0 $0x1082;
	s9 =	sld [smem:$0x3FB1]  }
0x2f: {  	lr =	sadd.s32 s0, s3;
	s0 =	sld [smem:$0x3FA8]  }
0x30: {  	s3 =	sld [smem:$0x3FAB]  }
0x31: {  	[smem:$0x3FB4] =	sst s10  }
0x32: {  	s10 =	sld [smem:$0x3FB2];
	_ =	sdelay $0x3  }
0x33: {  	p0 =	seq.s32 s10, $0x1;
	s10 =	sld [smem:$0x3FB4];
	_ =	sdelay $0x3  }
0x34: {  	[smem:$0x3FB4] =	sst s10  }
0x35: {  	s10 =	sld [smem:$0x3FB3];
	_ =	sdelay $0x3  }
0x36: {  	p1 =	seq.s32 s10, $0x1;
	s10 =	sld [smem:$0x3FB4];
	_ =	sdelay $0x3  }
0x37: {  	[smem:$0x3FB4] =	sst s10  }
0x38: {  	s10 =	sld [smem:$0x3FB5]  }
0x39: {  	_ = 	snop;
	(pc) =	sbr.ind lr, $3  }
0x3a: {  	_ = 	snop  }
0x3b: {  	_ = 	snop  }
0x3c: {  	p2 =	seq.s32 s10, $0x1;
	s10 =	sld [smem:$0x3FB4]  }
0x3d: {  	_ =	shalt  }
0x3e: {  	_ =	shalt  }
0x3f: {  	_ =	shalt  }
0x40: {  	_ =	shalt  }
0x41: {  	_ =	shalt  }
0x42: {  	_ =	shalt  }
0x43: {  	_ =	shalt  }
0x44: {  	_ =	shalt  }
0x45: {  	_ =	shalt  }
0x46: {  	_ =	shalt  }
0x47: {  	_ =	shalt  }
0x48: {  	_ =	shalt  }
0x49: {  	_ =	shalt  }
0x4a: {  	_ =	shalt  }
0x4b: {  	_ =	shalt  }
0x4c: {  	_ =	shalt  }
0x4d: {  	_ =	shalt  }
0x4e: {  	_ =	shalt  }
0x4f: {  	_ =	shalt  }
0x50: {  	_ =	shalt  }
0x51: {  	_ =	shalt  }
0x52: {  	_ =	shalt  }
0x53: {  	_ =	shalt  }
0x54: {  	_ =	shalt  }
0x55: {  	_ =	shalt  }
0x56: {  	_ =	shalt  }
0x57: {  	_ =	shalt  }
0x58: {  	_ =	shalt  }
0x59: {  	_ =	shalt  }
0x5a: {  	_ =	shalt  }
0x5b: {  	_ =	shalt  }
0x5c: {  	_ =	shalt  }
0x5d: {  	_ =	shalt  }
0x5e: {  	_ =	shalt  }
0x5f: {  	_ =	shalt  }
0x60: {  	_ =	shalt  }
0x61: {  	_ =	shalt  }
0x62: {  	_ =	shalt  }
0x63: {  	_ =	shalt  }
0x64: {  	_ =	shalt  }
0x65: {  	_ =	shalt  }
0x66: {  	_ =	shalt  }
0x67: {  	_ =	shalt  }
0x68: {  	_ =	shalt  }
0x69: {  	_ =	shalt  }
0x6a: {  	_ =	shalt  }
0x6b: {  	_ =	shalt  }
0x6c: {  	_ =	shalt  }
0x6d: {  	_ =	shalt  }
0x6e: {  	_ =	shalt  }
0x6f: {  	_ =	shalt  }
0x70: {  	_ =	shalt  }
0x71: {  	_ =	shalt  }
0x72: {  	_ =	shalt  }
0x73: {  	_ =	shalt  }
0x74: {  	_ =	shalt  }
0x75: {  	_ =	shalt  }
0x76: {  	_ =	shalt  }
0x77: {  	_ =	shalt  }
0x78: {  	_ =	shalt  }
0x79: {  	_ =	shalt  }
0x7a: {  	_ =	shalt  }
0x7b: {  	_ =	shalt  }
0x7c: {  	_ =	shalt  }
0x7d: {  	_ =	shalt  }
0x7e: {  	_ =	shalt  }
0x7f: {  	_ =	shalt  }
0x80: {  	_ =	shalt  }
0x81: {  	_ =	shalt  }
0x82: {  	_ =	shalt  }
0x83: {  	_ =	shalt  }
0x84: {  	_ =	shalt  }
0x85: {  	_ =	shalt  }
0x86: {  	_ =	shalt  }
0x87: {  	_ =	shalt  }
.Lfunc_end0:
.L_simem_size_0:
called_computation.1_lowered:
.L_overlay_start_0:
0x88: {  	s2 =	sld [smem:$0x3FD9]  }
0x89: {  	s3 =	sld [smem:$0x3FFE];
	_ =	sdelay $0x1  }
0x8a: {  	s1 =	srdreg.scid  }
0x8b: {  	s0 =	sand.u32 $0x1, s1  }
0x8c: {  	s16 =	sshll.u32 s0, $0xA;
	s2 =	sadd.s32 s3, s2  }
0x8d: {  	s2 =	sadd.s32 s2, s16  }
0x8e: {  	[smem:$0x3FC0] =	sst s2  }
0x8f: {  	_ = 	snop  }
0x90: {  	(tm) =	ssettm $0x1  }
0x91: {  	s17 =	sld [smem:$0x3FFB];
	_ =	sdelay $0x3  }
0x92: {  	_ =	strace s17  }
0x93: {  	s2 =	sld [smem:$0x3FFC];
	_ =	sdelay $0x3  }
0x94: {  	_ =	strace s2  }
0x95: {  	s2 =	sld [smem:$0x3FFD];
	_ =	sdelay $0x3  }
0x96: {  	_ =	strace s2  }
0x97: {  	_ =	strace $0x8FFFFFFF  }
0x98: {  	s18 =	sld [smem:$0x3FDB];
	_ =	sdelay $0x1  }
0x99: {  	s19 =	simm.s32 $_scs_section_size  }
0x9a: {  	s4 =	simm.s32 $_size__tile_overlayer_lowered;
	s5 =	simm.s32 $_tile_overlayer_lowered  }
0x9b: {  	s22 =	simm.s32 $0x1BFF;
	s21 =	sshll.u32 s5, $0x1;
	s2 =	sadd.s32 s19, s18  }
0x9c: {  	s6 =	simm.s32 $0x0;
	s20 =	sshll.u32 s4, $0x1;
	s4 =	sadd.s32 s21, s2  }
0x9d: {  	[timem:s6], [sflag:s22] =	dma.local [hbm:s4], s20  }
0x9e: {  	_ =	swait.ge [sflag:s22], s20  }
0x9f: {  	s3 =	ssub.s32 $0x0, s20;
	[sflag:s22] =	ssyncset.done $0x0  }
0xa0: {  	[sflag:s22] =	ssyncadd.s32 s3;
	_ =	sdelay $0x1  }
0xa1: {  	s23 =	simm.s32 $0x1B8B  }
0xa2: {  	_ =	swait.ge [sflag:s23], $0x1  }
0xa3: {  	[sflag:s23] =	ssyncset.done $0x0  }
0xa4: {  	s25 =	simm.s32 $0x1B8E;
	s24 =	sld [smem:$0x3FFE];
	[sflag:s23] =	ssyncadd.s32 $0xFFFFFFFF  }
0xa5: {  	s26 =	simm.s32 $execute0_lowered;
	[smem:$0x3FD2] =	sst s25  }
0xa6: {  	s4 =	sshll.u32 s26, $0x1;
	_ =	strace $0x80000049;
	[dreg:$0x1] =	wrdreg $0xFFFFFFFF  }
0xa7: {  	s28 =	simm.s32 $_size_execute0_lowered;
	s2 =	sadd.s32 s2, s4;
	[dreg:$0x0] =	wrdreg $0x0  }
0xa8: {  	s4 =	sshll.u32 s28, $0x1;
	[dreg:$0x2] =	wrdreg s2  }
0xa9: {  	[dreg:$0x3] =	wrdreg s4  }
0xaa: {  	[dreg:$0x4] =	wrdreg $0xC0  }
0xab: {  	_ =	task [dreg:s6], $0x5FFFF  }
0xac: {  	[dreg:$0x1] =	wrdreg $0xFFFFFFFF  }
0xad: {  	[dreg:$0x0] =	wrdreg $0x60  }
0xae: {  	[dreg:$0x2] =	wrdreg s24  }
0xaf: {  	[dreg:$0x3] =	wrdreg $0x0  }
0xb0: {  	[dreg:$0x4] =	wrdreg $0x9  }
0xb1: {  	_ =	task.clear_ibuf [dreg:s6], $0x5FFFF;
	_ =	strace $0x90000049  }
0xb2: {  	s29 =	simm.s32 $0x9;
	_ =	strace $0x8000004B  }
0xb3: {  	_ =	swait.ge [sflag:s29], $0x1  }
0xb4: {  	[sflag:s29] =	ssyncadd.s32 $0xFFFFFFFF  }
0xb5: {  	_ =	strace $0x9000004B  }
0xb6: {  	_ =	sfence  }
0xb7: {  	s30 =	sld [smem:$0x0];
	_ =	sdelay $0x2  }
0xb8: {  	s31 =	sshll.u32 s1, $0xD;
	s1 =	sshrl.u32 s1, $0x2  }
0xb9: {  	s3 =	sand.u32 $0x4000, s31;
	s1 =	sadd.s32 s1, s30  }
0xba: {  	s0 =	sor.u32 s3, s0;
	s1 =	sshll.u32 s1, $0x11  }
0xbb: {  	s0 =	sor.u32 s1, s0  }
0xbc: {  	s0 =	sadd.s32 $0x8F2B, s0  }
0xbd: {  	[sflag:s0] =	ssyncadd.remote.s32 $0x1  }
0xbe: {  	_ =	sfence.sel $0xFFFF  }
0xbf: {  	[dreg:$0x0] =	wrdreg $0xFFFFFFFF;
	(pc) =	sbr.abs _section_cstart, $3  }
0xc0: {  	[dreg:$0x1] =	wrdreg $0xFFFFFFFF  }
0xc1: {  	_ =	task.clear_ibuf [dreg:s6], $0x2FFFF;
	_ =	strace $0x9FFFFFFF  }
0xc2: {  	(tm) =	ssettm $0x7FFFFFFF  }
0xc3: {  	_ =	shalt  }
tec
execute0_lowered:
.L_overlay_start_1:
0x0: {  	(tag) =	ssettag $0x1  }
0x1: {  	s0 =	rddreg [dreg:$0x0]  }
0x2: {  	s1 =	rddreg [dreg:$0x1];
	s2 =	srdreg.scid  }
0x3: {  	s3 =	simm.s32 $0x0;
	s17 =	stileid.u32;
	s20 =	simm.s32 $0x1  }
0x4: {  	s21 =	simm.s32 $0x50;
	s23 =	simm.s32 $0x2;
	s25 =	simm.s32 $0xD  }
0x5: {  	s28 =	simm.s32 $0x0;
	s2 =	sand.u32 $0x1, s2;
	s9 =	smul.u32 $0x4E000, s17  }
0x6: {  	[smem:$0x7FF] =	sst s3;
	s15 =	sadd.s32 $0x24A00, s0;
	s13 =	smul.u32 $0x13800, s17  }
0x7: {  	s16 =	smul.u32 $0x7D00, s17;
	s11 =	sadd.s32 $0x138000, s1;
	p0 =	sne.s32 s17, $0xF  }
0x8: {  	s4 =	sshll.u32 s2, $0x4;
	_ =	strace $0x8000004A;
	s12 =	smul.u32 $0x138800, s2  }
0x9: {  	s7 =	ssub.s32 $0x2, s2;
	s2 =	smul.u32 $0x7D000, s2;
	s5 =	sor.u32 s17, s4  }
0xa: {  	s4 =	sadd.s32 $0x6B000, s0;
	s8 =	sshrl.u32 s7, $0x1;
	s10 =	sshrl.u32 s9, $0x2  }
0xb: {  	s17 =	simm.s32 $0x13980;
	s6 =	smul.u32 $0x7D00, s5;
	s5 =	sadd.s32 $0x3600, s0  }
0xc: {  	s0 =	sadd.s32 $0x92200, s0;
	s14 =	ssub.s32 s7, s8;
	s10 =	sadd.s32 s10, s1  }
0xd: {  	s13 =	sadd.s32 s13, s12;
	s12 =	sshrl.u32 s12, $0x3;
	s2 =	sadd.s32 s16, s2  }
0xe: {  	s16 =	simm.s32 $0x13880;
	s13 =	sshrl.u32 s13, $0x3;
	s30 =	sadd.s32 s0, s12  }
.Ltmp0:
0xf: {  	s2 =	sadd.s32 $0x400, s2;
	s6 =	sshrl.u32 s6, $0x3;
	(pc) =	sbr.rel .LBB2_1-.Ltmp0, $4  }
0x10: {  	s14 =	smax.u32 s14, $0x1;
	s12 =	sadd.s32 s0, s13;
	s6 =	sadd.s32 s15, s6  }
0x11: {  	s13 =	sadd.s32 $0x27000, s30;
	s31 =	sshrl.u32 s2, $0x3;
	s26 =	sadd.s32 $0x20, s6  }
0x12: {  	s0 =	sadd.s32 s31, s15;
	s29 =	sadd.s32 $0x40, s6;
	[dreg:$0x3] =	wrdreg s26  }
0x13: {  	s9 =	sadd.s32 $0x60, s6;
	[dreg:$0x4] =	wrdreg s29;
	s26 =	simm.s32 $0xB  }
.LBB2_5:
0x14: {  	_ =	swait.ge [sflag:s26], $0x2800  }
0x15: {  	[sflag:s26] =	ssyncset.done $0x0  }
0x16: {  	[sflag:s26] =	ssyncadd.s32 $0xFFFFD800  }
0x17: {  	[bflag:$0x0] =	sbarrier.arrive $0xFFFF  }
0x18: {  	[hbm:s12], [sflag:s29] =	dma.local [spmem:s30], $0x2700  }
0x19: {  	s28 =	sadd.s32 $0x1, s28;
	_ =	swait.ge [sflag:s25], $0x2700  }
0x1a: {  	p1 =	sne.s32 s28, s14;
	[sflag:s25] =	ssyncset.done $0x0  }
.Ltmp1:
0x1b: {  	s2 =	simm.s32 @!p0 $0xD;
	[sflag:s25] =	ssyncadd.s32 $0xFFFFD900;
	(pc) =	sbr.rel @!p1 .LBB2_6-.Ltmp1, $4  }
0x1c: {  	[hbm:s13], [sflag:s29] =	dma.local @!p0 [spmem:s31], $0x100  }
0x1d: {  	_ =	swait.ge @!p0 [sflag:s2], $0x100  }
0x1e: {  	[sflag:s2] =	ssyncset.done @!p0 $0x0  }
0x1f: {  	[sflag:s2] =	ssyncadd.s32 @!p0 $0xFFFFFF00  }
.LBB2_1:
0x20: {  	[tilespmem:s16], [sflag:$0x1] =	stream.linear.gather [hbm4b:s6+s3], $0x100, $0x38;
	[tilespmem:$0x1B680] =	vst v63  }
0x21: {  	s2 =	rddreg [dreg:$0x3]  }
0x22: {  	[tilespmem:s17], [sflag:$0x2] =	stream.linear.gather [hbm4b:s2+s3], $0x100, $0x38;
	[tilespmem:$0x1B680] =	vst v63  }
0x23: {  	s15 =	rddreg [dreg:$0x4];
	s7 =	simm.s32 $0x13A80  }
0x24: {  	[tilespmem:s7], [sflag:$0x3] =	stream.linear.gather [hbm4b:s15+s3], $0x100, $0x38;
	[tilespmem:$0x1B680] =	vst v63  }
0x25: {  	s18 =	simm.s32 $0x13B80  }
0x26: {  	[tilespmem:s18], [sflag:$0x4] =	stream.linear.gather [hbm4b:s9+s3], $0x100, $0x38;
	[tilespmem:$0x1B680] =	vst v63  }
0x27: {  	_ =	swait.ge [sflag:s20], $0x100  }
0x28: {  	[sflag:s20] =	ssyncset.done $0x0  }
0x29: {  	s19 =	simm.s32 $0x13E80;
	[sflag:s20] =	ssyncadd.s32 $0xFFFFFF00  }
0x2a: {  	[tilespmem:s19], [sflag:$0x7] =	stream.indirect.gather [hbm4b:s4+s21], $0x80, s16, s21, $0xb8;
	[tilespmem:$0x1B680] =	vst v63  }
0x2b: {  	s24 =	stileid.u32;
	_ =	swait.ge [sflag:s23], $0x100  }
0x2c: {  	s22 =	simm.s32 $0x16680;
	s2 =	sshll.u32 s24, $0x6;
	[sflag:s23] =	ssyncset.done $0x0  }
0x2d: {  	s30 =	sshrl.u32 s10, $0x3;
	s29 =	sor.u32 $0x1C0D, s2;
	[sflag:s23] =	ssyncadd.s32 $0xFFFFFF00  }
0x2e: {  	[tilespmem:s22], [sflag:$0x8] =	stream.indirect.gather [hbm4b:s4+s21], $0x80, s17, s21, $0xb8;
	[tilespmem:$0x1B680] =	vst v63  }
0x2f: {  	[spmem:s30], [sflag:s29] =	dma.local [hbm:s5], $0x2700  }
0x30: {  	_ =	swait.ge [sflag:s25], $0x2700  }
0x31: {  	[sflag:s25] =	ssyncset.done $0x0  }
0x32: {  	s31 =	sshrl.u32 @!p0 s11, $0x3;
	s2 =	simm.s32 @!p0 $0xD;
	[sflag:s25] =	ssyncadd.s32 $0xFFFFD900  }
0x33: {  	[spmem:s31], [sflag:s29] =	dma.local @!p0 [hbm:s5], $0x100  }
.Ltmp2:
0x34: {  	_ =	swait.ge @!p0 [sflag:s2], $0x100;
	(pc) =	sbr.rel .LBB2_2-.Ltmp2, $4  }
0x35: {  	[sflag:s2] =	ssyncset.done @!p0 $0x0  }
0x36: {  	[sflag:s2] =	ssyncadd.s32 @!p0 $0xFFFFFF00  }
0x37: {  	[bflag:$0x0] =	sbarrier.arrive $0xFFFF  }
0x38: {  	s15 =	smov.u32 s0;
	s2 =	simm.s32 $0x0  }
.LBB2_4:
0x39: {  	s7 =	sand.u32 $0xFF, s2  }
0x3a: {  	s7 =	smul.u32 $0xAB, s7;
	_ =	sdelay $0x1  }
0x3b: {  	s8 =	sshrl.u32 s7, $0x9  }
0x3c: {  	s7 =	sshrl.u32 s7, $0xA;
	s8 =	smul.u32 $0x3, s8  }
0x3d: {  	s7 =	smul.u32 $0x6, s7  }
0x3e: {  	s8 =	ssub.s32 s2, s8  }
0x3f: {  	s7 =	ssub.s32 s2, s7;
	s2 =	sadd.s32 $0x1, s2;
	s8 =	sand.u32 $0xFF, s8  }
0x40: {  	p1 =	sne.s32 s2, $0x7D;
	s18 =	smul.u32 $0xA000, s8  }
.Ltmp3:
0x41: {  	s7 =	sand.u32 $0xFF, s7;
	s19 =	sadd.s32 $0x7, s8;
	(pc) =	sbr.rel @!p1 .LBB2_5-.Ltmp3, $4  }
0x42: {  	s15 =	sadd.s32 $0x20, s15;
	s7 =	sshll.u32 s7, $0x8;
	_ =	swait.ge [sflag:s19], $0x2800  }
0x43: {  	s8 =	sadd.s32 $0xA, s8;
	s18 =	sshrl.u32 s18, $0x2;
	[sflag:s19] =	ssyncset.done $0x0  }
0x44: {  	s7 =	sadd.s32 $0x13900, s7;
	s18 =	sadd.s32 $0x13E80, s18;
	[sflag:s19] =	ssyncadd.s32 $0xFFFFD800  }
0x45: {  	[spmem:s1] =	stream.indirect.scatter.add.f32 [tilespmem:s18], [sflag:s8], $0x80, s7, s21, $0xb8;
	[tilespmem:$0x1B680] =	vst v63  }
.LBB2_2:
0x46: {  	s19 =	sadd.s32 $0x2, s2  }
0x47: {  	s18 =	sand.u32 $0xFF, s19  }
0x48: {  	s22 =	smul.u32 $0xAB, s18;
	_ =	sdelay $0x1  }
0x49: {  	s18 =	sshrl.u32 s22, $0x9  }
0x4a: {  	p1 =	seq.s32 s2, $0x0;
	s18 =	smul.u32 $0x3, s18  }
0x4b: {  	p2 =	sgt.u32 @!p1 s2, $0x7A  }
0x4c: {  	p2 =	por p1, !p2;
	s18 =	ssub.s32 s19, s18  }
.Ltmp4:
0x4d: {  	s18 =	sand.u32 $0xFF, s18;
	(pc) =	sbr.rel @!p2 .LBB2_4-.Ltmp4, $4  }
0x4e: {  	s24 =	sadd.s32 @!p1 $0xA, s18  }
0x4f: {  	_ =	swait.ge @!p1 [sflag:s24], $0x2800  }
0x50: {  	[sflag:s24] =	ssyncset.done @!p1 $0x0  }
0x51: {  	[sflag:s24] =	ssyncadd.s32 @!p1 $0xFFFFD800  }
0x52: {  	s22 =	sshrl.u32 s22, $0xA  }
0x53: {  	p1 =	sgt.u32 s2, $0x78;
	s22 =	smul.u32 $0x6, s22  }
0x54: {  	s24 =	smul.u32 $0xA000, s18;
	s7 =	sadd.s32 @!p1 $0x4, s2  }
0x55: {  	s8 =	smul.u32 @!p1 $0xAB, s7;
	s19 =	ssub.s32 s19, s22  }
0x56: {  	s19 =	sand.u32 $0xFF, s19  }
0x57: {  	s24 =	sshrl.u32 s24, $0x2;
	s8 =	sshrl.u32 @!p1 s8, $0xA;
	s22 =	sadd.s32 $0x1, s19  }
0x58: {  	s19 =	sshll.u32 s19, $0x8;
	s8 =	sand.u32 @!p1 $0x3F, s8;
	_ =	swait.ge [sflag:s22], $0x100  }
0x59: {  	s19 =	sadd.s32 $0x13880, s19;
	s8 =	smul.u32 @!p1 $0x6, s8;
	[sflag:s22] =	ssyncset.done $0x0  }
0x5a: {  	[sflag:s22] =	ssyncadd.s32 $0xFFFFFF00;
	s22 =	sadd.s32 $0x13E80, s24;
	s24 =	sadd.s32 $0x7, s18  }
0x5b: {  	[tilespmem:s22], [sflag:s24] =	stream.indirect.gather [hbm4b:s4+s21], $0x80, s19, s21, $0xb8;
	[tilespmem:$0x1B680] =	vst v63  }
.Ltmp5:
0x5c: {  	s7 =	ssub.s32 @!p1 s7, s8;
	(pc) =	sbr.rel .LBB2_4-.Ltmp5, $4  }
0x5d: {  	s7 =	sand.u32 @!p1 $0xFF, s7  }
0x5e: {  	s8 =	sshll.u32 @!p1 s7, $0x8  }
0x5f: {  	s18 =	simm.s32 @!p1 $0x0;
	s7 =	sadd.s32 @!p1 $0x1, s7;
	s8 =	sor.u32 @!p1 $0x13880, s8  }
0x60: {  	[tilespmem:s8], [sflag:s7] =	stream.linear.gather @!p1 [hbm4b:s15+s18], $0x100, $0x38;
	[tilespmem:$0x1B680] =	vst v63  }
.LBB2_6:
0x61: {  	_ =	sfence.sel $0x180000  }
0x62: {  	[bflag:$0x0] =	sbarrier.arrive $0xFFFF  }
0x63: {  	_ =	strace $0x9000004A  }
0x64: {  	s0 =	stileid.u32;
	[bflag:$0x2] =	sbarrier.arrive $0xFFFF  }
0x65: {  	p0 =	sne.s32 s0, $0x0;
	s0 =	rddreg [dreg:$0x2]  }
0x66: {  	s0 =	sadd.s32 @!p0 $0x100000, s0  }
0x67: {  	[sflag:s0] =	ssyncadd.tile.s32 @!p0 $0x1;
	_ =	shalt  }
.Lfunc_end2:
_tile_overlayer_lowered:
.L_overlay_start_2:
0x68: {  	(tag) =	ssettag $0x2  }
0x69: {  	s0 =	rddreg [dreg:$0x0];
	s2 =	stileid.u32  }
0x6a: {  	s1 =	rddreg [dreg:$0x1];
	p0 =	sne.s32 s2, $0x0  }
0x6b: {  	s3 =	rddreg [dreg:$0x2];
	[bflag:$0x3] =	sbarrier.arrive $0xFFFF;
	s2 =	simm.s32 @!p0 $0x1C0D  }
0x6c: {  	[timem:s3], [sflag:s2] =	dma.local @!p0 [hbm:s0], s1  }
0x6d: {  	s0 =	simm.s32 @!p0 $0xD  }
0x6e: {  	_ =	swait.ge @!p0 [sflag:s0], s1  }
0x6f: {  	s1 =	ssub.s32 @!p0 $0x0, s1;
	[sflag:s0] =	ssyncset.done @!p0 $0x0  }
0x70: {  	[sflag:s0] =	ssyncadd.s32 @!p0 s1  }
0x71: {  	[bflag:$0x3] =	sbarrier.arrive $0xFFFF  }
0x72: {  	_ =	shalt  }

// kernel: kernel.18.cloned.1.call-start
scs
__scs_entry_jumppad:
0x0: {  	(pc) =	sbr.rel $0x88, $3  }
0x1: {  	(tag) =	ssettag $0x0;
	lr =	simm.s32 $0x1  }
0x2: {  	[smem:$0x3F99] =	sst lr;
	_ =	strace $0xD0000000  }
0x3: {  	_ = 	snop  }
0x4: {  	_ = 	snop  }
0x5: {  	_ = 	snop  }
0x6: {  	_ = 	snop  }
0x7: {  	_ = 	snop  }
__scs_overlays_trampoline_lowered:
0x8: {  	[smem:$0x3FA8] =	sst s0  }
0x9: {  	[smem:$0x3FA9] =	sst s1  }
0xa: {  	[smem:$0x3FAA] =	sst s2  }
0xb: {  	[smem:$0x3FAB] =	sst s3  }
0xc: {  	[smem:$0x3FAC] =	sst s4  }
0xd: {  	[smem:$0x3FAD] =	sst s5  }
0xe: {  	[smem:$0x3FAE] =	sst s6  }
0xf: {  	[smem:$0x3FAF] =	sst s7  }
0x10: {  	[smem:$0x3FB0] =	sst s8  }
0x11: {  	[smem:$0x3FB1] =	sst s9;
	s0 =	simm.s32 @!p0 $0x0  }
0x12: {  	s1 =	sld [smem:$0x3F97];
	s0 =	simm.s32 @p0 $0x1  }
0x13: {  	[smem:$0x3FB2] =	sst s0;
	s0 =	simm.s32 @!p1 $0x0  }
0x14: {  	s2 =	sld [smem:$0x3F96];
	s0 =	simm.s32 @p1 $0x1  }
0x15: {  	[smem:$0x3FB3] =	sst s0;
	s0 =	simm.s32 @!p2 $0x0  }
0x16: {  	s3 =	sld [smem:$0x3FDB];
	s0 =	simm.s32 @p2 $0x1  }
0x17: {  	s4 =	simm.s32 $0x1BF5;
	[smem:$0x3FB5] =	sst s0  }
0x18: {  	s0 =	sld [smem:$0x3F98];
	_ =	swait.ge [sflag:s4], $0x0  }
0x19: {  	s7 =	sld [smem:$0x3F99]  }
0x1a: {  	s8 =	sadd.s32 $0xFFFFE003, lr  }
0x1b: {  	s9 =	sadd.s32 $0xFFFFFEF7, lr;
	s5 =	simm.s32 $0xFFFFFFFF;
	p2 =	slt.u32 s8, $0xFFFFF086  }
0x1c: {  	p1 =	slt.u32 s9, $0xF7A;
	s5 =	simm.s32 @!p2 $0x0  }
0x1d: {  	s5 =	simm.s32 @p1 $0x1;
	p0 =	seq.s32 s7, s2  }
0x1e: {  	s7 =	smul.u32 @!p0 $0xF7A, s2;
	p2 =	seq.s32 @!p0 s5, $0x0  }
0x1f: {  	s9 =	smul.u32 $0xF7A, s1;
	s8 =	simm.s32 @!p0 $0x1BF5;
	p2 =	por !p2, p0  }
0x20: {  	[sflag:s8] =	ssyncset.s32 @!p0 $0xFFFFF086;
	s6 =	sadd.s32 @!p0 s3, s7;
	s7 =	simm.s32 @!p0 $0x108  }
0x21: {  	s3 =	sadd.s32 s3, s9;
	s6 =	sadd.s32 @!p0 $0x88, s6;
	s7 =	simm.s32 @p2 $0x1082  }
0x22: {  	[simem:s7], [sflag:s8] =	dma.local @!p0 [hbm:s6], $0xF7A  }
0x23: {  	s9 =	sor.u32 $0xD0000000, s2;
	s6 =	simm.s32 $0x108;
	_ =	swait.ge @!p0 [sflag:s8], $0x0  }
0x24: {  	s3 =	sadd.s32 $0x88, s3;
	s6 =	simm.s32 @!p1 $0x1082;
	[sflag:s4] =	ssyncset.s32 $0xFFFFF086  }
0x25: {  	[simem:s6], [sflag:s4] =	dma.local [hbm:s3], $0xF7A  }
0x26: {  	[smem:$0x3F99] =	sst s1;
	(tag) =	ssettag s2;
	_ =	strace s9  }
0x27: {  	s1 =	sld [smem:$0x3FA9]  }
0x28: {  	s2 =	sld [smem:$0x3FAA]  }
0x29: {  	s4 =	sld [smem:$0x3FAC]  }
0x2a: {  	p0 =	seq.s32 s5, $0x0;
	s5 =	sld [smem:$0x3FAD]  }
0x2b: {  	s6 =	sld [smem:$0x3FAE]  }
0x2c: {  	s7 =	sld [smem:$0x3FAF]  }
0x2d: {  	s3 =	simm.s32 $0x108;
	s8 =	sld [smem:$0x3FB0]  }
0x2e: {  	s3 =	simm.s32 @!p0 $0x1082;
	s9 =	sld [smem:$0x3FB1]  }
0x2f: {  	lr =	sadd.s32 s0, s3;
	s0 =	sld [smem:$0x3FA8]  }
0x30: {  	s3 =	sld [smem:$0x3FAB]  }
0x31: {  	[smem:$0x3FB4] =	sst s10  }
0x32: {  	s10 =	sld [smem:$0x3FB2];
	_ =	sdelay $0x3  }
0x33: {  	p0 =	seq.s32 s10, $0x1;
	s10 =	sld [smem:$0x3FB4];
	_ =	sdelay $0x3  }
0x34: {  	[smem:$0x3FB4] =	sst s10  }
0x35: {  	s10 =	sld [smem:$0x3FB3];
	_ =	sdelay $0x3  }
0x36: {  	p1 =	seq.s32 s10, $0x1;
	s10 =	sld [smem:$0x3FB4];
	_ =	sdelay $0x3  }
0x37: {  	[smem:$0x3FB4] =	sst s10  }
0x38: {  	s10 =	sld [smem:$0x3FB5]  }
0x39: {  	_ = 	snop;
	(pc) =	sbr.ind lr, $3  }
0x3a: {  	_ = 	snop  }
0x3b: {  	_ = 	snop  }
0x3c: {  	p2 =	seq.s32 s10, $0x1;
	s10 =	sld [smem:$0x3FB4]  }
0x3d: {  	_ =	shalt  }
0x3e: {  	_ =	shalt  }
0x3f: {  	_ =	shalt  }
0x40: {  	_ =	shalt  }
0x41: {  	_ =	shalt  }
0x42: {  	_ =	shalt  }
0x43: {  	_ =	shalt  }
0x44: {  	_ =	shalt  }
0x45: {  	_ =	shalt  }
0x46: {  	_ =	shalt  }
0x47: {  	_ =	shalt  }
0x48: {  	_ =	shalt  }
0x49: {  	_ =	shalt  }
0x4a: {  	_ =	shalt  }
0x4b: {  	_ =	shalt  }
0x4c: {  	_ =	shalt  }
0x4d: {  	_ =	shalt  }
0x4e: {  	_ =	shalt  }
0x4f: {  	_ =	shalt  }
0x50: {  	_ =	shalt  }
0x51: {  	_ =	shalt  }
0x52: {  	_ =	shalt  }
0x53: {  	_ =	shalt  }
0x54: {  	_ =	shalt  }
0x55: {  	_ =	shalt  }
0x56: {  	_ =	shalt  }
0x57: {  	_ =	shalt  }
0x58: {  	_ =	shalt  }
0x59: {  	_ =	shalt  }
0x5a: {  	_ =	shalt  }
0x5b: {  	_ =	shalt  }
0x5c: {  	_ =	shalt  }
0x5d: {  	_ =	shalt  }
0x5e: {  	_ =	shalt  }
0x5f: {  	_ =	shalt  }
0x60: {  	_ =	shalt  }
0x61: {  	_ =	shalt  }
0x62: {  	_ =	shalt  }
0x63: {  	_ =	shalt  }
0x64: {  	_ =	shalt  }
0x65: {  	_ =	shalt  }
0x66: {  	_ =	shalt  }
0x67: {  	_ =	shalt  }
0x68: {  	_ =	shalt  }
0x69: {  	_ =	shalt  }
0x6a: {  	_ =	shalt  }
0x6b: {  	_ =	shalt  }
0x6c: {  	_ =	shalt  }
0x6d: {  	_ =	shalt  }
0x6e: {  	_ =	shalt  }
0x6f: {  	_ =	shalt  }
0x70: {  	_ =	shalt  }
0x71: {  	_ =	shalt  }
0x72: {  	_ =	shalt  }
0x73: {  	_ =	shalt  }
0x74: {  	_ =	shalt  }
0x75: {  	_ =	shalt  }
0x76: {  	_ =	shalt  }
0x77: {  	_ =	shalt  }
0x78: {  	_ =	shalt  }
0x79: {  	_ =	shalt  }
0x7a: {  	_ =	shalt  }
0x7b: {  	_ =	shalt  }
0x7c: {  	_ =	shalt  }
0x7d: {  	_ =	shalt  }
0x7e: {  	_ =	shalt  }
0x7f: {  	_ =	shalt  }
0x80: {  	_ =	shalt  }
0x81: {  	_ =	shalt  }
0x82: {  	_ =	shalt  }
0x83: {  	_ =	shalt  }
0x84: {  	_ =	shalt  }
0x85: {  	_ =	shalt  }
0x86: {  	_ =	shalt  }
0x87: {  	_ =	shalt  }
.Lfunc_end0:
.L_simem_size_0:
called_computation.2_lowered:
.L_overlay_start_0:
0x88: {  	s2 =	sld [smem:$0x3FD9]  }
0x89: {  	s3 =	sld [smem:$0x3FFE];
	_ =	sdelay $0x1  }
0x8a: {  	s1 =	srdreg.scid  }
0x8b: {  	s0 =	sand.u32 $0x1, s1  }
0x8c: {  	s16 =	sshll.u32 s0, $0xA;
	s2 =	sadd.s32 s3, s2  }
0x8d: {  	s2 =	sadd.s32 s2, s16  }
0x8e: {  	[smem:$0x3FC0] =	sst s2  }
0x8f: {  	_ = 	snop  }
0x90: {  	(tm) =	ssettm $0x1  }
0x91: {  	s17 =	sld [smem:$0x3FFB];
	_ =	sdelay $0x3  }
0x92: {  	_ =	strace s17  }
0x93: {  	s2 =	sld [smem:$0x3FFC];
	_ =	sdelay $0x3  }
0x94: {  	_ =	strace s2  }
0x95: {  	s2 =	sld [smem:$0x3FFD];
	_ =	sdelay $0x3  }
0x96: {  	_ =	strace s2  }
0x97: {  	_ =	strace $0x8FFFFFFF  }
0x98: {  	s18 =	sld [smem:$0x3FDB];
	_ =	sdelay $0x1  }
0x99: {  	s19 =	simm.s32 $_scs_section_size  }
0x9a: {  	s4 =	simm.s32 $_size__tile_overlayer_lowered;
	s5 =	simm.s32 $_tile_overlayer_lowered  }
0x9b: {  	s22 =	simm.s32 $0x1BFF;
	s21 =	sshll.u32 s5, $0x1;
	s2 =	sadd.s32 s19, s18  }
0x9c: {  	s6 =	simm.s32 $0x0;
	s20 =	sshll.u32 s4, $0x1;
	s4 =	sadd.s32 s21, s2  }
0x9d: {  	[timem:s6], [sflag:s22] =	dma.local [hbm:s4], s20  }
0x9e: {  	_ =	swait.ge [sflag:s22], s20  }
0x9f: {  	s3 =	ssub.s32 $0x0, s20;
	[sflag:s22] =	ssyncset.done $0x0  }
0xa0: {  	[sflag:s22] =	ssyncadd.s32 s3;
	_ =	sdelay $0x1  }
0xa1: {  	s23 =	simm.s32 $0x1B8B  }
0xa2: {  	_ =	swait.ge [sflag:s23], $0x1  }
0xa3: {  	[sflag:s23] =	ssyncset.done $0x0  }
0xa4: {  	s25 =	simm.s32 $0x1B8E;
	s24 =	sld [smem:$0x3FFE];
	[sflag:s23] =	ssyncadd.s32 $0xFFFFFFFF  }
0xa5: {  	s26 =	simm.s32 $execute0_lowered;
	[smem:$0x3FD2] =	sst s25  }
0xa6: {  	s4 =	sshll.u32 s26, $0x1;
	_ =	strace $0x8000004C;
	[dreg:$0x1] =	wrdreg $0xFFFFFFFF  }
0xa7: {  	s28 =	simm.s32 $_size_execute0_lowered;
	s2 =	sadd.s32 s2, s4;
	[dreg:$0x0] =	wrdreg $0x0  }
0xa8: {  	s4 =	sshll.u32 s28, $0x1;
	[dreg:$0x2] =	wrdreg s2  }
0xa9: {  	[dreg:$0x3] =	wrdreg s4  }
0xaa: {  	[dreg:$0x4] =	wrdreg $0xC0  }
0xab: {  	_ =	task [dreg:s6], $0x5FFFF  }
0xac: {  	[dreg:$0x1] =	wrdreg $0xFFFFFFFF  }
0xad: {  	[dreg:$0x0] =	wrdreg $0x60  }
0xae: {  	[dreg:$0x2] =	wrdreg s24  }
0xaf: {  	[dreg:$0x3] =	wrdreg $0x0  }
0xb0: {  	[dreg:$0x4] =	wrdreg $0x9  }
0xb1: {  	_ =	task.clear_ibuf [dreg:s6], $0x5FFFF;
	_ =	strace $0x9000004C  }
0xb2: {  	s29 =	simm.s32 $0x9;
	_ =	strace $0x8000004E  }
0xb3: {  	_ =	swait.ge [sflag:s29], $0x1  }
0xb4: {  	[sflag:s29] =	ssyncadd.s32 $0xFFFFFFFF  }
0xb5: {  	_ =	strace $0x9000004E  }
0xb6: {  	_ =	sfence  }
0xb7: {  	s30 =	sld [smem:$0x0];
	_ =	sdelay $0x2  }
0xb8: {  	s31 =	sshll.u32 s1, $0xD;
	s1 =	sshrl.u32 s1, $0x2  }
0xb9: {  	s3 =	sand.u32 $0x4000, s31;
	s1 =	sadd.s32 s1, s30  }
0xba: {  	s0 =	sor.u32 s3, s0;
	s1 =	sshll.u32 s1, $0x11  }
0xbb: {  	s0 =	sor.u32 s1, s0  }
0xbc: {  	s0 =	sadd.s32 $0x8F2B, s0  }
0xbd: {  	[sflag:s0] =	ssyncadd.remote.s32 $0x1  }
0xbe: {  	_ =	sfence.sel $0xFFFF  }
0xbf: {  	[dreg:$0x0] =	wrdreg $0xFFFFFFFF;
	(pc) =	sbr.abs _section_cstart, $3  }
0xc0: {  	[dreg:$0x1] =	wrdreg $0xFFFFFFFF  }
0xc1: {  	_ =	task.clear_ibuf [dreg:s6], $0x2FFFF;
	_ =	strace $0x9FFFFFFF  }
0xc2: {  	(tm) =	ssettm $0x7FFFFFFF  }
0xc3: {  	_ =	shalt  }
tec
execute0_lowered:
.L_overlay_start_1:
0x0: {  	(tag) =	ssettag $0x1  }
0x1: {  	s0 =	rddreg [dreg:$0x0]  }
0x2: {  	s1 =	rddreg [dreg:$0x1];
	s2 =	srdreg.scid  }
0x3: {  	s3 =	simm.s32 $0x0;
	s17 =	stileid.u32;
	s20 =	simm.s32 $0x1  }
0x4: {  	s21 =	simm.s32 $0x50;
	s23 =	simm.s32 $0x2;
	s25 =	simm.s32 $0xD  }
0x5: {  	s28 =	simm.s32 $0x0;
	s2 =	sand.u32 $0x1, s2;
	s9 =	smul.u32 $0x4E000, s17  }
0x6: {  	[smem:$0x7FF] =	sst s3;
	s15 =	sadd.s32 $0x24A00, s0;
	s13 =	smul.u32 $0x13800, s17  }
0x7: {  	s16 =	smul.u32 $0x7D00, s17;
	s11 =	sadd.s32 $0x138000, s1;
	p0 =	sne.s32 s17, $0xF  }
0x8: {  	s4 =	sshll.u32 s2, $0x4;
	_ =	strace $0x8000004D;
	s12 =	smul.u32 $0x138800, s2  }
0x9: {  	s7 =	ssub.s32 $0x2, s2;
	s2 =	smul.u32 $0x7D000, s2;
	s5 =	sor.u32 s17, s4  }
0xa: {  	s4 =	sadd.s32 $0x6B000, s0;
	s8 =	sshrl.u32 s7, $0x1;
	s10 =	sshrl.u32 s9, $0x2  }
0xb: {  	s17 =	simm.s32 $0x13980;
	s6 =	smul.u32 $0x7D00, s5;
	s5 =	sadd.s32 $0x3600, s0  }
0xc: {  	s0 =	sadd.s32 $0xB9400, s0;
	s14 =	ssub.s32 s7, s8;
	s10 =	sadd.s32 s10, s1  }
0xd: {  	s13 =	sadd.s32 s13, s12;
	s12 =	sshrl.u32 s12, $0x3;
	s2 =	sadd.s32 s16, s2  }
0xe: {  	s16 =	simm.s32 $0x13880;
	s13 =	sshrl.u32 s13, $0x3;
	s30 =	sadd.s32 s0, s12  }
.Ltmp0:
0xf: {  	s2 =	sadd.s32 $0x400, s2;
	s6 =	sshrl.u32 s6, $0x3;
	(pc) =	sbr.rel .LBB2_1-.Ltmp0, $4  }
0x10: {  	s14 =	smax.u32 s14, $0x1;
	s12 =	sadd.s32 s0, s13;
	s6 =	sadd.s32 s15, s6  }
0x11: {  	s13 =	sadd.s32 $0x27000, s30;
	s31 =	sshrl.u32 s2, $0x3;
	s26 =	sadd.s32 $0x20, s6  }
0x12: {  	s0 =	sadd.s32 s31, s15;
	s29 =	sadd.s32 $0x40, s6;
	[dreg:$0x3] =	wrdreg s26  }
0x13: {  	s9 =	sadd.s32 $0x60, s6;
	[dreg:$0x4] =	wrdreg s29;
	s26 =	simm.s32 $0xB  }
.LBB2_5:
0x14: {  	_ =	swait.ge [sflag:s26], $0x2800  }
0x15: {  	[sflag:s26] =	ssyncset.done $0x0  }
0x16: {  	[sflag:s26] =	ssyncadd.s32 $0xFFFFD800  }
0x17: {  	[bflag:$0x0] =	sbarrier.arrive $0xFFFF  }
0x18: {  	[hbm:s12], [sflag:s29] =	dma.local [spmem:s30], $0x2700  }
0x19: {  	s28 =	sadd.s32 $0x1, s28;
	_ =	swait.ge [sflag:s25], $0x2700  }
0x1a: {  	p1 =	sne.s32 s28, s14;
	[sflag:s25] =	ssyncset.done $0x0  }
.Ltmp1:
0x1b: {  	s2 =	simm.s32 @!p0 $0xD;
	[sflag:s25] =	ssyncadd.s32 $0xFFFFD900;
	(pc) =	sbr.rel @!p1 .LBB2_6-.Ltmp1, $4  }
0x1c: {  	[hbm:s13], [sflag:s29] =	dma.local @!p0 [spmem:s31], $0x100  }
0x1d: {  	_ =	swait.ge @!p0 [sflag:s2], $0x100  }
0x1e: {  	[sflag:s2] =	ssyncset.done @!p0 $0x0  }
0x1f: {  	[sflag:s2] =	ssyncadd.s32 @!p0 $0xFFFFFF00  }
.LBB2_1:
0x20: {  	[tilespmem:s16], [sflag:$0x1] =	stream.linear.gather [hbm4b:s6+s3], $0x100, $0x38;
	[tilespmem:$0x1B680] =	vst v63  }
0x21: {  	s2 =	rddreg [dreg:$0x3]  }
0x22: {  	[tilespmem:s17], [sflag:$0x2] =	stream.linear.gather [hbm4b:s2+s3], $0x100, $0x38;
	[tilespmem:$0x1B680] =	vst v63  }
0x23: {  	s15 =	rddreg [dreg:$0x4];
	s7 =	simm.s32 $0x13A80  }
0x24: {  	[tilespmem:s7], [sflag:$0x3] =	stream.linear.gather [hbm4b:s15+s3], $0x100, $0x38;
	[tilespmem:$0x1B680] =	vst v63  }
0x25: {  	s18 =	simm.s32 $0x13B80  }
0x26: {  	[tilespmem:s18], [sflag:$0x4] =	stream.linear.gather [hbm4b:s9+s3], $0x100, $0x38;
	[tilespmem:$0x1B680] =	vst v63  }
0x27: {  	_ =	swait.ge [sflag:s20], $0x100  }
0x28: {  	[sflag:s20] =	ssyncset.done $0x0  }
0x29: {  	s19 =	simm.s32 $0x13E80;
	[sflag:s20] =	ssyncadd.s32 $0xFFFFFF00  }
0x2a: {  	[tilespmem:s19], [sflag:$0x7] =	stream.indirect.gather [hbm4b:s4+s21], $0x80, s16, s21, $0xb8;
	[tilespmem:$0x1B680] =	vst v63  }
0x2b: {  	s24 =	stileid.u32;
	_ =	swait.ge [sflag:s23], $0x100  }
0x2c: {  	s22 =	simm.s32 $0x16680;
	s2 =	sshll.u32 s24, $0x6;
	[sflag:s23] =	ssyncset.done $0x0  }
0x2d: {  	s30 =	sshrl.u32 s10, $0x3;
	s29 =	sor.u32 $0x1C0D, s2;
	[sflag:s23] =	ssyncadd.s32 $0xFFFFFF00  }
0x2e: {  	[tilespmem:s22], [sflag:$0x8] =	stream.indirect.gather [hbm4b:s4+s21], $0x80, s17, s21, $0xb8;
	[tilespmem:$0x1B680] =	vst v63  }
0x2f: {  	[spmem:s30], [sflag:s29] =	dma.local [hbm:s5], $0x2700  }
0x30: {  	_ =	swait.ge [sflag:s25], $0x2700  }
0x31: {  	[sflag:s25] =	ssyncset.done $0x0  }
0x32: {  	s31 =	sshrl.u32 @!p0 s11, $0x3;
	s2 =	simm.s32 @!p0 $0xD;
	[sflag:s25] =	ssyncadd.s32 $0xFFFFD900  }
0x33: {  	[spmem:s31], [sflag:s29] =	dma.local @!p0 [hbm:s5], $0x100  }
.Ltmp2:
0x34: {  	_ =	swait.ge @!p0 [sflag:s2], $0x100;
	(pc) =	sbr.rel .LBB2_2-.Ltmp2, $4  }
0x35: {  	[sflag:s2] =	ssyncset.done @!p0 $0x0  }
0x36: {  	[sflag:s2] =	ssyncadd.s32 @!p0 $0xFFFFFF00  }
0x37: {  	[bflag:$0x0] =	sbarrier.arrive $0xFFFF  }
0x38: {  	s15 =	smov.u32 s0;
	s2 =	simm.s32 $0x0  }
.LBB2_4:
0x39: {  	s7 =	sand.u32 $0xFF, s2  }
0x3a: {  	s7 =	smul.u32 $0xAB, s7;
	_ =	sdelay $0x1  }
0x3b: {  	s8 =	sshrl.u32 s7, $0x9  }
0x3c: {  	s7 =	sshrl.u32 s7, $0xA;
	s8 =	smul.u32 $0x3, s8  }
0x3d: {  	s7 =	smul.u32 $0x6, s7  }
0x3e: {  	s8 =	ssub.s32 s2, s8  }
0x3f: {  	s7 =	ssub.s32 s2, s7;
	s2 =	sadd.s32 $0x1, s2;
	s8 =	sand.u32 $0xFF, s8  }
0x40: {  	p1 =	sne.s32 s2, $0x7D;
	s18 =	smul.u32 $0xA000, s8  }
.Ltmp3:
0x41: {  	s7 =	sand.u32 $0xFF, s7;
	s19 =	sadd.s32 $0x7, s8;
	(pc) =	sbr.rel @!p1 .LBB2_5-.Ltmp3, $4  }
0x42: {  	s15 =	sadd.s32 $0x20, s15;
	s7 =	sshll.u32 s7, $0x8;
	_ =	swait.ge [sflag:s19], $0x2800  }
0x43: {  	s8 =	sadd.s32 $0xA, s8;
	s18 =	sshrl.u32 s18, $0x2;
	[sflag:s19] =	ssyncset.done $0x0  }
0x44: {  	s7 =	sadd.s32 $0x13900, s7;
	s18 =	sadd.s32 $0x13E80, s18;
	[sflag:s19] =	ssyncadd.s32 $0xFFFFD800  }
0x45: {  	[spmem:s1] =	stream.indirect.scatter.add.f32 [tilespmem:s18], [sflag:s8], $0x80, s7, s21, $0xb8;
	[tilespmem:$0x1B680] =	vst v63  }
.LBB2_2:
0x46: {  	s19 =	sadd.s32 $0x2, s2  }
0x47: {  	s18 =	sand.u32 $0xFF, s19  }
0x48: {  	s22 =	smul.u32 $0xAB, s18;
	_ =	sdelay $0x1  }
0x49: {  	s18 =	sshrl.u32 s22, $0x9  }
0x4a: {  	p1 =	seq.s32 s2, $0x0;
	s18 =	smul.u32 $0x3, s18  }
0x4b: {  	p2 =	sgt.u32 @!p1 s2, $0x7A  }
0x4c: {  	p2 =	por p1, !p2;
	s18 =	ssub.s32 s19, s18  }
.Ltmp4:
0x4d: {  	s18 =	sand.u32 $0xFF, s18;
	(pc) =	sbr.rel @!p2 .LBB2_4-.Ltmp4, $4  }
0x4e: {  	s24 =	sadd.s32 @!p1 $0xA, s18  }
0x4f: {  	_ =	swait.ge @!p1 [sflag:s24], $0x2800  }
0x50: {  	[sflag:s24] =	ssyncset.done @!p1 $0x0  }
0x51: {  	[sflag:s24] =	ssyncadd.s32 @!p1 $0xFFFFD800  }
0x52: {  	s22 =	sshrl.u32 s22, $0xA  }
0x53: {  	p1 =	sgt.u32 s2, $0x78;
	s22 =	smul.u32 $0x6, s22  }
0x54: {  	s24 =	smul.u32 $0xA000, s18;
	s7 =	sadd.s32 @!p1 $0x4, s2  }
0x55: {  	s8 =	smul.u32 @!p1 $0xAB, s7;
	s19 =	ssub.s32 s19, s22  }
0x56: {  	s19 =	sand.u32 $0xFF, s19  }
0x57: {  	s24 =	sshrl.u32 s24, $0x2;
	s8 =	sshrl.u32 @!p1 s8, $0xA;
	s22 =	sadd.s32 $0x1, s19  }
0x58: {  	s19 =	sshll.u32 s19, $0x8;
	s8 =	sand.u32 @!p1 $0x3F, s8;
	_ =	swait.ge [sflag:s22], $0x100  }
0x59: {  	s19 =	sadd.s32 $0x13880, s19;
	s8 =	smul.u32 @!p1 $0x6, s8;
	[sflag:s22] =	ssyncset.done $0x0  }
0x5a: {  	[sflag:s22] =	ssyncadd.s32 $0xFFFFFF00;
	s22 =	sadd.s32 $0x13E80, s24;
	s24 =	sadd.s32 $0x7, s18  }
0x5b: {  	[tilespmem:s22], [sflag:s24] =	stream.indirect.gather [hbm4b:s4+s21], $0x80, s19, s21, $0xb8;
	[tilespmem:$0x1B680] =	vst v63  }
.Ltmp5:
0x5c: {  	s7 =	ssub.s32 @!p1 s7, s8;
	(pc) =	sbr.rel .LBB2_4-.Ltmp5, $4  }
0x5d: {  	s7 =	sand.u32 @!p1 $0xFF, s7  }
0x5e: {  	s8 =	sshll.u32 @!p1 s7, $0x8  }
0x5f: {  	s18 =	simm.s32 @!p1 $0x0;
	s7 =	sadd.s32 @!p1 $0x1, s7;
	s8 =	sor.u32 @!p1 $0x13880, s8  }
0x60: {  	[tilespmem:s8], [sflag:s7] =	stream.linear.gather @!p1 [hbm4b:s15+s18], $0x100, $0x38;
	[tilespmem:$0x1B680] =	vst v63  }
.LBB2_6:
0x61: {  	_ =	sfence.sel $0x180000  }
0x62: {  	[bflag:$0x0] =	sbarrier.arrive $0xFFFF  }
0x63: {  	_ =	strace $0x9000004D  }
0x64: {  	s0 =	stileid.u32;
	[bflag:$0x2] =	sbarrier.arrive $0xFFFF  }
0x65: {  	p0 =	sne.s32 s0, $0x0;
	s0 =	rddreg [dreg:$0x2]  }
0x66: {  	s0 =	sadd.s32 @!p0 $0x100000, s0  }
0x67: {  	[sflag:s0] =	ssyncadd.tile.s32 @!p0 $0x1;
	_ =	shalt  }
.Lfunc_end2:
_tile_overlayer_lowered:
.L_overlay_start_2:
0x68: {  	(tag) =	ssettag $0x2  }
0x69: {  	s0 =	rddreg [dreg:$0x0];
	s2 =	stileid.u32  }
0x6a: {  	s1 =	rddreg [dreg:$0x1];
	p0 =	sne.s32 s2, $0x0  }
0x6b: {  	s3 =	rddreg [dreg:$0x2];
	[bflag:$0x3] =	sbarrier.arrive $0xFFFF;
	s2 =	simm.s32 @!p0 $0x1C0D  }
0x6c: {  	[timem:s3], [sflag:s2] =	dma.local @!p0 [hbm:s0], s1  }
0x6d: {  	s0 =	simm.s32 @!p0 $0xD  }
0x6e: {  	_ =	swait.ge @!p0 [sflag:s0], s1  }
0x6f: {  	s1 =	ssub.s32 @!p0 $0x0, s1;
	[sflag:s0] =	ssyncset.done @!p0 $0x0  }
0x70: {  	[sflag:s0] =	ssyncadd.s32 @!p0 s1  }
0x71: {  	[bflag:$0x3] =	sbarrier.arrive $0xFFFF  }
0x72: {  	_ =	shalt  }

// kernel: kernel.21.cloned.1.call-start
scs
__scs_entry_jumppad:
0x0: {  	(pc) =	sbr.rel $0x88, $3  }
0x1: {  	(tag) =	ssettag $0x0;
	lr =	simm.s32 $0x1  }
0x2: {  	[smem:$0x3F99] =	sst lr;
	_ =	strace $0xD0000000  }
0x3: {  	_ = 	snop  }
0x4: {  	_ = 	snop  }
0x5: {  	_ = 	snop  }
0x6: {  	_ = 	snop  }
0x7: {  	_ = 	snop  }
__scs_overlays_trampoline_lowered:
0x8: {  	[smem:$0x3FA8] =	sst s0  }
0x9: {  	[smem:$0x3FA9] =	sst s1  }
0xa: {  	[smem:$0x3FAA] =	sst s2  }
0xb: {  	[smem:$0x3FAB] =	sst s3  }
0xc: {  	[smem:$0x3FAC] =	sst s4  }
0xd: {  	[smem:$0x3FAD] =	sst s5  }
0xe: {  	[smem:$0x3FAE] =	sst s6  }
0xf: {  	[smem:$0x3FAF] =	sst s7  }
0x10: {  	[smem:$0x3FB0] =	sst s8  }
0x11: {  	[smem:$0x3FB1] =	sst s9;
	s0 =	simm.s32 @!p0 $0x0  }
0x12: {  	s1 =	sld [smem:$0x3F97];
	s0 =	simm.s32 @p0 $0x1  }
0x13: {  	[smem:$0x3FB2] =	sst s0;
	s0 =	simm.s32 @!p1 $0x0  }
0x14: {  	s2 =	sld [smem:$0x3F96];
	s0 =	simm.s32 @p1 $0x1  }
0x15: {  	[smem:$0x3FB3] =	sst s0;
	s0 =	simm.s32 @!p2 $0x0  }
0x16: {  	s3 =	sld [smem:$0x3FDB];
	s0 =	simm.s32 @p2 $0x1  }
0x17: {  	s4 =	simm.s32 $0x1BF5;
	[smem:$0x3FB5] =	sst s0  }
0x18: {  	s0 =	sld [smem:$0x3F98];
	_ =	swait.ge [sflag:s4], $0x0  }
0x19: {  	s7 =	sld [smem:$0x3F99]  }
0x1a: {  	s8 =	sadd.s32 $0xFFFFE003, lr  }
0x1b: {  	s9 =	sadd.s32 $0xFFFFFEF7, lr;
	s5 =	simm.s32 $0xFFFFFFFF;
	p2 =	slt.u32 s8, $0xFFFFF086  }
0x1c: {  	p1 =	slt.u32 s9, $0xF7A;
	s5 =	simm.s32 @!p2 $0x0  }
0x1d: {  	s5 =	simm.s32 @p1 $0x1;
	p0 =	seq.s32 s7, s2  }
0x1e: {  	s7 =	smul.u32 @!p0 $0xF7A, s2;
	p2 =	seq.s32 @!p0 s5, $0x0  }
0x1f: {  	s9 =	smul.u32 $0xF7A, s1;
	s8 =	simm.s32 @!p0 $0x1BF5;
	p2 =	por !p2, p0  }
0x20: {  	[sflag:s8] =	ssyncset.s32 @!p0 $0xFFFFF086;
	s6 =	sadd.s32 @!p0 s3, s7;
	s7 =	simm.s32 @!p0 $0x108  }
0x21: {  	s3 =	sadd.s32 s3, s9;
	s6 =	sadd.s32 @!p0 $0x88, s6;
	s7 =	simm.s32 @p2 $0x1082  }
0x22: {  	[simem:s7], [sflag:s8] =	dma.local @!p0 [hbm:s6], $0xF7A  }
0x23: {  	s9 =	sor.u32 $0xD0000000, s2;
	s6 =	simm.s32 $0x108;
	_ =	swait.ge @!p0 [sflag:s8], $0x0  }
0x24: {  	s3 =	sadd.s32 $0x88, s3;
	s6 =	simm.s32 @!p1 $0x1082;
	[sflag:s4] =	ssyncset.s32 $0xFFFFF086  }
0x25: {  	[simem:s6], [sflag:s4] =	dma.local [hbm:s3], $0xF7A  }
0x26: {  	[smem:$0x3F99] =	sst s1;
	(tag) =	ssettag s2;
	_ =	strace s9  }
0x27: {  	s1 =	sld [smem:$0x3FA9]  }
0x28: {  	s2 =	sld [smem:$0x3FAA]  }
0x29: {  	s4 =	sld [smem:$0x3FAC]  }
0x2a: {  	p0 =	seq.s32 s5, $0x0;
	s5 =	sld [smem:$0x3FAD]  }
0x2b: {  	s6 =	sld [smem:$0x3FAE]  }
0x2c: {  	s7 =	sld [smem:$0x3FAF]  }
0x2d: {  	s3 =	simm.s32 $0x108;
	s8 =	sld [smem:$0x3FB0]  }
0x2e: {  	s3 =	simm.s32 @!p0 $0x1082;
	s9 =	sld [smem:$0x3FB1]  }
0x2f: {  	lr =	sadd.s32 s0, s3;
	s0 =	sld [smem:$0x3FA8]  }
0x30: {  	s3 =	sld [smem:$0x3FAB]  }
0x31: {  	[smem:$0x3FB4] =	sst s10  }
0x32: {  	s10 =	sld [smem:$0x3FB2];
	_ =	sdelay $0x3  }
0x33: {  	p0 =	seq.s32 s10, $0x1;
	s10 =	sld [smem:$0x3FB4];
	_ =	sdelay $0x3  }
0x34: {  	[smem:$0x3FB4] =	sst s10  }
0x35: {  	s10 =	sld [smem:$0x3FB3];
	_ =	sdelay $0x3  }
0x36: {  	p1 =	seq.s32 s10, $0x1;
	s10 =	sld [smem:$0x3FB4];
	_ =	sdelay $0x3  }
0x37: {  	[smem:$0x3FB4] =	sst s10  }
0x38: {  	s10 =	sld [smem:$0x3FB5]  }
0x39: {  	_ = 	snop;
	(pc) =	sbr.ind lr, $3  }
0x3a: {  	_ = 	snop  }
0x3b: {  	_ = 	snop  }
0x3c: {  	p2 =	seq.s32 s10, $0x1;
	s10 =	sld [smem:$0x3FB4]  }
0x3d: {  	_ =	shalt  }
0x3e: {  	_ =	shalt  }
0x3f: {  	_ =	shalt  }
0x40: {  	_ =	shalt  }
0x41: {  	_ =	shalt  }
0x42: {  	_ =	shalt  }
0x43: {  	_ =	shalt  }
0x44: {  	_ =	shalt  }
0x45: {  	_ =	shalt  }
0x46: {  	_ =	shalt  }
0x47: {  	_ =	shalt  }
0x48: {  	_ =	shalt  }
0x49: {  	_ =	shalt  }
0x4a: {  	_ =	shalt  }
0x4b: {  	_ =	shalt  }
0x4c: {  	_ =	shalt  }
0x4d: {  	_ =	shalt  }
0x4e: {  	_ =	shalt  }
0x4f: {  	_ =	shalt  }
0x50: {  	_ =	shalt  }
0x51: {  	_ =	shalt  }
0x52: {  	_ =	shalt  }
0x53: {  	_ =	shalt  }
0x54: {  	_ =	shalt  }
0x55: {  	_ =	shalt  }
0x56: {  	_ =	shalt  }
0x57: {  	_ =	shalt  }
0x58: {  	_ =	shalt  }
0x59: {  	_ =	shalt  }
0x5a: {  	_ =	shalt  }
0x5b: {  	_ =	shalt  }
0x5c: {  	_ =	shalt  }
0x5d: {  	_ =	shalt  }
0x5e: {  	_ =	shalt  }
0x5f: {  	_ =	shalt  }
0x60: {  	_ =	shalt  }
0x61: {  	_ =	shalt  }
0x62: {  	_ =	shalt  }
0x63: {  	_ =	shalt  }
0x64: {  	_ =	shalt  }
0x65: {  	_ =	shalt  }
0x66: {  	_ =	shalt  }
0x67: {  	_ =	shalt  }
0x68: {  	_ =	shalt  }
0x69: {  	_ =	shalt  }
0x6a: {  	_ =	shalt  }
0x6b: {  	_ =	shalt  }
0x6c: {  	_ =	shalt  }
0x6d: {  	_ =	shalt  }
0x6e: {  	_ =	shalt  }
0x6f: {  	_ =	shalt  }
0x70: {  	_ =	shalt  }
0x71: {  	_ =	shalt  }
0x72: {  	_ =	shalt  }
0x73: {  	_ =	shalt  }
0x74: {  	_ =	shalt  }
0x75: {  	_ =	shalt  }
0x76: {  	_ =	shalt  }
0x77: {  	_ =	shalt  }
0x78: {  	_ =	shalt  }
0x79: {  	_ =	shalt  }
0x7a: {  	_ =	shalt  }
0x7b: {  	_ =	shalt  }
0x7c: {  	_ =	shalt  }
0x7d: {  	_ =	shalt  }
0x7e: {  	_ =	shalt  }
0x7f: {  	_ =	shalt  }
0x80: {  	_ =	shalt  }
0x81: {  	_ =	shalt  }
0x82: {  	_ =	shalt  }
0x83: {  	_ =	shalt  }
0x84: {  	_ =	shalt  }
0x85: {  	_ =	shalt  }
0x86: {  	_ =	shalt  }
0x87: {  	_ =	shalt  }
.Lfunc_end0:
.L_simem_size_0:
called_computation.3_lowered:
.L_overlay_start_0:
0x88: {  	s2 =	sld [smem:$0x3FD9]  }
0x89: {  	s3 =	sld [smem:$0x3FFE];
	_ =	sdelay $0x1  }
0x8a: {  	s1 =	srdreg.scid  }
0x8b: {  	s0 =	sand.u32 $0x1, s1  }
0x8c: {  	s16 =	sshll.u32 s0, $0xA;
	s2 =	sadd.s32 s3, s2  }
0x8d: {  	s2 =	sadd.s32 s2, s16  }
0x8e: {  	[smem:$0x3FC0] =	sst s2  }
0x8f: {  	_ = 	snop  }
0x90: {  	(tm) =	ssettm $0x1  }
0x91: {  	s17 =	sld [smem:$0x3FFB];
	_ =	sdelay $0x3  }
0x92: {  	_ =	strace s17  }
0x93: {  	s2 =	sld [smem:$0x3FFC];
	_ =	sdelay $0x3  }
0x94: {  	_ =	strace s2  }
0x95: {  	s2 =	sld [smem:$0x3FFD];
	_ =	sdelay $0x3  }
0x96: {  	_ =	strace s2  }
0x97: {  	_ =	strace $0x8FFFFFFF  }
0x98: {  	s18 =	sld [smem:$0x3FDB];
	_ =	sdelay $0x1  }
0x99: {  	s19 =	simm.s32 $_scs_section_size  }
0x9a: {  	s4 =	simm.s32 $_size__tile_overlayer_lowered;
	s5 =	simm.s32 $_tile_overlayer_lowered  }
0x9b: {  	s22 =	simm.s32 $0x1BFF;
	s21 =	sshll.u32 s5, $0x1;
	s2 =	sadd.s32 s19, s18  }
0x9c: {  	s6 =	simm.s32 $0x0;
	s20 =	sshll.u32 s4, $0x1;
	s4 =	sadd.s32 s21, s2  }
0x9d: {  	[timem:s6], [sflag:s22] =	dma.local [hbm:s4], s20  }
0x9e: {  	_ =	swait.ge [sflag:s22], s20  }
0x9f: {  	s3 =	ssub.s32 $0x0, s20;
	[sflag:s22] =	ssyncset.done $0x0  }
0xa0: {  	[sflag:s22] =	ssyncadd.s32 s3;
	_ =	sdelay $0x1  }
0xa1: {  	s23 =	simm.s32 $0x1B8B  }
0xa2: {  	_ =	swait.ge [sflag:s23], $0x1  }
0xa3: {  	[sflag:s23] =	ssyncset.done $0x0  }
0xa4: {  	s25 =	simm.s32 $0x1B8E;
	s24 =	sld [smem:$0x3FFE];
	[sflag:s23] =	ssyncadd.s32 $0xFFFFFFFF  }
0xa5: {  	s26 =	simm.s32 $execute0_lowered;
	[smem:$0x3FD2] =	sst s25  }
0xa6: {  	s4 =	sshll.u32 s26, $0x1;
	_ =	strace $0x8000004F;
	[dreg:$0x1] =	wrdreg $0xFFFFFFFF  }
0xa7: {  	s28 =	simm.s32 $_size_execute0_lowered;
	s2 =	sadd.s32 s2, s4;
	[dreg:$0x0] =	wrdreg $0x0  }
0xa8: {  	s4 =	sshll.u32 s28, $0x1;
	[dreg:$0x2] =	wrdreg s2  }
0xa9: {  	[dreg:$0x3] =	wrdreg s4  }
0xaa: {  	[dreg:$0x4] =	wrdreg $0xC0  }
0xab: {  	_ =	task [dreg:s6], $0x5FFFF  }
0xac: {  	[dreg:$0x1] =	wrdreg $0xFFFFFFFF  }
0xad: {  	[dreg:$0x0] =	wrdreg $0x60  }
0xae: {  	[dreg:$0x2] =	wrdreg s24  }
0xaf: {  	[dreg:$0x3] =	wrdreg $0x0  }
0xb0: {  	[dreg:$0x4] =	wrdreg $0x9  }
0xb1: {  	_ =	task.clear_ibuf [dreg:s6], $0x5FFFF;
	_ =	strace $0x9000004F  }
0xb2: {  	s29 =	simm.s32 $0x9;
	_ =	strace $0x80000051  }
0xb3: {  	_ =	swait.ge [sflag:s29], $0x1  }
0xb4: {  	[sflag:s29] =	ssyncadd.s32 $0xFFFFFFFF  }
0xb5: {  	_ =	strace $0x90000051  }
0xb6: {  	_ =	sfence  }
0xb7: {  	s30 =	sld [smem:$0x0];
	_ =	sdelay $0x2  }
0xb8: {  	s31 =	sshll.u32 s1, $0xD;
	s1 =	sshrl.u32 s1, $0x2  }
0xb9: {  	s3 =	sand.u32 $0x4000, s31;
	s1 =	sadd.s32 s1, s30  }
0xba: {  	s0 =	sor.u32 s3, s0;
	s1 =	sshll.u32 s1, $0x11  }
0xbb: {  	s0 =	sor.u32 s1, s0  }
0xbc: {  	s0 =	sadd.s32 $0x8F2B, s0  }
0xbd: {  	[sflag:s0] =	ssyncadd.remote.s32 $0x1  }
0xbe: {  	_ =	sfence.sel $0xFFFF  }
0xbf: {  	[dreg:$0x0] =	wrdreg $0xFFFFFFFF;
	(pc) =	sbr.abs _section_cstart, $3  }
0xc0: {  	[dreg:$0x1] =	wrdreg $0xFFFFFFFF  }
0xc1: {  	_ =	task.clear_ibuf [dreg:s6], $0x2FFFF;
	_ =	strace $0x9FFFFFFF  }
0xc2: {  	(tm) =	ssettm $0x7FFFFFFF  }
0xc3: {  	_ =	shalt  }
tec
execute0_lowered:
.L_overlay_start_1:
0x0: {  	(tag) =	ssettag $0x1  }
0x1: {  	s0 =	rddreg [dreg:$0x0]  }
0x2: {  	s1 =	rddreg [dreg:$0x1];
	s2 =	srdreg.scid  }
0x3: {  	s3 =	simm.s32 $0x0;
	s17 =	stileid.u32;
	s20 =	simm.s32 $0x1  }
0x4: {  	s21 =	simm.s32 $0x50;
	s23 =	simm.s32 $0x2;
	s25 =	simm.s32 $0xD  }
0x5: {  	s28 =	simm.s32 $0x0;
	s2 =	sand.u32 $0x1, s2;
	s9 =	smul.u32 $0x4E000, s17  }
0x6: {  	[smem:$0x7FF] =	sst s3;
	s15 =	sadd.s32 $0x24A00, s0;
	s13 =	smul.u32 $0x13800, s17  }
0x7: {  	s16 =	smul.u32 $0x7D00, s17;
	s11 =	sadd.s32 $0x138000, s1;
	p0 =	sne.s32 s17, $0xF  }
0x8: {  	s4 =	sshll.u32 s2, $0x4;
	_ =	strace $0x80000050;
	s12 =	smul.u32 $0x138800, s2  }
0x9: {  	s7 =	ssub.s32 $0x2, s2;
	s2 =	smul.u32 $0x7D000, s2;
	s5 =	sor.u32 s17, s4  }
0xa: {  	s4 =	sadd.s32 $0x6B000, s0;
	s8 =	sshrl.u32 s7, $0x1;
	s10 =	sshrl.u32 s9, $0x2  }
0xb: {  	s17 =	simm.s32 $0x13980;
	s6 =	smul.u32 $0x7D00, s5;
	s5 =	sadd.s32 $0x3600, s0  }
0xc: {  	s0 =	sadd.s32 $0xB9400, s0;
	s14 =	ssub.s32 s7, s8;
	s10 =	sadd.s32 s10, s1  }
0xd: {  	s13 =	sadd.s32 s13, s12;
	s12 =	sshrl.u32 s12, $0x3;
	s2 =	sadd.s32 s16, s2  }
0xe: {  	s16 =	simm.s32 $0x13880;
	s13 =	sshrl.u32 s13, $0x3;
	s30 =	sadd.s32 s0, s12  }
.Ltmp0:
0xf: {  	s2 =	sadd.s32 $0x400, s2;
	s6 =	sshrl.u32 s6, $0x3;
	(pc) =	sbr.rel .LBB2_1-.Ltmp0, $4  }
0x10: {  	s14 =	smax.u32 s14, $0x1;
	s12 =	sadd.s32 s0, s13;
	s6 =	sadd.s32 s15, s6  }
0x11: {  	s13 =	sadd.s32 $0x27000, s30;
	s31 =	sshrl.u32 s2, $0x3;
	s26 =	sadd.s32 $0x20, s6  }
0x12: {  	s0 =	sadd.s32 s31, s15;
	s29 =	sadd.s32 $0x40, s6;
	[dreg:$0x3] =	wrdreg s26  }
0x13: {  	s9 =	sadd.s32 $0x60, s6;
	[dreg:$0x4] =	wrdreg s29;
	s26 =	simm.s32 $0xB  }
.LBB2_5:
0x14: {  	_ =	swait.ge [sflag:s26], $0x2800  }
0x15: {  	[sflag:s26] =	ssyncset.done $0x0  }
0x16: {  	[sflag:s26] =	ssyncadd.s32 $0xFFFFD800  }
0x17: {  	[bflag:$0x0] =	sbarrier.arrive $0xFFFF  }
0x18: {  	[hbm:s12], [sflag:s29] =	dma.local [spmem:s30], $0x2700  }
0x19: {  	s28 =	sadd.s32 $0x1, s28;
	_ =	swait.ge [sflag:s25], $0x2700  }
0x1a: {  	p1 =	sne.s32 s28, s14;
	[sflag:s25] =	ssyncset.done $0x0  }
.Ltmp1:
0x1b: {  	s2 =	simm.s32 @!p0 $0xD;
	[sflag:s25] =	ssyncadd.s32 $0xFFFFD900;
	(pc) =	sbr.rel @!p1 .LBB2_6-.Ltmp1, $4  }
0x1c: {  	[hbm:s13], [sflag:s29] =	dma.local @!p0 [spmem:s31], $0x100  }
0x1d: {  	_ =	swait.ge @!p0 [sflag:s2], $0x100  }
0x1e: {  	[sflag:s2] =	ssyncset.done @!p0 $0x0  }
0x1f: {  	[sflag:s2] =	ssyncadd.s32 @!p0 $0xFFFFFF00  }
.LBB2_1:
0x20: {  	[tilespmem:s16], [sflag:$0x1] =	stream.linear.gather [hbm4b:s6+s3], $0x100, $0x38;
	[tilespmem:$0x1B680] =	vst v63  }
0x21: {  	s2 =	rddreg [dreg:$0x3]  }
0x22: {  	[tilespmem:s17], [sflag:$0x2] =	stream.linear.gather [hbm4b:s2+s3], $0x100, $0x38;
	[tilespmem:$0x1B680] =	vst v63  }
0x23: {  	s15 =	rddreg [dreg:$0x4];
	s7 =	simm.s32 $0x13A80  }
0x24: {  	[tilespmem:s7], [sflag:$0x3] =	stream.linear.gather [hbm4b:s15+s3], $0x100, $0x38;
	[tilespmem:$0x1B680] =	vst v63  }
0x25: {  	s18 =	simm.s32 $0x13B80  }
0x26: {  	[tilespmem:s18], [sflag:$0x4] =	stream.linear.gather [hbm4b:s9+s3], $0x100, $0x38;
	[tilespmem:$0x1B680] =	vst v63  }
0x27: {  	_ =	swait.ge [sflag:s20], $0x100  }
0x28: {  	[sflag:s20] =	ssyncset.done $0x0  }
0x29: {  	s19 =	simm.s32 $0x13E80;
	[sflag:s20] =	ssyncadd.s32 $0xFFFFFF00  }
0x2a: {  	[tilespmem:s19], [sflag:$0x7] =	stream.indirect.gather [hbm4b:s4+s21], $0x80, s16, s21, $0xb8;
	[tilespmem:$0x1B680] =	vst v63  }
0x2b: {  	s24 =	stileid.u32;
	_ =	swait.ge [sflag:s23], $0x100  }
0x2c: {  	s22 =	simm.s32 $0x16680;
	s2 =	sshll.u32 s24, $0x6;
	[sflag:s23] =	ssyncset.done $0x0  }
0x2d: {  	s30 =	sshrl.u32 s10, $0x3;
	s29 =	sor.u32 $0x1C0D, s2;
	[sflag:s23] =	ssyncadd.s32 $0xFFFFFF00  }
0x2e: {  	[tilespmem:s22], [sflag:$0x8] =	stream.indirect.gather [hbm4b:s4+s21], $0x80, s17, s21, $0xb8;
	[tilespmem:$0x1B680] =	vst v63  }
0x2f: {  	[spmem:s30], [sflag:s29] =	dma.local [hbm:s5], $0x2700  }
0x30: {  	_ =	swait.ge [sflag:s25], $0x2700  }
0x31: {  	[sflag:s25] =	ssyncset.done $0x0  }
0x32: {  	s31 =	sshrl.u32 @!p0 s11, $0x3;
	s2 =	simm.s32 @!p0 $0xD;
	[sflag:s25] =	ssyncadd.s32 $0xFFFFD900  }
0x33: {  	[spmem:s31], [sflag:s29] =	dma.local @!p0 [hbm:s5], $0x100  }
.Ltmp2:
0x34: {  	_ =	swait.ge @!p0 [sflag:s2], $0x100;
	(pc) =	sbr.rel .LBB2_2-.Ltmp2, $4  }
0x35: {  	[sflag:s2] =	ssyncset.done @!p0 $0x0  }
0x36: {  	[sflag:s2] =	ssyncadd.s32 @!p0 $0xFFFFFF00  }
0x37: {  	[bflag:$0x0] =	sbarrier.arrive $0xFFFF  }
0x38: {  	s15 =	smov.u32 s0;
	s2 =	simm.s32 $0x0  }
.LBB2_4:
0x39: {  	s7 =	sand.u32 $0xFF, s2  }
0x3a: {  	s7 =	smul.u32 $0xAB, s7;
	_ =	sdelay $0x1  }
0x3b: {  	s8 =	sshrl.u32 s7, $0x9  }
0x3c: {  	s7 =	sshrl.u32 s7, $0xA;
	s8 =	smul.u32 $0x3, s8  }
0x3d: {  	s7 =	smul.u32 $0x6, s7  }
0x3e: {  	s8 =	ssub.s32 s2, s8  }
0x3f: {  	s7 =	ssub.s32 s2, s7;
	s2 =	sadd.s32 $0x1, s2;
	s8 =	sand.u32 $0xFF, s8  }
0x40: {  	p1 =	sne.s32 s2, $0x7D;
	s18 =	smul.u32 $0xA000, s8  }
.Ltmp3:
0x41: {  	s7 =	sand.u32 $0xFF, s7;
	s19 =	sadd.s32 $0x7, s8;
	(pc) =	sbr.rel @!p1 .LBB2_5-.Ltmp3, $4  }
0x42: {  	s15 =	sadd.s32 $0x20, s15;
	s7 =	sshll.u32 s7, $0x8;
	_ =	swait.ge [sflag:s19], $0x2800  }
0x43: {  	s8 =	sadd.s32 $0xA, s8;
	s18 =	sshrl.u32 s18, $0x2;
	[sflag:s19] =	ssyncset.done $0x0  }
0x44: {  	s7 =	sadd.s32 $0x13900, s7;
	s18 =	sadd.s32 $0x13E80, s18;
	[sflag:s19] =	ssyncadd.s32 $0xFFFFD800  }
0x45: {  	[spmem:s1] =	stream.indirect.scatter.add.f32 [tilespmem:s18], [sflag:s8], $0x80, s7, s21, $0xb8;
	[tilespmem:$0x1B680] =	vst v63  }
.LBB2_2:
0x46: {  	s19 =	sadd.s32 $0x2, s2  }
0x47: {  	s18 =	sand.u32 $0xFF, s19  }
0x48: {  	s22 =	smul.u32 $0xAB, s18;
	_ =	sdelay $0x1  }
0x49: {  	s18 =	sshrl.u32 s22, $0x9  }
0x4a: {  	p1 =	seq.s32 s2, $0x0;
	s18 =	smul.u32 $0x3, s18  }
0x4b: {  	p2 =	sgt.u32 @!p1 s2, $0x7A  }
0x4c: {  	p2 =	por p1, !p2;
	s18 =	ssub.s32 s19, s18  }
.Ltmp4:
0x4d: {  	s18 =	sand.u32 $0xFF, s18;
	(pc) =	sbr.rel @!p2 .LBB2_4-.Ltmp4, $4  }
0x4e: {  	s24 =	sadd.s32 @!p1 $0xA, s18  }
0x4f: {  	_ =	swait.ge @!p1 [sflag:s24], $0x2800  }
0x50: {  	[sflag:s24] =	ssyncset.done @!p1 $0x0  }
0x51: {  	[sflag:s24] =	ssyncadd.s32 @!p1 $0xFFFFD800  }
0x52: {  	s22 =	sshrl.u32 s22, $0xA  }
0x53: {  	p1 =	sgt.u32 s2, $0x78;
	s22 =	smul.u32 $0x6, s22  }
0x54: {  	s24 =	smul.u32 $0xA000, s18;
	s7 =	sadd.s32 @!p1 $0x4, s2  }
0x55: {  	s8 =	smul.u32 @!p1 $0xAB, s7;
	s19 =	ssub.s32 s19, s22  }
0x56: {  	s19 =	sand.u32 $0xFF, s19  }
0x57: {  	s24 =	sshrl.u32 s24, $0x2;
	s8 =	sshrl.u32 @!p1 s8, $0xA;
	s22 =	sadd.s32 $0x1, s19  }
0x58: {  	s19 =	sshll.u32 s19, $0x8;
	s8 =	sand.u32 @!p1 $0x3F, s8;
	_ =	swait.ge [sflag:s22], $0x100  }
0x59: {  	s19 =	sadd.s32 $0x13880, s19;
	s8 =	smul.u32 @!p1 $0x6, s8;
	[sflag:s22] =	ssyncset.done $0x0  }
0x5a: {  	[sflag:s22] =	ssyncadd.s32 $0xFFFFFF00;
	s22 =	sadd.s32 $0x13E80, s24;
	s24 =	sadd.s32 $0x7, s18  }
0x5b: {  	[tilespmem:s22], [sflag:s24] =	stream.indirect.gather [hbm4b:s4+s21], $0x80, s19, s21, $0xb8;
	[tilespmem:$0x1B680] =	vst v63  }
.Ltmp5:
0x5c: {  	s7 =	ssub.s32 @!p1 s7, s8;
	(pc) =	sbr.rel .LBB2_4-.Ltmp5, $4  }
0x5d: {  	s7 =	sand.u32 @!p1 $0xFF, s7  }
0x5e: {  	s8 =	sshll.u32 @!p1 s7, $0x8  }
0x5f: {  	s18 =	simm.s32 @!p1 $0x0;
	s7 =	sadd.s32 @!p1 $0x1, s7;
	s8 =	sor.u32 @!p1 $0x13880, s8  }
0x60: {  	[tilespmem:s8], [sflag:s7] =	stream.linear.gather @!p1 [hbm4b:s15+s18], $0x100, $0x38;
	[tilespmem:$0x1B680] =	vst v63  }
.LBB2_6:
0x61: {  	_ =	sfence.sel $0x180000  }
0x62: {  	[bflag:$0x0] =	sbarrier.arrive $0xFFFF  }
0x63: {  	_ =	strace $0x90000050  }
0x64: {  	s0 =	stileid.u32;
	[bflag:$0x2] =	sbarrier.arrive $0xFFFF  }
0x65: {  	p0 =	sne.s32 s0, $0x0;
	s0 =	rddreg [dreg:$0x2]  }
0x66: {  	s0 =	sadd.s32 @!p0 $0x100000, s0  }
0x67: {  	[sflag:s0] =	ssyncadd.tile.s32 @!p0 $0x1;
	_ =	shalt  }
.Lfunc_end2:
_tile_overlayer_lowered:
.L_overlay_start_2:
0x68: {  	(tag) =	ssettag $0x2  }
0x69: {  	s0 =	rddreg [dreg:$0x0];
	s2 =	stileid.u32  }
0x6a: {  	s1 =	rddreg [dreg:$0x1];
	p0 =	sne.s32 s2, $0x0  }
0x6b: {  	s3 =	rddreg [dreg:$0x2];
	[bflag:$0x3] =	sbarrier.arrive $0xFFFF;
	s2 =	simm.s32 @!p0 $0x1C0D  }
0x6c: {  	[timem:s3], [sflag:s2] =	dma.local @!p0 [hbm:s0], s1  }
0x6d: {  	s0 =	simm.s32 @!p0 $0xD  }
0x6e: {  	_ =	swait.ge @!p0 [sflag:s0], s1  }
0x6f: {  	s1 =	ssub.s32 @!p0 $0x0, s1;
	[sflag:s0] =	ssyncset.done @!p0 $0x0  }
0x70: {  	[sflag:s0] =	ssyncadd.s32 @!p0 s1  }
0x71: {  	[bflag:$0x3] =	sbarrier.arrive $0xFFFF  }
0x72: {  	_ =	shalt  }

// kernel: kernel.24.cloned.1.call-start
scs
__scs_entry_jumppad:
0x0: {  	(pc) =	sbr.rel $0x88, $3  }
0x1: {  	(tag) =	ssettag $0x0;
	lr =	simm.s32 $0x1  }
0x2: {  	[smem:$0x3F99] =	sst lr;
	_ =	strace $0xD0000000  }
0x3: {  	_ = 	snop  }
0x4: {  	_ = 	snop  }
0x5: {  	_ = 	snop  }
0x6: {  	_ = 	snop  }
0x7: {  	_ = 	snop  }
__scs_overlays_trampoline_lowered:
0x8: {  	[smem:$0x3FA8] =	sst s0  }
0x9: {  	[smem:$0x3FA9] =	sst s1  }
0xa: {  	[smem:$0x3FAA] =	sst s2  }
0xb: {  	[smem:$0x3FAB] =	sst s3  }
0xc: {  	[smem:$0x3FAC] =	sst s4  }
0xd: {  	[smem:$0x3FAD] =	sst s5  }
0xe: {  	[smem:$0x3FAE] =	sst s6  }
0xf: {  	[smem:$0x3FAF] =	sst s7  }
0x10: {  	[smem:$0x3FB0] =	sst s8  }
0x11: {  	[smem:$0x3FB1] =	sst s9;
	s0 =	simm.s32 @!p0 $0x0  }
0x12: {  	s1 =	sld [smem:$0x3F97];
	s0 =	simm.s32 @p0 $0x1  }
0x13: {  	[smem:$0x3FB2] =	sst s0;
	s0 =	simm.s32 @!p1 $0x0  }
0x14: {  	s2 =	sld [smem:$0x3F96];
	s0 =	simm.s32 @p1 $0x1  }
0x15: {  	[smem:$0x3FB3] =	sst s0;
	s0 =	simm.s32 @!p2 $0x0  }
0x16: {  	s3 =	sld [smem:$0x3FDB];
	s0 =	simm.s32 @p2 $0x1  }
0x17: {  	s4 =	simm.s32 $0x1BF5;
	[smem:$0x3FB5] =	sst s0  }
0x18: {  	s0 =	sld [smem:$0x3F98];
	_ =	swait.ge [sflag:s4], $0x0  }
0x19: {  	s7 =	sld [smem:$0x3F99]  }
0x1a: {  	s8 =	sadd.s32 $0xFFFFE003, lr  }
0x1b: {  	s9 =	sadd.s32 $0xFFFFFEF7, lr;
	s5 =	simm.s32 $0xFFFFFFFF;
	p2 =	slt.u32 s8, $0xFFFFF086  }
0x1c: {  	p1 =	slt.u32 s9, $0xF7A;
	s5 =	simm.s32 @!p2 $0x0  }
0x1d: {  	s5 =	simm.s32 @p1 $0x1;
	p0 =	seq.s32 s7, s2  }
0x1e: {  	s7 =	smul.u32 @!p0 $0xF7A, s2;
	p2 =	seq.s32 @!p0 s5, $0x0  }
0x1f: {  	s9 =	smul.u32 $0xF7A, s1;
	s8 =	simm.s32 @!p0 $0x1BF5;
	p2 =	por !p2, p0  }
0x20: {  	[sflag:s8] =	ssyncset.s32 @!p0 $0xFFFFF086;
	s6 =	sadd.s32 @!p0 s3, s7;
	s7 =	simm.s32 @!p0 $0x108  }
0x21: {  	s3 =	sadd.s32 s3, s9;
	s6 =	sadd.s32 @!p0 $0x88, s6;
	s7 =	simm.s32 @p2 $0x1082  }
0x22: {  	[simem:s7], [sflag:s8] =	dma.local @!p0 [hbm:s6], $0xF7A  }
0x23: {  	s9 =	sor.u32 $0xD0000000, s2;
	s6 =	simm.s32 $0x108;
	_ =	swait.ge @!p0 [sflag:s8], $0x0  }
0x24: {  	s3 =	sadd.s32 $0x88, s3;
	s6 =	simm.s32 @!p1 $0x1082;
	[sflag:s4] =	ssyncset.s32 $0xFFFFF086  }
0x25: {  	[simem:s6], [sflag:s4] =	dma.local [hbm:s3], $0xF7A  }
0x26: {  	[smem:$0x3F99] =	sst s1;
	(tag) =	ssettag s2;
	_ =	strace s9  }
0x27: {  	s1 =	sld [smem:$0x3FA9]  }
0x28: {  	s2 =	sld [smem:$0x3FAA]  }
0x29: {  	s4 =	sld [smem:$0x3FAC]  }
0x2a: {  	p0 =	seq.s32 s5, $0x0;
	s5 =	sld [smem:$0x3FAD]  }
0x2b: {  	s6 =	sld [smem:$0x3FAE]  }
0x2c: {  	s7 =	sld [smem:$0x3FAF]  }
0x2d: {  	s3 =	simm.s32 $0x108;
	s8 =	sld [smem:$0x3FB0]  }
0x2e: {  	s3 =	simm.s32 @!p0 $0x1082;
	s9 =	sld [smem:$0x3FB1]  }
0x2f: {  	lr =	sadd.s32 s0, s3;
	s0 =	sld [smem:$0x3FA8]  }
0x30: {  	s3 =	sld [smem:$0x3FAB]  }
0x31: {  	[smem:$0x3FB4] =	sst s10  }
0x32: {  	s10 =	sld [smem:$0x3FB2];
	_ =	sdelay $0x3  }
0x33: {  	p0 =	seq.s32 s10, $0x1;
	s10 =	sld [smem:$0x3FB4];
	_ =	sdelay $0x3  }
0x34: {  	[smem:$0x3FB4] =	sst s10  }
0x35: {  	s10 =	sld [smem:$0x3FB3];
	_ =	sdelay $0x3  }
0x36: {  	p1 =	seq.s32 s10, $0x1;
	s10 =	sld [smem:$0x3FB4];
	_ =	sdelay $0x3  }
0x37: {  	[smem:$0x3FB4] =	sst s10  }
0x38: {  	s10 =	sld [smem:$0x3FB5]  }
0x39: {  	_ = 	snop;
	(pc) =	sbr.ind lr, $3  }
0x3a: {  	_ = 	snop  }
0x3b: {  	_ = 	snop  }
0x3c: {  	p2 =	seq.s32 s10, $0x1;
	s10 =	sld [smem:$0x3FB4]  }
0x3d: {  	_ =	shalt  }
0x3e: {  	_ =	shalt  }
0x3f: {  	_ =	shalt  }
0x40: {  	_ =	shalt  }
0x41: {  	_ =	shalt  }
0x42: {  	_ =	shalt  }
0x43: {  	_ =	shalt  }
0x44: {  	_ =	shalt  }
0x45: {  	_ =	shalt  }
0x46: {  	_ =	shalt  }
0x47: {  	_ =	shalt  }
0x48: {  	_ =	shalt  }
0x49: {  	_ =	shalt  }
0x4a: {  	_ =	shalt  }
0x4b: {  	_ =	shalt  }
0x4c: {  	_ =	shalt  }
0x4d: {  	_ =	shalt  }
0x4e: {  	_ =	shalt  }
0x4f: {  	_ =	shalt  }
0x50: {  	_ =	shalt  }
0x51: {  	_ =	shalt  }
0x52: {  	_ =	shalt  }
0x53: {  	_ =	shalt  }
0x54: {  	_ =	shalt  }
0x55: {  	_ =	shalt  }
0x56: {  	_ =	shalt  }
0x57: {  	_ =	shalt  }
0x58: {  	_ =	shalt  }
0x59: {  	_ =	shalt  }
0x5a: {  	_ =	shalt  }
0x5b: {  	_ =	shalt  }
0x5c: {  	_ =	shalt  }
0x5d: {  	_ =	shalt  }
0x5e: {  	_ =	shalt  }
0x5f: {  	_ =	shalt  }
0x60: {  	_ =	shalt  }
0x61: {  	_ =	shalt  }
0x62: {  	_ =	shalt  }
0x63: {  	_ =	shalt  }
0x64: {  	_ =	shalt  }
0x65: {  	_ =	shalt  }
0x66: {  	_ =	shalt  }
0x67: {  	_ =	shalt  }
0x68: {  	_ =	shalt  }
0x69: {  	_ =	shalt  }
0x6a: {  	_ =	shalt  }
0x6b: {  	_ =	shalt  }
0x6c: {  	_ =	shalt  }
0x6d: {  	_ =	shalt  }
0x6e: {  	_ =	shalt  }
0x6f: {  	_ =	shalt  }
0x70: {  	_ =	shalt  }
0x71: {  	_ =	shalt  }
0x72: {  	_ =	shalt  }
0x73: {  	_ =	shalt  }
0x74: {  	_ =	shalt  }
0x75: {  	_ =	shalt  }
0x76: {  	_ =	shalt  }
0x77: {  	_ =	shalt  }
0x78: {  	_ =	shalt  }
0x79: {  	_ =	shalt  }
0x7a: {  	_ =	shalt  }
0x7b: {  	_ =	shalt  }
0x7c: {  	_ =	shalt  }
0x7d: {  	_ =	shalt  }
0x7e: {  	_ =	shalt  }
0x7f: {  	_ =	shalt  }
0x80: {  	_ =	shalt  }
0x81: {  	_ =	shalt  }
0x82: {  	_ =	shalt  }
0x83: {  	_ =	shalt  }
0x84: {  	_ =	shalt  }
0x85: {  	_ =	shalt  }
0x86: {  	_ =	shalt  }
0x87: {  	_ =	shalt  }
.Lfunc_end0:
.L_simem_size_0:
called_computation.4_lowered:
.L_overlay_start_0:
0x88: {  	s2 =	sld [smem:$0x3FD9]  }
0x89: {  	s3 =	sld [smem:$0x3FFE];
	_ =	sdelay $0x1  }
0x8a: {  	s1 =	srdreg.scid  }
0x8b: {  	s0 =	sand.u32 $0x1, s1  }
0x8c: {  	s16 =	sshll.u32 s0, $0xA;
	s2 =	sadd.s32 s3, s2  }
0x8d: {  	s2 =	sadd.s32 s2, s16  }
0x8e: {  	[smem:$0x3FC0] =	sst s2  }
0x8f: {  	_ = 	snop  }
0x90: {  	(tm) =	ssettm $0x1  }
0x91: {  	s17 =	sld [smem:$0x3FFB];
	_ =	sdelay $0x3  }
0x92: {  	_ =	strace s17  }
0x93: {  	s2 =	sld [smem:$0x3FFC];
	_ =	sdelay $0x3  }
0x94: {  	_ =	strace s2  }
0x95: {  	s2 =	sld [smem:$0x3FFD];
	_ =	sdelay $0x3  }
0x96: {  	_ =	strace s2  }
0x97: {  	_ =	strace $0x8FFFFFFF  }
0x98: {  	s18 =	sld [smem:$0x3FDB];
	_ =	sdelay $0x1  }
0x99: {  	s19 =	simm.s32 $_scs_section_size  }
0x9a: {  	s4 =	simm.s32 $_size__tile_overlayer_lowered;
	s5 =	simm.s32 $_tile_overlayer_lowered  }
0x9b: {  	s22 =	simm.s32 $0x1BFF;
	s21 =	sshll.u32 s5, $0x1;
	s2 =	sadd.s32 s19, s18  }
0x9c: {  	s6 =	simm.s32 $0x0;
	s20 =	sshll.u32 s4, $0x1;
	s4 =	sadd.s32 s21, s2  }
0x9d: {  	[timem:s6], [sflag:s22] =	dma.local [hbm:s4], s20  }
0x9e: {  	_ =	swait.ge [sflag:s22], s20  }
0x9f: {  	s3 =	ssub.s32 $0x0, s20;
	[sflag:s22] =	ssyncset.done $0x0  }
0xa0: {  	[sflag:s22] =	ssyncadd.s32 s3;
	_ =	sdelay $0x1  }
0xa1: {  	s23 =	simm.s32 $0x1B8B  }
0xa2: {  	_ =	swait.ge [sflag:s23], $0x1  }
0xa3: {  	[sflag:s23] =	ssyncset.done $0x0  }
0xa4: {  	s25 =	simm.s32 $0x1B8E;
	s24 =	sld [smem:$0x3FFE];
	[sflag:s23] =	ssyncadd.s32 $0xFFFFFFFF  }
0xa5: {  	s26 =	simm.s32 $execute0_lowered;
	[smem:$0x3FD2] =	sst s25  }
0xa6: {  	s4 =	sshll.u32 s26, $0x1;
	_ =	strace $0x80000052;
	[dreg:$0x1] =	wrdreg $0xFFFFFFFF  }
0xa7: {  	s28 =	simm.s32 $_size_execute0_lowered;
	s2 =	sadd.s32 s2, s4;
	[dreg:$0x0] =	wrdreg $0x0  }
0xa8: {  	s4 =	sshll.u32 s28, $0x1;
	[dreg:$0x2] =	wrdreg s2  }
0xa9: {  	[dreg:$0x3] =	wrdreg s4  }
0xaa: {  	[dreg:$0x4] =	wrdreg $0xC0  }
0xab: {  	_ =	task [dreg:s6], $0x5FFFF  }
0xac: {  	[dreg:$0x1] =	wrdreg $0xFFFFFFFF  }
0xad: {  	[dreg:$0x0] =	wrdreg $0x60  }
0xae: {  	[dreg:$0x2] =	wrdreg s24  }
0xaf: {  	[dreg:$0x3] =	wrdreg $0x0  }
0xb0: {  	[dreg:$0x4] =	wrdreg $0x9  }
0xb1: {  	_ =	task.clear_ibuf [dreg:s6], $0x5FFFF;
	_ =	strace $0x90000052  }
0xb2: {  	s29 =	simm.s32 $0x9;
	_ =	strace $0x80000054  }
0xb3: {  	_ =	swait.ge [sflag:s29], $0x1  }
0xb4: {  	[sflag:s29] =	ssyncadd.s32 $0xFFFFFFFF  }
0xb5: {  	_ =	strace $0x90000054  }
0xb6: {  	_ =	sfence  }
0xb7: {  	s30 =	sld [smem:$0x0];
	_ =	sdelay $0x2  }
0xb8: {  	s31 =	sshll.u32 s1, $0xD;
	s1 =	sshrl.u32 s1, $0x2  }
0xb9: {  	s3 =	sand.u32 $0x4000, s31;
	s1 =	sadd.s32 s1, s30  }
0xba: {  	s0 =	sor.u32 s3, s0;
	s1 =	sshll.u32 s1, $0x11  }
0xbb: {  	s0 =	sor.u32 s1, s0  }
0xbc: {  	s0 =	sadd.s32 $0x8F2B, s0  }
0xbd: {  	[sflag:s0] =	ssyncadd.remote.s32 $0x1  }
0xbe: {  	_ =	sfence.sel $0xFFFF  }
0xbf: {  	[dreg:$0x0] =	wrdreg $0xFFFFFFFF;
	(pc) =	sbr.abs _section_cstart, $3  }
0xc0: {  	[dreg:$0x1] =	wrdreg $0xFFFFFFFF  }
0xc1: {  	_ =	task.clear_ibuf [dreg:s6], $0x2FFFF;
	_ =	strace $0x9FFFFFFF  }
0xc2: {  	(tm) =	ssettm $0x7FFFFFFF  }
0xc3: {  	_ =	shalt  }
tec
execute0_lowered:
.L_overlay_start_1:
0x0: {  	(tag) =	ssettag $0x1  }
0x1: {  	s0 =	rddreg [dreg:$0x0]  }
0x2: {  	s1 =	rddreg [dreg:$0x1];
	s2 =	srdreg.scid  }
0x3: {  	s3 =	simm.s32 $0x0;
	s17 =	stileid.u32;
	s20 =	simm.s32 $0x1  }
0x4: {  	s21 =	simm.s32 $0x50;
	s23 =	simm.s32 $0x2;
	s25 =	simm.s32 $0xD  }
0x5: {  	s28 =	simm.s32 $0x0;
	s2 =	sand.u32 $0x1, s2;
	s9 =	smul.u32 $0x4E000, s17  }
0x6: {  	[smem:$0x7FF] =	sst s3;
	s15 =	sadd.s32 $0x24A00, s0;
	s13 =	smul.u32 $0x13800, s17  }
0x7: {  	s16 =	smul.u32 $0x7D00, s17;
	s11 =	sadd.s32 $0x138000, s1;
	p0 =	sne.s32 s17, $0xF  }
0x8: {  	s4 =	sshll.u32 s2, $0x4;
	_ =	strace $0x80000053;
	s12 =	smul.u32 $0x138800, s2  }
0x9: {  	s7 =	ssub.s32 $0x2, s2;
	s2 =	smul.u32 $0x7D000, s2;
	s5 =	sor.u32 s17, s4  }
0xa: {  	s4 =	sadd.s32 $0x43E00, s0;
	s8 =	sshrl.u32 s7, $0x1;
	s10 =	sshrl.u32 s9, $0x2  }
0xb: {  	s17 =	simm.s32 $0x13980;
	s6 =	smul.u32 $0x7D00, s5;
	s5 =	sadd.s32 $0x3600, s0  }
0xc: {  	s0 =	sadd.s32 $0x6B000, s0;
	s14 =	ssub.s32 s7, s8;
	s10 =	sadd.s32 s10, s1  }
0xd: {  	s13 =	sadd.s32 s13, s12;
	s12 =	sshrl.u32 s12, $0x3;
	s2 =	sadd.s32 s16, s2  }
0xe: {  	s16 =	simm.s32 $0x13880;
	s13 =	sshrl.u32 s13, $0x3;
	s30 =	sadd.s32 s0, s12  }
.Ltmp0:
0xf: {  	s2 =	sadd.s32 $0x400, s2;
	s6 =	sshrl.u32 s6, $0x3;
	(pc) =	sbr.rel .LBB2_1-.Ltmp0, $4  }
0x10: {  	s14 =	smax.u32 s14, $0x1;
	s12 =	sadd.s32 s0, s13;
	s6 =	sadd.s32 s15, s6  }
0x11: {  	s13 =	sadd.s32 $0x27000, s30;
	s31 =	sshrl.u32 s2, $0x3;
	s26 =	sadd.s32 $0x20, s6  }
0x12: {  	s0 =	sadd.s32 s31, s15;
	s29 =	sadd.s32 $0x40, s6;
	[dreg:$0x3] =	wrdreg s26  }
0x13: {  	s9 =	sadd.s32 $0x60, s6;
	[dreg:$0x4] =	wrdreg s29;
	s26 =	simm.s32 $0xB  }
.LBB2_5:
0x14: {  	_ =	swait.ge [sflag:s26], $0x2800  }
0x15: {  	[sflag:s26] =	ssyncset.done $0x0  }
0x16: {  	[sflag:s26] =	ssyncadd.s32 $0xFFFFD800  }
0x17: {  	[bflag:$0x0] =	sbarrier.arrive $0xFFFF  }
0x18: {  	[hbm:s12], [sflag:s29] =	dma.local [spmem:s30], $0x2700  }
0x19: {  	s28 =	sadd.s32 $0x1, s28;
	_ =	swait.ge [sflag:s25], $0x2700  }
0x1a: {  	p1 =	sne.s32 s28, s14;
	[sflag:s25] =	ssyncset.done $0x0  }
.Ltmp1:
0x1b: {  	s2 =	simm.s32 @!p0 $0xD;
	[sflag:s25] =	ssyncadd.s32 $0xFFFFD900;
	(pc) =	sbr.rel @!p1 .LBB2_6-.Ltmp1, $4  }
0x1c: {  	[hbm:s13], [sflag:s29] =	dma.local @!p0 [spmem:s31], $0x100  }
0x1d: {  	_ =	swait.ge @!p0 [sflag:s2], $0x100  }
0x1e: {  	[sflag:s2] =	ssyncset.done @!p0 $0x0  }
0x1f: {  	[sflag:s2] =	ssyncadd.s32 @!p0 $0xFFFFFF00  }
.LBB2_1:
0x20: {  	[tilespmem:s16], [sflag:$0x1] =	stream.linear.gather [hbm4b:s6+s3], $0x100, $0x38;
	[tilespmem:$0x1B680] =	vst v63  }
0x21: {  	s2 =	rddreg [dreg:$0x3]  }
0x22: {  	[tilespmem:s17], [sflag:$0x2] =	stream.linear.gather [hbm4b:s2+s3], $0x100, $0x38;
	[tilespmem:$0x1B680] =	vst v63  }
0x23: {  	s15 =	rddreg [dreg:$0x4];
	s7 =	simm.s32 $0x13A80  }
0x24: {  	[tilespmem:s7], [sflag:$0x3] =	stream.linear.gather [hbm4b:s15+s3], $0x100, $0x38;
	[tilespmem:$0x1B680] =	vst v63  }
0x25: {  	s18 =	simm.s32 $0x13B80  }
0x26: {  	[tilespmem:s18], [sflag:$0x4] =	stream.linear.gather [hbm4b:s9+s3], $0x100, $0x38;
	[tilespmem:$0x1B680] =	vst v63  }
0x27: {  	_ =	swait.ge [sflag:s20], $0x100  }
0x28: {  	[sflag:s20] =	ssyncset.done $0x0  }
0x29: {  	s19 =	simm.s32 $0x13E80;
	[sflag:s20] =	ssyncadd.s32 $0xFFFFFF00  }
0x2a: {  	[tilespmem:s19], [sflag:$0x7] =	stream.indirect.gather [hbm4b:s4+s21], $0x80, s16, s21, $0xb8;
	[tilespmem:$0x1B680] =	vst v63  }
0x2b: {  	s24 =	stileid.u32;
	_ =	swait.ge [sflag:s23], $0x100  }
0x2c: {  	s22 =	simm.s32 $0x16680;
	s2 =	sshll.u32 s24, $0x6;
	[sflag:s23] =	ssyncset.done $0x0  }
0x2d: {  	s30 =	sshrl.u32 s10, $0x3;
	s29 =	sor.u32 $0x1C0D, s2;
	[sflag:s23] =	ssyncadd.s32 $0xFFFFFF00  }
0x2e: {  	[tilespmem:s22], [sflag:$0x8] =	stream.indirect.gather [hbm4b:s4+s21], $0x80, s17, s21, $0xb8;
	[tilespmem:$0x1B680] =	vst v63  }
0x2f: {  	[spmem:s30], [sflag:s29] =	dma.local [hbm:s5], $0x2700  }
0x30: {  	_ =	swait.ge [sflag:s25], $0x2700  }
0x31: {  	[sflag:s25] =	ssyncset.done $0x0  }
0x32: {  	s31 =	sshrl.u32 @!p0 s11, $0x3;
	s2 =	simm.s32 @!p0 $0xD;
	[sflag:s25] =	ssyncadd.s32 $0xFFFFD900  }
0x33: {  	[spmem:s31], [sflag:s29] =	dma.local @!p0 [hbm:s5], $0x100  }
.Ltmp2:
0x34: {  	_ =	swait.ge @!p0 [sflag:s2], $0x100;
	(pc) =	sbr.rel .LBB2_2-.Ltmp2, $4  }
0x35: {  	[sflag:s2] =	ssyncset.done @!p0 $0x0  }
0x36: {  	[sflag:s2] =	ssyncadd.s32 @!p0 $0xFFFFFF00  }
0x37: {  	[bflag:$0x0] =	sbarrier.arrive $0xFFFF  }
0x38: {  	s15 =	smov.u32 s0;
	s2 =	simm.s32 $0x0  }
.LBB2_4:
0x39: {  	s7 =	sand.u32 $0xFF, s2  }
0x3a: {  	s7 =	smul.u32 $0xAB, s7;
	_ =	sdelay $0x1  }
0x3b: {  	s8 =	sshrl.u32 s7, $0x9  }
0x3c: {  	s7 =	sshrl.u32 s7, $0xA;
	s8 =	smul.u32 $0x3, s8  }
0x3d: {  	s7 =	smul.u32 $0x6, s7  }
0x3e: {  	s8 =	ssub.s32 s2, s8  }
0x3f: {  	s7 =	ssub.s32 s2, s7;
	s2 =	sadd.s32 $0x1, s2;
	s8 =	sand.u32 $0xFF, s8  }
0x40: {  	p1 =	sne.s32 s2, $0x7D;
	s18 =	smul.u32 $0xA000, s8  }
.Ltmp3:
0x41: {  	s7 =	sand.u32 $0xFF, s7;
	s19 =	sadd.s32 $0x7, s8;
	(pc) =	sbr.rel @!p1 .LBB2_5-.Ltmp3, $4  }
0x42: {  	s15 =	sadd.s32 $0x20, s15;
	s7 =	sshll.u32 s7, $0x8;
	_ =	swait.ge [sflag:s19], $0x2800  }
0x43: {  	s8 =	sadd.s32 $0xA, s8;
	s18 =	sshrl.u32 s18, $0x2;
	[sflag:s19] =	ssyncset.done $0x0  }
0x44: {  	s7 =	sadd.s32 $0x13900, s7;
	s18 =	sadd.s32 $0x13E80, s18;
	[sflag:s19] =	ssyncadd.s32 $0xFFFFD800  }
0x45: {  	[spmem:s1] =	stream.indirect.scatter.add.f32 [tilespmem:s18], [sflag:s8], $0x80, s7, s21, $0xb8;
	[tilespmem:$0x1B680] =	vst v63  }
.LBB2_2:
0x46: {  	s19 =	sadd.s32 $0x2, s2  }
0x47: {  	s18 =	sand.u32 $0xFF, s19  }
0x48: {  	s22 =	smul.u32 $0xAB, s18;
	_ =	sdelay $0x1  }
0x49: {  	s18 =	sshrl.u32 s22, $0x9  }
0x4a: {  	p1 =	seq.s32 s2, $0x0;
	s18 =	smul.u32 $0x3, s18  }
0x4b: {  	p2 =	sgt.u32 @!p1 s2, $0x7A  }
0x4c: {  	p2 =	por p1, !p2;
	s18 =	ssub.s32 s19, s18  }
.Ltmp4:
0x4d: {  	s18 =	sand.u32 $0xFF, s18;
	(pc) =	sbr.rel @!p2 .LBB2_4-.Ltmp4, $4  }
0x4e: {  	s24 =	sadd.s32 @!p1 $0xA, s18  }
0x4f: {  	_ =	swait.ge @!p1 [sflag:s24], $0x2800  }
0x50: {  	[sflag:s24] =	ssyncset.done @!p1 $0x0  }
0x51: {  	[sflag:s24] =	ssyncadd.s32 @!p1 $0xFFFFD800  }
0x52: {  	s22 =	sshrl.u32 s22, $0xA  }
0x53: {  	p1 =	sgt.u32 s2, $0x78;
	s22 =	smul.u32 $0x6, s22  }
0x54: {  	s24 =	smul.u32 $0xA000, s18;
	s7 =	sadd.s32 @!p1 $0x4, s2  }
0x55: {  	s8 =	smul.u32 @!p1 $0xAB, s7;
	s19 =	ssub.s32 s19, s22  }
0x56: {  	s19 =	sand.u32 $0xFF, s19  }
0x57: {  	s24 =	sshrl.u32 s24, $0x2;
	s8 =	sshrl.u32 @!p1 s8, $0xA;
	s22 =	sadd.s32 $0x1, s19  }
0x58: {  	s19 =	sshll.u32 s19, $0x8;
	s8 =	sand.u32 @!p1 $0x3F, s8;
	_ =	swait.ge [sflag:s22], $0x100  }
0x59: {  	s19 =	sadd.s32 $0x13880, s19;
	s8 =	smul.u32 @!p1 $0x6, s8;
	[sflag:s22] =	ssyncset.done $0x0  }
0x5a: {  	[sflag:s22] =	ssyncadd.s32 $0xFFFFFF00;
	s22 =	sadd.s32 $0x13E80, s24;
	s24 =	sadd.s32 $0x7, s18  }
0x5b: {  	[tilespmem:s22], [sflag:s24] =	stream.indirect.gather [hbm4b:s4+s21], $0x80, s19, s21, $0xb8;
	[tilespmem:$0x1B680] =	vst v63  }
.Ltmp5:
0x5c: {  	s7 =	ssub.s32 @!p1 s7, s8;
	(pc) =	sbr.rel .LBB2_4-.Ltmp5, $4  }
0x5d: {  	s7 =	sand.u32 @!p1 $0xFF, s7  }
0x5e: {  	s8 =	sshll.u32 @!p1 s7, $0x8  }
0x5f: {  	s18 =	simm.s32 @!p1 $0x0;
	s7 =	sadd.s32 @!p1 $0x1, s7;
	s8 =	sor.u32 @!p1 $0x13880, s8  }
0x60: {  	[tilespmem:s8], [sflag:s7] =	stream.linear.gather @!p1 [hbm4b:s15+s18], $0x100, $0x38;
	[tilespmem:$0x1B680] =	vst v63  }
.LBB2_6:
0x61: {  	_ =	sfence.sel $0x180000  }
0x62: {  	[bflag:$0x0] =	sbarrier.arrive $0xFFFF  }
0x63: {  	_ =	strace $0x90000053  }
0x64: {  	s0 =	stileid.u32;
	[bflag:$0x2] =	sbarrier.arrive $0xFFFF  }
0x65: {  	p0 =	sne.s32 s0, $0x0;
	s0 =	rddreg [dreg:$0x2]  }
0x66: {  	s0 =	sadd.s32 @!p0 $0x100000, s0  }
0x67: {  	[sflag:s0] =	ssyncadd.tile.s32 @!p0 $0x1;
	_ =	shalt  }
.Lfunc_end2:
_tile_overlayer_lowered:
.L_overlay_start_2:
0x68: {  	(tag) =	ssettag $0x2  }
0x69: {  	s0 =	rddreg [dreg:$0x0];
	s2 =	stileid.u32  }
0x6a: {  	s1 =	rddreg [dreg:$0x1];
	p0 =	sne.s32 s2, $0x0  }
0x6b: {  	s3 =	rddreg [dreg:$0x2];
	[bflag:$0x3] =	sbarrier.arrive $0xFFFF;
	s2 =	simm.s32 @!p0 $0x1C0D  }
0x6c: {  	[timem:s3], [sflag:s2] =	dma.local @!p0 [hbm:s0], s1  }
0x6d: {  	s0 =	simm.s32 @!p0 $0xD  }
0x6e: {  	_ =	swait.ge @!p0 [sflag:s0], s1  }
0x6f: {  	s1 =	ssub.s32 @!p0 $0x0, s1;
	[sflag:s0] =	ssyncset.done @!p0 $0x0  }
0x70: {  	[sflag:s0] =	ssyncadd.s32 @!p0 s1  }
0x71: {  	[bflag:$0x3] =	sbarrier.arrive $0xFFFF  }
0x72: {  	_ =	shalt  }

</sc_bundles>
